<compile_context>
chip_gen: v7x
topology: tpu7x:2x2x1
jax: 0.10.2.dev20260603
libtpu: 0.0.44.dev20260713+nightly
codegen_flags: <defaults>
</compile_context>

<pallas_src>
import jax
import jax.numpy as jnp
from jax import lax
from jax.experimental import pallas as pl
from jax.experimental.pallas import tpu as pltpu
from jax.experimental.pallas import tpu_sc as plsc

BATCH = 4096
HIST = 200
EMBED_DIM = 128
NUM_IDX = BATCH * HIST

NW = 32
PER_W = NUM_IDX // NW
C = 128
NCHUNK = PER_W // C
NBUF = 5
NIB = 10
SKEW = 4
L = 10

_MESH = plsc.VectorSubcoreMesh(core_axis_name="c", subcore_axis_name="s")


def _ring_kernel(table_hbm, idx_hbm, out_hbm, idx_v, rows_v, isem, gsem, osem):
    wid = lax.axis_index("s") * 2 + lax.axis_index("c")
    base = wid * PER_W

    def idx_cp(g, si):
        return pltpu.make_async_copy(
            idx_hbm.at[pl.ds(base + g * C, C)], idx_v.at[si], isem.at[si])

    def gather_cp(sr, si):
        return pltpu.make_async_copy(
            table_hbm.at[idx_v.at[si]], rows_v.at[sr], gsem.at[sr])

    def out_cp(g, sr):
        return pltpu.make_async_copy(
            rows_v.at[sr], out_hbm.at[pl.ds(base + g * C, C)], osem.at[sr])

    def emit(g, r):
        if isinstance(g, int):
            a_ok, b_ok, refill = g >= SKEW, g >= NBUF, SKEW <= g < NCHUNK - NIB + SKEW
        else:
            a_ok = b_ok = refill = True
        if a_ok:
            q, rq = g - SKEW, (r - SKEW) % L
            gather_cp(rq % NBUF, rq % NIB).wait()
            out_cp(q, rq % NBUF).start()
            if refill:
                idx_cp(q + NIB, rq % NIB).start()
        if b_ok:
            out_cp(g - NBUF, r % NBUF).wait()
        idx_cp(g, r % NIB).wait()
        gather_cp(r % NBUF, r % NIB).start()

    for g in range(NIB):
        idx_cp(g, g).start()

    for g in range(L):
        emit(g, g)

    @pl.loop(L, NCHUNK - L, step=L)
    def _(g0):
        for r in range(L):
            emit(g0 + r, r)

    for g in range(NCHUNK - L, NCHUNK):
        emit(g, g % L)

    for g in range(NCHUNK - SKEW, NCHUNK):
        gather_cp(g % NBUF, g % NIB).wait()
        out_cp(g, g % NBUF).start()

    for g in range(NCHUNK - NBUF, NCHUNK):
        out_cp(g, g % NBUF).wait()


def kernel(x, table):
    idx = x.reshape(NUM_IDX).astype(jnp.int32)
    run = pl.kernel(
        _ring_kernel,
        out_type=jax.ShapeDtypeStruct((NUM_IDX, EMBED_DIM), table.dtype),
        mesh=_MESH,
        scratch_types=[
            pltpu.VMEM((NIB, C), jnp.int32),
            pltpu.VMEM((NBUF, C, EMBED_DIM), jnp.float32),
            pltpu.SemaphoreType.DMA((NIB,)),
            pltpu.SemaphoreType.DMA((NBUF,)),
            pltpu.SemaphoreType.DMA((NBUF,)),
        ],
    )
    out = run(table, idx)
    return out.reshape(BATCH, HIST, EMBED_DIM)

# --- scband reference (transcript-rebuilt; emitter-appended) ---
"""Pipeline reference for scband-text-embedding-model-84043920048357 (READ-ONLY COPY).

The authoritative reference and input builder live on the scoring server;
editing this copy changes nothing except your own understanding.
"""

import jax, jax.numpy as jnp
import numpy as np

VOCAB = 100000
EMBED_DIM = 128
BATCH = 4096
HIST = 200


def setup_inputs(seed: int = 0) -> dict:
    key = jax.random.key(seed)
    k_idx, k_tab = jax.random.split(key)
    x = jax.random.randint(k_idx, (BATCH, HIST), 0, VOCAB)
    table = jax.random.normal(k_tab, (VOCAB, EMBED_DIM), dtype=jnp.float32)
    # nn.Embedding(padding_idx=0) zero-initializes the padding row
    table = table.at[0].set(0.0)
    return {"x": x, "table": table}


def reference(x, table):
    # faithful translation of nn.Embedding forward: pure gather on axis 0
    return jnp.take(table, x, axis=0)

if __name__ == "__main__":
    import jax
    _d = setup_inputs()
    print(jax.jit(kernel)(*tuple(_d.values())))

</pallas_src>

<mosaic_0001>
#map = affine_map<(d0, d1) -> (0, 0)>
#map1 = affine_map<(d0, d1) -> (0)>
module attributes {stable_mosaic.version = 14 : i64} {
  func.func @_ring_kernel(%arg0: i32, %arg1: i32, %arg2: memref<100000x128xf32, #tpu.memory_space<hbm>>, %arg3: memref<819200xi32, #tpu.memory_space<hbm>>, %arg4: memref<819200x128xf32, #tpu.memory_space<hbm>>, %arg5: memref<10x128xi32, #tpu.memory_space<vmem>>, %arg6: memref<5x128x128xf32, #tpu.memory_space<vmem>>, %arg7: memref<10x!tpu.dma_semaphore, #tpu.memory_space<semaphore_mem>>, %arg8: memref<5x!tpu.dma_semaphore, #tpu.memory_space<semaphore_mem>>, %arg9: memref<5x!tpu.dma_semaphore, #tpu.memory_space<semaphore_mem>>) attributes {dimension_semantics = [#tpu.dimension_semantics<core_parallel>, #tpu.dimension_semantics<subcore_parallel>], iteration_bounds = array<i64: 2, 16>, scalar_prefetch = 0 : i64, scratch_operands = 5 : i64, tpu.core_type = #tpu.core_type<sc_vector_subcore>, window_params = [{transform_indices = #map}, {transform_indices = #map1}, {transform_indices = #map}]} {
    %mul3A = arith.constant 2 : i32
    %mul3A_0 = arith.muli %arg1, %mul3A : i32
    %add3A = arith.addi %mul3A_0, %arg0 : i32
    %mul3A_1 = arith.constant 25600 : i32
    %mul3A_2 = arith.muli %add3A, %mul3A_1 : i32
    %add3A_3 = arith.constant 0 : i32
    %add3A_4 = arith.addi %mul3A_2, %add3A_3 : i32
    %dma_start3A = arith.constant 0 : i32
    %dma_start3A_5 = arith.constant 0 : i32
    %dma_start3A_6 = arith.constant 0 : i32
    %dma_start3A_7 = tpu.memref_slice %arg5[%dma_start3A, %dma_start3A_6] : memref<10x128xi32, #tpu.memory_space<vmem>> -> memref<1x128xi32, #tpu.memory_space<vmem>>
    %dma_start3A_8 = tpu.memref_squeeze %dma_start3A_7 : memref<1x128xi32, #tpu.memory_space<vmem>> -> memref<128xi32, #tpu.memory_space<vmem>>
    %dma_start3A_9 = tpu.memref_slice %arg3[%add3A_4] : memref<819200xi32, #tpu.memory_space<hbm>> -> memref<128xi32, #tpu.memory_space<hbm>>
    %dma_start3A_10 = tpu.memref_slice %arg7[%dma_start3A_5] : memref<10x!tpu.dma_semaphore, #tpu.memory_space<semaphore_mem>> -> memref<1x!tpu.dma_semaphore, #tpu.memory_space<semaphore_mem>>
    %dma_start3A_11 = tpu.memref_squeeze %dma_start3A_10 : memref<1x!tpu.dma_semaphore, #tpu.memory_space<semaphore_mem>> -> memref<!tpu.dma_semaphore, #tpu.memory_space<semaphore_mem>>
    %dma_start3A_12 = arith.constant 0 : i32
    %dma_start3A_13 = tpu.memref_slice %arg5[%dma_start3A, %dma_start3A_12] : memref<10x128xi32, #tpu.memory_space<vmem>> -> memref<1x128xi32, #tpu.memory_space<vmem>>
    %dma_start3A_14 = tpu.memref_squeeze %dma_start3A_13 : memref<1x128xi32, #tpu.memory_space<vmem>> -> memref<128xi32, #tpu.memory_space<vmem>>
    %dma_start3A_15 = tpu.memref_slice %arg3[%add3A_4] : memref<819200xi32, #tpu.memory_space<hbm>> -> memref<128xi32, #tpu.memory_space<hbm>>
    tpu.enqueue_dma source(%dma_start3A_15 : memref<128xi32, #tpu.memory_space<hbm>>) target(%dma_start3A_14 : memref<128xi32, #tpu.memory_space<vmem>>) target_semaphore(%dma_start3A_11 : memref<!tpu.dma_semaphore, #tpu.memory_space<semaphore_mem>>)
    %add3A_16 = arith.constant 128 : i32
    %add3A_17 = arith.addi %mul3A_2, %add3A_16 : i32
    %dma_start3A_18 = arith.constant 1 : i32
    %dma_start3A_19 = arith.constant 1 : i32
    %dma_start3A_20 = arith.constant 0 : i32
    %dma_start3A_21 = tpu.memref_slice %arg5[%dma_start3A_18, %dma_start3A_20] : memref<10x128xi32, #tpu.memory_space<vmem>> -> memref<1x128xi32, #tpu.memory_space<vmem>>
    %dma_start3A_22 = tpu.memref_squeeze %dma_start3A_21 : memref<1x128xi32, #tpu.memory_space<vmem>> -> memref<128xi32, #tpu.memory_space<vmem>>
    %dma_start3A_23 = tpu.memref_slice %arg3[%add3A_17] : memref<819200xi32, #tpu.memory_space<hbm>> -> memref<128xi32, #tpu.memory_space<hbm>>
    %dma_start3A_24 = tpu.memref_slice %arg7[%dma_start3A_19] : memref<10x!tpu.dma_semaphore, #tpu.memory_space<semaphore_mem>> -> memref<1x!tpu.dma_semaphore, #tpu.memory_space<semaphore_mem>>
    %dma_start3A_25 = tpu.memref_squeeze %dma_start3A_24 : memref<1x!tpu.dma_semaphore, #tpu.memory_space<semaphore_mem>> -> memref<!tpu.dma_semaphore, #tpu.memory_space<semaphore_mem>>
    %dma_start3A_26 = arith.constant 0 : i32
    %dma_start3A_27 = tpu.memref_slice %arg5[%dma_start3A_18, %dma_start3A_26] : memref<10x128xi32, #tpu.memory_space<vmem>> -> memref<1x128xi32, #tpu.memory_space<vmem>>
    %dma_start3A_28 = tpu.memref_squeeze %dma_start3A_27 : memref<1x128xi32, #tpu.memory_space<vmem>> -> memref<128xi32, #tpu.memory_space<vmem>>
    %dma_start3A_29 = tpu.memref_slice %arg3[%add3A_17] : memref<819200xi32, #tpu.memory_space<hbm>> -> memref<128xi32, #tpu.memory_space<hbm>>
    tpu.enqueue_dma source(%dma_start3A_29 : memref<128xi32, #tpu.memory_space<hbm>>) target(%dma_start3A_28 : memref<128xi32, #tpu.memory_space<vmem>>) target_semaphore(%dma_start3A_25 : memref<!tpu.dma_semaphore, #tpu.memory_space<semaphore_mem>>)
    %add3A_30 = arith.constant 256 : i32
    %add3A_31 = arith.addi %mul3A_2, %add3A_30 : i32
    %dma_start3A_32 = arith.constant 2 : i32
    %dma_start3A_33 = arith.constant 2 : i32
    %dma_start3A_34 = arith.constant 0 : i32
    %dma_start3A_35 = tpu.memref_slice %arg5[%dma_start3A_32, %dma_start3A_34] : memref<10x128xi32, #tpu.memory_space<vmem>> -> memref<1x128xi32, #tpu.memory_space<vmem>>
    %dma_start3A_36 = tpu.memref_squeeze %dma_start3A_35 : memref<1x128xi32, #tpu.memory_space<vmem>> -> memref<128xi32, #tpu.memory_space<vmem>>
    %dma_start3A_37 = tpu.memref_slice %arg3[%add3A_31] : memref<819200xi32, #tpu.memory_space<hbm>> -> memref<128xi32, #tpu.memory_space<hbm>>
    %dma_start3A_38 = tpu.memref_slice %arg7[%dma_start3A_33] : memref<10x!tpu.dma_semaphore, #tpu.memory_space<semaphore_mem>> -> memref<1x!tpu.dma_semaphore, #tpu.memory_space<semaphore_mem>>
    %dma_start3A_39 = tpu.memref_squeeze %dma_start3A_38 : memref<1x!tpu.dma_semaphore, #tpu.memory_space<semaphore_mem>> -> memref<!tpu.dma_semaphore, #tpu.memory_space<semaphore_mem>>
    %dma_start3A_40 = arith.constant 0 : i32
    %dma_start3A_41 = tpu.memref_slice %arg5[%dma_start3A_32, %dma_start3A_40] : memref<10x128xi32, #tpu.memory_space<vmem>> -> memref<1x128xi32, #tpu.memory_space<vmem>>
    %dma_start3A_42 = tpu.memref_squeeze %dma_start3A_41 : memref<1x128xi32, #tpu.memory_space<vmem>> -> memref<128xi32, #tpu.memory_space<vmem>>
    %dma_start3A_43 = tpu.memref_slice %arg3[%add3A_31] : memref<819200xi32, #tpu.memory_space<hbm>> -> memref<128xi32, #tpu.memory_space<hbm>>
    tpu.enqueue_dma source(%dma_start3A_43 : memref<128xi32, #tpu.memory_space<hbm>>) target(%dma_start3A_42 : memref<128xi32, #tpu.memory_space<vmem>>) target_semaphore(%dma_start3A_39 : memref<!tpu.dma_semaphore, #tpu.memory_space<semaphore_mem>>)
    %add3A_44 = arith.constant 384 : i32
    %add3A_45 = arith.addi %mul3A_2, %add3A_44 : i32
    %dma_start3A_46 = arith.constant 3 : i32
    %dma_start3A_47 = arith.constant 3 : i32
    %dma_start3A_48 = arith.constant 0 : i32
    %dma_start3A_49 = tpu.memref_slice %arg5[%dma_start3A_46, %dma_start3A_48] : memref<10x128xi32, #tpu.memory_space<vmem>> -> memref<1x128xi32, #tpu.memory_space<vmem>>
    %dma_start3A_50 = tpu.memref_squeeze %dma_start3A_49 : memref<1x128xi32, #tpu.memory_space<vmem>> -> memref<128xi32, #tpu.memory_space<vmem>>
    %dma_start3A_51 = tpu.memref_slice %arg3[%add3A_45] : memref<819200xi32, #tpu.memory_space<hbm>> -> memref<128xi32, #tpu.memory_space<hbm>>
    %dma_start3A_52 = tpu.memref_slice %arg7[%dma_start3A_47] : memref<10x!tpu.dma_semaphore, #tpu.memory_space<semaphore_mem>> -> memref<1x!tpu.dma_semaphore, #tpu.memory_space<semaphore_mem>>
    %dma_start3A_53 = tpu.memref_squeeze %dma_start3A_52 : memref<1x!tpu.dma_semaphore, #tpu.memory_space<semaphore_mem>> -> memref<!tpu.dma_semaphore, #tpu.memory_space<semaphore_mem>>
    %dma_start3A_54 = arith.constant 0 : i32
    %dma_start3A_55 = tpu.memref_slice %arg5[%dma_start3A_46, %dma_start3A_54] : memref<10x128xi32, #tpu.memory_space<vmem>> -> memref<1x128xi32, #tpu.memory_space<vmem>>
    %dma_start3A_56 = tpu.memref_squeeze %dma_start3A_55 : memref<1x128xi32, #tpu.memory_space<vmem>> -> memref<128xi32, #tpu.memory_space<vmem>>
    %dma_start3A_57 = tpu.memref_slice %arg3[%add3A_45] : memref<819200xi32, #tpu.memory_space<hbm>> -> memref<128xi32, #tpu.memory_space<hbm>>
    tpu.enqueue_dma source(%dma_start3A_57 : memref<128xi32, #tpu.memory_space<hbm>>) target(%dma_start3A_56 : memref<128xi32, #tpu.memory_space<vmem>>) target_semaphore(%dma_start3A_53 : memref<!tpu.dma_semaphore, #tpu.memory_space<semaphore_mem>>)
    %add3A_58 = arith.constant 512 : i32
    %add3A_59 = arith.addi %mul3A_2, %add3A_58 : i32
    %dma_start3A_60 = arith.constant 4 : i32
    %dma_start3A_61 = arith.constant 4 : i32
    %dma_start3A_62 = arith.constant 0 : i32
    %dma_start3A_63 = tpu.memref_slice %arg5[%dma_start3A_60, %dma_start3A_62] : memref<10x128xi32, #tpu.memory_space<vmem>> -> memref<1x128xi32, #tpu.memory_space<vmem>>
    %dma_start3A_64 = tpu.memref_squeeze %dma_start3A_63 : memref<1x128xi32, #tpu.memory_space<vmem>> -> memref<128xi32, #tpu.memory_space<vmem>>
    %dma_start3A_65 = tpu.memref_slice %arg3[%add3A_59] : memref<819200xi32, #tpu.memory_space<hbm>> -> memref<128xi32, #tpu.memory_space<hbm>>
    %dma_start3A_66 = tpu.memref_slice %arg7[%dma_start3A_61] : memref<10x!tpu.dma_semaphore, #tpu.memory_space<semaphore_mem>> -> memref<1x!tpu.dma_semaphore, #tpu.memory_space<semaphore_mem>>
    %dma_start3A_67 = tpu.memref_squeeze %dma_start3A_66 : memref<1x!tpu.dma_semaphore, #tpu.memory_space<semaphore_mem>> -> memref<!tpu.dma_semaphore, #tpu.memory_space<semaphore_mem>>
    %dma_start3A_68 = arith.constant 0 : i32
    %dma_start3A_69 = tpu.memref_slice %arg5[%dma_start3A_60, %dma_start3A_68] : memref<10x128xi32, #tpu.memory_space<vmem>> -> memref<1x128xi32, #tpu.memory_space<vmem>>
    %dma_start3A_70 = tpu.memref_squeeze %dma_start3A_69 : memref<1x128xi32, #tpu.memory_space<vmem>> -> memref<128xi32, #tpu.memory_space<vmem>>
    %dma_start3A_71 = tpu.memref_slice %arg3[%add3A_59] : memref<819200xi32, #tpu.memory_space<hbm>> -> memref<128xi32, #tpu.memory_space<hbm>>
    tpu.enqueue_dma source(%dma_start3A_71 : memref<128xi32, #tpu.memory_space<hbm>>) target(%dma_start3A_70 : memref<128xi32, #tpu.memory_space<vmem>>) target_semaphore(%dma_start3A_67 : memref<!tpu.dma_semaphore, #tpu.memory_space<semaphore_mem>>)
    %add3A_72 = arith.constant 640 : i32
    %add3A_73 = arith.addi %mul3A_2, %add3A_72 : i32
    %dma_start3A_74 = arith.constant 5 : i32
    %dma_start3A_75 = arith.constant 5 : i32
    %dma_start3A_76 = arith.constant 0 : i32
    %dma_start3A_77 = tpu.memref_slice %arg5[%dma_start3A_74, %dma_start3A_76] : memref<10x128xi32, #tpu.memory_space<vmem>> -> memref<1x128xi32, #tpu.memory_space<vmem>>
    %dma_start3A_78 = tpu.memref_squeeze %dma_start3A_77 : memref<1x128xi32, #tpu.memory_space<vmem>> -> memref<128xi32, #tpu.memory_space<vmem>>
    %dma_start3A_79 = tpu.memref_slice %arg3[%add3A_73] : memref<819200xi32, #tpu.memory_space<hbm>> -> memref<128xi32, #tpu.memory_space<hbm>>
    %dma_start3A_80 = tpu.memref_slice %arg7[%dma_start3A_75] : memref<10x!tpu.dma_semaphore, #tpu.memory_space<semaphore_mem>> -> memref<1x!tpu.dma_semaphore, #tpu.memory_space<semaphore_mem>>
    %dma_start3A_81 = tpu.memref_squeeze %dma_start3A_80 : memref<1x!tpu.dma_semaphore, #tpu.memory_space<semaphore_mem>> -> memref<!tpu.dma_semaphore, #tpu.memory_space<semaphore_mem>>
    %dma_start3A_82 = arith.constant 0 : i32
    %dma_start3A_83 = tpu.memref_slice %arg5[%dma_start3A_74, %dma_start3A_82] : memref<10x128xi32, #tpu.memory_space<vmem>> -> memref<1x128xi32, #tpu.memory_space<vmem>>
    %dma_start3A_84 = tpu.memref_squeeze %dma_start3A_83 : memref<1x128xi32, #tpu.memory_space<vmem>> -> memref<128xi32, #tpu.memory_space<vmem>>
    %dma_start3A_85 = tpu.memref_slice %arg3[%add3A_73] : memref<819200xi32, #tpu.memory_space<hbm>> -> memref<128xi32, #tpu.memory_space<hbm>>
    tpu.enqueue_dma source(%dma_start3A_85 : memref<128xi32, #tpu.memory_space<hbm>>) target(%dma_start3A_84 : memref<128xi32, #tpu.memory_space<vmem>>) target_semaphore(%dma_start3A_81 : memref<!tpu.dma_semaphore, #tpu.memory_space<semaphore_mem>>)
    %add3A_86 = arith.constant 768 : i32
    %add3A_87 = arith.addi %mul3A_2, %add3A_86 : i32
    %dma_start3A_88 = arith.constant 6 : i32
    %dma_start3A_89 = arith.constant 6 : i32
    %dma_start3A_90 = arith.constant 0 : i32
    %dma_start3A_91 = tpu.memref_slice %arg5[%dma_start3A_88, %dma_start3A_90] : memref<10x128xi32, #tpu.memory_space<vmem>> -> memref<1x128xi32, #tpu.memory_space<vmem>>
    %dma_start3A_92 = tpu.memref_squeeze %dma_start3A_91 : memref<1x128xi32, #tpu.memory_space<vmem>> -> memref<128xi32, #tpu.memory_space<vmem>>
    %dma_start3A_93 = tpu.memref_slice %arg3[%add3A_87] : memref<819200xi32, #tpu.memory_space<hbm>> -> memref<128xi32, #tpu.memory_space<hbm>>
    %dma_start3A_94 = tpu.memref_slice %arg7[%dma_start3A_89] : memref<10x!tpu.dma_semaphore, #tpu.memory_space<semaphore_mem>> -> memref<1x!tpu.dma_semaphore, #tpu.memory_space<semaphore_mem>>
    %dma_start3A_95 = tpu.memref_squeeze %dma_start3A_94 : memref<1x!tpu.dma_semaphore, #tpu.memory_space<semaphore_mem>> -> memref<!tpu.dma_semaphore, #tpu.memory_space<semaphore_mem>>
    %dma_start3A_96 = arith.constant 0 : i32
    %dma_start3A_97 = tpu.memref_slice %arg5[%dma_start3A_88, %dma_start3A_96] : memref<10x128xi32, #tpu.memory_space<vmem>> -> memref<1x128xi32, #tpu.memory_space<vmem>>
    %dma_start3A_98 = tpu.memref_squeeze %dma_start3A_97 : memref<1x128xi32, #tpu.memory_space<vmem>> -> memref<128xi32, #tpu.memory_space<vmem>>
    %dma_start3A_99 = tpu.memref_slice %arg3[%add3A_87] : memref<819200xi32, #tpu.memory_space<hbm>> -> memref<128xi32, #tpu.memory_space<hbm>>
    tpu.enqueue_dma source(%dma_start3A_99 : memref<128xi32, #tpu.memory_space<hbm>>) target(%dma_start3A_98 : memref<128xi32, #tpu.memory_space<vmem>>) target_semaphore(%dma_start3A_95 : memref<!tpu.dma_semaphore, #tpu.memory_space<semaphore_mem>>)
    %add3A_100 = arith.constant 896 : i32
    %add3A_101 = arith.addi %mul3A_2, %add3A_100 : i32
    %dma_start3A_102 = arith.constant 7 : i32
    %dma_start3A_103 = arith.constant 7 : i32
    %dma_start3A_104 = arith.constant 0 : i32
    %dma_start3A_105 = tpu.memref_slice %arg5[%dma_start3A_102, %dma_start3A_104] : memref<10x128xi32, #tpu.memory_space<vmem>> -> memref<1x128xi32, #tpu.memory_space<vmem>>
    %dma_start3A_106 = tpu.memref_squeeze %dma_start3A_105 : memref<1x128xi32, #tpu.memory_space<vmem>> -> memref<128xi32, #tpu.memory_space<vmem>>
    %dma_start3A_107 = tpu.memref_slice %arg3[%add3A_101] : memref<819200xi32, #tpu.memory_space<hbm>> -> memref<128xi32, #tpu.memory_space<hbm>>
    %dma_start3A_108 = tpu.memref_slice %arg7[%dma_start3A_103] : memref<10x!tpu.dma_semaphore, #tpu.memory_space<semaphore_mem>> -> memref<1x!tpu.dma_semaphore, #tpu.memory_space<semaphore_mem>>
    %dma_start3A_109 = tpu.memref_squeeze %dma_start3A_108 : memref<1x!tpu.dma_semaphore, #tpu.memory_space<semaphore_mem>> -> memref<!tpu.dma_semaphore, #tpu.memory_space<semaphore_mem>>
    %dma_start3A_110 = arith.constant 0 : i32
    %dma_start3A_111 = tpu.memref_slice %arg5[%dma_start3A_102, %dma_start3A_110] : memref<10x128xi32, #tpu.memory_space<vmem>> -> memref<1x128xi32, #tpu.memory_space<vmem>>
    %dma_start3A_112 = tpu.memref_squeeze %dma_start3A_111 : memref<1x128xi32, #tpu.memory_space<vmem>> -> memref<128xi32, #tpu.memory_space<vmem>>
    %dma_start3A_113 = tpu.memref_slice %arg3[%add3A_101] : memref<819200xi32, #tpu.memory_space<hbm>> -> memref<128xi32, #tpu.memory_space<hbm>>
    tpu.enqueue_dma source(%dma_start3A_113 : memref<128xi32, #tpu.memory_space<hbm>>) target(%dma_start3A_112 : memref<128xi32, #tpu.memory_space<vmem>>) target_semaphore(%dma_start3A_109 : memref<!tpu.dma_semaphore, #tpu.memory_space<semaphore_mem>>)
    %add3A_114 = arith.constant 1024 : i32
    %add3A_115 = arith.addi %mul3A_2, %add3A_114 : i32
    %dma_start3A_116 = arith.constant 8 : i32
    %dma_start3A_117 = arith.constant 8 : i32
    %dma_start3A_118 = arith.constant 0 : i32
    %dma_start3A_119 = tpu.memref_slice %arg5[%dma_start3A_116, %dma_start3A_118] : memref<10x128xi32, #tpu.memory_space<vmem>> -> memref<1x128xi32, #tpu.memory_space<vmem>>
    %dma_start3A_120 = tpu.memref_squeeze %dma_start3A_119 : memref<1x128xi32, #tpu.memory_space<vmem>> -> memref<128xi32, #tpu.memory_space<vmem>>
    %dma_start3A_121 = tpu.memref_slice %arg3[%add3A_115] : memref<819200xi32, #tpu.memory_space<hbm>> -> memref<128xi32, #tpu.memory_space<hbm>>
    %dma_start3A_122 = tpu.memref_slice %arg7[%dma_start3A_117] : memref<10x!tpu.dma_semaphore, #tpu.memory_space<semaphore_mem>> -> memref<1x!tpu.dma_semaphore, #tpu.memory_space<semaphore_mem>>
    %dma_start3A_123 = tpu.memref_squeeze %dma_start3A_122 : memref<1x!tpu.dma_semaphore, #tpu.memory_space<semaphore_mem>> -> memref<!tpu.dma_semaphore, #tpu.memory_space<semaphore_mem>>
    %dma_start3A_124 = arith.constant 0 : i32
    %dma_start3A_125 = tpu.memref_slice %arg5[%dma_start3A_116, %dma_start3A_124] : memref<10x128xi32, #tpu.memory_space<vmem>> -> memref<1x128xi32, #tpu.memory_space<vmem>>
    %dma_start3A_126 = tpu.memref_squeeze %dma_start3A_125 : memref<1x128xi32, #tpu.memory_space<vmem>> -> memref<128xi32, #tpu.memory_space<vmem>>
    %dma_start3A_127 = tpu.memref_slice %arg3[%add3A_115] : memref<819200xi32, #tpu.memory_space<hbm>> -> memref<128xi32, #tpu.memory_space<hbm>>
    tpu.enqueue_dma source(%dma_start3A_127 : memref<128xi32, #tpu.memory_space<hbm>>) target(%dma_start3A_126 : memref<128xi32, #tpu.memory_space<vmem>>) target_semaphore(%dma_start3A_123 : memref<!tpu.dma_semaphore, #tpu.memory_space<semaphore_mem>>)
    %add3A_128 = arith.constant 1152 : i32
    %add3A_129 = arith.addi %mul3A_2, %add3A_128 : i32
    %dma_start3A_130 = arith.constant 9 : i32
    %dma_start3A_131 = arith.constant 9 : i32
    %dma_start3A_132 = arith.constant 0 : i32
    %dma_start3A_133 = tpu.memref_slice %arg5[%dma_start3A_130, %dma_start3A_132] : memref<10x128xi32, #tpu.memory_space<vmem>> -> memref<1x128xi32, #tpu.memory_space<vmem>>
    %dma_start3A_134 = tpu.memref_squeeze %dma_start3A_133 : memref<1x128xi32, #tpu.memory_space<vmem>> -> memref<128xi32, #tpu.memory_space<vmem>>
    %dma_start3A_135 = tpu.memref_slice %arg3[%add3A_129] : memref<819200xi32, #tpu.memory_space<hbm>> -> memref<128xi32, #tpu.memory_space<hbm>>
    %dma_start3A_136 = tpu.memref_slice %arg7[%dma_start3A_131] : memref<10x!tpu.dma_semaphore, #tpu.memory_space<semaphore_mem>> -> memref<1x!tpu.dma_semaphore, #tpu.memory_space<semaphore_mem>>
    %dma_start3A_137 = tpu.memref_squeeze %dma_start3A_136 : memref<1x!tpu.dma_semaphore, #tpu.memory_space<semaphore_mem>> -> memref<!tpu.dma_semaphore, #tpu.memory_space<semaphore_mem>>
    %dma_start3A_138 = arith.constant 0 : i32
    %dma_start3A_139 = tpu.memref_slice %arg5[%dma_start3A_130, %dma_start3A_138] : memref<10x128xi32, #tpu.memory_space<vmem>> -> memref<1x128xi32, #tpu.memory_space<vmem>>
    %dma_start3A_140 = tpu.memref_squeeze %dma_start3A_139 : memref<1x128xi32, #tpu.memory_space<vmem>> -> memref<128xi32, #tpu.memory_space<vmem>>
    %dma_start3A_141 = tpu.memref_slice %arg3[%add3A_129] : memref<819200xi32, #tpu.memory_space<hbm>> -> memref<128xi32, #tpu.memory_space<hbm>>
    tpu.enqueue_dma source(%dma_start3A_141 : memref<128xi32, #tpu.memory_space<hbm>>) target(%dma_start3A_140 : memref<128xi32, #tpu.memory_space<vmem>>) target_semaphore(%dma_start3A_137 : memref<!tpu.dma_semaphore, #tpu.memory_space<semaphore_mem>>)
    %add3A_142 = arith.constant 0 : i32
    %add3A_143 = arith.addi %mul3A_2, %add3A_142 : i32
    %dma_wait3A = arith.constant 0 : i32
    %dma_wait3A_144 = arith.constant 0 : i32
    %dma_wait3A_145 = arith.constant 0 : i32
    %dma_wait3A_146 = tpu.memref_slice %arg5[%dma_wait3A, %dma_wait3A_145] : memref<10x128xi32, #tpu.memory_space<vmem>> -> memref<1x128xi32, #tpu.memory_space<vmem>>
    %dma_wait3A_147 = tpu.memref_squeeze %dma_wait3A_146 : memref<1x128xi32, #tpu.memory_space<vmem>> -> memref<128xi32, #tpu.memory_space<vmem>>
    %dma_wait3A_148 = tpu.memref_slice %arg3[%add3A_143] : memref<819200xi32, #tpu.memory_space<hbm>> -> memref<128xi32, #tpu.memory_space<hbm>>
    %dma_wait3A_149 = tpu.memref_slice %arg7[%dma_wait3A_144] : memref<10x!tpu.dma_semaphore, #tpu.memory_space<semaphore_mem>> -> memref<1x!tpu.dma_semaphore, #tpu.memory_space<semaphore_mem>>
    %dma_wait3A_150 = tpu.memref_squeeze %dma_wait3A_149 : memref<1x!tpu.dma_semaphore, #tpu.memory_space<semaphore_mem>> -> memref<!tpu.dma_semaphore, #tpu.memory_space<semaphore_mem>>
    %dma_wait3A_151 = arith.constant 0 : i32
    %dma_wait3A_152 = tpu.memref_slice %arg5[%dma_wait3A, %dma_wait3A_151] : memref<10x128xi32, #tpu.memory_space<vmem>> -> memref<1x128xi32, #tpu.memory_space<vmem>>
    %dma_wait3A_153 = tpu.memref_squeeze %dma_wait3A_152 : memref<1x128xi32, #tpu.memory_space<vmem>> -> memref<128xi32, #tpu.memory_space<vmem>>
    %dma_wait3A_154 = tpu.memref_slice %arg3[%add3A_143] : memref<819200xi32, #tpu.memory_space<hbm>> -> memref<128xi32, #tpu.memory_space<hbm>>
    tpu.wait_dma2 semaphore(%dma_wait3A_150 : memref<!tpu.dma_semaphore, #tpu.memory_space<semaphore_mem>>) src(%dma_wait3A_154 : memref<128xi32, #tpu.memory_space<hbm>>) dst(%dma_wait3A_153 : memref<128xi32, #tpu.memory_space<vmem>>)
    %dma_start3A_155 = arith.constant 0 : i32
    %dma_start3A_156 = arith.constant 0 : i32
    %dma_start3A_157 = arith.constant 0 : i32
    %dma_start3A_158 = arith.constant 0 : i32
    %dma_start3A_159 = arith.constant 0 : i32
    %dma_start3A_160 = tpu.memref_slice %arg6[%dma_start3A_156, %dma_start3A_158, %dma_start3A_159] : memref<5x128x128xf32, #tpu.memory_space<vmem>> -> memref<1x128x128xf32, #tpu.memory_space<vmem>>
    %dma_start3A_161 = tpu.memref_squeeze %dma_start3A_160 : memref<1x128x128xf32, #tpu.memory_space<vmem>> -> memref<128x128xf32, #tpu.memory_space<vmem>>
    %dma_start3A_162 = arith.constant 0 : i32
    %dma_start3A_163 = tpu.memref_slice %arg5[%dma_start3A_155, %dma_start3A_162] : memref<10x128xi32, #tpu.memory_space<vmem>> -> memref<1x128xi32, #tpu.memory_space<vmem>>
    %dma_start3A_164 = tpu.memref_squeeze %dma_start3A_163 : memref<1x128xi32, #tpu.memory_space<vmem>> -> memref<128xi32, #tpu.memory_space<vmem>>
    %dma_start3A_165 = arith.constant 0 : i32
    %dma_start3A_166 = arith.constant 0 : i32
    %dma_start3A_167 = tpu.memref_slice %arg2[%dma_start3A_165, %dma_start3A_166] : memref<100000x128xf32, #tpu.memory_space<hbm>> -> memref<100000x128xf32, #tpu.memory_space<hbm>>
    %dma_start3A_168 = tpu.memref_slice %arg8[%dma_start3A_157] : memref<5x!tpu.dma_semaphore, #tpu.memory_space<semaphore_mem>> -> memref<1x!tpu.dma_semaphore, #tpu.memory_space<semaphore_mem>>
    %dma_start3A_169 = tpu.memref_squeeze %dma_start3A_168 : memref<1x!tpu.dma_semaphore, #tpu.memory_space<semaphore_mem>> -> memref<!tpu.dma_semaphore, #tpu.memory_space<semaphore_mem>>
    tpu.enqueue_indirect_dma source(%dma_start3A_167 : memref<100000x128xf32, #tpu.memory_space<hbm>>) target(%dma_start3A_161 : memref<128x128xf32, #tpu.memory_space<vmem>>) offsets(%dma_start3A_164 : memref<128xi32, #tpu.memory_space<vmem>>) semaphore(%dma_start3A_169 : memref<!tpu.dma_semaphore, #tpu.memory_space<semaphore_mem>>)
    %add3A_170 = arith.constant 128 : i32
    %add3A_171 = arith.addi %mul3A_2, %add3A_170 : i32
    %dma_wait3A_172 = arith.constant 1 : i32
    %dma_wait3A_173 = arith.constant 1 : i32
    %dma_wait3A_174 = arith.constant 0 : i32
    %dma_wait3A_175 = tpu.memref_slice %arg5[%dma_wait3A_172, %dma_wait3A_174] : memref<10x128xi32, #tpu.memory_space<vmem>> -> memref<1x128xi32, #tpu.memory_space<vmem>>
    %dma_wait3A_176 = tpu.memref_squeeze %dma_wait3A_175 : memref<1x128xi32, #tpu.memory_space<vmem>> -> memref<128xi32, #tpu.memory_space<vmem>>
    %dma_wait3A_177 = tpu.memref_slice %arg3[%add3A_171] : memref<819200xi32, #tpu.memory_space<hbm>> -> memref<128xi32, #tpu.memory_space<hbm>>
    %dma_wait3A_178 = tpu.memref_slice %arg7[%dma_wait3A_173] : memref<10x!tpu.dma_semaphore, #tpu.memory_space<semaphore_mem>> -> memref<1x!tpu.dma_semaphore, #tpu.memory_space<semaphore_mem>>
    %dma_wait3A_179 = tpu.memref_squeeze %dma_wait3A_178 : memref<1x!tpu.dma_semaphore, #tpu.memory_space<semaphore_mem>> -> memref<!tpu.dma_semaphore, #tpu.memory_space<semaphore_mem>>
    %dma_wait3A_180 = arith.constant 0 : i32
    %dma_wait3A_181 = tpu.memref_slice %arg5[%dma_wait3A_172, %dma_wait3A_180] : memref<10x128xi32, #tpu.memory_space<vmem>> -> memref<1x128xi32, #tpu.memory_space<vmem>>
    %dma_wait3A_182 = tpu.memref_squeeze %dma_wait3A_181 : memref<1x128xi32, #tpu.memory_space<vmem>> -> memref<128xi32, #tpu.memory_space<vmem>>
    %dma_wait3A_183 = tpu.memref_slice %arg3[%add3A_171] : memref<819200xi32, #tpu.memory_space<hbm>> -> memref<128xi32, #tpu.memory_space<hbm>>
    tpu.wait_dma2 semaphore(%dma_wait3A_179 : memref<!tpu.dma_semaphore, #tpu.memory_space<semaphore_mem>>) src(%dma_wait3A_183 : memref<128xi32, #tpu.memory_space<hbm>>) dst(%dma_wait3A_182 : memref<128xi32, #tpu.memory_space<vmem>>)
    %dma_start3A_184 = arith.constant 1 : i32
    %dma_start3A_185 = arith.constant 1 : i32
    %dma_start3A_186 = arith.constant 1 : i32
    %dma_start3A_187 = arith.constant 0 : i32
    %dma_start3A_188 = arith.constant 0 : i32
    %dma_start3A_189 = tpu.memref_slice %arg6[%dma_start3A_185, %dma_start3A_187, %dma_start3A_188] : memref<5x128x128xf32, #tpu.memory_space<vmem>> -> memref<1x128x128xf32, #tpu.memory_space<vmem>>
    %dma_start3A_190 = tpu.memref_squeeze %dma_start3A_189 : memref<1x128x128xf32, #tpu.memory_space<vmem>> -> memref<128x128xf32, #tpu.memory_space<vmem>>
    %dma_start3A_191 = arith.constant 0 : i32
    %dma_start3A_192 = tpu.memref_slice %arg5[%dma_start3A_184, %dma_start3A_191] : memref<10x128xi32, #tpu.memory_space<vmem>> -> memref<1x128xi32, #tpu.memory_space<vmem>>
    %dma_start3A_193 = tpu.memref_squeeze %dma_start3A_192 : memref<1x128xi32, #tpu.memory_space<vmem>> -> memref<128xi32, #tpu.memory_space<vmem>>
    %dma_start3A_194 = arith.constant 0 : i32
    %dma_start3A_195 = arith.constant 0 : i32
    %dma_start3A_196 = tpu.memref_slice %arg2[%dma_start3A_194, %dma_start3A_195] : memref<100000x128xf32, #tpu.memory_space<hbm>> -> memref<100000x128xf32, #tpu.memory_space<hbm>>
    %dma_start3A_197 = tpu.memref_slice %arg8[%dma_start3A_186] : memref<5x!tpu.dma_semaphore, #tpu.memory_space<semaphore_mem>> -> memref<1x!tpu.dma_semaphore, #tpu.memory_space<semaphore_mem>>
    %dma_start3A_198 = tpu.memref_squeeze %dma_start3A_197 : memref<1x!tpu.dma_semaphore, #tpu.memory_space<semaphore_mem>> -> memref<!tpu.dma_semaphore, #tpu.memory_space<semaphore_mem>>
    tpu.enqueue_indirect_dma source(%dma_start3A_196 : memref<100000x128xf32, #tpu.memory_space<hbm>>) target(%dma_start3A_190 : memref<128x128xf32, #tpu.memory_space<vmem>>) offsets(%dma_start3A_193 : memref<128xi32, #tpu.memory_space<vmem>>) semaphore(%dma_start3A_198 : memref<!tpu.dma_semaphore, #tpu.memory_space<semaphore_mem>>)
    %add3A_199 = arith.constant 256 : i32
    %add3A_200 = arith.addi %mul3A_2, %add3A_199 : i32
    %dma_wait3A_201 = arith.constant 2 : i32
    %dma_wait3A_202 = arith.constant 2 : i32
    %dma_wait3A_203 = arith.constant 0 : i32
    %dma_wait3A_204 = tpu.memref_slice %arg5[%dma_wait3A_201, %dma_wait3A_203] : memref<10x128xi32, #tpu.memory_space<vmem>> -> memref<1x128xi32, #tpu.memory_space<vmem>>
    %dma_wait3A_205 = tpu.memref_squeeze %dma_wait3A_204 : memref<1x128xi32, #tpu.memory_space<vmem>> -> memref<128xi32, #tpu.memory_space<vmem>>
    %dma_wait3A_206 = tpu.memref_slice %arg3[%add3A_200] : memref<819200xi32, #tpu.memory_space<hbm>> -> memref<128xi32, #tpu.memory_space<hbm>>
    %dma_wait3A_207 = tpu.memref_slice %arg7[%dma_wait3A_202] : memref<10x!tpu.dma_semaphore, #tpu.memory_space<semaphore_mem>> -> memref<1x!tpu.dma_semaphore, #tpu.memory_space<semaphore_mem>>
    %dma_wait3A_208 = tpu.memref_squeeze %dma_wait3A_207 : memref<1x!tpu.dma_semaphore, #tpu.memory_space<semaphore_mem>> -> memref<!tpu.dma_semaphore, #tpu.memory_space<semaphore_mem>>
    %dma_wait3A_209 = arith.constant 0 : i32
    %dma_wait3A_210 = tpu.memref_slice %arg5[%dma_wait3A_201, %dma_wait3A_209] : memref<10x128xi32, #tpu.memory_space<vmem>> -> memref<1x128xi32, #tpu.memory_space<vmem>>
    %dma_wait3A_211 = tpu.memref_squeeze %dma_wait3A_210 : memref<1x128xi32, #tpu.memory_space<vmem>> -> memref<128xi32, #tpu.memory_space<vmem>>
    %dma_wait3A_212 = tpu.memref_slice %arg3[%add3A_200] : memref<819200xi32, #tpu.memory_space<hbm>> -> memref<128xi32, #tpu.memory_space<hbm>>
    tpu.wait_dma2 semaphore(%dma_wait3A_208 : memref<!tpu.dma_semaphore, #tpu.memory_space<semaphore_mem>>) src(%dma_wait3A_212 : memref<128xi32, #tpu.memory_space<hbm>>) dst(%dma_wait3A_211 : memref<128xi32, #tpu.memory_space<vmem>>)
    %dma_start3A_213 = arith.constant 2 : i32
    %dma_start3A_214 = arith.constant 2 : i32
    %dma_start3A_215 = arith.constant 2 : i32
    %dma_start3A_216 = arith.constant 0 : i32
    %dma_start3A_217 = arith.constant 0 : i32
    %dma_start3A_218 = tpu.memref_slice %arg6[%dma_start3A_214, %dma_start3A_216, %dma_start3A_217] : memref<5x128x128xf32, #tpu.memory_space<vmem>> -> memref<1x128x128xf32, #tpu.memory_space<vmem>>
    %dma_start3A_219 = tpu.memref_squeeze %dma_start3A_218 : memref<1x128x128xf32, #tpu.memory_space<vmem>> -> memref<128x128xf32, #tpu.memory_space<vmem>>
    %dma_start3A_220 = arith.constant 0 : i32
    %dma_start3A_221 = tpu.memref_slice %arg5[%dma_start3A_213, %dma_start3A_220] : memref<10x128xi32, #tpu.memory_space<vmem>> -> memref<1x128xi32, #tpu.memory_space<vmem>>
    %dma_start3A_222 = tpu.memref_squeeze %dma_start3A_221 : memref<1x128xi32, #tpu.memory_space<vmem>> -> memref<128xi32, #tpu.memory_space<vmem>>
    %dma_start3A_223 = arith.constant 0 : i32
    %dma_start3A_224 = arith.constant 0 : i32
    %dma_start3A_225 = tpu.memref_slice %arg2[%dma_start3A_223, %dma_start3A_224] : memref<100000x128xf32, #tpu.memory_space<hbm>> -> memref<100000x128xf32, #tpu.memory_space<hbm>>
    %dma_start3A_226 = tpu.memref_slice %arg8[%dma_start3A_215] : memref<5x!tpu.dma_semaphore, #tpu.memory_space<semaphore_mem>> -> memref<1x!tpu.dma_semaphore, #tpu.memory_space<semaphore_mem>>
    %dma_start3A_227 = tpu.memref_squeeze %dma_start3A_226 : memref<1x!tpu.dma_semaphore, #tpu.memory_space<semaphore_mem>> -> memref<!tpu.dma_semaphore, #tpu.memory_space<semaphore_mem>>
    tpu.enqueue_indirect_dma source(%dma_start3A_225 : memref<100000x128xf32, #tpu.memory_space<hbm>>) target(%dma_start3A_219 : memref<128x128xf32, #tpu.memory_space<vmem>>) offsets(%dma_start3A_222 : memref<128xi32, #tpu.memory_space<vmem>>) semaphore(%dma_start3A_227 : memref<!tpu.dma_semaphore, #tpu.memory_space<semaphore_mem>>)
    %add3A_228 = arith.constant 384 : i32
    %add3A_229 = arith.addi %mul3A_2, %add3A_228 : i32
    %dma_wait3A_230 = arith.constant 3 : i32
    %dma_wait3A_231 = arith.constant 3 : i32
    %dma_wait3A_232 = arith.constant 0 : i32
    %dma_wait3A_233 = tpu.memref_slice %arg5[%dma_wait3A_230, %dma_wait3A_232] : memref<10x128xi32, #tpu.memory_space<vmem>> -> memref<1x128xi32, #tpu.memory_space<vmem>>
    %dma_wait3A_234 = tpu.memref_squeeze %dma_wait3A_233 : memref<1x128xi32, #tpu.memory_space<vmem>> -> memref<128xi32, #tpu.memory_space<vmem>>
    %dma_wait3A_235 = tpu.memref_slice %arg3[%add3A_229] : memref<819200xi32, #tpu.memory_space<hbm>> -> memref<128xi32, #tpu.memory_space<hbm>>
    %dma_wait3A_236 = tpu.memref_slice %arg7[%dma_wait3A_231] : memref<10x!tpu.dma_semaphore, #tpu.memory_space<semaphore_mem>> -> memref<1x!tpu.dma_semaphore, #tpu.memory_space<semaphore_mem>>
    %dma_wait3A_237 = tpu.memref_squeeze %dma_wait3A_236 : memref<1x!tpu.dma_semaphore, #tpu.memory_space<semaphore_mem>> -> memref<!tpu.dma_semaphore, #tpu.memory_space<semaphore_mem>>
    %dma_wait3A_238 = arith.constant 0 : i32
    %dma_wait3A_239 = tpu.memref_slice %arg5[%dma_wait3A_230, %dma_wait3A_238] : memref<10x128xi32, #tpu.memory_space<vmem>> -> memref<1x128xi32, #tpu.memory_space<vmem>>
    %dma_wait3A_240 = tpu.memref_squeeze %dma_wait3A_239 : memref<1x128xi32, #tpu.memory_space<vmem>> -> memref<128xi32, #tpu.memory_space<vmem>>
    %dma_wait3A_241 = tpu.memref_slice %arg3[%add3A_229] : memref<819200xi32, #tpu.memory_space<hbm>> -> memref<128xi32, #tpu.memory_space<hbm>>
    tpu.wait_dma2 semaphore(%dma_wait3A_237 : memref<!tpu.dma_semaphore, #tpu.memory_space<semaphore_mem>>) src(%dma_wait3A_241 : memref<128xi32, #tpu.memory_space<hbm>>) dst(%dma_wait3A_240 : memref<128xi32, #tpu.memory_space<vmem>>)
    %dma_start3A_242 = arith.constant 3 : i32
    %dma_start3A_243 = arith.constant 3 : i32
    %dma_start3A_244 = arith.constant 3 : i32
    %dma_start3A_245 = arith.constant 0 : i32
    %dma_start3A_246 = arith.constant 0 : i32
    %dma_start3A_247 = tpu.memref_slice %arg6[%dma_start3A_243, %dma_start3A_245, %dma_start3A_246] : memref<5x128x128xf32, #tpu.memory_space<vmem>> -> memref<1x128x128xf32, #tpu.memory_space<vmem>>
    %dma_start3A_248 = tpu.memref_squeeze %dma_start3A_247 : memref<1x128x128xf32, #tpu.memory_space<vmem>> -> memref<128x128xf32, #tpu.memory_space<vmem>>
    %dma_start3A_249 = arith.constant 0 : i32
    %dma_start3A_250 = tpu.memref_slice %arg5[%dma_start3A_242, %dma_start3A_249] : memref<10x128xi32, #tpu.memory_space<vmem>> -> memref<1x128xi32, #tpu.memory_space<vmem>>
    %dma_start3A_251 = tpu.memref_squeeze %dma_start3A_250 : memref<1x128xi32, #tpu.memory_space<vmem>> -> memref<128xi32, #tpu.memory_space<vmem>>
    %dma_start3A_252 = arith.constant 0 : i32
    %dma_start3A_253 = arith.constant 0 : i32
    %dma_start3A_254 = tpu.memref_slice %arg2[%dma_start3A_252, %dma_start3A_253] : memref<100000x128xf32, #tpu.memory_space<hbm>> -> memref<100000x128xf32, #tpu.memory_space<hbm>>
    %dma_start3A_255 = tpu.memref_slice %arg8[%dma_start3A_244] : memref<5x!tpu.dma_semaphore, #tpu.memory_space<semaphore_mem>> -> memref<1x!tpu.dma_semaphore, #tpu.memory_space<semaphore_mem>>
    %dma_start3A_256 = tpu.memref_squeeze %dma_start3A_255 : memref<1x!tpu.dma_semaphore, #tpu.memory_space<semaphore_mem>> -> memref<!tpu.dma_semaphore, #tpu.memory_space<semaphore_mem>>
    tpu.enqueue_indirect_dma source(%dma_start3A_254 : memref<100000x128xf32, #tpu.memory_space<hbm>>) target(%dma_start3A_248 : memref<128x128xf32, #tpu.memory_space<vmem>>) offsets(%dma_start3A_251 : memref<128xi32, #tpu.memory_space<vmem>>) semaphore(%dma_start3A_256 : memref<!tpu.dma_semaphore, #tpu.memory_space<semaphore_mem>>)
    %dma_wait3A_257 = arith.constant 0 : i32
    %dma_wait3A_258 = arith.constant 0 : i32
    %dma_wait3A_259 = arith.constant 0 : i32
    %dma_wait3A_260 = arith.constant 0 : i32
    %dma_wait3A_261 = arith.constant 0 : i32
    %dma_wait3A_262 = tpu.memref_slice %arg6[%dma_wait3A_258, %dma_wait3A_260, %dma_wait3A_261] : memref<5x128x128xf32, #tpu.memory_space<vmem>> -> memref<1x128x128xf32, #tpu.memory_space<vmem>>
    %dma_wait3A_263 = tpu.memref_squeeze %dma_wait3A_262 : memref<1x128x128xf32, #tpu.memory_space<vmem>> -> memref<128x128xf32, #tpu.memory_space<vmem>>
    %dma_wait3A_264 = arith.constant 0 : i32
    %dma_wait3A_265 = tpu.memref_slice %arg5[%dma_wait3A_257, %dma_wait3A_264] : memref<10x128xi32, #tpu.memory_space<vmem>> -> memref<1x128xi32, #tpu.memory_space<vmem>>
    %dma_wait3A_266 = tpu.memref_squeeze %dma_wait3A_265 : memref<1x128xi32, #tpu.memory_space<vmem>> -> memref<128xi32, #tpu.memory_space<vmem>>
    %dma_wait3A_267 = arith.constant 0 : i32
    %dma_wait3A_268 = arith.constant 0 : i32
    %dma_wait3A_269 = tpu.memref_slice %arg2[%dma_wait3A_267, %dma_wait3A_268] : memref<100000x128xf32, #tpu.memory_space<hbm>> -> memref<100000x128xf32, #tpu.memory_space<hbm>>
    %dma_wait3A_270 = tpu.memref_slice %arg8[%dma_wait3A_259] : memref<5x!tpu.dma_semaphore, #tpu.memory_space<semaphore_mem>> -> memref<1x!tpu.dma_semaphore, #tpu.memory_space<semaphore_mem>>
    %dma_wait3A_271 = tpu.memref_squeeze %dma_wait3A_270 : memref<1x!tpu.dma_semaphore, #tpu.memory_space<semaphore_mem>> -> memref<!tpu.dma_semaphore, #tpu.memory_space<semaphore_mem>>
    tpu.wait_indirect_dma semaphore(%dma_wait3A_271 : memref<!tpu.dma_semaphore, #tpu.memory_space<semaphore_mem>>) src(%dma_wait3A_269 : memref<100000x128xf32, #tpu.memory_space<hbm>>) dst(%dma_wait3A_263 : memref<128x128xf32, #tpu.memory_space<vmem>>)
    %add3A_272 = arith.constant 0 : i32
    %add3A_273 = arith.addi %mul3A_2, %add3A_272 : i32
    %dma_start3A_274 = arith.constant 0 : i32
    %dma_start3A_275 = arith.constant 0 : i32
    %dma_start3A_276 = arith.constant 0 : i32
    %dma_start3A_277 = arith.constant 0 : i32
    %dma_start3A_278 = tpu.memref_slice %arg6[%dma_start3A_274, %dma_start3A_276, %dma_start3A_277] : memref<5x128x128xf32, #tpu.memory_space<vmem>> -> memref<1x128x128xf32, #tpu.memory_space<vmem>>
    %dma_start3A_279 = tpu.memref_squeeze %dma_start3A_278 : memref<1x128x128xf32, #tpu.memory_space<vmem>> -> memref<128x128xf32, #tpu.memory_space<vmem>>
    %dma_start3A_280 = arith.constant 0 : i32
    %dma_start3A_281 = tpu.memref_slice %arg4[%add3A_273, %dma_start3A_280] : memref<819200x128xf32, #tpu.memory_space<hbm>> -> memref<128x128xf32, #tpu.memory_space<hbm>>
    %dma_start3A_282 = tpu.memref_slice %arg9[%dma_start3A_275] : memref<5x!tpu.dma_semaphore, #tpu.memory_space<semaphore_mem>> -> memref<1x!tpu.dma_semaphore, #tpu.memory_space<semaphore_mem>>
    %dma_start3A_283 = tpu.memref_squeeze %dma_start3A_282 : memref<1x!tpu.dma_semaphore, #tpu.memory_space<semaphore_mem>> -> memref<!tpu.dma_semaphore, #tpu.memory_space<semaphore_mem>>
    %dma_start3A_284 = arith.constant 0 : i32
    %dma_start3A_285 = tpu.memref_slice %arg4[%add3A_273, %dma_start3A_284] : memref<819200x128xf32, #tpu.memory_space<hbm>> -> memref<128x128xf32, #tpu.memory_space<hbm>>
    %dma_start3A_286 = arith.constant 0 : i32
    %dma_start3A_287 = arith.constant 0 : i32
    %dma_start3A_288 = tpu.memref_slice %arg6[%dma_start3A_274, %dma_start3A_286, %dma_start3A_287] : memref<5x128x128xf32, #tpu.memory_space<vmem>> -> memref<1x128x128xf32, #tpu.memory_space<vmem>>
    %dma_start3A_289 = tpu.memref_squeeze %dma_start3A_288 : memref<1x128x128xf32, #tpu.memory_space<vmem>> -> memref<128x128xf32, #tpu.memory_space<vmem>>
    tpu.enqueue_dma source(%dma_start3A_289 : memref<128x128xf32, #tpu.memory_space<vmem>>) target(%dma_start3A_285 : memref<128x128xf32, #tpu.memory_space<hbm>>) target_semaphore(%dma_start3A_283 : memref<!tpu.dma_semaphore, #tpu.memory_space<semaphore_mem>>)
    %add3A_290 = arith.constant 1280 : i32
    %add3A_291 = arith.addi %mul3A_2, %add3A_290 : i32
    %dma_start3A_292 = arith.constant 0 : i32
    %dma_start3A_293 = arith.constant 0 : i32
    %dma_start3A_294 = arith.constant 0 : i32
    %dma_start3A_295 = tpu.memref_slice %arg5[%dma_start3A_292, %dma_start3A_294] : memref<10x128xi32, #tpu.memory_space<vmem>> -> memref<1x128xi32, #tpu.memory_space<vmem>>
    %dma_start3A_296 = tpu.memref_squeeze %dma_start3A_295 : memref<1x128xi32, #tpu.memory_space<vmem>> -> memref<128xi32, #tpu.memory_space<vmem>>
    %dma_start3A_297 = tpu.memref_slice %arg3[%add3A_291] : memref<819200xi32, #tpu.memory_space<hbm>> -> memref<128xi32, #tpu.memory_space<hbm>>
    %dma_start3A_298 = tpu.memref_slice %arg7[%dma_start3A_293] : memref<10x!tpu.dma_semaphore, #tpu.memory_space<semaphore_mem>> -> memref<1x!tpu.dma_semaphore, #tpu.memory_space<semaphore_mem>>
    %dma_start3A_299 = tpu.memref_squeeze %dma_start3A_298 : memref<1x!tpu.dma_semaphore, #tpu.memory_space<semaphore_mem>> -> memref<!tpu.dma_semaphore, #tpu.memory_space<semaphore_mem>>
    %dma_start3A_300 = arith.constant 0 : i32
    %dma_start3A_301 = tpu.memref_slice %arg5[%dma_start3A_292, %dma_start3A_300] : memref<10x128xi32, #tpu.memory_space<vmem>> -> memref<1x128xi32, #tpu.memory_space<vmem>>
    %dma_start3A_302 = tpu.memref_squeeze %dma_start3A_301 : memref<1x128xi32, #tpu.memory_space<vmem>> -> memref<128xi32, #tpu.memory_space<vmem>>
    %dma_start3A_303 = tpu.memref_slice %arg3[%add3A_291] : memref<819200xi32, #tpu.memory_space<hbm>> -> memref<128xi32, #tpu.memory_space<hbm>>
    tpu.enqueue_dma source(%dma_start3A_303 : memref<128xi32, #tpu.memory_space<hbm>>) target(%dma_start3A_302 : memref<128xi32, #tpu.memory_space<vmem>>) target_semaphore(%dma_start3A_299 : memref<!tpu.dma_semaphore, #tpu.memory_space<semaphore_mem>>)
    %add3A_304 = arith.constant 512 : i32
    %add3A_305 = arith.addi %mul3A_2, %add3A_304 : i32
    %dma_wait3A_306 = arith.constant 4 : i32
    %dma_wait3A_307 = arith.constant 4 : i32
    %dma_wait3A_308 = arith.constant 0 : i32
    %dma_wait3A_309 = tpu.memref_slice %arg5[%dma_wait3A_306, %dma_wait3A_308] : memref<10x128xi32, #tpu.memory_space<vmem>> -> memref<1x128xi32, #tpu.memory_space<vmem>>
    %dma_wait3A_310 = tpu.memref_squeeze %dma_wait3A_309 : memref<1x128xi32, #tpu.memory_space<vmem>> -> memref<128xi32, #tpu.memory_space<vmem>>
    %dma_wait3A_311 = tpu.memref_slice %arg3[%add3A_305] : memref<819200xi32, #tpu.memory_space<hbm>> -> memref<128xi32, #tpu.memory_space<hbm>>
    %dma_wait3A_312 = tpu.memref_slice %arg7[%dma_wait3A_307] : memref<10x!tpu.dma_semaphore, #tpu.memory_space<semaphore_mem>> -> memref<1x!tpu.dma_semaphore, #tpu.memory_space<semaphore_mem>>
    %dma_wait3A_313 = tpu.memref_squeeze %dma_wait3A_312 : memref<1x!tpu.dma_semaphore, #tpu.memory_space<semaphore_mem>> -> memref<!tpu.dma_semaphore, #tpu.memory_space<semaphore_mem>>
    %dma_wait3A_314 = arith.constant 0 : i32
    %dma_wait3A_315 = tpu.memref_slice %arg5[%dma_wait3A_306, %dma_wait3A_314] : memref<10x128xi32, #tpu.memory_space<vmem>> -> memref<1x128xi32, #tpu.memory_space<vmem>>
    %dma_wait3A_316 = tpu.memref_squeeze %dma_wait3A_315 : memref<1x128xi32, #tpu.memory_space<vmem>> -> memref<128xi32, #tpu.memory_space<vmem>>
    %dma_wait3A_317 = tpu.memref_slice %arg3[%add3A_305] : memref<819200xi32, #tpu.memory_space<hbm>> -> memref<128xi32, #tpu.memory_space<hbm>>
    tpu.wait_dma2 semaphore(%dma_wait3A_313 : memref<!tpu.dma_semaphore, #tpu.memory_space<semaphore_mem>>) src(%dma_wait3A_317 : memref<128xi32, #tpu.memory_space<hbm>>) dst(%dma_wait3A_316 : memref<128xi32, #tpu.memory_space<vmem>>)
    %dma_start3A_318 = arith.constant 4 : i32
    %dma_start3A_319 = arith.constant 4 : i32
    %dma_start3A_320 = arith.constant 4 : i32
    %dma_start3A_321 = arith.constant 0 : i32
    %dma_start3A_322 = arith.constant 0 : i32
    %dma_start3A_323 = tpu.memref_slice %arg6[%dma_start3A_319, %dma_start3A_321, %dma_start3A_322] : memref<5x128x128xf32, #tpu.memory_space<vmem>> -> memref<1x128x128xf32, #tpu.memory_space<vmem>>
    %dma_start3A_324 = tpu.memref_squeeze %dma_start3A_323 : memref<1x128x128xf32, #tpu.memory_space<vmem>> -> memref<128x128xf32, #tpu.memory_space<vmem>>
    %dma_start3A_325 = arith.constant 0 : i32
    %dma_start3A_326 = tpu.memref_slice %arg5[%dma_start3A_318, %dma_start3A_325] : memref<10x128xi32, #tpu.memory_space<vmem>> -> memref<1x128xi32, #tpu.memory_space<vmem>>
    %dma_start3A_327 = tpu.memref_squeeze %dma_start3A_326 : memref<1x128xi32, #tpu.memory_space<vmem>> -> memref<128xi32, #tpu.memory_space<vmem>>
    %dma_start3A_328 = arith.constant 0 : i32
    %dma_start3A_329 = arith.constant 0 : i32
    %dma_start3A_330 = tpu.memref_slice %arg2[%dma_start3A_328, %dma_start3A_329] : memref<100000x128xf32, #tpu.memory_space<hbm>> -> memref<100000x128xf32, #tpu.memory_space<hbm>>
    %dma_start3A_331 = tpu.memref_slice %arg8[%dma_start3A_320] : memref<5x!tpu.dma_semaphore, #tpu.memory_space<semaphore_mem>> -> memref<1x!tpu.dma_semaphore, #tpu.memory_space<semaphore_mem>>
    %dma_start3A_332 = tpu.memref_squeeze %dma_start3A_331 : memref<1x!tpu.dma_semaphore, #tpu.memory_space<semaphore_mem>> -> memref<!tpu.dma_semaphore, #tpu.memory_space<semaphore_mem>>
    tpu.enqueue_indirect_dma source(%dma_start3A_330 : memref<100000x128xf32, #tpu.memory_space<hbm>>) target(%dma_start3A_324 : memref<128x128xf32, #tpu.memory_space<vmem>>) offsets(%dma_start3A_327 : memref<128xi32, #tpu.memory_space<vmem>>) semaphore(%dma_start3A_332 : memref<!tpu.dma_semaphore, #tpu.memory_space<semaphore_mem>>)
    %dma_wait3A_333 = arith.constant 1 : i32
    %dma_wait3A_334 = arith.constant 1 : i32
    %dma_wait3A_335 = arith.constant 1 : i32
    %dma_wait3A_336 = arith.constant 0 : i32
    %dma_wait3A_337 = arith.constant 0 : i32
    %dma_wait3A_338 = tpu.memref_slice %arg6[%dma_wait3A_334, %dma_wait3A_336, %dma_wait3A_337] : memref<5x128x128xf32, #tpu.memory_space<vmem>> -> memref<1x128x128xf32, #tpu.memory_space<vmem>>
    %dma_wait3A_339 = tpu.memref_squeeze %dma_wait3A_338 : memref<1x128x128xf32, #tpu.memory_space<vmem>> -> memref<128x128xf32, #tpu.memory_space<vmem>>
    %dma_wait3A_340 = arith.constant 0 : i32
    %dma_wait3A_341 = tpu.memref_slice %arg5[%dma_wait3A_333, %dma_wait3A_340] : memref<10x128xi32, #tpu.memory_space<vmem>> -> memref<1x128xi32, #tpu.memory_space<vmem>>
    %dma_wait3A_342 = tpu.memref_squeeze %dma_wait3A_341 : memref<1x128xi32, #tpu.memory_space<vmem>> -> memref<128xi32, #tpu.memory_space<vmem>>
    %dma_wait3A_343 = arith.constant 0 : i32
    %dma_wait3A_344 = arith.constant 0 : i32
    %dma_wait3A_345 = tpu.memref_slice %arg2[%dma_wait3A_343, %dma_wait3A_344] : memref<100000x128xf32, #tpu.memory_space<hbm>> -> memref<100000x128xf32, #tpu.memory_space<hbm>>
    %dma_wait3A_346 = tpu.memref_slice %arg8[%dma_wait3A_335] : memref<5x!tpu.dma_semaphore, #tpu.memory_space<semaphore_mem>> -> memref<1x!tpu.dma_semaphore, #tpu.memory_space<semaphore_mem>>
    %dma_wait3A_347 = tpu.memref_squeeze %dma_wait3A_346 : memref<1x!tpu.dma_semaphore, #tpu.memory_space<semaphore_mem>> -> memref<!tpu.dma_semaphore, #tpu.memory_space<semaphore_mem>>
    tpu.wait_indirect_dma semaphore(%dma_wait3A_347 : memref<!tpu.dma_semaphore, #tpu.memory_space<semaphore_mem>>) src(%dma_wait3A_345 : memref<100000x128xf32, #tpu.memory_space<hbm>>) dst(%dma_wait3A_339 : memref<128x128xf32, #tpu.memory_space<vmem>>)
    %add3A_348 = arith.constant 128 : i32
    %add3A_349 = arith.addi %mul3A_2, %add3A_348 : i32
    %dma_start3A_350 = arith.constant 1 : i32
    %dma_start3A_351 = arith.constant 1 : i32
    %dma_start3A_352 = arith.constant 0 : i32
    %dma_start3A_353 = arith.constant 0 : i32
    %dma_start3A_354 = tpu.memref_slice %arg6[%dma_start3A_350, %dma_start3A_352, %dma_start3A_353] : memref<5x128x128xf32, #tpu.memory_space<vmem>> -> memref<1x128x128xf32, #tpu.memory_space<vmem>>
    %dma_start3A_355 = tpu.memref_squeeze %dma_start3A_354 : memref<1x128x128xf32, #tpu.memory_space<vmem>> -> memref<128x128xf32, #tpu.memory_space<vmem>>
    %dma_start3A_356 = arith.constant 0 : i32
    %dma_start3A_357 = tpu.memref_slice %arg4[%add3A_349, %dma_start3A_356] : memref<819200x128xf32, #tpu.memory_space<hbm>> -> memref<128x128xf32, #tpu.memory_space<hbm>>
    %dma_start3A_358 = tpu.memref_slice %arg9[%dma_start3A_351] : memref<5x!tpu.dma_semaphore, #tpu.memory_space<semaphore_mem>> -> memref<1x!tpu.dma_semaphore, #tpu.memory_space<semaphore_mem>>
    %dma_start3A_359 = tpu.memref_squeeze %dma_start3A_358 : memref<1x!tpu.dma_semaphore, #tpu.memory_space<semaphore_mem>> -> memref<!tpu.dma_semaphore, #tpu.memory_space<semaphore_mem>>
    %dma_start3A_360 = arith.constant 0 : i32
    %dma_start3A_361 = tpu.memref_slice %arg4[%add3A_349, %dma_start3A_360] : memref<819200x128xf32, #tpu.memory_space<hbm>> -> memref<128x128xf32, #tpu.memory_space<hbm>>
    %dma_start3A_362 = arith.constant 0 : i32
    %dma_start3A_363 = arith.constant 0 : i32
    %dma_start3A_364 = tpu.memref_slice %arg6[%dma_start3A_350, %dma_start3A_362, %dma_start3A_363] : memref<5x128x128xf32, #tpu.memory_space<vmem>> -> memref<1x128x128xf32, #tpu.memory_space<vmem>>
    %dma_start3A_365 = tpu.memref_squeeze %dma_start3A_364 : memref<1x128x128xf32, #tpu.memory_space<vmem>> -> memref<128x128xf32, #tpu.memory_space<vmem>>
    tpu.enqueue_dma source(%dma_start3A_365 : memref<128x128xf32, #tpu.memory_space<vmem>>) target(%dma_start3A_361 : memref<128x128xf32, #tpu.memory_space<hbm>>) target_semaphore(%dma_start3A_359 : memref<!tpu.dma_semaphore, #tpu.memory_space<semaphore_mem>>)
    %add3A_366 = arith.constant 1408 : i32
    %add3A_367 = arith.addi %mul3A_2, %add3A_366 : i32
    %dma_start3A_368 = arith.constant 1 : i32
    %dma_start3A_369 = arith.constant 1 : i32
    %dma_start3A_370 = arith.constant 0 : i32
    %dma_start3A_371 = tpu.memref_slice %arg5[%dma_start3A_368, %dma_start3A_370] : memref<10x128xi32, #tpu.memory_space<vmem>> -> memref<1x128xi32, #tpu.memory_space<vmem>>
    %dma_start3A_372 = tpu.memref_squeeze %dma_start3A_371 : memref<1x128xi32, #tpu.memory_space<vmem>> -> memref<128xi32, #tpu.memory_space<vmem>>
    %dma_start3A_373 = tpu.memref_slice %arg3[%add3A_367] : memref<819200xi32, #tpu.memory_space<hbm>> -> memref<128xi32, #tpu.memory_space<hbm>>
    %dma_start3A_374 = tpu.memref_slice %arg7[%dma_start3A_369] : memref<10x!tpu.dma_semaphore, #tpu.memory_space<semaphore_mem>> -> memref<1x!tpu.dma_semaphore, #tpu.memory_space<semaphore_mem>>
    %dma_start3A_375 = tpu.memref_squeeze %dma_start3A_374 : memref<1x!tpu.dma_semaphore, #tpu.memory_space<semaphore_mem>> -> memref<!tpu.dma_semaphore, #tpu.memory_space<semaphore_mem>>
    %dma_start3A_376 = arith.constant 0 : i32
    %dma_start3A_377 = tpu.memref_slice %arg5[%dma_start3A_368, %dma_start3A_376] : memref<10x128xi32, #tpu.memory_space<vmem>> -> memref<1x128xi32, #tpu.memory_space<vmem>>
    %dma_start3A_378 = tpu.memref_squeeze %dma_start3A_377 : memref<1x128xi32, #tpu.memory_space<vmem>> -> memref<128xi32, #tpu.memory_space<vmem>>
    %dma_start3A_379 = tpu.memref_slice %arg3[%add3A_367] : memref<819200xi32, #tpu.memory_space<hbm>> -> memref<128xi32, #tpu.memory_space<hbm>>
    tpu.enqueue_dma source(%dma_start3A_379 : memref<128xi32, #tpu.memory_space<hbm>>) target(%dma_start3A_378 : memref<128xi32, #tpu.memory_space<vmem>>) target_semaphore(%dma_start3A_375 : memref<!tpu.dma_semaphore, #tpu.memory_space<semaphore_mem>>)
    %add3A_380 = arith.constant 0 : i32
    %add3A_381 = arith.addi %mul3A_2, %add3A_380 : i32
    %dma_wait3A_382 = arith.constant 0 : i32
    %dma_wait3A_383 = arith.constant 0 : i32
    %dma_wait3A_384 = arith.constant 0 : i32
    %dma_wait3A_385 = arith.constant 0 : i32
    %dma_wait3A_386 = tpu.memref_slice %arg6[%dma_wait3A_382, %dma_wait3A_384, %dma_wait3A_385] : memref<5x128x128xf32, #tpu.memory_space<vmem>> -> memref<1x128x128xf32, #tpu.memory_space<vmem>>
    %dma_wait3A_387 = tpu.memref_squeeze %dma_wait3A_386 : memref<1x128x128xf32, #tpu.memory_space<vmem>> -> memref<128x128xf32, #tpu.memory_space<vmem>>
    %dma_wait3A_388 = arith.constant 0 : i32
    %dma_wait3A_389 = tpu.memref_slice %arg4[%add3A_381, %dma_wait3A_388] : memref<819200x128xf32, #tpu.memory_space<hbm>> -> memref<128x128xf32, #tpu.memory_space<hbm>>
    %dma_wait3A_390 = tpu.memref_slice %arg9[%dma_wait3A_383] : memref<5x!tpu.dma_semaphore, #tpu.memory_space<semaphore_mem>> -> memref<1x!tpu.dma_semaphore, #tpu.memory_space<semaphore_mem>>
    %dma_wait3A_391 = tpu.memref_squeeze %dma_wait3A_390 : memref<1x!tpu.dma_semaphore, #tpu.memory_space<semaphore_mem>> -> memref<!tpu.dma_semaphore, #tpu.memory_space<semaphore_mem>>
    %dma_wait3A_392 = arith.constant 0 : i32
    %dma_wait3A_393 = tpu.memref_slice %arg4[%add3A_381, %dma_wait3A_392] : memref<819200x128xf32, #tpu.memory_space<hbm>> -> memref<128x128xf32, #tpu.memory_space<hbm>>
    %dma_wait3A_394 = arith.constant 0 : i32
    %dma_wait3A_395 = arith.constant 0 : i32
    %dma_wait3A_396 = tpu.memref_slice %arg6[%dma_wait3A_382, %dma_wait3A_394, %dma_wait3A_395] : memref<5x128x128xf32, #tpu.memory_space<vmem>> -> memref<1x128x128xf32, #tpu.memory_space<vmem>>
    %dma_wait3A_397 = tpu.memref_squeeze %dma_wait3A_396 : memref<1x128x128xf32, #tpu.memory_space<vmem>> -> memref<128x128xf32, #tpu.memory_space<vmem>>
    tpu.wait_dma2 semaphore(%dma_wait3A_391 : memref<!tpu.dma_semaphore, #tpu.memory_space<semaphore_mem>>) src(%dma_wait3A_397 : memref<128x128xf32, #tpu.memory_space<vmem>>) dst(%dma_wait3A_393 : memref<128x128xf32, #tpu.memory_space<hbm>>)
    %add3A_398 = arith.constant 640 : i32
    %add3A_399 = arith.addi %mul3A_2, %add3A_398 : i32
    %dma_wait3A_400 = arith.constant 5 : i32
    %dma_wait3A_401 = arith.constant 5 : i32
    %dma_wait3A_402 = arith.constant 0 : i32
    %dma_wait3A_403 = tpu.memref_slice %arg5[%dma_wait3A_400, %dma_wait3A_402] : memref<10x128xi32, #tpu.memory_space<vmem>> -> memref<1x128xi32, #tpu.memory_space<vmem>>
    %dma_wait3A_404 = tpu.memref_squeeze %dma_wait3A_403 : memref<1x128xi32, #tpu.memory_space<vmem>> -> memref<128xi32, #tpu.memory_space<vmem>>
    %dma_wait3A_405 = tpu.memref_slice %arg3[%add3A_399] : memref<819200xi32, #tpu.memory_space<hbm>> -> memref<128xi32, #tpu.memory_space<hbm>>
    %dma_wait3A_406 = tpu.memref_slice %arg7[%dma_wait3A_401] : memref<10x!tpu.dma_semaphore, #tpu.memory_space<semaphore_mem>> -> memref<1x!tpu.dma_semaphore, #tpu.memory_space<semaphore_mem>>
    %dma_wait3A_407 = tpu.memref_squeeze %dma_wait3A_406 : memref<1x!tpu.dma_semaphore, #tpu.memory_space<semaphore_mem>> -> memref<!tpu.dma_semaphore, #tpu.memory_space<semaphore_mem>>
    %dma_wait3A_408 = arith.constant 0 : i32
    %dma_wait3A_409 = tpu.memref_slice %arg5[%dma_wait3A_400, %dma_wait3A_408] : memref<10x128xi32, #tpu.memory_space<vmem>> -> memref<1x128xi32, #tpu.memory_space<vmem>>
    %dma_wait3A_410 = tpu.memref_squeeze %dma_wait3A_409 : memref<1x128xi32, #tpu.memory_space<vmem>> -> memref<128xi32, #tpu.memory_space<vmem>>
    %dma_wait3A_411 = tpu.memref_slice %arg3[%add3A_399] : memref<819200xi32, #tpu.memory_space<hbm>> -> memref<128xi32, #tpu.memory_space<hbm>>
    tpu.wait_dma2 semaphore(%dma_wait3A_407 : memref<!tpu.dma_semaphore, #tpu.memory_space<semaphore_mem>>) src(%dma_wait3A_411 : memref<128xi32, #tpu.memory_space<hbm>>) dst(%dma_wait3A_410 : memref<128xi32, #tpu.memory_space<vmem>>)
    %dma_start3A_412 = arith.constant 5 : i32
    %dma_start3A_413 = arith.constant 0 : i32
    %dma_start3A_414 = arith.constant 0 : i32
    %dma_start3A_415 = arith.constant 0 : i32
    %dma_start3A_416 = arith.constant 0 : i32
    %dma_start3A_417 = tpu.memref_slice %arg6[%dma_start3A_413, %dma_start3A_415, %dma_start3A_416] : memref<5x128x128xf32, #tpu.memory_space<vmem>> -> memref<1x128x128xf32, #tpu.memory_space<vmem>>
    %dma_start3A_418 = tpu.memref_squeeze %dma_start3A_417 : memref<1x128x128xf32, #tpu.memory_space<vmem>> -> memref<128x128xf32, #tpu.memory_space<vmem>>
    %dma_start3A_419 = arith.constant 0 : i32
    %dma_start3A_420 = tpu.memref_slice %arg5[%dma_start3A_412, %dma_start3A_419] : memref<10x128xi32, #tpu.memory_space<vmem>> -> memref<1x128xi32, #tpu.memory_space<vmem>>
    %dma_start3A_421 = tpu.memref_squeeze %dma_start3A_420 : memref<1x128xi32, #tpu.memory_space<vmem>> -> memref<128xi32, #tpu.memory_space<vmem>>
    %dma_start3A_422 = arith.constant 0 : i32
    %dma_start3A_423 = arith.constant 0 : i32
    %dma_start3A_424 = tpu.memref_slice %arg2[%dma_start3A_422, %dma_start3A_423] : memref<100000x128xf32, #tpu.memory_space<hbm>> -> memref<100000x128xf32, #tpu.memory_space<hbm>>
    %dma_start3A_425 = tpu.memref_slice %arg8[%dma_start3A_414] : memref<5x!tpu.dma_semaphore, #tpu.memory_space<semaphore_mem>> -> memref<1x!tpu.dma_semaphore, #tpu.memory_space<semaphore_mem>>
    %dma_start3A_426 = tpu.memref_squeeze %dma_start3A_425 : memref<1x!tpu.dma_semaphore, #tpu.memory_space<semaphore_mem>> -> memref<!tpu.dma_semaphore, #tpu.memory_space<semaphore_mem>>
    tpu.enqueue_indirect_dma source(%dma_start3A_424 : memref<100000x128xf32, #tpu.memory_space<hbm>>) target(%dma_start3A_418 : memref<128x128xf32, #tpu.memory_space<vmem>>) offsets(%dma_start3A_421 : memref<128xi32, #tpu.memory_space<vmem>>) semaphore(%dma_start3A_426 : memref<!tpu.dma_semaphore, #tpu.memory_space<semaphore_mem>>)
    %dma_wait3A_427 = arith.constant 2 : i32
    %dma_wait3A_428 = arith.constant 2 : i32
    %dma_wait3A_429 = arith.constant 2 : i32
    %dma_wait3A_430 = arith.constant 0 : i32
    %dma_wait3A_431 = arith.constant 0 : i32
    %dma_wait3A_432 = tpu.memref_slice %arg6[%dma_wait3A_428, %dma_wait3A_430, %dma_wait3A_431] : memref<5x128x128xf32, #tpu.memory_space<vmem>> -> memref<1x128x128xf32, #tpu.memory_space<vmem>>
    %dma_wait3A_433 = tpu.memref_squeeze %dma_wait3A_432 : memref<1x128x128xf32, #tpu.memory_space<vmem>> -> memref<128x128xf32, #tpu.memory_space<vmem>>
    %dma_wait3A_434 = arith.constant 0 : i32
    %dma_wait3A_435 = tpu.memref_slice %arg5[%dma_wait3A_427, %dma_wait3A_434] : memref<10x128xi32, #tpu.memory_space<vmem>> -> memref<1x128xi32, #tpu.memory_space<vmem>>
    %dma_wait3A_436 = tpu.memref_squeeze %dma_wait3A_435 : memref<1x128xi32, #tpu.memory_space<vmem>> -> memref<128xi32, #tpu.memory_space<vmem>>
    %dma_wait3A_437 = arith.constant 0 : i32
    %dma_wait3A_438 = arith.constant 0 : i32
    %dma_wait3A_439 = tpu.memref_slice %arg2[%dma_wait3A_437, %dma_wait3A_438] : memref<100000x128xf32, #tpu.memory_space<hbm>> -> memref<100000x128xf32, #tpu.memory_space<hbm>>
    %dma_wait3A_440 = tpu.memref_slice %arg8[%dma_wait3A_429] : memref<5x!tpu.dma_semaphore, #tpu.memory_space<semaphore_mem>> -> memref<1x!tpu.dma_semaphore, #tpu.memory_space<semaphore_mem>>
    %dma_wait3A_441 = tpu.memref_squeeze %dma_wait3A_440 : memref<1x!tpu.dma_semaphore, #tpu.memory_space<semaphore_mem>> -> memref<!tpu.dma_semaphore, #tpu.memory_space<semaphore_mem>>
    tpu.wait_indirect_dma semaphore(%dma_wait3A_441 : memref<!tpu.dma_semaphore, #tpu.memory_space<semaphore_mem>>) src(%dma_wait3A_439 : memref<100000x128xf32, #tpu.memory_space<hbm>>) dst(%dma_wait3A_433 : memref<128x128xf32, #tpu.memory_space<vmem>>)
    %add3A_442 = arith.constant 256 : i32
    %add3A_443 = arith.addi %mul3A_2, %add3A_442 : i32
    %dma_start3A_444 = arith.constant 2 : i32
    %dma_start3A_445 = arith.constant 2 : i32
    %dma_start3A_446 = arith.constant 0 : i32
    %dma_start3A_447 = arith.constant 0 : i32
    %dma_start3A_448 = tpu.memref_slice %arg6[%dma_start3A_444, %dma_start3A_446, %dma_start3A_447] : memref<5x128x128xf32, #tpu.memory_space<vmem>> -> memref<1x128x128xf32, #tpu.memory_space<vmem>>
    %dma_start3A_449 = tpu.memref_squeeze %dma_start3A_448 : memref<1x128x128xf32, #tpu.memory_space<vmem>> -> memref<128x128xf32, #tpu.memory_space<vmem>>
    %dma_start3A_450 = arith.constant 0 : i32
    %dma_start3A_451 = tpu.memref_slice %arg4[%add3A_443, %dma_start3A_450] : memref<819200x128xf32, #tpu.memory_space<hbm>> -> memref<128x128xf32, #tpu.memory_space<hbm>>
    %dma_start3A_452 = tpu.memref_slice %arg9[%dma_start3A_445] : memref<5x!tpu.dma_semaphore, #tpu.memory_space<semaphore_mem>> -> memref<1x!tpu.dma_semaphore, #tpu.memory_space<semaphore_mem>>
    %dma_start3A_453 = tpu.memref_squeeze %dma_start3A_452 : memref<1x!tpu.dma_semaphore, #tpu.memory_space<semaphore_mem>> -> memref<!tpu.dma_semaphore, #tpu.memory_space<semaphore_mem>>
    %dma_start3A_454 = arith.constant 0 : i32
    %dma_start3A_455 = tpu.memref_slice %arg4[%add3A_443, %dma_start3A_454] : memref<819200x128xf32, #tpu.memory_space<hbm>> -> memref<128x128xf32, #tpu.memory_space<hbm>>
    %dma_start3A_456 = arith.constant 0 : i32
    %dma_start3A_457 = arith.constant 0 : i32
    %dma_start3A_458 = tpu.memref_slice %arg6[%dma_start3A_444, %dma_start3A_456, %dma_start3A_457] : memref<5x128x128xf32, #tpu.memory_space<vmem>> -> memref<1x128x128xf32, #tpu.memory_space<vmem>>
    %dma_start3A_459 = tpu.memref_squeeze %dma_start3A_458 : memref<1x128x128xf32, #tpu.memory_space<vmem>> -> memref<128x128xf32, #tpu.memory_space<vmem>>
    tpu.enqueue_dma source(%dma_start3A_459 : memref<128x128xf32, #tpu.memory_space<vmem>>) target(%dma_start3A_455 : memref<128x128xf32, #tpu.memory_space<hbm>>) target_semaphore(%dma_start3A_453 : memref<!tpu.dma_semaphore, #tpu.memory_space<semaphore_mem>>)
    %add3A_460 = arith.constant 1536 : i32
    %add3A_461 = arith.addi %mul3A_2, %add3A_460 : i32
    %dma_start3A_462 = arith.constant 2 : i32
    %dma_start3A_463 = arith.constant 2 : i32
    %dma_start3A_464 = arith.constant 0 : i32
    %dma_start3A_465 = tpu.memref_slice %arg5[%dma_start3A_462, %dma_start3A_464] : memref<10x128xi32, #tpu.memory_space<vmem>> -> memref<1x128xi32, #tpu.memory_space<vmem>>
    %dma_start3A_466 = tpu.memref_squeeze %dma_start3A_465 : memref<1x128xi32, #tpu.memory_space<vmem>> -> memref<128xi32, #tpu.memory_space<vmem>>
    %dma_start3A_467 = tpu.memref_slice %arg3[%add3A_461] : memref<819200xi32, #tpu.memory_space<hbm>> -> memref<128xi32, #tpu.memory_space<hbm>>
    %dma_start3A_468 = tpu.memref_slice %arg7[%dma_start3A_463] : memref<10x!tpu.dma_semaphore, #tpu.memory_space<semaphore_mem>> -> memref<1x!tpu.dma_semaphore, #tpu.memory_space<semaphore_mem>>
    %dma_start3A_469 = tpu.memref_squeeze %dma_start3A_468 : memref<1x!tpu.dma_semaphore, #tpu.memory_space<semaphore_mem>> -> memref<!tpu.dma_semaphore, #tpu.memory_space<semaphore_mem>>
    %dma_start3A_470 = arith.constant 0 : i32
    %dma_start3A_471 = tpu.memref_slice %arg5[%dma_start3A_462, %dma_start3A_470] : memref<10x128xi32, #tpu.memory_space<vmem>> -> memref<1x128xi32, #tpu.memory_space<vmem>>
    %dma_start3A_472 = tpu.memref_squeeze %dma_start3A_471 : memref<1x128xi32, #tpu.memory_space<vmem>> -> memref<128xi32, #tpu.memory_space<vmem>>
    %dma_start3A_473 = tpu.memref_slice %arg3[%add3A_461] : memref<819200xi32, #tpu.memory_space<hbm>> -> memref<128xi32, #tpu.memory_space<hbm>>
    tpu.enqueue_dma source(%dma_start3A_473 : memref<128xi32, #tpu.memory_space<hbm>>) target(%dma_start3A_472 : memref<128xi32, #tpu.memory_space<vmem>>) target_semaphore(%dma_start3A_469 : memref<!tpu.dma_semaphore, #tpu.memory_space<semaphore_mem>>)
    %add3A_474 = arith.constant 128 : i32
    %add3A_475 = arith.addi %mul3A_2, %add3A_474 : i32
    %dma_wait3A_476 = arith.constant 1 : i32
    %dma_wait3A_477 = arith.constant 1 : i32
    %dma_wait3A_478 = arith.constant 0 : i32
    %dma_wait3A_479 = arith.constant 0 : i32
    %dma_wait3A_480 = tpu.memref_slice %arg6[%dma_wait3A_476, %dma_wait3A_478, %dma_wait3A_479] : memref<5x128x128xf32, #tpu.memory_space<vmem>> -> memref<1x128x128xf32, #tpu.memory_space<vmem>>
    %dma_wait3A_481 = tpu.memref_squeeze %dma_wait3A_480 : memref<1x128x128xf32, #tpu.memory_space<vmem>> -> memref<128x128xf32, #tpu.memory_space<vmem>>
    %dma_wait3A_482 = arith.constant 0 : i32
    %dma_wait3A_483 = tpu.memref_slice %arg4[%add3A_475, %dma_wait3A_482] : memref<819200x128xf32, #tpu.memory_space<hbm>> -> memref<128x128xf32, #tpu.memory_space<hbm>>
    %dma_wait3A_484 = tpu.memref_slice %arg9[%dma_wait3A_477] : memref<5x!tpu.dma_semaphore, #tpu.memory_space<semaphore_mem>> -> memref<1x!tpu.dma_semaphore, #tpu.memory_space<semaphore_mem>>
    %dma_wait3A_485 = tpu.memref_squeeze %dma_wait3A_484 : memref<1x!tpu.dma_semaphore, #tpu.memory_space<semaphore_mem>> -> memref<!tpu.dma_semaphore, #tpu.memory_space<semaphore_mem>>
    %dma_wait3A_486 = arith.constant 0 : i32
    %dma_wait3A_487 = tpu.memref_slice %arg4[%add3A_475, %dma_wait3A_486] : memref<819200x128xf32, #tpu.memory_space<hbm>> -> memref<128x128xf32, #tpu.memory_space<hbm>>
    %dma_wait3A_488 = arith.constant 0 : i32
    %dma_wait3A_489 = arith.constant 0 : i32
    %dma_wait3A_490 = tpu.memref_slice %arg6[%dma_wait3A_476, %dma_wait3A_488, %dma_wait3A_489] : memref<5x128x128xf32, #tpu.memory_space<vmem>> -> memref<1x128x128xf32, #tpu.memory_space<vmem>>
    %dma_wait3A_491 = tpu.memref_squeeze %dma_wait3A_490 : memref<1x128x128xf32, #tpu.memory_space<vmem>> -> memref<128x128xf32, #tpu.memory_space<vmem>>
    tpu.wait_dma2 semaphore(%dma_wait3A_485 : memref<!tpu.dma_semaphore, #tpu.memory_space<semaphore_mem>>) src(%dma_wait3A_491 : memref<128x128xf32, #tpu.memory_space<vmem>>) dst(%dma_wait3A_487 : memref<128x128xf32, #tpu.memory_space<hbm>>)
    %add3A_492 = arith.constant 768 : i32
    %add3A_493 = arith.addi %mul3A_2, %add3A_492 : i32
    %dma_wait3A_494 = arith.constant 6 : i32
    %dma_wait3A_495 = arith.constant 6 : i32
    %dma_wait3A_496 = arith.constant 0 : i32
    %dma_wait3A_497 = tpu.memref_slice %arg5[%dma_wait3A_494, %dma_wait3A_496] : memref<10x128xi32, #tpu.memory_space<vmem>> -> memref<1x128xi32, #tpu.memory_space<vmem>>
    %dma_wait3A_498 = tpu.memref_squeeze %dma_wait3A_497 : memref<1x128xi32, #tpu.memory_space<vmem>> -> memref<128xi32, #tpu.memory_space<vmem>>
    %dma_wait3A_499 = tpu.memref_slice %arg3[%add3A_493] : memref<819200xi32, #tpu.memory_space<hbm>> -> memref<128xi32, #tpu.memory_space<hbm>>
    %dma_wait3A_500 = tpu.memref_slice %arg7[%dma_wait3A_495] : memref<10x!tpu.dma_semaphore, #tpu.memory_space<semaphore_mem>> -> memref<1x!tpu.dma_semaphore, #tpu.memory_space<semaphore_mem>>
    %dma_wait3A_501 = tpu.memref_squeeze %dma_wait3A_500 : memref<1x!tpu.dma_semaphore, #tpu.memory_space<semaphore_mem>> -> memref<!tpu.dma_semaphore, #tpu.memory_space<semaphore_mem>>
    %dma_wait3A_502 = arith.constant 0 : i32
    %dma_wait3A_503 = tpu.memref_slice %arg5[%dma_wait3A_494, %dma_wait3A_502] : memref<10x128xi32, #tpu.memory_space<vmem>> -> memref<1x128xi32, #tpu.memory_space<vmem>>
    %dma_wait3A_504 = tpu.memref_squeeze %dma_wait3A_503 : memref<1x128xi32, #tpu.memory_space<vmem>> -> memref<128xi32, #tpu.memory_space<vmem>>
    %dma_wait3A_505 = tpu.memref_slice %arg3[%add3A_493] : memref<819200xi32, #tpu.memory_space<hbm>> -> memref<128xi32, #tpu.memory_space<hbm>>
    tpu.wait_dma2 semaphore(%dma_wait3A_501 : memref<!tpu.dma_semaphore, #tpu.memory_space<semaphore_mem>>) src(%dma_wait3A_505 : memref<128xi32, #tpu.memory_space<hbm>>) dst(%dma_wait3A_504 : memref<128xi32, #tpu.memory_space<vmem>>)
    %dma_start3A_506 = arith.constant 6 : i32
    %dma_start3A_507 = arith.constant 1 : i32
    %dma_start3A_508 = arith.constant 1 : i32
    %dma_start3A_509 = arith.constant 0 : i32
    %dma_start3A_510 = arith.constant 0 : i32
    %dma_start3A_511 = tpu.memref_slice %arg6[%dma_start3A_507, %dma_start3A_509, %dma_start3A_510] : memref<5x128x128xf32, #tpu.memory_space<vmem>> -> memref<1x128x128xf32, #tpu.memory_space<vmem>>
    %dma_start3A_512 = tpu.memref_squeeze %dma_start3A_511 : memref<1x128x128xf32, #tpu.memory_space<vmem>> -> memref<128x128xf32, #tpu.memory_space<vmem>>
    %dma_start3A_513 = arith.constant 0 : i32
    %dma_start3A_514 = tpu.memref_slice %arg5[%dma_start3A_506, %dma_start3A_513] : memref<10x128xi32, #tpu.memory_space<vmem>> -> memref<1x128xi32, #tpu.memory_space<vmem>>
    %dma_start3A_515 = tpu.memref_squeeze %dma_start3A_514 : memref<1x128xi32, #tpu.memory_space<vmem>> -> memref<128xi32, #tpu.memory_space<vmem>>
    %dma_start3A_516 = arith.constant 0 : i32
    %dma_start3A_517 = arith.constant 0 : i32
    %dma_start3A_518 = tpu.memref_slice %arg2[%dma_start3A_516, %dma_start3A_517] : memref<100000x128xf32, #tpu.memory_space<hbm>> -> memref<100000x128xf32, #tpu.memory_space<hbm>>
    %dma_start3A_519 = tpu.memref_slice %arg8[%dma_start3A_508] : memref<5x!tpu.dma_semaphore, #tpu.memory_space<semaphore_mem>> -> memref<1x!tpu.dma_semaphore, #tpu.memory_space<semaphore_mem>>
    %dma_start3A_520 = tpu.memref_squeeze %dma_start3A_519 : memref<1x!tpu.dma_semaphore, #tpu.memory_space<semaphore_mem>> -> memref<!tpu.dma_semaphore, #tpu.memory_space<semaphore_mem>>
    tpu.enqueue_indirect_dma source(%dma_start3A_518 : memref<100000x128xf32, #tpu.memory_space<hbm>>) target(%dma_start3A_512 : memref<128x128xf32, #tpu.memory_space<vmem>>) offsets(%dma_start3A_515 : memref<128xi32, #tpu.memory_space<vmem>>) semaphore(%dma_start3A_520 : memref<!tpu.dma_semaphore, #tpu.memory_space<semaphore_mem>>)
    %dma_wait3A_521 = arith.constant 3 : i32
    %dma_wait3A_522 = arith.constant 3 : i32
    %dma_wait3A_523 = arith.constant 3 : i32
    %dma_wait3A_524 = arith.constant 0 : i32
    %dma_wait3A_525 = arith.constant 0 : i32
    %dma_wait3A_526 = tpu.memref_slice %arg6[%dma_wait3A_522, %dma_wait3A_524, %dma_wait3A_525] : memref<5x128x128xf32, #tpu.memory_space<vmem>> -> memref<1x128x128xf32, #tpu.memory_space<vmem>>
    %dma_wait3A_527 = tpu.memref_squeeze %dma_wait3A_526 : memref<1x128x128xf32, #tpu.memory_space<vmem>> -> memref<128x128xf32, #tpu.memory_space<vmem>>
    %dma_wait3A_528 = arith.constant 0 : i32
    %dma_wait3A_529 = tpu.memref_slice %arg5[%dma_wait3A_521, %dma_wait3A_528] : memref<10x128xi32, #tpu.memory_space<vmem>> -> memref<1x128xi32, #tpu.memory_space<vmem>>
    %dma_wait3A_530 = tpu.memref_squeeze %dma_wait3A_529 : memref<1x128xi32, #tpu.memory_space<vmem>> -> memref<128xi32, #tpu.memory_space<vmem>>
    %dma_wait3A_531 = arith.constant 0 : i32
    %dma_wait3A_532 = arith.constant 0 : i32
    %dma_wait3A_533 = tpu.memref_slice %arg2[%dma_wait3A_531, %dma_wait3A_532] : memref<100000x128xf32, #tpu.memory_space<hbm>> -> memref<100000x128xf32, #tpu.memory_space<hbm>>
    %dma_wait3A_534 = tpu.memref_slice %arg8[%dma_wait3A_523] : memref<5x!tpu.dma_semaphore, #tpu.memory_space<semaphore_mem>> -> memref<1x!tpu.dma_semaphore, #tpu.memory_space<semaphore_mem>>
    %dma_wait3A_535 = tpu.memref_squeeze %dma_wait3A_534 : memref<1x!tpu.dma_semaphore, #tpu.memory_space<semaphore_mem>> -> memref<!tpu.dma_semaphore, #tpu.memory_space<semaphore_mem>>
    tpu.wait_indirect_dma semaphore(%dma_wait3A_535 : memref<!tpu.dma_semaphore, #tpu.memory_space<semaphore_mem>>) src(%dma_wait3A_533 : memref<100000x128xf32, #tpu.memory_space<hbm>>) dst(%dma_wait3A_527 : memref<128x128xf32, #tpu.memory_space<vmem>>)
    %add3A_536 = arith.constant 384 : i32
    %add3A_537 = arith.addi %mul3A_2, %add3A_536 : i32
    %dma_start3A_538 = arith.constant 3 : i32
    %dma_start3A_539 = arith.constant 3 : i32
    %dma_start3A_540 = arith.constant 0 : i32
    %dma_start3A_541 = arith.constant 0 : i32
    %dma_start3A_542 = tpu.memref_slice %arg6[%dma_start3A_538, %dma_start3A_540, %dma_start3A_541] : memref<5x128x128xf32, #tpu.memory_space<vmem>> -> memref<1x128x128xf32, #tpu.memory_space<vmem>>
    %dma_start3A_543 = tpu.memref_squeeze %dma_start3A_542 : memref<1x128x128xf32, #tpu.memory_space<vmem>> -> memref<128x128xf32, #tpu.memory_space<vmem>>
    %dma_start3A_544 = arith.constant 0 : i32
    %dma_start3A_545 = tpu.memref_slice %arg4[%add3A_537, %dma_start3A_544] : memref<819200x128xf32, #tpu.memory_space<hbm>> -> memref<128x128xf32, #tpu.memory_space<hbm>>
    %dma_start3A_546 = tpu.memref_slice %arg9[%dma_start3A_539] : memref<5x!tpu.dma_semaphore, #tpu.memory_space<semaphore_mem>> -> memref<1x!tpu.dma_semaphore, #tpu.memory_space<semaphore_mem>>
    %dma_start3A_547 = tpu.memref_squeeze %dma_start3A_546 : memref<1x!tpu.dma_semaphore, #tpu.memory_space<semaphore_mem>> -> memref<!tpu.dma_semaphore, #tpu.memory_space<semaphore_mem>>
    %dma_start3A_548 = arith.constant 0 : i32
    %dma_start3A_549 = tpu.memref_slice %arg4[%add3A_537, %dma_start3A_548] : memref<819200x128xf32, #tpu.memory_space<hbm>> -> memref<128x128xf32, #tpu.memory_space<hbm>>
    %dma_start3A_550 = arith.constant 0 : i32
    %dma_start3A_551 = arith.constant 0 : i32
    %dma_start3A_552 = tpu.memref_slice %arg6[%dma_start3A_538, %dma_start3A_550, %dma_start3A_551] : memref<5x128x128xf32, #tpu.memory_space<vmem>> -> memref<1x128x128xf32, #tpu.memory_space<vmem>>
    %dma_start3A_553 = tpu.memref_squeeze %dma_start3A_552 : memref<1x128x128xf32, #tpu.memory_space<vmem>> -> memref<128x128xf32, #tpu.memory_space<vmem>>
    tpu.enqueue_dma source(%dma_start3A_553 : memref<128x128xf32, #tpu.memory_space<vmem>>) target(%dma_start3A_549 : memref<128x128xf32, #tpu.memory_space<hbm>>) target_semaphore(%dma_start3A_547 : memref<!tpu.dma_semaphore, #tpu.memory_space<semaphore_mem>>)
    %add3A_554 = arith.constant 1664 : i32
    %add3A_555 = arith.addi %mul3A_2, %add3A_554 : i32
    %dma_start3A_556 = arith.constant 3 : i32
    %dma_start3A_557 = arith.constant 3 : i32
    %dma_start3A_558 = arith.constant 0 : i32
    %dma_start3A_559 = tpu.memref_slice %arg5[%dma_start3A_556, %dma_start3A_558] : memref<10x128xi32, #tpu.memory_space<vmem>> -> memref<1x128xi32, #tpu.memory_space<vmem>>
    %dma_start3A_560 = tpu.memref_squeeze %dma_start3A_559 : memref<1x128xi32, #tpu.memory_space<vmem>> -> memref<128xi32, #tpu.memory_space<vmem>>
    %dma_start3A_561 = tpu.memref_slice %arg3[%add3A_555] : memref<819200xi32, #tpu.memory_space<hbm>> -> memref<128xi32, #tpu.memory_space<hbm>>
    %dma_start3A_562 = tpu.memref_slice %arg7[%dma_start3A_557] : memref<10x!tpu.dma_semaphore, #tpu.memory_space<semaphore_mem>> -> memref<1x!tpu.dma_semaphore, #tpu.memory_space<semaphore_mem>>
    %dma_start3A_563 = tpu.memref_squeeze %dma_start3A_562 : memref<1x!tpu.dma_semaphore, #tpu.memory_space<semaphore_mem>> -> memref<!tpu.dma_semaphore, #tpu.memory_space<semaphore_mem>>
    %dma_start3A_564 = arith.constant 0 : i32
    %dma_start3A_565 = tpu.memref_slice %arg5[%dma_start3A_556, %dma_start3A_564] : memref<10x128xi32, #tpu.memory_space<vmem>> -> memref<1x128xi32, #tpu.memory_space<vmem>>
    %dma_start3A_566 = tpu.memref_squeeze %dma_start3A_565 : memref<1x128xi32, #tpu.memory_space<vmem>> -> memref<128xi32, #tpu.memory_space<vmem>>
    %dma_start3A_567 = tpu.memref_slice %arg3[%add3A_555] : memref<819200xi32, #tpu.memory_space<hbm>> -> memref<128xi32, #tpu.memory_space<hbm>>
    tpu.enqueue_dma source(%dma_start3A_567 : memref<128xi32, #tpu.memory_space<hbm>>) target(%dma_start3A_566 : memref<128xi32, #tpu.memory_space<vmem>>) target_semaphore(%dma_start3A_563 : memref<!tpu.dma_semaphore, #tpu.memory_space<semaphore_mem>>)
    %add3A_568 = arith.constant 256 : i32
    %add3A_569 = arith.addi %mul3A_2, %add3A_568 : i32
    %dma_wait3A_570 = arith.constant 2 : i32
    %dma_wait3A_571 = arith.constant 2 : i32
    %dma_wait3A_572 = arith.constant 0 : i32
    %dma_wait3A_573 = arith.constant 0 : i32
    %dma_wait3A_574 = tpu.memref_slice %arg6[%dma_wait3A_570, %dma_wait3A_572, %dma_wait3A_573] : memref<5x128x128xf32, #tpu.memory_space<vmem>> -> memref<1x128x128xf32, #tpu.memory_space<vmem>>
    %dma_wait3A_575 = tpu.memref_squeeze %dma_wait3A_574 : memref<1x128x128xf32, #tpu.memory_space<vmem>> -> memref<128x128xf32, #tpu.memory_space<vmem>>
    %dma_wait3A_576 = arith.constant 0 : i32
    %dma_wait3A_577 = tpu.memref_slice %arg4[%add3A_569, %dma_wait3A_576] : memref<819200x128xf32, #tpu.memory_space<hbm>> -> memref<128x128xf32, #tpu.memory_space<hbm>>
    %dma_wait3A_578 = tpu.memref_slice %arg9[%dma_wait3A_571] : memref<5x!tpu.dma_semaphore, #tpu.memory_space<semaphore_mem>> -> memref<1x!tpu.dma_semaphore, #tpu.memory_space<semaphore_mem>>
    %dma_wait3A_579 = tpu.memref_squeeze %dma_wait3A_578 : memref<1x!tpu.dma_semaphore, #tpu.memory_space<semaphore_mem>> -> memref<!tpu.dma_semaphore, #tpu.memory_space<semaphore_mem>>
    %dma_wait3A_580 = arith.constant 0 : i32
    %dma_wait3A_581 = tpu.memref_slice %arg4[%add3A_569, %dma_wait3A_580] : memref<819200x128xf32, #tpu.memory_space<hbm>> -> memref<128x128xf32, #tpu.memory_space<hbm>>
    %dma_wait3A_582 = arith.constant 0 : i32
    %dma_wait3A_583 = arith.constant 0 : i32
    %dma_wait3A_584 = tpu.memref_slice %arg6[%dma_wait3A_570, %dma_wait3A_582, %dma_wait3A_583] : memref<5x128x128xf32, #tpu.memory_space<vmem>> -> memref<1x128x128xf32, #tpu.memory_space<vmem>>
    %dma_wait3A_585 = tpu.memref_squeeze %dma_wait3A_584 : memref<1x128x128xf32, #tpu.memory_space<vmem>> -> memref<128x128xf32, #tpu.memory_space<vmem>>
    tpu.wait_dma2 semaphore(%dma_wait3A_579 : memref<!tpu.dma_semaphore, #tpu.memory_space<semaphore_mem>>) src(%dma_wait3A_585 : memref<128x128xf32, #tpu.memory_space<vmem>>) dst(%dma_wait3A_581 : memref<128x128xf32, #tpu.memory_space<hbm>>)
    %add3A_586 = arith.constant 896 : i32
    %add3A_587 = arith.addi %mul3A_2, %add3A_586 : i32
    %dma_wait3A_588 = arith.constant 7 : i32
    %dma_wait3A_589 = arith.constant 7 : i32
    %dma_wait3A_590 = arith.constant 0 : i32
    %dma_wait3A_591 = tpu.memref_slice %arg5[%dma_wait3A_588, %dma_wait3A_590] : memref<10x128xi32, #tpu.memory_space<vmem>> -> memref<1x128xi32, #tpu.memory_space<vmem>>
    %dma_wait3A_592 = tpu.memref_squeeze %dma_wait3A_591 : memref<1x128xi32, #tpu.memory_space<vmem>> -> memref<128xi32, #tpu.memory_space<vmem>>
    %dma_wait3A_593 = tpu.memref_slice %arg3[%add3A_587] : memref<819200xi32, #tpu.memory_space<hbm>> -> memref<128xi32, #tpu.memory_space<hbm>>
    %dma_wait3A_594 = tpu.memref_slice %arg7[%dma_wait3A_589] : memref<10x!tpu.dma_semaphore, #tpu.memory_space<semaphore_mem>> -> memref<1x!tpu.dma_semaphore, #tpu.memory_space<semaphore_mem>>
    %dma_wait3A_595 = tpu.memref_squeeze %dma_wait3A_594 : memref<1x!tpu.dma_semaphore, #tpu.memory_space<semaphore_mem>> -> memref<!tpu.dma_semaphore, #tpu.memory_space<semaphore_mem>>
    %dma_wait3A_596 = arith.constant 0 : i32
    %dma_wait3A_597 = tpu.memref_slice %arg5[%dma_wait3A_588, %dma_wait3A_596] : memref<10x128xi32, #tpu.memory_space<vmem>> -> memref<1x128xi32, #tpu.memory_space<vmem>>
    %dma_wait3A_598 = tpu.memref_squeeze %dma_wait3A_597 : memref<1x128xi32, #tpu.memory_space<vmem>> -> memref<128xi32, #tpu.memory_space<vmem>>
    %dma_wait3A_599 = tpu.memref_slice %arg3[%add3A_587] : memref<819200xi32, #tpu.memory_space<hbm>> -> memref<128xi32, #tpu.memory_space<hbm>>
    tpu.wait_dma2 semaphore(%dma_wait3A_595 : memref<!tpu.dma_semaphore, #tpu.memory_space<semaphore_mem>>) src(%dma_wait3A_599 : memref<128xi32, #tpu.memory_space<hbm>>) dst(%dma_wait3A_598 : memref<128xi32, #tpu.memory_space<vmem>>)
    %dma_start3A_600 = arith.constant 7 : i32
    %dma_start3A_601 = arith.constant 2 : i32
    %dma_start3A_602 = arith.constant 2 : i32
    %dma_start3A_603 = arith.constant 0 : i32
    %dma_start3A_604 = arith.constant 0 : i32
    %dma_start3A_605 = tpu.memref_slice %arg6[%dma_start3A_601, %dma_start3A_603, %dma_start3A_604] : memref<5x128x128xf32, #tpu.memory_space<vmem>> -> memref<1x128x128xf32, #tpu.memory_space<vmem>>
    %dma_start3A_606 = tpu.memref_squeeze %dma_start3A_605 : memref<1x128x128xf32, #tpu.memory_space<vmem>> -> memref<128x128xf32, #tpu.memory_space<vmem>>
    %dma_start3A_607 = arith.constant 0 : i32
    %dma_start3A_608 = tpu.memref_slice %arg5[%dma_start3A_600, %dma_start3A_607] : memref<10x128xi32, #tpu.memory_space<vmem>> -> memref<1x128xi32, #tpu.memory_space<vmem>>
    %dma_start3A_609 = tpu.memref_squeeze %dma_start3A_608 : memref<1x128xi32, #tpu.memory_space<vmem>> -> memref<128xi32, #tpu.memory_space<vmem>>
    %dma_start3A_610 = arith.constant 0 : i32
    %dma_start3A_611 = arith.constant 0 : i32
    %dma_start3A_612 = tpu.memref_slice %arg2[%dma_start3A_610, %dma_start3A_611] : memref<100000x128xf32, #tpu.memory_space<hbm>> -> memref<100000x128xf32, #tpu.memory_space<hbm>>
    %dma_start3A_613 = tpu.memref_slice %arg8[%dma_start3A_602] : memref<5x!tpu.dma_semaphore, #tpu.memory_space<semaphore_mem>> -> memref<1x!tpu.dma_semaphore, #tpu.memory_space<semaphore_mem>>
    %dma_start3A_614 = tpu.memref_squeeze %dma_start3A_613 : memref<1x!tpu.dma_semaphore, #tpu.memory_space<semaphore_mem>> -> memref<!tpu.dma_semaphore, #tpu.memory_space<semaphore_mem>>
    tpu.enqueue_indirect_dma source(%dma_start3A_612 : memref<100000x128xf32, #tpu.memory_space<hbm>>) target(%dma_start3A_606 : memref<128x128xf32, #tpu.memory_space<vmem>>) offsets(%dma_start3A_609 : memref<128xi32, #tpu.memory_space<vmem>>) semaphore(%dma_start3A_614 : memref<!tpu.dma_semaphore, #tpu.memory_space<semaphore_mem>>)
    %dma_wait3A_615 = arith.constant 4 : i32
    %dma_wait3A_616 = arith.constant 4 : i32
    %dma_wait3A_617 = arith.constant 4 : i32
    %dma_wait3A_618 = arith.constant 0 : i32
    %dma_wait3A_619 = arith.constant 0 : i32
    %dma_wait3A_620 = tpu.memref_slice %arg6[%dma_wait3A_616, %dma_wait3A_618, %dma_wait3A_619] : memref<5x128x128xf32, #tpu.memory_space<vmem>> -> memref<1x128x128xf32, #tpu.memory_space<vmem>>
    %dma_wait3A_621 = tpu.memref_squeeze %dma_wait3A_620 : memref<1x128x128xf32, #tpu.memory_space<vmem>> -> memref<128x128xf32, #tpu.memory_space<vmem>>
    %dma_wait3A_622 = arith.constant 0 : i32
    %dma_wait3A_623 = tpu.memref_slice %arg5[%dma_wait3A_615, %dma_wait3A_622] : memref<10x128xi32, #tpu.memory_space<vmem>> -> memref<1x128xi32, #tpu.memory_space<vmem>>
    %dma_wait3A_624 = tpu.memref_squeeze %dma_wait3A_623 : memref<1x128xi32, #tpu.memory_space<vmem>> -> memref<128xi32, #tpu.memory_space<vmem>>
    %dma_wait3A_625 = arith.constant 0 : i32
    %dma_wait3A_626 = arith.constant 0 : i32
    %dma_wait3A_627 = tpu.memref_slice %arg2[%dma_wait3A_625, %dma_wait3A_626] : memref<100000x128xf32, #tpu.memory_space<hbm>> -> memref<100000x128xf32, #tpu.memory_space<hbm>>
    %dma_wait3A_628 = tpu.memref_slice %arg8[%dma_wait3A_617] : memref<5x!tpu.dma_semaphore, #tpu.memory_space<semaphore_mem>> -> memref<1x!tpu.dma_semaphore, #tpu.memory_space<semaphore_mem>>
    %dma_wait3A_629 = tpu.memref_squeeze %dma_wait3A_628 : memref<1x!tpu.dma_semaphore, #tpu.memory_space<semaphore_mem>> -> memref<!tpu.dma_semaphore, #tpu.memory_space<semaphore_mem>>
    tpu.wait_indirect_dma semaphore(%dma_wait3A_629 : memref<!tpu.dma_semaphore, #tpu.memory_space<semaphore_mem>>) src(%dma_wait3A_627 : memref<100000x128xf32, #tpu.memory_space<hbm>>) dst(%dma_wait3A_621 : memref<128x128xf32, #tpu.memory_space<vmem>>)
    %add3A_630 = arith.constant 512 : i32
    %add3A_631 = arith.addi %mul3A_2, %add3A_630 : i32
    %dma_start3A_632 = arith.constant 4 : i32
    %dma_start3A_633 = arith.constant 4 : i32
    %dma_start3A_634 = arith.constant 0 : i32
    %dma_start3A_635 = arith.constant 0 : i32
    %dma_start3A_636 = tpu.memref_slice %arg6[%dma_start3A_632, %dma_start3A_634, %dma_start3A_635] : memref<5x128x128xf32, #tpu.memory_space<vmem>> -> memref<1x128x128xf32, #tpu.memory_space<vmem>>
    %dma_start3A_637 = tpu.memref_squeeze %dma_start3A_636 : memref<1x128x128xf32, #tpu.memory_space<vmem>> -> memref<128x128xf32, #tpu.memory_space<vmem>>
    %dma_start3A_638 = arith.constant 0 : i32
    %dma_start3A_639 = tpu.memref_slice %arg4[%add3A_631, %dma_start3A_638] : memref<819200x128xf32, #tpu.memory_space<hbm>> -> memref<128x128xf32, #tpu.memory_space<hbm>>
    %dma_start3A_640 = tpu.memref_slice %arg9[%dma_start3A_633] : memref<5x!tpu.dma_semaphore, #tpu.memory_space<semaphore_mem>> -> memref<1x!tpu.dma_semaphore, #tpu.memory_space<semaphore_mem>>
    %dma_start3A_641 = tpu.memref_squeeze %dma_start3A_640 : memref<1x!tpu.dma_semaphore, #tpu.memory_space<semaphore_mem>> -> memref<!tpu.dma_semaphore, #tpu.memory_space<semaphore_mem>>
    %dma_start3A_642 = arith.constant 0 : i32
    %dma_start3A_643 = tpu.memref_slice %arg4[%add3A_631, %dma_start3A_642] : memref<819200x128xf32, #tpu.memory_space<hbm>> -> memref<128x128xf32, #tpu.memory_space<hbm>>
    %dma_start3A_644 = arith.constant 0 : i32
    %dma_start3A_645 = arith.constant 0 : i32
    %dma_start3A_646 = tpu.memref_slice %arg6[%dma_start3A_632, %dma_start3A_644, %dma_start3A_645] : memref<5x128x128xf32, #tpu.memory_space<vmem>> -> memref<1x128x128xf32, #tpu.memory_space<vmem>>
    %dma_start3A_647 = tpu.memref_squeeze %dma_start3A_646 : memref<1x128x128xf32, #tpu.memory_space<vmem>> -> memref<128x128xf32, #tpu.memory_space<vmem>>
    tpu.enqueue_dma source(%dma_start3A_647 : memref<128x128xf32, #tpu.memory_space<vmem>>) target(%dma_start3A_643 : memref<128x128xf32, #tpu.memory_space<hbm>>) target_semaphore(%dma_start3A_641 : memref<!tpu.dma_semaphore, #tpu.memory_space<semaphore_mem>>)
    %add3A_648 = arith.constant 1792 : i32
    %add3A_649 = arith.addi %mul3A_2, %add3A_648 : i32
    %dma_start3A_650 = arith.constant 4 : i32
    %dma_start3A_651 = arith.constant 4 : i32
    %dma_start3A_652 = arith.constant 0 : i32
    %dma_start3A_653 = tpu.memref_slice %arg5[%dma_start3A_650, %dma_start3A_652] : memref<10x128xi32, #tpu.memory_space<vmem>> -> memref<1x128xi32, #tpu.memory_space<vmem>>
    %dma_start3A_654 = tpu.memref_squeeze %dma_start3A_653 : memref<1x128xi32, #tpu.memory_space<vmem>> -> memref<128xi32, #tpu.memory_space<vmem>>
    %dma_start3A_655 = tpu.memref_slice %arg3[%add3A_649] : memref<819200xi32, #tpu.memory_space<hbm>> -> memref<128xi32, #tpu.memory_space<hbm>>
    %dma_start3A_656 = tpu.memref_slice %arg7[%dma_start3A_651] : memref<10x!tpu.dma_semaphore, #tpu.memory_space<semaphore_mem>> -> memref<1x!tpu.dma_semaphore, #tpu.memory_space<semaphore_mem>>
    %dma_start3A_657 = tpu.memref_squeeze %dma_start3A_656 : memref<1x!tpu.dma_semaphore, #tpu.memory_space<semaphore_mem>> -> memref<!tpu.dma_semaphore, #tpu.memory_space<semaphore_mem>>
    %dma_start3A_658 = arith.constant 0 : i32
    %dma_start3A_659 = tpu.memref_slice %arg5[%dma_start3A_650, %dma_start3A_658] : memref<10x128xi32, #tpu.memory_space<vmem>> -> memref<1x128xi32, #tpu.memory_space<vmem>>
    %dma_start3A_660 = tpu.memref_squeeze %dma_start3A_659 : memref<1x128xi32, #tpu.memory_space<vmem>> -> memref<128xi32, #tpu.memory_space<vmem>>
    %dma_start3A_661 = tpu.memref_slice %arg3[%add3A_649] : memref<819200xi32, #tpu.memory_space<hbm>> -> memref<128xi32, #tpu.memory_space<hbm>>
    tpu.enqueue_dma source(%dma_start3A_661 : memref<128xi32, #tpu.memory_space<hbm>>) target(%dma_start3A_660 : memref<128xi32, #tpu.memory_space<vmem>>) target_semaphore(%dma_start3A_657 : memref<!tpu.dma_semaphore, #tpu.memory_space<semaphore_mem>>)
    %add3A_662 = arith.constant 384 : i32
    %add3A_663 = arith.addi %mul3A_2, %add3A_662 : i32
    %dma_wait3A_664 = arith.constant 3 : i32
    %dma_wait3A_665 = arith.constant 3 : i32
    %dma_wait3A_666 = arith.constant 0 : i32
    %dma_wait3A_667 = arith.constant 0 : i32
    %dma_wait3A_668 = tpu.memref_slice %arg6[%dma_wait3A_664, %dma_wait3A_666, %dma_wait3A_667] : memref<5x128x128xf32, #tpu.memory_space<vmem>> -> memref<1x128x128xf32, #tpu.memory_space<vmem>>
    %dma_wait3A_669 = tpu.memref_squeeze %dma_wait3A_668 : memref<1x128x128xf32, #tpu.memory_space<vmem>> -> memref<128x128xf32, #tpu.memory_space<vmem>>
    %dma_wait3A_670 = arith.constant 0 : i32
    %dma_wait3A_671 = tpu.memref_slice %arg4[%add3A_663, %dma_wait3A_670] : memref<819200x128xf32, #tpu.memory_space<hbm>> -> memref<128x128xf32, #tpu.memory_space<hbm>>
    %dma_wait3A_672 = tpu.memref_slice %arg9[%dma_wait3A_665] : memref<5x!tpu.dma_semaphore, #tpu.memory_space<semaphore_mem>> -> memref<1x!tpu.dma_semaphore, #tpu.memory_space<semaphore_mem>>
    %dma_wait3A_673 = tpu.memref_squeeze %dma_wait3A_672 : memref<1x!tpu.dma_semaphore, #tpu.memory_space<semaphore_mem>> -> memref<!tpu.dma_semaphore, #tpu.memory_space<semaphore_mem>>
    %dma_wait3A_674 = arith.constant 0 : i32
    %dma_wait3A_675 = tpu.memref_slice %arg4[%add3A_663, %dma_wait3A_674] : memref<819200x128xf32, #tpu.memory_space<hbm>> -> memref<128x128xf32, #tpu.memory_space<hbm>>
    %dma_wait3A_676 = arith.constant 0 : i32
    %dma_wait3A_677 = arith.constant 0 : i32
    %dma_wait3A_678 = tpu.memref_slice %arg6[%dma_wait3A_664, %dma_wait3A_676, %dma_wait3A_677] : memref<5x128x128xf32, #tpu.memory_space<vmem>> -> memref<1x128x128xf32, #tpu.memory_space<vmem>>
    %dma_wait3A_679 = tpu.memref_squeeze %dma_wait3A_678 : memref<1x128x128xf32, #tpu.memory_space<vmem>> -> memref<128x128xf32, #tpu.memory_space<vmem>>
    tpu.wait_dma2 semaphore(%dma_wait3A_673 : memref<!tpu.dma_semaphore, #tpu.memory_space<semaphore_mem>>) src(%dma_wait3A_679 : memref<128x128xf32, #tpu.memory_space<vmem>>) dst(%dma_wait3A_675 : memref<128x128xf32, #tpu.memory_space<hbm>>)
    %add3A_680 = arith.constant 1024 : i32
    %add3A_681 = arith.addi %mul3A_2, %add3A_680 : i32
    %dma_wait3A_682 = arith.constant 8 : i32
    %dma_wait3A_683 = arith.constant 8 : i32
    %dma_wait3A_684 = arith.constant 0 : i32
    %dma_wait3A_685 = tpu.memref_slice %arg5[%dma_wait3A_682, %dma_wait3A_684] : memref<10x128xi32, #tpu.memory_space<vmem>> -> memref<1x128xi32, #tpu.memory_space<vmem>>
    %dma_wait3A_686 = tpu.memref_squeeze %dma_wait3A_685 : memref<1x128xi32, #tpu.memory_space<vmem>> -> memref<128xi32, #tpu.memory_space<vmem>>
    %dma_wait3A_687 = tpu.memref_slice %arg3[%add3A_681] : memref<819200xi32, #tpu.memory_space<hbm>> -> memref<128xi32, #tpu.memory_space<hbm>>
    %dma_wait3A_688 = tpu.memref_slice %arg7[%dma_wait3A_683] : memref<10x!tpu.dma_semaphore, #tpu.memory_space<semaphore_mem>> -> memref<1x!tpu.dma_semaphore, #tpu.memory_space<semaphore_mem>>
    %dma_wait3A_689 = tpu.memref_squeeze %dma_wait3A_688 : memref<1x!tpu.dma_semaphore, #tpu.memory_space<semaphore_mem>> -> memref<!tpu.dma_semaphore, #tpu.memory_space<semaphore_mem>>
    %dma_wait3A_690 = arith.constant 0 : i32
    %dma_wait3A_691 = tpu.memref_slice %arg5[%dma_wait3A_682, %dma_wait3A_690] : memref<10x128xi32, #tpu.memory_space<vmem>> -> memref<1x128xi32, #tpu.memory_space<vmem>>
    %dma_wait3A_692 = tpu.memref_squeeze %dma_wait3A_691 : memref<1x128xi32, #tpu.memory_space<vmem>> -> memref<128xi32, #tpu.memory_space<vmem>>
    %dma_wait3A_693 = tpu.memref_slice %arg3[%add3A_681] : memref<819200xi32, #tpu.memory_space<hbm>> -> memref<128xi32, #tpu.memory_space<hbm>>
    tpu.wait_dma2 semaphore(%dma_wait3A_689 : memref<!tpu.dma_semaphore, #tpu.memory_space<semaphore_mem>>) src(%dma_wait3A_693 : memref<128xi32, #tpu.memory_space<hbm>>) dst(%dma_wait3A_692 : memref<128xi32, #tpu.memory_space<vmem>>)
    %dma_start3A_694 = arith.constant 8 : i32
    %dma_start3A_695 = arith.constant 3 : i32
    %dma_start3A_696 = arith.constant 3 : i32
    %dma_start3A_697 = arith.constant 0 : i32
    %dma_start3A_698 = arith.constant 0 : i32
    %dma_start3A_699 = tpu.memref_slice %arg6[%dma_start3A_695, %dma_start3A_697, %dma_start3A_698] : memref<5x128x128xf32, #tpu.memory_space<vmem>> -> memref<1x128x128xf32, #tpu.memory_space<vmem>>
    %dma_start3A_700 = tpu.memref_squeeze %dma_start3A_699 : memref<1x128x128xf32, #tpu.memory_space<vmem>> -> memref<128x128xf32, #tpu.memory_space<vmem>>
    %dma_start3A_701 = arith.constant 0 : i32
    %dma_start3A_702 = tpu.memref_slice %arg5[%dma_start3A_694, %dma_start3A_701] : memref<10x128xi32, #tpu.memory_space<vmem>> -> memref<1x128xi32, #tpu.memory_space<vmem>>
    %dma_start3A_703 = tpu.memref_squeeze %dma_start3A_702 : memref<1x128xi32, #tpu.memory_space<vmem>> -> memref<128xi32, #tpu.memory_space<vmem>>
    %dma_start3A_704 = arith.constant 0 : i32
    %dma_start3A_705 = arith.constant 0 : i32
    %dma_start3A_706 = tpu.memref_slice %arg2[%dma_start3A_704, %dma_start3A_705] : memref<100000x128xf32, #tpu.memory_space<hbm>> -> memref<100000x128xf32, #tpu.memory_space<hbm>>
    %dma_start3A_707 = tpu.memref_slice %arg8[%dma_start3A_696] : memref<5x!tpu.dma_semaphore, #tpu.memory_space<semaphore_mem>> -> memref<1x!tpu.dma_semaphore, #tpu.memory_space<semaphore_mem>>
    %dma_start3A_708 = tpu.memref_squeeze %dma_start3A_707 : memref<1x!tpu.dma_semaphore, #tpu.memory_space<semaphore_mem>> -> memref<!tpu.dma_semaphore, #tpu.memory_space<semaphore_mem>>
    tpu.enqueue_indirect_dma source(%dma_start3A_706 : memref<100000x128xf32, #tpu.memory_space<hbm>>) target(%dma_start3A_700 : memref<128x128xf32, #tpu.memory_space<vmem>>) offsets(%dma_start3A_703 : memref<128xi32, #tpu.memory_space<vmem>>) semaphore(%dma_start3A_708 : memref<!tpu.dma_semaphore, #tpu.memory_space<semaphore_mem>>)
    %dma_wait3A_709 = arith.constant 5 : i32
    %dma_wait3A_710 = arith.constant 0 : i32
    %dma_wait3A_711 = arith.constant 0 : i32
    %dma_wait3A_712 = arith.constant 0 : i32
    %dma_wait3A_713 = arith.constant 0 : i32
    %dma_wait3A_714 = tpu.memref_slice %arg6[%dma_wait3A_710, %dma_wait3A_712, %dma_wait3A_713] : memref<5x128x128xf32, #tpu.memory_space<vmem>> -> memref<1x128x128xf32, #tpu.memory_space<vmem>>
    %dma_wait3A_715 = tpu.memref_squeeze %dma_wait3A_714 : memref<1x128x128xf32, #tpu.memory_space<vmem>> -> memref<128x128xf32, #tpu.memory_space<vmem>>
    %dma_wait3A_716 = arith.constant 0 : i32
    %dma_wait3A_717 = tpu.memref_slice %arg5[%dma_wait3A_709, %dma_wait3A_716] : memref<10x128xi32, #tpu.memory_space<vmem>> -> memref<1x128xi32, #tpu.memory_space<vmem>>
    %dma_wait3A_718 = tpu.memref_squeeze %dma_wait3A_717 : memref<1x128xi32, #tpu.memory_space<vmem>> -> memref<128xi32, #tpu.memory_space<vmem>>
    %dma_wait3A_719 = arith.constant 0 : i32
    %dma_wait3A_720 = arith.constant 0 : i32
    %dma_wait3A_721 = tpu.memref_slice %arg2[%dma_wait3A_719, %dma_wait3A_720] : memref<100000x128xf32, #tpu.memory_space<hbm>> -> memref<100000x128xf32, #tpu.memory_space<hbm>>
    %dma_wait3A_722 = tpu.memref_slice %arg8[%dma_wait3A_711] : memref<5x!tpu.dma_semaphore, #tpu.memory_space<semaphore_mem>> -> memref<1x!tpu.dma_semaphore, #tpu.memory_space<semaphore_mem>>
    %dma_wait3A_723 = tpu.memref_squeeze %dma_wait3A_722 : memref<1x!tpu.dma_semaphore, #tpu.memory_space<semaphore_mem>> -> memref<!tpu.dma_semaphore, #tpu.memory_space<semaphore_mem>>
    tpu.wait_indirect_dma semaphore(%dma_wait3A_723 : memref<!tpu.dma_semaphore, #tpu.memory_space<semaphore_mem>>) src(%dma_wait3A_721 : memref<100000x128xf32, #tpu.memory_space<hbm>>) dst(%dma_wait3A_715 : memref<128x128xf32, #tpu.memory_space<vmem>>)
    %add3A_724 = arith.constant 640 : i32
    %add3A_725 = arith.addi %mul3A_2, %add3A_724 : i32
    %dma_start3A_726 = arith.constant 0 : i32
    %dma_start3A_727 = arith.constant 0 : i32
    %dma_start3A_728 = arith.constant 0 : i32
    %dma_start3A_729 = arith.constant 0 : i32
    %dma_start3A_730 = tpu.memref_slice %arg6[%dma_start3A_726, %dma_start3A_728, %dma_start3A_729] : memref<5x128x128xf32, #tpu.memory_space<vmem>> -> memref<1x128x128xf32, #tpu.memory_space<vmem>>
    %dma_start3A_731 = tpu.memref_squeeze %dma_start3A_730 : memref<1x128x128xf32, #tpu.memory_space<vmem>> -> memref<128x128xf32, #tpu.memory_space<vmem>>
    %dma_start3A_732 = arith.constant 0 : i32
    %dma_start3A_733 = tpu.memref_slice %arg4[%add3A_725, %dma_start3A_732] : memref<819200x128xf32, #tpu.memory_space<hbm>> -> memref<128x128xf32, #tpu.memory_space<hbm>>
    %dma_start3A_734 = tpu.memref_slice %arg9[%dma_start3A_727] : memref<5x!tpu.dma_semaphore, #tpu.memory_space<semaphore_mem>> -> memref<1x!tpu.dma_semaphore, #tpu.memory_space<semaphore_mem>>
    %dma_start3A_735 = tpu.memref_squeeze %dma_start3A_734 : memref<1x!tpu.dma_semaphore, #tpu.memory_space<semaphore_mem>> -> memref<!tpu.dma_semaphore, #tpu.memory_space<semaphore_mem>>
    %dma_start3A_736 = arith.constant 0 : i32
    %dma_start3A_737 = tpu.memref_slice %arg4[%add3A_725, %dma_start3A_736] : memref<819200x128xf32, #tpu.memory_space<hbm>> -> memref<128x128xf32, #tpu.memory_space<hbm>>
    %dma_start3A_738 = arith.constant 0 : i32
    %dma_start3A_739 = arith.constant 0 : i32
    %dma_start3A_740 = tpu.memref_slice %arg6[%dma_start3A_726, %dma_start3A_738, %dma_start3A_739] : memref<5x128x128xf32, #tpu.memory_space<vmem>> -> memref<1x128x128xf32, #tpu.memory_space<vmem>>
    %dma_start3A_741 = tpu.memref_squeeze %dma_start3A_740 : memref<1x128x128xf32, #tpu.memory_space<vmem>> -> memref<128x128xf32, #tpu.memory_space<vmem>>
    tpu.enqueue_dma source(%dma_start3A_741 : memref<128x128xf32, #tpu.memory_space<vmem>>) target(%dma_start3A_737 : memref<128x128xf32, #tpu.memory_space<hbm>>) target_semaphore(%dma_start3A_735 : memref<!tpu.dma_semaphore, #tpu.memory_space<semaphore_mem>>)
    %add3A_742 = arith.constant 1920 : i32
    %add3A_743 = arith.addi %mul3A_2, %add3A_742 : i32
    %dma_start3A_744 = arith.constant 5 : i32
    %dma_start3A_745 = arith.constant 5 : i32
    %dma_start3A_746 = arith.constant 0 : i32
    %dma_start3A_747 = tpu.memref_slice %arg5[%dma_start3A_744, %dma_start3A_746] : memref<10x128xi32, #tpu.memory_space<vmem>> -> memref<1x128xi32, #tpu.memory_space<vmem>>
    %dma_start3A_748 = tpu.memref_squeeze %dma_start3A_747 : memref<1x128xi32, #tpu.memory_space<vmem>> -> memref<128xi32, #tpu.memory_space<vmem>>
    %dma_start3A_749 = tpu.memref_slice %arg3[%add3A_743] : memref<819200xi32, #tpu.memory_space<hbm>> -> memref<128xi32, #tpu.memory_space<hbm>>
    %dma_start3A_750 = tpu.memref_slice %arg7[%dma_start3A_745] : memref<10x!tpu.dma_semaphore, #tpu.memory_space<semaphore_mem>> -> memref<1x!tpu.dma_semaphore, #tpu.memory_space<semaphore_mem>>
    %dma_start3A_751 = tpu.memref_squeeze %dma_start3A_750 : memref<1x!tpu.dma_semaphore, #tpu.memory_space<semaphore_mem>> -> memref<!tpu.dma_semaphore, #tpu.memory_space<semaphore_mem>>
    %dma_start3A_752 = arith.constant 0 : i32
    %dma_start3A_753 = tpu.memref_slice %arg5[%dma_start3A_744, %dma_start3A_752] : memref<10x128xi32, #tpu.memory_space<vmem>> -> memref<1x128xi32, #tpu.memory_space<vmem>>
    %dma_start3A_754 = tpu.memref_squeeze %dma_start3A_753 : memref<1x128xi32, #tpu.memory_space<vmem>> -> memref<128xi32, #tpu.memory_space<vmem>>
    %dma_start3A_755 = tpu.memref_slice %arg3[%add3A_743] : memref<819200xi32, #tpu.memory_space<hbm>> -> memref<128xi32, #tpu.memory_space<hbm>>
    tpu.enqueue_dma source(%dma_start3A_755 : memref<128xi32, #tpu.memory_space<hbm>>) target(%dma_start3A_754 : memref<128xi32, #tpu.memory_space<vmem>>) target_semaphore(%dma_start3A_751 : memref<!tpu.dma_semaphore, #tpu.memory_space<semaphore_mem>>)
    %add3A_756 = arith.constant 512 : i32
    %add3A_757 = arith.addi %mul3A_2, %add3A_756 : i32
    %dma_wait3A_758 = arith.constant 4 : i32
    %dma_wait3A_759 = arith.constant 4 : i32
    %dma_wait3A_760 = arith.constant 0 : i32
    %dma_wait3A_761 = arith.constant 0 : i32
    %dma_wait3A_762 = tpu.memref_slice %arg6[%dma_wait3A_758, %dma_wait3A_760, %dma_wait3A_761] : memref<5x128x128xf32, #tpu.memory_space<vmem>> -> memref<1x128x128xf32, #tpu.memory_space<vmem>>
    %dma_wait3A_763 = tpu.memref_squeeze %dma_wait3A_762 : memref<1x128x128xf32, #tpu.memory_space<vmem>> -> memref<128x128xf32, #tpu.memory_space<vmem>>
    %dma_wait3A_764 = arith.constant 0 : i32
    %dma_wait3A_765 = tpu.memref_slice %arg4[%add3A_757, %dma_wait3A_764] : memref<819200x128xf32, #tpu.memory_space<hbm>> -> memref<128x128xf32, #tpu.memory_space<hbm>>
    %dma_wait3A_766 = tpu.memref_slice %arg9[%dma_wait3A_759] : memref<5x!tpu.dma_semaphore, #tpu.memory_space<semaphore_mem>> -> memref<1x!tpu.dma_semaphore, #tpu.memory_space<semaphore_mem>>
    %dma_wait3A_767 = tpu.memref_squeeze %dma_wait3A_766 : memref<1x!tpu.dma_semaphore, #tpu.memory_space<semaphore_mem>> -> memref<!tpu.dma_semaphore, #tpu.memory_space<semaphore_mem>>
    %dma_wait3A_768 = arith.constant 0 : i32
    %dma_wait3A_769 = tpu.memref_slice %arg4[%add3A_757, %dma_wait3A_768] : memref<819200x128xf32, #tpu.memory_space<hbm>> -> memref<128x128xf32, #tpu.memory_space<hbm>>
    %dma_wait3A_770 = arith.constant 0 : i32
    %dma_wait3A_771 = arith.constant 0 : i32
    %dma_wait3A_772 = tpu.memref_slice %arg6[%dma_wait3A_758, %dma_wait3A_770, %dma_wait3A_771] : memref<5x128x128xf32, #tpu.memory_space<vmem>> -> memref<1x128x128xf32, #tpu.memory_space<vmem>>
    %dma_wait3A_773 = tpu.memref_squeeze %dma_wait3A_772 : memref<1x128x128xf32, #tpu.memory_space<vmem>> -> memref<128x128xf32, #tpu.memory_space<vmem>>
    tpu.wait_dma2 semaphore(%dma_wait3A_767 : memref<!tpu.dma_semaphore, #tpu.memory_space<semaphore_mem>>) src(%dma_wait3A_773 : memref<128x128xf32, #tpu.memory_space<vmem>>) dst(%dma_wait3A_769 : memref<128x128xf32, #tpu.memory_space<hbm>>)
    %add3A_774 = arith.constant 1152 : i32
    %add3A_775 = arith.addi %mul3A_2, %add3A_774 : i32
    %dma_wait3A_776 = arith.constant 9 : i32
    %dma_wait3A_777 = arith.constant 9 : i32
    %dma_wait3A_778 = arith.constant 0 : i32
    %dma_wait3A_779 = tpu.memref_slice %arg5[%dma_wait3A_776, %dma_wait3A_778] : memref<10x128xi32, #tpu.memory_space<vmem>> -> memref<1x128xi32, #tpu.memory_space<vmem>>
    %dma_wait3A_780 = tpu.memref_squeeze %dma_wait3A_779 : memref<1x128xi32, #tpu.memory_space<vmem>> -> memref<128xi32, #tpu.memory_space<vmem>>
    %dma_wait3A_781 = tpu.memref_slice %arg3[%add3A_775] : memref<819200xi32, #tpu.memory_space<hbm>> -> memref<128xi32, #tpu.memory_space<hbm>>
    %dma_wait3A_782 = tpu.memref_slice %arg7[%dma_wait3A_777] : memref<10x!tpu.dma_semaphore, #tpu.memory_space<semaphore_mem>> -> memref<1x!tpu.dma_semaphore, #tpu.memory_space<semaphore_mem>>
    %dma_wait3A_783 = tpu.memref_squeeze %dma_wait3A_782 : memref<1x!tpu.dma_semaphore, #tpu.memory_space<semaphore_mem>> -> memref<!tpu.dma_semaphore, #tpu.memory_space<semaphore_mem>>
    %dma_wait3A_784 = arith.constant 0 : i32
    %dma_wait3A_785 = tpu.memref_slice %arg5[%dma_wait3A_776, %dma_wait3A_784] : memref<10x128xi32, #tpu.memory_space<vmem>> -> memref<1x128xi32, #tpu.memory_space<vmem>>
    %dma_wait3A_786 = tpu.memref_squeeze %dma_wait3A_785 : memref<1x128xi32, #tpu.memory_space<vmem>> -> memref<128xi32, #tpu.memory_space<vmem>>
    %dma_wait3A_787 = tpu.memref_slice %arg3[%add3A_775] : memref<819200xi32, #tpu.memory_space<hbm>> -> memref<128xi32, #tpu.memory_space<hbm>>
    tpu.wait_dma2 semaphore(%dma_wait3A_783 : memref<!tpu.dma_semaphore, #tpu.memory_space<semaphore_mem>>) src(%dma_wait3A_787 : memref<128xi32, #tpu.memory_space<hbm>>) dst(%dma_wait3A_786 : memref<128xi32, #tpu.memory_space<vmem>>)
    %dma_start3A_788 = arith.constant 9 : i32
    %dma_start3A_789 = arith.constant 4 : i32
    %dma_start3A_790 = arith.constant 4 : i32
    %dma_start3A_791 = arith.constant 0 : i32
    %dma_start3A_792 = arith.constant 0 : i32
    %dma_start3A_793 = tpu.memref_slice %arg6[%dma_start3A_789, %dma_start3A_791, %dma_start3A_792] : memref<5x128x128xf32, #tpu.memory_space<vmem>> -> memref<1x128x128xf32, #tpu.memory_space<vmem>>
    %dma_start3A_794 = tpu.memref_squeeze %dma_start3A_793 : memref<1x128x128xf32, #tpu.memory_space<vmem>> -> memref<128x128xf32, #tpu.memory_space<vmem>>
    %dma_start3A_795 = arith.constant 0 : i32
    %dma_start3A_796 = tpu.memref_slice %arg5[%dma_start3A_788, %dma_start3A_795] : memref<10x128xi32, #tpu.memory_space<vmem>> -> memref<1x128xi32, #tpu.memory_space<vmem>>
    %dma_start3A_797 = tpu.memref_squeeze %dma_start3A_796 : memref<1x128xi32, #tpu.memory_space<vmem>> -> memref<128xi32, #tpu.memory_space<vmem>>
    %dma_start3A_798 = arith.constant 0 : i32
    %dma_start3A_799 = arith.constant 0 : i32
    %dma_start3A_800 = tpu.memref_slice %arg2[%dma_start3A_798, %dma_start3A_799] : memref<100000x128xf32, #tpu.memory_space<hbm>> -> memref<100000x128xf32, #tpu.memory_space<hbm>>
    %dma_start3A_801 = tpu.memref_slice %arg8[%dma_start3A_790] : memref<5x!tpu.dma_semaphore, #tpu.memory_space<semaphore_mem>> -> memref<1x!tpu.dma_semaphore, #tpu.memory_space<semaphore_mem>>
    %dma_start3A_802 = tpu.memref_squeeze %dma_start3A_801 : memref<1x!tpu.dma_semaphore, #tpu.memory_space<semaphore_mem>> -> memref<!tpu.dma_semaphore, #tpu.memory_space<semaphore_mem>>
    tpu.enqueue_indirect_dma source(%dma_start3A_800 : memref<100000x128xf32, #tpu.memory_space<hbm>>) target(%dma_start3A_794 : memref<128x128xf32, #tpu.memory_space<vmem>>) offsets(%dma_start3A_797 : memref<128xi32, #tpu.memory_space<vmem>>) semaphore(%dma_start3A_802 : memref<!tpu.dma_semaphore, #tpu.memory_space<semaphore_mem>>)
    %scan3A = arith.constant 0 : i32
    %scan3A_803 = arith.constant 18 : i32
    %scan3A_804 = arith.addi %scan3A, %scan3A_803 : i32
    %scan3A_805 = arith.constant 1 : i32
    scf.for %scan3A_1885 = %scan3A to %scan3A_804 step %scan3A_805  : i32 {
      %mul3A_1886 = arith.constant 10 : i32
      %mul3A_1887 = arith.muli %scan3A_1885, %mul3A_1886 : i32
      %add3A_1888 = arith.constant 10 : i32
      %add3A_1889 = arith.addi %add3A_1888, %mul3A_1887 : i32
      %add3A_1890 = arith.constant 0 : i32
      %add3A_1891 = arith.addi %add3A_1889, %add3A_1890 : i32
      %sub3A = arith.constant 4 : i32
      %sub3A_1892 = arith.subi %add3A_1891, %sub3A : i32
      %dma_wait3A_1893 = arith.constant 6 : i32
      %dma_wait3A_1894 = arith.constant 1 : i32
      %dma_wait3A_1895 = arith.constant 1 : i32
      %dma_wait3A_1896 = arith.constant 0 : i32
      %dma_wait3A_1897 = arith.constant 0 : i32
      %dma_wait3A_1898 = tpu.memref_slice %arg6[%dma_wait3A_1894, %dma_wait3A_1896, %dma_wait3A_1897] : memref<5x128x128xf32, #tpu.memory_space<vmem>> -> memref<1x128x128xf32, #tpu.memory_space<vmem>>
      %dma_wait3A_1899 = tpu.memref_squeeze %dma_wait3A_1898 : memref<1x128x128xf32, #tpu.memory_space<vmem>> -> memref<128x128xf32, #tpu.memory_space<vmem>>
      %dma_wait3A_1900 = arith.constant 0 : i32
      %dma_wait3A_1901 = tpu.memref_slice %arg5[%dma_wait3A_1893, %dma_wait3A_1900] : memref<10x128xi32, #tpu.memory_space<vmem>> -> memref<1x128xi32, #tpu.memory_space<vmem>>
      %dma_wait3A_1902 = tpu.memref_squeeze %dma_wait3A_1901 : memref<1x128xi32, #tpu.memory_space<vmem>> -> memref<128xi32, #tpu.memory_space<vmem>>
      %dma_wait3A_1903 = arith.constant 0 : i32
      %dma_wait3A_1904 = arith.constant 0 : i32
      %dma_wait3A_1905 = tpu.memref_slice %arg2[%dma_wait3A_1903, %dma_wait3A_1904] : memref<100000x128xf32, #tpu.memory_space<hbm>> -> memref<100000x128xf32, #tpu.memory_space<hbm>>
      %dma_wait3A_1906 = tpu.memref_slice %arg8[%dma_wait3A_1895] : memref<5x!tpu.dma_semaphore, #tpu.memory_space<semaphore_mem>> -> memref<1x!tpu.dma_semaphore, #tpu.memory_space<semaphore_mem>>
      %dma_wait3A_1907 = tpu.memref_squeeze %dma_wait3A_1906 : memref<1x!tpu.dma_semaphore, #tpu.memory_space<semaphore_mem>> -> memref<!tpu.dma_semaphore, #tpu.memory_space<semaphore_mem>>
      tpu.wait_indirect_dma semaphore(%dma_wait3A_1907 : memref<!tpu.dma_semaphore, #tpu.memory_space<semaphore_mem>>) src(%dma_wait3A_1905 : memref<100000x128xf32, #tpu.memory_space<hbm>>) dst(%dma_wait3A_1899 : memref<128x128xf32, #tpu.memory_space<vmem>>)
      %mul3A_1908 = arith.constant 128 : i32
      %mul3A_1909 = arith.muli %sub3A_1892, %mul3A_1908 : i32
      %add3A_1910 = arith.addi %mul3A_2, %mul3A_1909 : i32
      %dma_start3A_1911 = arith.constant 1 : i32
      %dma_start3A_1912 = arith.constant 1 : i32
      %dma_start3A_1913 = arith.constant 0 : i32
      %dma_start3A_1914 = arith.constant 0 : i32
      %dma_start3A_1915 = tpu.memref_slice %arg6[%dma_start3A_1911, %dma_start3A_1913, %dma_start3A_1914] : memref<5x128x128xf32, #tpu.memory_space<vmem>> -> memref<1x128x128xf32, #tpu.memory_space<vmem>>
      %dma_start3A_1916 = tpu.memref_squeeze %dma_start3A_1915 : memref<1x128x128xf32, #tpu.memory_space<vmem>> -> memref<128x128xf32, #tpu.memory_space<vmem>>
      %dma_start3A_1917 = arith.constant 0 : i32
      %dma_start3A_1918 = tpu.memref_slice %arg4[%add3A_1910, %dma_start3A_1917] : memref<819200x128xf32, #tpu.memory_space<hbm>> -> memref<128x128xf32, #tpu.memory_space<hbm>>
      %dma_start3A_1919 = tpu.memref_slice %arg9[%dma_start3A_1912] : memref<5x!tpu.dma_semaphore, #tpu.memory_space<semaphore_mem>> -> memref<1x!tpu.dma_semaphore, #tpu.memory_space<semaphore_mem>>
      %dma_start3A_1920 = tpu.memref_squeeze %dma_start3A_1919 : memref<1x!tpu.dma_semaphore, #tpu.memory_space<semaphore_mem>> -> memref<!tpu.dma_semaphore, #tpu.memory_space<semaphore_mem>>
      %dma_start3A_1921 = arith.constant 0 : i32
      %dma_start3A_1922 = tpu.memref_slice %arg4[%add3A_1910, %dma_start3A_1921] : memref<819200x128xf32, #tpu.memory_space<hbm>> -> memref<128x128xf32, #tpu.memory_space<hbm>>
      %dma_start3A_1923 = arith.constant 0 : i32
      %dma_start3A_1924 = arith.constant 0 : i32
      %dma_start3A_1925 = tpu.memref_slice %arg6[%dma_start3A_1911, %dma_start3A_1923, %dma_start3A_1924] : memref<5x128x128xf32, #tpu.memory_space<vmem>> -> memref<1x128x128xf32, #tpu.memory_space<vmem>>
      %dma_start3A_1926 = tpu.memref_squeeze %dma_start3A_1925 : memref<1x128x128xf32, #tpu.memory_space<vmem>> -> memref<128x128xf32, #tpu.memory_space<vmem>>
      tpu.enqueue_dma source(%dma_start3A_1926 : memref<128x128xf32, #tpu.memory_space<vmem>>) target(%dma_start3A_1922 : memref<128x128xf32, #tpu.memory_space<hbm>>) target_semaphore(%dma_start3A_1920 : memref<!tpu.dma_semaphore, #tpu.memory_space<semaphore_mem>>)
      %add3A_1927 = arith.constant 10 : i32
      %add3A_1928 = arith.addi %sub3A_1892, %add3A_1927 : i32
      %mul3A_1929 = arith.constant 128 : i32
      %mul3A_1930 = arith.muli %add3A_1928, %mul3A_1929 : i32
      %add3A_1931 = arith.addi %mul3A_2, %mul3A_1930 : i32
      %dma_start3A_1932 = arith.constant 6 : i32
      %dma_start3A_1933 = arith.constant 6 : i32
      %dma_start3A_1934 = arith.constant 0 : i32
      %dma_start3A_1935 = tpu.memref_slice %arg5[%dma_start3A_1932, %dma_start3A_1934] : memref<10x128xi32, #tpu.memory_space<vmem>> -> memref<1x128xi32, #tpu.memory_space<vmem>>
      %dma_start3A_1936 = tpu.memref_squeeze %dma_start3A_1935 : memref<1x128xi32, #tpu.memory_space<vmem>> -> memref<128xi32, #tpu.memory_space<vmem>>
      %dma_start3A_1937 = tpu.memref_slice %arg3[%add3A_1931] : memref<819200xi32, #tpu.memory_space<hbm>> -> memref<128xi32, #tpu.memory_space<hbm>>
      %dma_start3A_1938 = tpu.memref_slice %arg7[%dma_start3A_1933] : memref<10x!tpu.dma_semaphore, #tpu.memory_space<semaphore_mem>> -> memref<1x!tpu.dma_semaphore, #tpu.memory_space<semaphore_mem>>
      %dma_start3A_1939 = tpu.memref_squeeze %dma_start3A_1938 : memref<1x!tpu.dma_semaphore, #tpu.memory_space<semaphore_mem>> -> memref<!tpu.dma_semaphore, #tpu.memory_space<semaphore_mem>>
      %dma_start3A_1940 = arith.constant 0 : i32
      %dma_start3A_1941 = tpu.memref_slice %arg5[%dma_start3A_1932, %dma_start3A_1940] : memref<10x128xi32, #tpu.memory_space<vmem>> -> memref<1x128xi32, #tpu.memory_space<vmem>>
      %dma_start3A_1942 = tpu.memref_squeeze %dma_start3A_1941 : memref<1x128xi32, #tpu.memory_space<vmem>> -> memref<128xi32, #tpu.memory_space<vmem>>
      %dma_start3A_1943 = tpu.memref_slice %arg3[%add3A_1931] : memref<819200xi32, #tpu.memory_space<hbm>> -> memref<128xi32, #tpu.memory_space<hbm>>
      tpu.enqueue_dma source(%dma_start3A_1943 : memref<128xi32, #tpu.memory_space<hbm>>) target(%dma_start3A_1942 : memref<128xi32, #tpu.memory_space<vmem>>) target_semaphore(%dma_start3A_1939 : memref<!tpu.dma_semaphore, #tpu.memory_space<semaphore_mem>>)
      %sub3A_1944 = arith.constant 5 : i32
      %sub3A_1945 = arith.subi %add3A_1891, %sub3A_1944 : i32
      %mul3A_1946 = arith.constant 128 : i32
      %mul3A_1947 = arith.muli %sub3A_1945, %mul3A_1946 : i32
      %add3A_1948 = arith.addi %mul3A_2, %mul3A_1947 : i32
      %dma_wait3A_1949 = arith.constant 0 : i32
      %dma_wait3A_1950 = arith.constant 0 : i32
      %dma_wait3A_1951 = arith.constant 0 : i32
      %dma_wait3A_1952 = arith.constant 0 : i32
      %dma_wait3A_1953 = tpu.memref_slice %arg6[%dma_wait3A_1949, %dma_wait3A_1951, %dma_wait3A_1952] : memref<5x128x128xf32, #tpu.memory_space<vmem>> -> memref<1x128x128xf32, #tpu.memory_space<vmem>>
      %dma_wait3A_1954 = tpu.memref_squeeze %dma_wait3A_1953 : memref<1x128x128xf32, #tpu.memory_space<vmem>> -> memref<128x128xf32, #tpu.memory_space<vmem>>
      %dma_wait3A_1955 = arith.constant 0 : i32
      %dma_wait3A_1956 = tpu.memref_slice %arg4[%add3A_1948, %dma_wait3A_1955] : memref<819200x128xf32, #tpu.memory_space<hbm>> -> memref<128x128xf32, #tpu.memory_space<hbm>>
      %dma_wait3A_1957 = tpu.memref_slice %arg9[%dma_wait3A_1950] : memref<5x!tpu.dma_semaphore, #tpu.memory_space<semaphore_mem>> -> memref<1x!tpu.dma_semaphore, #tpu.memory_space<semaphore_mem>>
      %dma_wait3A_1958 = tpu.memref_squeeze %dma_wait3A_1957 : memref<1x!tpu.dma_semaphore, #tpu.memory_space<semaphore_mem>> -> memref<!tpu.dma_semaphore, #tpu.memory_space<semaphore_mem>>
      %dma_wait3A_1959 = arith.constant 0 : i32
      %dma_wait3A_1960 = tpu.memref_slice %arg4[%add3A_1948, %dma_wait3A_1959] : memref<819200x128xf32, #tpu.memory_space<hbm>> -> memref<128x128xf32, #tpu.memory_space<hbm>>
      %dma_wait3A_1961 = arith.constant 0 : i32
      %dma_wait3A_1962 = arith.constant 0 : i32
      %dma_wait3A_1963 = tpu.memref_slice %arg6[%dma_wait3A_1949, %dma_wait3A_1961, %dma_wait3A_1962] : memref<5x128x128xf32, #tpu.memory_space<vmem>> -> memref<1x128x128xf32, #tpu.memory_space<vmem>>
      %dma_wait3A_1964 = tpu.memref_squeeze %dma_wait3A_1963 : memref<1x128x128xf32, #tpu.memory_space<vmem>> -> memref<128x128xf32, #tpu.memory_space<vmem>>
      tpu.wait_dma2 semaphore(%dma_wait3A_1958 : memref<!tpu.dma_semaphore, #tpu.memory_space<semaphore_mem>>) src(%dma_wait3A_1964 : memref<128x128xf32, #tpu.memory_space<vmem>>) dst(%dma_wait3A_1960 : memref<128x128xf32, #tpu.memory_space<hbm>>)
      %mul3A_1965 = arith.constant 128 : i32
      %mul3A_1966 = arith.muli %add3A_1891, %mul3A_1965 : i32
      %add3A_1967 = arith.addi %mul3A_2, %mul3A_1966 : i32
      %dma_wait3A_1968 = arith.constant 0 : i32
      %dma_wait3A_1969 = arith.constant 0 : i32
      %dma_wait3A_1970 = arith.constant 0 : i32
      %dma_wait3A_1971 = tpu.memref_slice %arg5[%dma_wait3A_1968, %dma_wait3A_1970] : memref<10x128xi32, #tpu.memory_space<vmem>> -> memref<1x128xi32, #tpu.memory_space<vmem>>
      %dma_wait3A_1972 = tpu.memref_squeeze %dma_wait3A_1971 : memref<1x128xi32, #tpu.memory_space<vmem>> -> memref<128xi32, #tpu.memory_space<vmem>>
      %dma_wait3A_1973 = tpu.memref_slice %arg3[%add3A_1967] : memref<819200xi32, #tpu.memory_space<hbm>> -> memref<128xi32, #tpu.memory_space<hbm>>
      %dma_wait3A_1974 = tpu.memref_slice %arg7[%dma_wait3A_1969] : memref<10x!tpu.dma_semaphore, #tpu.memory_space<semaphore_mem>> -> memref<1x!tpu.dma_semaphore, #tpu.memory_space<semaphore_mem>>
      %dma_wait3A_1975 = tpu.memref_squeeze %dma_wait3A_1974 : memref<1x!tpu.dma_semaphore, #tpu.memory_space<semaphore_mem>> -> memref<!tpu.dma_semaphore, #tpu.memory_space<semaphore_mem>>
      %dma_wait3A_1976 = arith.constant 0 : i32
      %dma_wait3A_1977 = tpu.memref_slice %arg5[%dma_wait3A_1968, %dma_wait3A_1976] : memref<10x128xi32, #tpu.memory_space<vmem>> -> memref<1x128xi32, #tpu.memory_space<vmem>>
      %dma_wait3A_1978 = tpu.memref_squeeze %dma_wait3A_1977 : memref<1x128xi32, #tpu.memory_space<vmem>> -> memref<128xi32, #tpu.memory_space<vmem>>
      %dma_wait3A_1979 = tpu.memref_slice %arg3[%add3A_1967] : memref<819200xi32, #tpu.memory_space<hbm>> -> memref<128xi32, #tpu.memory_space<hbm>>
      tpu.wait_dma2 semaphore(%dma_wait3A_1975 : memref<!tpu.dma_semaphore, #tpu.memory_space<semaphore_mem>>) src(%dma_wait3A_1979 : memref<128xi32, #tpu.memory_space<hbm>>) dst(%dma_wait3A_1978 : memref<128xi32, #tpu.memory_space<vmem>>)
      %dma_start3A_1980 = arith.constant 0 : i32
      %dma_start3A_1981 = arith.constant 0 : i32
      %dma_start3A_1982 = arith.constant 0 : i32
      %dma_start3A_1983 = arith.constant 0 : i32
      %dma_start3A_1984 = arith.constant 0 : i32
      %dma_start3A_1985 = tpu.memref_slice %arg6[%dma_start3A_1981, %dma_start3A_1983, %dma_start3A_1984] : memref<5x128x128xf32, #tpu.memory_space<vmem>> -> memref<1x128x128xf32, #tpu.memory_space<vmem>>
      %dma_start3A_1986 = tpu.memref_squeeze %dma_start3A_1985 : memref<1x128x128xf32, #tpu.memory_space<vmem>> -> memref<128x128xf32, #tpu.memory_space<vmem>>
      %dma_start3A_1987 = arith.constant 0 : i32
      %dma_start3A_1988 = tpu.memref_slice %arg5[%dma_start3A_1980, %dma_start3A_1987] : memref<10x128xi32, #tpu.memory_space<vmem>> -> memref<1x128xi32, #tpu.memory_space<vmem>>
      %dma_start3A_1989 = tpu.memref_squeeze %dma_start3A_1988 : memref<1x128xi32, #tpu.memory_space<vmem>> -> memref<128xi32, #tpu.memory_space<vmem>>
      %dma_start3A_1990 = arith.constant 0 : i32
      %dma_start3A_1991 = arith.constant 0 : i32
      %dma_start3A_1992 = tpu.memref_slice %arg2[%dma_start3A_1990, %dma_start3A_1991] : memref<100000x128xf32, #tpu.memory_space<hbm>> -> memref<100000x128xf32, #tpu.memory_space<hbm>>
      %dma_start3A_1993 = tpu.memref_slice %arg8[%dma_start3A_1982] : memref<5x!tpu.dma_semaphore, #tpu.memory_space<semaphore_mem>> -> memref<1x!tpu.dma_semaphore, #tpu.memory_space<semaphore_mem>>
      %dma_start3A_1994 = tpu.memref_squeeze %dma_start3A_1993 : memref<1x!tpu.dma_semaphore, #tpu.memory_space<semaphore_mem>> -> memref<!tpu.dma_semaphore, #tpu.memory_space<semaphore_mem>>
      tpu.enqueue_indirect_dma source(%dma_start3A_1992 : memref<100000x128xf32, #tpu.memory_space<hbm>>) target(%dma_start3A_1986 : memref<128x128xf32, #tpu.memory_space<vmem>>) offsets(%dma_start3A_1989 : memref<128xi32, #tpu.memory_space<vmem>>) semaphore(%dma_start3A_1994 : memref<!tpu.dma_semaphore, #tpu.memory_space<semaphore_mem>>)
      %add3A_1995 = arith.constant 1 : i32
      %add3A_1996 = arith.addi %add3A_1889, %add3A_1995 : i32
      %sub3A_1997 = arith.constant 4 : i32
      %sub3A_1998 = arith.subi %add3A_1996, %sub3A_1997 : i32
      %dma_wait3A_1999 = arith.constant 7 : i32
      %dma_wait3A_2000 = arith.constant 2 : i32
      %dma_wait3A_2001 = arith.constant 2 : i32
      %dma_wait3A_2002 = arith.constant 0 : i32
      %dma_wait3A_2003 = arith.constant 0 : i32
      %dma_wait3A_2004 = tpu.memref_slice %arg6[%dma_wait3A_2000, %dma_wait3A_2002, %dma_wait3A_2003] : memref<5x128x128xf32, #tpu.memory_space<vmem>> -> memref<1x128x128xf32, #tpu.memory_space<vmem>>
      %dma_wait3A_2005 = tpu.memref_squeeze %dma_wait3A_2004 : memref<1x128x128xf32, #tpu.memory_space<vmem>> -> memref<128x128xf32, #tpu.memory_space<vmem>>
      %dma_wait3A_2006 = arith.constant 0 : i32
      %dma_wait3A_2007 = tpu.memref_slice %arg5[%dma_wait3A_1999, %dma_wait3A_2006] : memref<10x128xi32, #tpu.memory_space<vmem>> -> memref<1x128xi32, #tpu.memory_space<vmem>>
      %dma_wait3A_2008 = tpu.memref_squeeze %dma_wait3A_2007 : memref<1x128xi32, #tpu.memory_space<vmem>> -> memref<128xi32, #tpu.memory_space<vmem>>
      %dma_wait3A_2009 = arith.constant 0 : i32
      %dma_wait3A_2010 = arith.constant 0 : i32
      %dma_wait3A_2011 = tpu.memref_slice %arg2[%dma_wait3A_2009, %dma_wait3A_2010] : memref<100000x128xf32, #tpu.memory_space<hbm>> -> memref<100000x128xf32, #tpu.memory_space<hbm>>
      %dma_wait3A_2012 = tpu.memref_slice %arg8[%dma_wait3A_2001] : memref<5x!tpu.dma_semaphore, #tpu.memory_space<semaphore_mem>> -> memref<1x!tpu.dma_semaphore, #tpu.memory_space<semaphore_mem>>
      %dma_wait3A_2013 = tpu.memref_squeeze %dma_wait3A_2012 : memref<1x!tpu.dma_semaphore, #tpu.memory_space<semaphore_mem>> -> memref<!tpu.dma_semaphore, #tpu.memory_space<semaphore_mem>>
      tpu.wait_indirect_dma semaphore(%dma_wait3A_2013 : memref<!tpu.dma_semaphore, #tpu.memory_space<semaphore_mem>>) src(%dma_wait3A_2011 : memref<100000x128xf32, #tpu.memory_space<hbm>>) dst(%dma_wait3A_2005 : memref<128x128xf32, #tpu.memory_space<vmem>>)
      %mul3A_2014 = arith.constant 128 : i32
      %mul3A_2015 = arith.muli %sub3A_1998, %mul3A_2014 : i32
      %add3A_2016 = arith.addi %mul3A_2, %mul3A_2015 : i32
      %dma_start3A_2017 = arith.constant 2 : i32
      %dma_start3A_2018 = arith.constant 2 : i32
      %dma_start3A_2019 = arith.constant 0 : i32
      %dma_start3A_2020 = arith.constant 0 : i32
      %dma_start3A_2021 = tpu.memref_slice %arg6[%dma_start3A_2017, %dma_start3A_2019, %dma_start3A_2020] : memref<5x128x128xf32, #tpu.memory_space<vmem>> -> memref<1x128x128xf32, #tpu.memory_space<vmem>>
      %dma_start3A_2022 = tpu.memref_squeeze %dma_start3A_2021 : memref<1x128x128xf32, #tpu.memory_space<vmem>> -> memref<128x128xf32, #tpu.memory_space<vmem>>
      %dma_start3A_2023 = arith.constant 0 : i32
      %dma_start3A_2024 = tpu.memref_slice %arg4[%add3A_2016, %dma_start3A_2023] : memref<819200x128xf32, #tpu.memory_space<hbm>> -> memref<128x128xf32, #tpu.memory_space<hbm>>
      %dma_start3A_2025 = tpu.memref_slice %arg9[%dma_start3A_2018] : memref<5x!tpu.dma_semaphore, #tpu.memory_space<semaphore_mem>> -> memref<1x!tpu.dma_semaphore, #tpu.memory_space<semaphore_mem>>
      %dma_start3A_2026 = tpu.memref_squeeze %dma_start3A_2025 : memref<1x!tpu.dma_semaphore, #tpu.memory_space<semaphore_mem>> -> memref<!tpu.dma_semaphore, #tpu.memory_space<semaphore_mem>>
      %dma_start3A_2027 = arith.constant 0 : i32
      %dma_start3A_2028 = tpu.memref_slice %arg4[%add3A_2016, %dma_start3A_2027] : memref<819200x128xf32, #tpu.memory_space<hbm>> -> memref<128x128xf32, #tpu.memory_space<hbm>>
      %dma_start3A_2029 = arith.constant 0 : i32
      %dma_start3A_2030 = arith.constant 0 : i32
      %dma_start3A_2031 = tpu.memref_slice %arg6[%dma_start3A_2017, %dma_start3A_2029, %dma_start3A_2030] : memref<5x128x128xf32, #tpu.memory_space<vmem>> -> memref<1x128x128xf32, #tpu.memory_space<vmem>>
      %dma_start3A_2032 = tpu.memref_squeeze %dma_start3A_2031 : memref<1x128x128xf32, #tpu.memory_space<vmem>> -> memref<128x128xf32, #tpu.memory_space<vmem>>
      tpu.enqueue_dma source(%dma_start3A_2032 : memref<128x128xf32, #tpu.memory_space<vmem>>) target(%dma_start3A_2028 : memref<128x128xf32, #tpu.memory_space<hbm>>) target_semaphore(%dma_start3A_2026 : memref<!tpu.dma_semaphore, #tpu.memory_space<semaphore_mem>>)
      %add3A_2033 = arith.constant 10 : i32
      %add3A_2034 = arith.addi %sub3A_1998, %add3A_2033 : i32
      %mul3A_2035 = arith.constant 128 : i32
      %mul3A_2036 = arith.muli %add3A_2034, %mul3A_2035 : i32
      %add3A_2037 = arith.addi %mul3A_2, %mul3A_2036 : i32
      %dma_start3A_2038 = arith.constant 7 : i32
      %dma_start3A_2039 = arith.constant 7 : i32
      %dma_start3A_2040 = arith.constant 0 : i32
      %dma_start3A_2041 = tpu.memref_slice %arg5[%dma_start3A_2038, %dma_start3A_2040] : memref<10x128xi32, #tpu.memory_space<vmem>> -> memref<1x128xi32, #tpu.memory_space<vmem>>
      %dma_start3A_2042 = tpu.memref_squeeze %dma_start3A_2041 : memref<1x128xi32, #tpu.memory_space<vmem>> -> memref<128xi32, #tpu.memory_space<vmem>>
      %dma_start3A_2043 = tpu.memref_slice %arg3[%add3A_2037] : memref<819200xi32, #tpu.memory_space<hbm>> -> memref<128xi32, #tpu.memory_space<hbm>>
      %dma_start3A_2044 = tpu.memref_slice %arg7[%dma_start3A_2039] : memref<10x!tpu.dma_semaphore, #tpu.memory_space<semaphore_mem>> -> memref<1x!tpu.dma_semaphore, #tpu.memory_space<semaphore_mem>>
      %dma_start3A_2045 = tpu.memref_squeeze %dma_start3A_2044 : memref<1x!tpu.dma_semaphore, #tpu.memory_space<semaphore_mem>> -> memref<!tpu.dma_semaphore, #tpu.memory_space<semaphore_mem>>
      %dma_start3A_2046 = arith.constant 0 : i32
      %dma_start3A_2047 = tpu.memref_slice %arg5[%dma_start3A_2038, %dma_start3A_2046] : memref<10x128xi32, #tpu.memory_space<vmem>> -> memref<1x128xi32, #tpu.memory_space<vmem>>
      %dma_start3A_2048 = tpu.memref_squeeze %dma_start3A_2047 : memref<1x128xi32, #tpu.memory_space<vmem>> -> memref<128xi32, #tpu.memory_space<vmem>>
      %dma_start3A_2049 = tpu.memref_slice %arg3[%add3A_2037] : memref<819200xi32, #tpu.memory_space<hbm>> -> memref<128xi32, #tpu.memory_space<hbm>>
      tpu.enqueue_dma source(%dma_start3A_2049 : memref<128xi32, #tpu.memory_space<hbm>>) target(%dma_start3A_2048 : memref<128xi32, #tpu.memory_space<vmem>>) target_semaphore(%dma_start3A_2045 : memref<!tpu.dma_semaphore, #tpu.memory_space<semaphore_mem>>)
      %sub3A_2050 = arith.constant 5 : i32
      %sub3A_2051 = arith.subi %add3A_1996, %sub3A_2050 : i32
      %mul3A_2052 = arith.constant 128 : i32
      %mul3A_2053 = arith.muli %sub3A_2051, %mul3A_2052 : i32
      %add3A_2054 = arith.addi %mul3A_2, %mul3A_2053 : i32
      %dma_wait3A_2055 = arith.constant 1 : i32
      %dma_wait3A_2056 = arith.constant 1 : i32
      %dma_wait3A_2057 = arith.constant 0 : i32
      %dma_wait3A_2058 = arith.constant 0 : i32
      %dma_wait3A_2059 = tpu.memref_slice %arg6[%dma_wait3A_2055, %dma_wait3A_2057, %dma_wait3A_2058] : memref<5x128x128xf32, #tpu.memory_space<vmem>> -> memref<1x128x128xf32, #tpu.memory_space<vmem>>
      %dma_wait3A_2060 = tpu.memref_squeeze %dma_wait3A_2059 : memref<1x128x128xf32, #tpu.memory_space<vmem>> -> memref<128x128xf32, #tpu.memory_space<vmem>>
      %dma_wait3A_2061 = arith.constant 0 : i32
      %dma_wait3A_2062 = tpu.memref_slice %arg4[%add3A_2054, %dma_wait3A_2061] : memref<819200x128xf32, #tpu.memory_space<hbm>> -> memref<128x128xf32, #tpu.memory_space<hbm>>
      %dma_wait3A_2063 = tpu.memref_slice %arg9[%dma_wait3A_2056] : memref<5x!tpu.dma_semaphore, #tpu.memory_space<semaphore_mem>> -> memref<1x!tpu.dma_semaphore, #tpu.memory_space<semaphore_mem>>
      %dma_wait3A_2064 = tpu.memref_squeeze %dma_wait3A_2063 : memref<1x!tpu.dma_semaphore, #tpu.memory_space<semaphore_mem>> -> memref<!tpu.dma_semaphore, #tpu.memory_space<semaphore_mem>>
      %dma_wait3A_2065 = arith.constant 0 : i32
      %dma_wait3A_2066 = tpu.memref_slice %arg4[%add3A_2054, %dma_wait3A_2065] : memref<819200x128xf32, #tpu.memory_space<hbm>> -> memref<128x128xf32, #tpu.memory_space<hbm>>
      %dma_wait3A_2067 = arith.constant 0 : i32
      %dma_wait3A_2068 = arith.constant 0 : i32
      %dma_wait3A_2069 = tpu.memref_slice %arg6[%dma_wait3A_2055, %dma_wait3A_2067, %dma_wait3A_2068] : memref<5x128x128xf32, #tpu.memory_space<vmem>> -> memref<1x128x128xf32, #tpu.memory_space<vmem>>
      %dma_wait3A_2070 = tpu.memref_squeeze %dma_wait3A_2069 : memref<1x128x128xf32, #tpu.memory_space<vmem>> -> memref<128x128xf32, #tpu.memory_space<vmem>>
      tpu.wait_dma2 semaphore(%dma_wait3A_2064 : memref<!tpu.dma_semaphore, #tpu.memory_space<semaphore_mem>>) src(%dma_wait3A_2070 : memref<128x128xf32, #tpu.memory_space<vmem>>) dst(%dma_wait3A_2066 : memref<128x128xf32, #tpu.memory_space<hbm>>)
      %mul3A_2071 = arith.constant 128 : i32
      %mul3A_2072 = arith.muli %add3A_1996, %mul3A_2071 : i32
      %add3A_2073 = arith.addi %mul3A_2, %mul3A_2072 : i32
      %dma_wait3A_2074 = arith.constant 1 : i32
      %dma_wait3A_2075 = arith.constant 1 : i32
      %dma_wait3A_2076 = arith.constant 0 : i32
      %dma_wait3A_2077 = tpu.memref_slice %arg5[%dma_wait3A_2074, %dma_wait3A_2076] : memref<10x128xi32, #tpu.memory_space<vmem>> -> memref<1x128xi32, #tpu.memory_space<vmem>>
      %dma_wait3A_2078 = tpu.memref_squeeze %dma_wait3A_2077 : memref<1x128xi32, #tpu.memory_space<vmem>> -> memref<128xi32, #tpu.memory_space<vmem>>
      %dma_wait3A_2079 = tpu.memref_slice %arg3[%add3A_2073] : memref<819200xi32, #tpu.memory_space<hbm>> -> memref<128xi32, #tpu.memory_space<hbm>>
      %dma_wait3A_2080 = tpu.memref_slice %arg7[%dma_wait3A_2075] : memref<10x!tpu.dma_semaphore, #tpu.memory_space<semaphore_mem>> -> memref<1x!tpu.dma_semaphore, #tpu.memory_space<semaphore_mem>>
      %dma_wait3A_2081 = tpu.memref_squeeze %dma_wait3A_2080 : memref<1x!tpu.dma_semaphore, #tpu.memory_space<semaphore_mem>> -> memref<!tpu.dma_semaphore, #tpu.memory_space<semaphore_mem>>
      %dma_wait3A_2082 = arith.constant 0 : i32
      %dma_wait3A_2083 = tpu.memref_slice %arg5[%dma_wait3A_2074, %dma_wait3A_2082] : memref<10x128xi32, #tpu.memory_space<vmem>> -> memref<1x128xi32, #tpu.memory_space<vmem>>
      %dma_wait3A_2084 = tpu.memref_squeeze %dma_wait3A_2083 : memref<1x128xi32, #tpu.memory_space<vmem>> -> memref<128xi32, #tpu.memory_space<vmem>>
      %dma_wait3A_2085 = tpu.memref_slice %arg3[%add3A_2073] : memref<819200xi32, #tpu.memory_space<hbm>> -> memref<128xi32, #tpu.memory_space<hbm>>
      tpu.wait_dma2 semaphore(%dma_wait3A_2081 : memref<!tpu.dma_semaphore, #tpu.memory_space<semaphore_mem>>) src(%dma_wait3A_2085 : memref<128xi32, #tpu.memory_space<hbm>>) dst(%dma_wait3A_2084 : memref<128xi32, #tpu.memory_space<vmem>>)
      %dma_start3A_2086 = arith.constant 1 : i32
      %dma_start3A_2087 = arith.constant 1 : i32
      %dma_start3A_2088 = arith.constant 1 : i32
      %dma_start3A_2089 = arith.constant 0 : i32
      %dma_start3A_2090 = arith.constant 0 : i32
      %dma_start3A_2091 = tpu.memref_slice %arg6[%dma_start3A_2087, %dma_start3A_2089, %dma_start3A_2090] : memref<5x128x128xf32, #tpu.memory_space<vmem>> -> memref<1x128x128xf32, #tpu.memory_space<vmem>>
      %dma_start3A_2092 = tpu.memref_squeeze %dma_start3A_2091 : memref<1x128x128xf32, #tpu.memory_space<vmem>> -> memref<128x128xf32, #tpu.memory_space<vmem>>
      %dma_start3A_2093 = arith.constant 0 : i32
      %dma_start3A_2094 = tpu.memref_slice %arg5[%dma_start3A_2086, %dma_start3A_2093] : memref<10x128xi32, #tpu.memory_space<vmem>> -> memref<1x128xi32, #tpu.memory_space<vmem>>
      %dma_start3A_2095 = tpu.memref_squeeze %dma_start3A_2094 : memref<1x128xi32, #tpu.memory_space<vmem>> -> memref<128xi32, #tpu.memory_space<vmem>>
      %dma_start3A_2096 = arith.constant 0 : i32
      %dma_start3A_2097 = arith.constant 0 : i32
      %dma_start3A_2098 = tpu.memref_slice %arg2[%dma_start3A_2096, %dma_start3A_2097] : memref<100000x128xf32, #tpu.memory_space<hbm>> -> memref<100000x128xf32, #tpu.memory_space<hbm>>
      %dma_start3A_2099 = tpu.memref_slice %arg8[%dma_start3A_2088] : memref<5x!tpu.dma_semaphore, #tpu.memory_space<semaphore_mem>> -> memref<1x!tpu.dma_semaphore, #tpu.memory_space<semaphore_mem>>
      %dma_start3A_2100 = tpu.memref_squeeze %dma_start3A_2099 : memref<1x!tpu.dma_semaphore, #tpu.memory_space<semaphore_mem>> -> memref<!tpu.dma_semaphore, #tpu.memory_space<semaphore_mem>>
      tpu.enqueue_indirect_dma source(%dma_start3A_2098 : memref<100000x128xf32, #tpu.memory_space<hbm>>) target(%dma_start3A_2092 : memref<128x128xf32, #tpu.memory_space<vmem>>) offsets(%dma_start3A_2095 : memref<128xi32, #tpu.memory_space<vmem>>) semaphore(%dma_start3A_2100 : memref<!tpu.dma_semaphore, #tpu.memory_space<semaphore_mem>>)
      %add3A_2101 = arith.constant 2 : i32
      %add3A_2102 = arith.addi %add3A_1889, %add3A_2101 : i32
      %sub3A_2103 = arith.constant 4 : i32
      %sub3A_2104 = arith.subi %add3A_2102, %sub3A_2103 : i32
      %dma_wait3A_2105 = arith.constant 8 : i32
      %dma_wait3A_2106 = arith.constant 3 : i32
      %dma_wait3A_2107 = arith.constant 3 : i32
      %dma_wait3A_2108 = arith.constant 0 : i32
      %dma_wait3A_2109 = arith.constant 0 : i32
      %dma_wait3A_2110 = tpu.memref_slice %arg6[%dma_wait3A_2106, %dma_wait3A_2108, %dma_wait3A_2109] : memref<5x128x128xf32, #tpu.memory_space<vmem>> -> memref<1x128x128xf32, #tpu.memory_space<vmem>>
      %dma_wait3A_2111 = tpu.memref_squeeze %dma_wait3A_2110 : memref<1x128x128xf32, #tpu.memory_space<vmem>> -> memref<128x128xf32, #tpu.memory_space<vmem>>
      %dma_wait3A_2112 = arith.constant 0 : i32
      %dma_wait3A_2113 = tpu.memref_slice %arg5[%dma_wait3A_2105, %dma_wait3A_2112] : memref<10x128xi32, #tpu.memory_space<vmem>> -> memref<1x128xi32, #tpu.memory_space<vmem>>
      %dma_wait3A_2114 = tpu.memref_squeeze %dma_wait3A_2113 : memref<1x128xi32, #tpu.memory_space<vmem>> -> memref<128xi32, #tpu.memory_space<vmem>>
      %dma_wait3A_2115 = arith.constant 0 : i32
      %dma_wait3A_2116 = arith.constant 0 : i32
      %dma_wait3A_2117 = tpu.memref_slice %arg2[%dma_wait3A_2115, %dma_wait3A_2116] : memref<100000x128xf32, #tpu.memory_space<hbm>> -> memref<100000x128xf32, #tpu.memory_space<hbm>>
      %dma_wait3A_2118 = tpu.memref_slice %arg8[%dma_wait3A_2107] : memref<5x!tpu.dma_semaphore, #tpu.memory_space<semaphore_mem>> -> memref<1x!tpu.dma_semaphore, #tpu.memory_space<semaphore_mem>>
      %dma_wait3A_2119 = tpu.memref_squeeze %dma_wait3A_2118 : memref<1x!tpu.dma_semaphore, #tpu.memory_space<semaphore_mem>> -> memref<!tpu.dma_semaphore, #tpu.memory_space<semaphore_mem>>
      tpu.wait_indirect_dma semaphore(%dma_wait3A_2119 : memref<!tpu.dma_semaphore, #tpu.memory_space<semaphore_mem>>) src(%dma_wait3A_2117 : memref<100000x128xf32, #tpu.memory_space<hbm>>) dst(%dma_wait3A_2111 : memref<128x128xf32, #tpu.memory_space<vmem>>)
      %mul3A_2120 = arith.constant 128 : i32
      %mul3A_2121 = arith.muli %sub3A_2104, %mul3A_2120 : i32
      %add3A_2122 = arith.addi %mul3A_2, %mul3A_2121 : i32
      %dma_start3A_2123 = arith.constant 3 : i32
      %dma_start3A_2124 = arith.constant 3 : i32
      %dma_start3A_2125 = arith.constant 0 : i32
      %dma_start3A_2126 = arith.constant 0 : i32
      %dma_start3A_2127 = tpu.memref_slice %arg6[%dma_start3A_2123, %dma_start3A_2125, %dma_start3A_2126] : memref<5x128x128xf32, #tpu.memory_space<vmem>> -> memref<1x128x128xf32, #tpu.memory_space<vmem>>
      %dma_start3A_2128 = tpu.memref_squeeze %dma_start3A_2127 : memref<1x128x128xf32, #tpu.memory_space<vmem>> -> memref<128x128xf32, #tpu.memory_space<vmem>>
      %dma_start3A_2129 = arith.constant 0 : i32
      %dma_start3A_2130 = tpu.memref_slice %arg4[%add3A_2122, %dma_start3A_2129] : memref<819200x128xf32, #tpu.memory_space<hbm>> -> memref<128x128xf32, #tpu.memory_space<hbm>>
      %dma_start3A_2131 = tpu.memref_slice %arg9[%dma_start3A_2124] : memref<5x!tpu.dma_semaphore, #tpu.memory_space<semaphore_mem>> -> memref<1x!tpu.dma_semaphore, #tpu.memory_space<semaphore_mem>>
      %dma_start3A_2132 = tpu.memref_squeeze %dma_start3A_2131 : memref<1x!tpu.dma_semaphore, #tpu.memory_space<semaphore_mem>> -> memref<!tpu.dma_semaphore, #tpu.memory_space<semaphore_mem>>
      %dma_start3A_2133 = arith.constant 0 : i32
      %dma_start3A_2134 = tpu.memref_slice %arg4[%add3A_2122, %dma_start3A_2133] : memref<819200x128xf32, #tpu.memory_space<hbm>> -> memref<128x128xf32, #tpu.memory_space<hbm>>
      %dma_start3A_2135 = arith.constant 0 : i32
      %dma_start3A_2136 = arith.constant 0 : i32
      %dma_start3A_2137 = tpu.memref_slice %arg6[%dma_start3A_2123, %dma_start3A_2135, %dma_start3A_2136] : memref<5x128x128xf32, #tpu.memory_space<vmem>> -> memref<1x128x128xf32, #tpu.memory_space<vmem>>
      %dma_start3A_2138 = tpu.memref_squeeze %dma_start3A_2137 : memref<1x128x128xf32, #tpu.memory_space<vmem>> -> memref<128x128xf32, #tpu.memory_space<vmem>>
      tpu.enqueue_dma source(%dma_start3A_2138 : memref<128x128xf32, #tpu.memory_space<vmem>>) target(%dma_start3A_2134 : memref<128x128xf32, #tpu.memory_space<hbm>>) target_semaphore(%dma_start3A_2132 : memref<!tpu.dma_semaphore, #tpu.memory_space<semaphore_mem>>)
      %add3A_2139 = arith.constant 10 : i32
      %add3A_2140 = arith.addi %sub3A_2104, %add3A_2139 : i32
      %mul3A_2141 = arith.constant 128 : i32
      %mul3A_2142 = arith.muli %add3A_2140, %mul3A_2141 : i32
      %add3A_2143 = arith.addi %mul3A_2, %mul3A_2142 : i32
      %dma_start3A_2144 = arith.constant 8 : i32
      %dma_start3A_2145 = arith.constant 8 : i32
      %dma_start3A_2146 = arith.constant 0 : i32
      %dma_start3A_2147 = tpu.memref_slice %arg5[%dma_start3A_2144, %dma_start3A_2146] : memref<10x128xi32, #tpu.memory_space<vmem>> -> memref<1x128xi32, #tpu.memory_space<vmem>>
      %dma_start3A_2148 = tpu.memref_squeeze %dma_start3A_2147 : memref<1x128xi32, #tpu.memory_space<vmem>> -> memref<128xi32, #tpu.memory_space<vmem>>
      %dma_start3A_2149 = tpu.memref_slice %arg3[%add3A_2143] : memref<819200xi32, #tpu.memory_space<hbm>> -> memref<128xi32, #tpu.memory_space<hbm>>
      %dma_start3A_2150 = tpu.memref_slice %arg7[%dma_start3A_2145] : memref<10x!tpu.dma_semaphore, #tpu.memory_space<semaphore_mem>> -> memref<1x!tpu.dma_semaphore, #tpu.memory_space<semaphore_mem>>
      %dma_start3A_2151 = tpu.memref_squeeze %dma_start3A_2150 : memref<1x!tpu.dma_semaphore, #tpu.memory_space<semaphore_mem>> -> memref<!tpu.dma_semaphore, #tpu.memory_space<semaphore_mem>>
      %dma_start3A_2152 = arith.constant 0 : i32
      %dma_start3A_2153 = tpu.memref_slice %arg5[%dma_start3A_2144, %dma_start3A_2152] : memref<10x128xi32, #tpu.memory_space<vmem>> -> memref<1x128xi32, #tpu.memory_space<vmem>>
      %dma_start3A_2154 = tpu.memref_squeeze %dma_start3A_2153 : memref<1x128xi32, #tpu.memory_space<vmem>> -> memref<128xi32, #tpu.memory_space<vmem>>
      %dma_start3A_2155 = tpu.memref_slice %arg3[%add3A_2143] : memref<819200xi32, #tpu.memory_space<hbm>> -> memref<128xi32, #tpu.memory_space<hbm>>
      tpu.enqueue_dma source(%dma_start3A_2155 : memref<128xi32, #tpu.memory_space<hbm>>) target(%dma_start3A_2154 : memref<128xi32, #tpu.memory_space<vmem>>) target_semaphore(%dma_start3A_2151 : memref<!tpu.dma_semaphore, #tpu.memory_space<semaphore_mem>>)
      %sub3A_2156 = arith.constant 5 : i32
      %sub3A_2157 = arith.subi %add3A_2102, %sub3A_2156 : i32
      %mul3A_2158 = arith.constant 128 : i32
      %mul3A_2159 = arith.muli %sub3A_2157, %mul3A_2158 : i32
      %add3A_2160 = arith.addi %mul3A_2, %mul3A_2159 : i32
      %dma_wait3A_2161 = arith.constant 2 : i32
      %dma_wait3A_2162 = arith.constant 2 : i32
      %dma_wait3A_2163 = arith.constant 0 : i32
      %dma_wait3A_2164 = arith.constant 0 : i32
      %dma_wait3A_2165 = tpu.memref_slice %arg6[%dma_wait3A_2161, %dma_wait3A_2163, %dma_wait3A_2164] : memref<5x128x128xf32, #tpu.memory_space<vmem>> -> memref<1x128x128xf32, #tpu.memory_space<vmem>>
      %dma_wait3A_2166 = tpu.memref_squeeze %dma_wait3A_2165 : memref<1x128x128xf32, #tpu.memory_space<vmem>> -> memref<128x128xf32, #tpu.memory_space<vmem>>
      %dma_wait3A_2167 = arith.constant 0 : i32
      %dma_wait3A_2168 = tpu.memref_slice %arg4[%add3A_2160, %dma_wait3A_2167] : memref<819200x128xf32, #tpu.memory_space<hbm>> -> memref<128x128xf32, #tpu.memory_space<hbm>>
      %dma_wait3A_2169 = tpu.memref_slice %arg9[%dma_wait3A_2162] : memref<5x!tpu.dma_semaphore, #tpu.memory_space<semaphore_mem>> -> memref<1x!tpu.dma_semaphore, #tpu.memory_space<semaphore_mem>>
      %dma_wait3A_2170 = tpu.memref_squeeze %dma_wait3A_2169 : memref<1x!tpu.dma_semaphore, #tpu.memory_space<semaphore_mem>> -> memref<!tpu.dma_semaphore, #tpu.memory_space<semaphore_mem>>
      %dma_wait3A_2171 = arith.constant 0 : i32
      %dma_wait3A_2172 = tpu.memref_slice %arg4[%add3A_2160, %dma_wait3A_2171] : memref<819200x128xf32, #tpu.memory_space<hbm>> -> memref<128x128xf32, #tpu.memory_space<hbm>>
      %dma_wait3A_2173 = arith.constant 0 : i32
      %dma_wait3A_2174 = arith.constant 0 : i32
      %dma_wait3A_2175 = tpu.memref_slice %arg6[%dma_wait3A_2161, %dma_wait3A_2173, %dma_wait3A_2174] : memref<5x128x128xf32, #tpu.memory_space<vmem>> -> memref<1x128x128xf32, #tpu.memory_space<vmem>>
      %dma_wait3A_2176 = tpu.memref_squeeze %dma_wait3A_2175 : memref<1x128x128xf32, #tpu.memory_space<vmem>> -> memref<128x128xf32, #tpu.memory_space<vmem>>
      tpu.wait_dma2 semaphore(%dma_wait3A_2170 : memref<!tpu.dma_semaphore, #tpu.memory_space<semaphore_mem>>) src(%dma_wait3A_2176 : memref<128x128xf32, #tpu.memory_space<vmem>>) dst(%dma_wait3A_2172 : memref<128x128xf32, #tpu.memory_space<hbm>>)
      %mul3A_2177 = arith.constant 128 : i32
      %mul3A_2178 = arith.muli %add3A_2102, %mul3A_2177 : i32
      %add3A_2179 = arith.addi %mul3A_2, %mul3A_2178 : i32
      %dma_wait3A_2180 = arith.constant 2 : i32
      %dma_wait3A_2181 = arith.constant 2 : i32
      %dma_wait3A_2182 = arith.constant 0 : i32
      %dma_wait3A_2183 = tpu.memref_slice %arg5[%dma_wait3A_2180, %dma_wait3A_2182] : memref<10x128xi32, #tpu.memory_space<vmem>> -> memref<1x128xi32, #tpu.memory_space<vmem>>
      %dma_wait3A_2184 = tpu.memref_squeeze %dma_wait3A_2183 : memref<1x128xi32, #tpu.memory_space<vmem>> -> memref<128xi32, #tpu.memory_space<vmem>>
      %dma_wait3A_2185 = tpu.memref_slice %arg3[%add3A_2179] : memref<819200xi32, #tpu.memory_space<hbm>> -> memref<128xi32, #tpu.memory_space<hbm>>
      %dma_wait3A_2186 = tpu.memref_slice %arg7[%dma_wait3A_2181] : memref<10x!tpu.dma_semaphore, #tpu.memory_space<semaphore_mem>> -> memref<1x!tpu.dma_semaphore, #tpu.memory_space<semaphore_mem>>
      %dma_wait3A_2187 = tpu.memref_squeeze %dma_wait3A_2186 : memref<1x!tpu.dma_semaphore, #tpu.memory_space<semaphore_mem>> -> memref<!tpu.dma_semaphore, #tpu.memory_space<semaphore_mem>>
      %dma_wait3A_2188 = arith.constant 0 : i32
      %dma_wait3A_2189 = tpu.memref_slice %arg5[%dma_wait3A_2180, %dma_wait3A_2188] : memref<10x128xi32, #tpu.memory_space<vmem>> -> memref<1x128xi32, #tpu.memory_space<vmem>>
      %dma_wait3A_2190 = tpu.memref_squeeze %dma_wait3A_2189 : memref<1x128xi32, #tpu.memory_space<vmem>> -> memref<128xi32, #tpu.memory_space<vmem>>
      %dma_wait3A_2191 = tpu.memref_slice %arg3[%add3A_2179] : memref<819200xi32, #tpu.memory_space<hbm>> -> memref<128xi32, #tpu.memory_space<hbm>>
      tpu.wait_dma2 semaphore(%dma_wait3A_2187 : memref<!tpu.dma_semaphore, #tpu.memory_space<semaphore_mem>>) src(%dma_wait3A_2191 : memref<128xi32, #tpu.memory_space<hbm>>) dst(%dma_wait3A_2190 : memref<128xi32, #tpu.memory_space<vmem>>)
      %dma_start3A_2192 = arith.constant 2 : i32
      %dma_start3A_2193 = arith.constant 2 : i32
      %dma_start3A_2194 = arith.constant 2 : i32
      %dma_start3A_2195 = arith.constant 0 : i32
      %dma_start3A_2196 = arith.constant 0 : i32
      %dma_start3A_2197 = tpu.memref_slice %arg6[%dma_start3A_2193, %dma_start3A_2195, %dma_start3A_2196] : memref<5x128x128xf32, #tpu.memory_space<vmem>> -> memref<1x128x128xf32, #tpu.memory_space<vmem>>
      %dma_start3A_2198 = tpu.memref_squeeze %dma_start3A_2197 : memref<1x128x128xf32, #tpu.memory_space<vmem>> -> memref<128x128xf32, #tpu.memory_space<vmem>>
      %dma_start3A_2199 = arith.constant 0 : i32
      %dma_start3A_2200 = tpu.memref_slice %arg5[%dma_start3A_2192, %dma_start3A_2199] : memref<10x128xi32, #tpu.memory_space<vmem>> -> memref<1x128xi32, #tpu.memory_space<vmem>>
      %dma_start3A_2201 = tpu.memref_squeeze %dma_start3A_2200 : memref<1x128xi32, #tpu.memory_space<vmem>> -> memref<128xi32, #tpu.memory_space<vmem>>
      %dma_start3A_2202 = arith.constant 0 : i32
      %dma_start3A_2203 = arith.constant 0 : i32
      %dma_start3A_2204 = tpu.memref_slice %arg2[%dma_start3A_2202, %dma_start3A_2203] : memref<100000x128xf32, #tpu.memory_space<hbm>> -> memref<100000x128xf32, #tpu.memory_space<hbm>>
      %dma_start3A_2205 = tpu.memref_slice %arg8[%dma_start3A_2194] : memref<5x!tpu.dma_semaphore, #tpu.memory_space<semaphore_mem>> -> memref<1x!tpu.dma_semaphore, #tpu.memory_space<semaphore_mem>>
      %dma_start3A_2206 = tpu.memref_squeeze %dma_start3A_2205 : memref<1x!tpu.dma_semaphore, #tpu.memory_space<semaphore_mem>> -> memref<!tpu.dma_semaphore, #tpu.memory_space<semaphore_mem>>
      tpu.enqueue_indirect_dma source(%dma_start3A_2204 : memref<100000x128xf32, #tpu.memory_space<hbm>>) target(%dma_start3A_2198 : memref<128x128xf32, #tpu.memory_space<vmem>>) offsets(%dma_start3A_2201 : memref<128xi32, #tpu.memory_space<vmem>>) semaphore(%dma_start3A_2206 : memref<!tpu.dma_semaphore, #tpu.memory_space<semaphore_mem>>)
      %add3A_2207 = arith.constant 3 : i32
      %add3A_2208 = arith.addi %add3A_1889, %add3A_2207 : i32
      %sub3A_2209 = arith.constant 4 : i32
      %sub3A_2210 = arith.subi %add3A_2208, %sub3A_2209 : i32
      %dma_wait3A_2211 = arith.constant 9 : i32
      %dma_wait3A_2212 = arith.constant 4 : i32
      %dma_wait3A_2213 = arith.constant 4 : i32
      %dma_wait3A_2214 = arith.constant 0 : i32
      %dma_wait3A_2215 = arith.constant 0 : i32
      %dma_wait3A_2216 = tpu.memref_slice %arg6[%dma_wait3A_2212, %dma_wait3A_2214, %dma_wait3A_2215] : memref<5x128x128xf32, #tpu.memory_space<vmem>> -> memref<1x128x128xf32, #tpu.memory_space<vmem>>
      %dma_wait3A_2217 = tpu.memref_squeeze %dma_wait3A_2216 : memref<1x128x128xf32, #tpu.memory_space<vmem>> -> memref<128x128xf32, #tpu.memory_space<vmem>>
      %dma_wait3A_2218 = arith.constant 0 : i32
      %dma_wait3A_2219 = tpu.memref_slice %arg5[%dma_wait3A_2211, %dma_wait3A_2218] : memref<10x128xi32, #tpu.memory_space<vmem>> -> memref<1x128xi32, #tpu.memory_space<vmem>>
      %dma_wait3A_2220 = tpu.memref_squeeze %dma_wait3A_2219 : memref<1x128xi32, #tpu.memory_space<vmem>> -> memref<128xi32, #tpu.memory_space<vmem>>
      %dma_wait3A_2221 = arith.constant 0 : i32
      %dma_wait3A_2222 = arith.constant 0 : i32
      %dma_wait3A_2223 = tpu.memref_slice %arg2[%dma_wait3A_2221, %dma_wait3A_2222] : memref<100000x128xf32, #tpu.memory_space<hbm>> -> memref<100000x128xf32, #tpu.memory_space<hbm>>
      %dma_wait3A_2224 = tpu.memref_slice %arg8[%dma_wait3A_2213] : memref<5x!tpu.dma_semaphore, #tpu.memory_space<semaphore_mem>> -> memref<1x!tpu.dma_semaphore, #tpu.memory_space<semaphore_mem>>
      %dma_wait3A_2225 = tpu.memref_squeeze %dma_wait3A_2224 : memref<1x!tpu.dma_semaphore, #tpu.memory_space<semaphore_mem>> -> memref<!tpu.dma_semaphore, #tpu.memory_space<semaphore_mem>>
      tpu.wait_indirect_dma semaphore(%dma_wait3A_2225 : memref<!tpu.dma_semaphore, #tpu.memory_space<semaphore_mem>>) src(%dma_wait3A_2223 : memref<100000x128xf32, #tpu.memory_space<hbm>>) dst(%dma_wait3A_2217 : memref<128x128xf32, #tpu.memory_space<vmem>>)
      %mul3A_2226 = arith.constant 128 : i32
      %mul3A_2227 = arith.muli %sub3A_2210, %mul3A_2226 : i32
      %add3A_2228 = arith.addi %mul3A_2, %mul3A_2227 : i32
      %dma_start3A_2229 = arith.constant 4 : i32
      %dma_start3A_2230 = arith.constant 4 : i32
      %dma_start3A_2231 = arith.constant 0 : i32
      %dma_start3A_2232 = arith.constant 0 : i32
      %dma_start3A_2233 = tpu.memref_slice %arg6[%dma_start3A_2229, %dma_start3A_2231, %dma_start3A_2232] : memref<5x128x128xf32, #tpu.memory_space<vmem>> -> memref<1x128x128xf32, #tpu.memory_space<vmem>>
      %dma_start3A_2234 = tpu.memref_squeeze %dma_start3A_2233 : memref<1x128x128xf32, #tpu.memory_space<vmem>> -> memref<128x128xf32, #tpu.memory_space<vmem>>
      %dma_start3A_2235 = arith.constant 0 : i32
      %dma_start3A_2236 = tpu.memref_slice %arg4[%add3A_2228, %dma_start3A_2235] : memref<819200x128xf32, #tpu.memory_space<hbm>> -> memref<128x128xf32, #tpu.memory_space<hbm>>
      %dma_start3A_2237 = tpu.memref_slice %arg9[%dma_start3A_2230] : memref<5x!tpu.dma_semaphore, #tpu.memory_space<semaphore_mem>> -> memref<1x!tpu.dma_semaphore, #tpu.memory_space<semaphore_mem>>
      %dma_start3A_2238 = tpu.memref_squeeze %dma_start3A_2237 : memref<1x!tpu.dma_semaphore, #tpu.memory_space<semaphore_mem>> -> memref<!tpu.dma_semaphore, #tpu.memory_space<semaphore_mem>>
      %dma_start3A_2239 = arith.constant 0 : i32
      %dma_start3A_2240 = tpu.memref_slice %arg4[%add3A_2228, %dma_start3A_2239] : memref<819200x128xf32, #tpu.memory_space<hbm>> -> memref<128x128xf32, #tpu.memory_space<hbm>>
      %dma_start3A_2241 = arith.constant 0 : i32
      %dma_start3A_2242 = arith.constant 0 : i32
      %dma_start3A_2243 = tpu.memref_slice %arg6[%dma_start3A_2229, %dma_start3A_2241, %dma_start3A_2242] : memref<5x128x128xf32, #tpu.memory_space<vmem>> -> memref<1x128x128xf32, #tpu.memory_space<vmem>>
      %dma_start3A_2244 = tpu.memref_squeeze %dma_start3A_2243 : memref<1x128x128xf32, #tpu.memory_space<vmem>> -> memref<128x128xf32, #tpu.memory_space<vmem>>
      tpu.enqueue_dma source(%dma_start3A_2244 : memref<128x128xf32, #tpu.memory_space<vmem>>) target(%dma_start3A_2240 : memref<128x128xf32, #tpu.memory_space<hbm>>) target_semaphore(%dma_start3A_2238 : memref<!tpu.dma_semaphore, #tpu.memory_space<semaphore_mem>>)
      %add3A_2245 = arith.constant 10 : i32
      %add3A_2246 = arith.addi %sub3A_2210, %add3A_2245 : i32
      %mul3A_2247 = arith.constant 128 : i32
      %mul3A_2248 = arith.muli %add3A_2246, %mul3A_2247 : i32
      %add3A_2249 = arith.addi %mul3A_2, %mul3A_2248 : i32
      %dma_start3A_2250 = arith.constant 9 : i32
      %dma_start3A_2251 = arith.constant 9 : i32
      %dma_start3A_2252 = arith.constant 0 : i32
      %dma_start3A_2253 = tpu.memref_slice %arg5[%dma_start3A_2250, %dma_start3A_2252] : memref<10x128xi32, #tpu.memory_space<vmem>> -> memref<1x128xi32, #tpu.memory_space<vmem>>
      %dma_start3A_2254 = tpu.memref_squeeze %dma_start3A_2253 : memref<1x128xi32, #tpu.memory_space<vmem>> -> memref<128xi32, #tpu.memory_space<vmem>>
      %dma_start3A_2255 = tpu.memref_slice %arg3[%add3A_2249] : memref<819200xi32, #tpu.memory_space<hbm>> -> memref<128xi32, #tpu.memory_space<hbm>>
      %dma_start3A_2256 = tpu.memref_slice %arg7[%dma_start3A_2251] : memref<10x!tpu.dma_semaphore, #tpu.memory_space<semaphore_mem>> -> memref<1x!tpu.dma_semaphore, #tpu.memory_space<semaphore_mem>>
      %dma_start3A_2257 = tpu.memref_squeeze %dma_start3A_2256 : memref<1x!tpu.dma_semaphore, #tpu.memory_space<semaphore_mem>> -> memref<!tpu.dma_semaphore, #tpu.memory_space<semaphore_mem>>
      %dma_start3A_2258 = arith.constant 0 : i32
      %dma_start3A_2259 = tpu.memref_slice %arg5[%dma_start3A_2250, %dma_start3A_2258] : memref<10x128xi32, #tpu.memory_space<vmem>> -> memref<1x128xi32, #tpu.memory_space<vmem>>
      %dma_start3A_2260 = tpu.memref_squeeze %dma_start3A_2259 : memref<1x128xi32, #tpu.memory_space<vmem>> -> memref<128xi32, #tpu.memory_space<vmem>>
      %dma_start3A_2261 = tpu.memref_slice %arg3[%add3A_2249] : memref<819200xi32, #tpu.memory_space<hbm>> -> memref<128xi32, #tpu.memory_space<hbm>>
      tpu.enqueue_dma source(%dma_start3A_2261 : memref<128xi32, #tpu.memory_space<hbm>>) target(%dma_start3A_2260 : memref<128xi32, #tpu.memory_space<vmem>>) target_semaphore(%dma_start3A_2257 : memref<!tpu.dma_semaphore, #tpu.memory_space<semaphore_mem>>)
      %sub3A_2262 = arith.constant 5 : i32
      %sub3A_2263 = arith.subi %add3A_2208, %sub3A_2262 : i32
      %mul3A_2264 = arith.constant 128 : i32
      %mul3A_2265 = arith.muli %sub3A_2263, %mul3A_2264 : i32
      %add3A_2266 = arith.addi %mul3A_2, %mul3A_2265 : i32
      %dma_wait3A_2267 = arith.constant 3 : i32
      %dma_wait3A_2268 = arith.constant 3 : i32
      %dma_wait3A_2269 = arith.constant 0 : i32
      %dma_wait3A_2270 = arith.constant 0 : i32
      %dma_wait3A_2271 = tpu.memref_slice %arg6[%dma_wait3A_2267, %dma_wait3A_2269, %dma_wait3A_2270] : memref<5x128x128xf32, #tpu.memory_space<vmem>> -> memref<1x128x128xf32, #tpu.memory_space<vmem>>
      %dma_wait3A_2272 = tpu.memref_squeeze %dma_wait3A_2271 : memref<1x128x128xf32, #tpu.memory_space<vmem>> -> memref<128x128xf32, #tpu.memory_space<vmem>>
      %dma_wait3A_2273 = arith.constant 0 : i32
      %dma_wait3A_2274 = tpu.memref_slice %arg4[%add3A_2266, %dma_wait3A_2273] : memref<819200x128xf32, #tpu.memory_space<hbm>> -> memref<128x128xf32, #tpu.memory_space<hbm>>
      %dma_wait3A_2275 = tpu.memref_slice %arg9[%dma_wait3A_2268] : memref<5x!tpu.dma_semaphore, #tpu.memory_space<semaphore_mem>> -> memref<1x!tpu.dma_semaphore, #tpu.memory_space<semaphore_mem>>
      %dma_wait3A_2276 = tpu.memref_squeeze %dma_wait3A_2275 : memref<1x!tpu.dma_semaphore, #tpu.memory_space<semaphore_mem>> -> memref<!tpu.dma_semaphore, #tpu.memory_space<semaphore_mem>>
      %dma_wait3A_2277 = arith.constant 0 : i32
      %dma_wait3A_2278 = tpu.memref_slice %arg4[%add3A_2266, %dma_wait3A_2277] : memref<819200x128xf32, #tpu.memory_space<hbm>> -> memref<128x128xf32, #tpu.memory_space<hbm>>
      %dma_wait3A_2279 = arith.constant 0 : i32
      %dma_wait3A_2280 = arith.constant 0 : i32
      %dma_wait3A_2281 = tpu.memref_slice %arg6[%dma_wait3A_2267, %dma_wait3A_2279, %dma_wait3A_2280] : memref<5x128x128xf32, #tpu.memory_space<vmem>> -> memref<1x128x128xf32, #tpu.memory_space<vmem>>
      %dma_wait3A_2282 = tpu.memref_squeeze %dma_wait3A_2281 : memref<1x128x128xf32, #tpu.memory_space<vmem>> -> memref<128x128xf32, #tpu.memory_space<vmem>>
      tpu.wait_dma2 semaphore(%dma_wait3A_2276 : memref<!tpu.dma_semaphore, #tpu.memory_space<semaphore_mem>>) src(%dma_wait3A_2282 : memref<128x128xf32, #tpu.memory_space<vmem>>) dst(%dma_wait3A_2278 : memref<128x128xf32, #tpu.memory_space<hbm>>)
      %mul3A_2283 = arith.constant 128 : i32
      %mul3A_2284 = arith.muli %add3A_2208, %mul3A_2283 : i32
      %add3A_2285 = arith.addi %mul3A_2, %mul3A_2284 : i32
      %dma_wait3A_2286 = arith.constant 3 : i32
      %dma_wait3A_2287 = arith.constant 3 : i32
      %dma_wait3A_2288 = arith.constant 0 : i32
      %dma_wait3A_2289 = tpu.memref_slice %arg5[%dma_wait3A_2286, %dma_wait3A_2288] : memref<10x128xi32, #tpu.memory_space<vmem>> -> memref<1x128xi32, #tpu.memory_space<vmem>>
      %dma_wait3A_2290 = tpu.memref_squeeze %dma_wait3A_2289 : memref<1x128xi32, #tpu.memory_space<vmem>> -> memref<128xi32, #tpu.memory_space<vmem>>
      %dma_wait3A_2291 = tpu.memref_slice %arg3[%add3A_2285] : memref<819200xi32, #tpu.memory_space<hbm>> -> memref<128xi32, #tpu.memory_space<hbm>>
      %dma_wait3A_2292 = tpu.memref_slice %arg7[%dma_wait3A_2287] : memref<10x!tpu.dma_semaphore, #tpu.memory_space<semaphore_mem>> -> memref<1x!tpu.dma_semaphore, #tpu.memory_space<semaphore_mem>>
      %dma_wait3A_2293 = tpu.memref_squeeze %dma_wait3A_2292 : memref<1x!tpu.dma_semaphore, #tpu.memory_space<semaphore_mem>> -> memref<!tpu.dma_semaphore, #tpu.memory_space<semaphore_mem>>
      %dma_wait3A_2294 = arith.constant 0 : i32
      %dma_wait3A_2295 = tpu.memref_slice %arg5[%dma_wait3A_2286, %dma_wait3A_2294] : memref<10x128xi32, #tpu.memory_space<vmem>> -> memref<1x128xi32, #tpu.memory_space<vmem>>
      %dma_wait3A_2296 = tpu.memref_squeeze %dma_wait3A_2295 : memref<1x128xi32, #tpu.memory_space<vmem>> -> memref<128xi32, #tpu.memory_space<vmem>>
      %dma_wait3A_2297 = tpu.memref_slice %arg3[%add3A_2285] : memref<819200xi32, #tpu.memory_space<hbm>> -> memref<128xi32, #tpu.memory_space<hbm>>
      tpu.wait_dma2 semaphore(%dma_wait3A_2293 : memref<!tpu.dma_semaphore, #tpu.memory_space<semaphore_mem>>) src(%dma_wait3A_2297 : memref<128xi32, #tpu.memory_space<hbm>>) dst(%dma_wait3A_2296 : memref<128xi32, #tpu.memory_space<vmem>>)
      %dma_start3A_2298 = arith.constant 3 : i32
      %dma_start3A_2299 = arith.constant 3 : i32
      %dma_start3A_2300 = arith.constant 3 : i32
      %dma_start3A_2301 = arith.constant 0 : i32
      %dma_start3A_2302 = arith.constant 0 : i32
      %dma_start3A_2303 = tpu.memref_slice %arg6[%dma_start3A_2299, %dma_start3A_2301, %dma_start3A_2302] : memref<5x128x128xf32, #tpu.memory_space<vmem>> -> memref<1x128x128xf32, #tpu.memory_space<vmem>>
      %dma_start3A_2304 = tpu.memref_squeeze %dma_start3A_2303 : memref<1x128x128xf32, #tpu.memory_space<vmem>> -> memref<128x128xf32, #tpu.memory_space<vmem>>
      %dma_start3A_2305 = arith.constant 0 : i32
      %dma_start3A_2306 = tpu.memref_slice %arg5[%dma_start3A_2298, %dma_start3A_2305] : memref<10x128xi32, #tpu.memory_space<vmem>> -> memref<1x128xi32, #tpu.memory_space<vmem>>
      %dma_start3A_2307 = tpu.memref_squeeze %dma_start3A_2306 : memref<1x128xi32, #tpu.memory_space<vmem>> -> memref<128xi32, #tpu.memory_space<vmem>>
      %dma_start3A_2308 = arith.constant 0 : i32
      %dma_start3A_2309 = arith.constant 0 : i32
      %dma_start3A_2310 = tpu.memref_slice %arg2[%dma_start3A_2308, %dma_start3A_2309] : memref<100000x128xf32, #tpu.memory_space<hbm>> -> memref<100000x128xf32, #tpu.memory_space<hbm>>
      %dma_start3A_2311 = tpu.memref_slice %arg8[%dma_start3A_2300] : memref<5x!tpu.dma_semaphore, #tpu.memory_space<semaphore_mem>> -> memref<1x!tpu.dma_semaphore, #tpu.memory_space<semaphore_mem>>
      %dma_start3A_2312 = tpu.memref_squeeze %dma_start3A_2311 : memref<1x!tpu.dma_semaphore, #tpu.memory_space<semaphore_mem>> -> memref<!tpu.dma_semaphore, #tpu.memory_space<semaphore_mem>>
      tpu.enqueue_indirect_dma source(%dma_start3A_2310 : memref<100000x128xf32, #tpu.memory_space<hbm>>) target(%dma_start3A_2304 : memref<128x128xf32, #tpu.memory_space<vmem>>) offsets(%dma_start3A_2307 : memref<128xi32, #tpu.memory_space<vmem>>) semaphore(%dma_start3A_2312 : memref<!tpu.dma_semaphore, #tpu.memory_space<semaphore_mem>>)
      %add3A_2313 = arith.constant 4 : i32
      %add3A_2314 = arith.addi %add3A_1889, %add3A_2313 : i32
      %sub3A_2315 = arith.constant 4 : i32
      %sub3A_2316 = arith.subi %add3A_2314, %sub3A_2315 : i32
      %dma_wait3A_2317 = arith.constant 0 : i32
      %dma_wait3A_2318 = arith.constant 0 : i32
      %dma_wait3A_2319 = arith.constant 0 : i32
      %dma_wait3A_2320 = arith.constant 0 : i32
      %dma_wait3A_2321 = arith.constant 0 : i32
      %dma_wait3A_2322 = tpu.memref_slice %arg6[%dma_wait3A_2318, %dma_wait3A_2320, %dma_wait3A_2321] : memref<5x128x128xf32, #tpu.memory_space<vmem>> -> memref<1x128x128xf32, #tpu.memory_space<vmem>>
      %dma_wait3A_2323 = tpu.memref_squeeze %dma_wait3A_2322 : memref<1x128x128xf32, #tpu.memory_space<vmem>> -> memref<128x128xf32, #tpu.memory_space<vmem>>
      %dma_wait3A_2324 = arith.constant 0 : i32
      %dma_wait3A_2325 = tpu.memref_slice %arg5[%dma_wait3A_2317, %dma_wait3A_2324] : memref<10x128xi32, #tpu.memory_space<vmem>> -> memref<1x128xi32, #tpu.memory_space<vmem>>
      %dma_wait3A_2326 = tpu.memref_squeeze %dma_wait3A_2325 : memref<1x128xi32, #tpu.memory_space<vmem>> -> memref<128xi32, #tpu.memory_space<vmem>>
      %dma_wait3A_2327 = arith.constant 0 : i32
      %dma_wait3A_2328 = arith.constant 0 : i32
      %dma_wait3A_2329 = tpu.memref_slice %arg2[%dma_wait3A_2327, %dma_wait3A_2328] : memref<100000x128xf32, #tpu.memory_space<hbm>> -> memref<100000x128xf32, #tpu.memory_space<hbm>>
      %dma_wait3A_2330 = tpu.memref_slice %arg8[%dma_wait3A_2319] : memref<5x!tpu.dma_semaphore, #tpu.memory_space<semaphore_mem>> -> memref<1x!tpu.dma_semaphore, #tpu.memory_space<semaphore_mem>>
      %dma_wait3A_2331 = tpu.memref_squeeze %dma_wait3A_2330 : memref<1x!tpu.dma_semaphore, #tpu.memory_space<semaphore_mem>> -> memref<!tpu.dma_semaphore, #tpu.memory_space<semaphore_mem>>
      tpu.wait_indirect_dma semaphore(%dma_wait3A_2331 : memref<!tpu.dma_semaphore, #tpu.memory_space<semaphore_mem>>) src(%dma_wait3A_2329 : memref<100000x128xf32, #tpu.memory_space<hbm>>) dst(%dma_wait3A_2323 : memref<128x128xf32, #tpu.memory_space<vmem>>)
      %mul3A_2332 = arith.constant 128 : i32
      %mul3A_2333 = arith.muli %sub3A_2316, %mul3A_2332 : i32
      %add3A_2334 = arith.addi %mul3A_2, %mul3A_2333 : i32
      %dma_start3A_2335 = arith.constant 0 : i32
      %dma_start3A_2336 = arith.constant 0 : i32
      %dma_start3A_2337 = arith.constant 0 : i32
      %dma_start3A_2338 = arith.constant 0 : i32
      %dma_start3A_2339 = tpu.memref_slice %arg6[%dma_start3A_2335, %dma_start3A_2337, %dma_start3A_2338] : memref<5x128x128xf32, #tpu.memory_space<vmem>> -> memref<1x128x128xf32, #tpu.memory_space<vmem>>
      %dma_start3A_2340 = tpu.memref_squeeze %dma_start3A_2339 : memref<1x128x128xf32, #tpu.memory_space<vmem>> -> memref<128x128xf32, #tpu.memory_space<vmem>>
      %dma_start3A_2341 = arith.constant 0 : i32
      %dma_start3A_2342 = tpu.memref_slice %arg4[%add3A_2334, %dma_start3A_2341] : memref<819200x128xf32, #tpu.memory_space<hbm>> -> memref<128x128xf32, #tpu.memory_space<hbm>>
      %dma_start3A_2343 = tpu.memref_slice %arg9[%dma_start3A_2336] : memref<5x!tpu.dma_semaphore, #tpu.memory_space<semaphore_mem>> -> memref<1x!tpu.dma_semaphore, #tpu.memory_space<semaphore_mem>>
      %dma_start3A_2344 = tpu.memref_squeeze %dma_start3A_2343 : memref<1x!tpu.dma_semaphore, #tpu.memory_space<semaphore_mem>> -> memref<!tpu.dma_semaphore, #tpu.memory_space<semaphore_mem>>
      %dma_start3A_2345 = arith.constant 0 : i32
      %dma_start3A_2346 = tpu.memref_slice %arg4[%add3A_2334, %dma_start3A_2345] : memref<819200x128xf32, #tpu.memory_space<hbm>> -> memref<128x128xf32, #tpu.memory_space<hbm>>
      %dma_start3A_2347 = arith.constant 0 : i32
      %dma_start3A_2348 = arith.constant 0 : i32
      %dma_start3A_2349 = tpu.memref_slice %arg6[%dma_start3A_2335, %dma_start3A_2347, %dma_start3A_2348] : memref<5x128x128xf32, #tpu.memory_space<vmem>> -> memref<1x128x128xf32, #tpu.memory_space<vmem>>
      %dma_start3A_2350 = tpu.memref_squeeze %dma_start3A_2349 : memref<1x128x128xf32, #tpu.memory_space<vmem>> -> memref<128x128xf32, #tpu.memory_space<vmem>>
      tpu.enqueue_dma source(%dma_start3A_2350 : memref<128x128xf32, #tpu.memory_space<vmem>>) target(%dma_start3A_2346 : memref<128x128xf32, #tpu.memory_space<hbm>>) target_semaphore(%dma_start3A_2344 : memref<!tpu.dma_semaphore, #tpu.memory_space<semaphore_mem>>)
      %add3A_2351 = arith.constant 10 : i32
      %add3A_2352 = arith.addi %sub3A_2316, %add3A_2351 : i32
      %mul3A_2353 = arith.constant 128 : i32
      %mul3A_2354 = arith.muli %add3A_2352, %mul3A_2353 : i32
      %add3A_2355 = arith.addi %mul3A_2, %mul3A_2354 : i32
      %dma_start3A_2356 = arith.constant 0 : i32
      %dma_start3A_2357 = arith.constant 0 : i32
      %dma_start3A_2358 = arith.constant 0 : i32
      %dma_start3A_2359 = tpu.memref_slice %arg5[%dma_start3A_2356, %dma_start3A_2358] : memref<10x128xi32, #tpu.memory_space<vmem>> -> memref<1x128xi32, #tpu.memory_space<vmem>>
      %dma_start3A_2360 = tpu.memref_squeeze %dma_start3A_2359 : memref<1x128xi32, #tpu.memory_space<vmem>> -> memref<128xi32, #tpu.memory_space<vmem>>
      %dma_start3A_2361 = tpu.memref_slice %arg3[%add3A_2355] : memref<819200xi32, #tpu.memory_space<hbm>> -> memref<128xi32, #tpu.memory_space<hbm>>
      %dma_start3A_2362 = tpu.memref_slice %arg7[%dma_start3A_2357] : memref<10x!tpu.dma_semaphore, #tpu.memory_space<semaphore_mem>> -> memref<1x!tpu.dma_semaphore, #tpu.memory_space<semaphore_mem>>
      %dma_start3A_2363 = tpu.memref_squeeze %dma_start3A_2362 : memref<1x!tpu.dma_semaphore, #tpu.memory_space<semaphore_mem>> -> memref<!tpu.dma_semaphore, #tpu.memory_space<semaphore_mem>>
      %dma_start3A_2364 = arith.constant 0 : i32
      %dma_start3A_2365 = tpu.memref_slice %arg5[%dma_start3A_2356, %dma_start3A_2364] : memref<10x128xi32, #tpu.memory_space<vmem>> -> memref<1x128xi32, #tpu.memory_space<vmem>>
      %dma_start3A_2366 = tpu.memref_squeeze %dma_start3A_2365 : memref<1x128xi32, #tpu.memory_space<vmem>> -> memref<128xi32, #tpu.memory_space<vmem>>
      %dma_start3A_2367 = tpu.memref_slice %arg3[%add3A_2355] : memref<819200xi32, #tpu.memory_space<hbm>> -> memref<128xi32, #tpu.memory_space<hbm>>
      tpu.enqueue_dma source(%dma_start3A_2367 : memref<128xi32, #tpu.memory_space<hbm>>) target(%dma_start3A_2366 : memref<128xi32, #tpu.memory_space<vmem>>) target_semaphore(%dma_start3A_2363 : memref<!tpu.dma_semaphore, #tpu.memory_space<semaphore_mem>>)
      %sub3A_2368 = arith.constant 5 : i32
      %sub3A_2369 = arith.subi %add3A_2314, %sub3A_2368 : i32
      %mul3A_2370 = arith.constant 128 : i32
      %mul3A_2371 = arith.muli %sub3A_2369, %mul3A_2370 : i32
      %add3A_2372 = arith.addi %mul3A_2, %mul3A_2371 : i32
      %dma_wait3A_2373 = arith.constant 4 : i32
      %dma_wait3A_2374 = arith.constant 4 : i32
      %dma_wait3A_2375 = arith.constant 0 : i32
      %dma_wait3A_2376 = arith.constant 0 : i32
      %dma_wait3A_2377 = tpu.memref_slice %arg6[%dma_wait3A_2373, %dma_wait3A_2375, %dma_wait3A_2376] : memref<5x128x128xf32, #tpu.memory_space<vmem>> -> memref<1x128x128xf32, #tpu.memory_space<vmem>>
      %dma_wait3A_2378 = tpu.memref_squeeze %dma_wait3A_2377 : memref<1x128x128xf32, #tpu.memory_space<vmem>> -> memref<128x128xf32, #tpu.memory_space<vmem>>
      %dma_wait3A_2379 = arith.constant 0 : i32
      %dma_wait3A_2380 = tpu.memref_slice %arg4[%add3A_2372, %dma_wait3A_2379] : memref<819200x128xf32, #tpu.memory_space<hbm>> -> memref<128x128xf32, #tpu.memory_space<hbm>>
      %dma_wait3A_2381 = tpu.memref_slice %arg9[%dma_wait3A_2374] : memref<5x!tpu.dma_semaphore, #tpu.memory_space<semaphore_mem>> -> memref<1x!tpu.dma_semaphore, #tpu.memory_space<semaphore_mem>>
      %dma_wait3A_2382 = tpu.memref_squeeze %dma_wait3A_2381 : memref<1x!tpu.dma_semaphore, #tpu.memory_space<semaphore_mem>> -> memref<!tpu.dma_semaphore, #tpu.memory_space<semaphore_mem>>
      %dma_wait3A_2383 = arith.constant 0 : i32
      %dma_wait3A_2384 = tpu.memref_slice %arg4[%add3A_2372, %dma_wait3A_2383] : memref<819200x128xf32, #tpu.memory_space<hbm>> -> memref<128x128xf32, #tpu.memory_space<hbm>>
      %dma_wait3A_2385 = arith.constant 0 : i32
      %dma_wait3A_2386 = arith.constant 0 : i32
      %dma_wait3A_2387 = tpu.memref_slice %arg6[%dma_wait3A_2373, %dma_wait3A_2385, %dma_wait3A_2386] : memref<5x128x128xf32, #tpu.memory_space<vmem>> -> memref<1x128x128xf32, #tpu.memory_space<vmem>>
      %dma_wait3A_2388 = tpu.memref_squeeze %dma_wait3A_2387 : memref<1x128x128xf32, #tpu.memory_space<vmem>> -> memref<128x128xf32, #tpu.memory_space<vmem>>
      tpu.wait_dma2 semaphore(%dma_wait3A_2382 : memref<!tpu.dma_semaphore, #tpu.memory_space<semaphore_mem>>) src(%dma_wait3A_2388 : memref<128x128xf32, #tpu.memory_space<vmem>>) dst(%dma_wait3A_2384 : memref<128x128xf32, #tpu.memory_space<hbm>>)
      %mul3A_2389 = arith.constant 128 : i32
      %mul3A_2390 = arith.muli %add3A_2314, %mul3A_2389 : i32
      %add3A_2391 = arith.addi %mul3A_2, %mul3A_2390 : i32
      %dma_wait3A_2392 = arith.constant 4 : i32
      %dma_wait3A_2393 = arith.constant 4 : i32
      %dma_wait3A_2394 = arith.constant 0 : i32
      %dma_wait3A_2395 = tpu.memref_slice %arg5[%dma_wait3A_2392, %dma_wait3A_2394] : memref<10x128xi32, #tpu.memory_space<vmem>> -> memref<1x128xi32, #tpu.memory_space<vmem>>
      %dma_wait3A_2396 = tpu.memref_squeeze %dma_wait3A_2395 : memref<1x128xi32, #tpu.memory_space<vmem>> -> memref<128xi32, #tpu.memory_space<vmem>>
      %dma_wait3A_2397 = tpu.memref_slice %arg3[%add3A_2391] : memref<819200xi32, #tpu.memory_space<hbm>> -> memref<128xi32, #tpu.memory_space<hbm>>
      %dma_wait3A_2398 = tpu.memref_slice %arg7[%dma_wait3A_2393] : memref<10x!tpu.dma_semaphore, #tpu.memory_space<semaphore_mem>> -> memref<1x!tpu.dma_semaphore, #tpu.memory_space<semaphore_mem>>
      %dma_wait3A_2399 = tpu.memref_squeeze %dma_wait3A_2398 : memref<1x!tpu.dma_semaphore, #tpu.memory_space<semaphore_mem>> -> memref<!tpu.dma_semaphore, #tpu.memory_space<semaphore_mem>>
      %dma_wait3A_2400 = arith.constant 0 : i32
      %dma_wait3A_2401 = tpu.memref_slice %arg5[%dma_wait3A_2392, %dma_wait3A_2400] : memref<10x128xi32, #tpu.memory_space<vmem>> -> memref<1x128xi32, #tpu.memory_space<vmem>>
      %dma_wait3A_2402 = tpu.memref_squeeze %dma_wait3A_2401 : memref<1x128xi32, #tpu.memory_space<vmem>> -> memref<128xi32, #tpu.memory_space<vmem>>
      %dma_wait3A_2403 = tpu.memref_slice %arg3[%add3A_2391] : memref<819200xi32, #tpu.memory_space<hbm>> -> memref<128xi32, #tpu.memory_space<hbm>>
      tpu.wait_dma2 semaphore(%dma_wait3A_2399 : memref<!tpu.dma_semaphore, #tpu.memory_space<semaphore_mem>>) src(%dma_wait3A_2403 : memref<128xi32, #tpu.memory_space<hbm>>) dst(%dma_wait3A_2402 : memref<128xi32, #tpu.memory_space<vmem>>)
      %dma_start3A_2404 = arith.constant 4 : i32
      %dma_start3A_2405 = arith.constant 4 : i32
      %dma_start3A_2406 = arith.constant 4 : i32
      %dma_start3A_2407 = arith.constant 0 : i32
      %dma_start3A_2408 = arith.constant 0 : i32
      %dma_start3A_2409 = tpu.memref_slice %arg6[%dma_start3A_2405, %dma_start3A_2407, %dma_start3A_2408] : memref<5x128x128xf32, #tpu.memory_space<vmem>> -> memref<1x128x128xf32, #tpu.memory_space<vmem>>
      %dma_start3A_2410 = tpu.memref_squeeze %dma_start3A_2409 : memref<1x128x128xf32, #tpu.memory_space<vmem>> -> memref<128x128xf32, #tpu.memory_space<vmem>>
      %dma_start3A_2411 = arith.constant 0 : i32
      %dma_start3A_2412 = tpu.memref_slice %arg5[%dma_start3A_2404, %dma_start3A_2411] : memref<10x128xi32, #tpu.memory_space<vmem>> -> memref<1x128xi32, #tpu.memory_space<vmem>>
      %dma_start3A_2413 = tpu.memref_squeeze %dma_start3A_2412 : memref<1x128xi32, #tpu.memory_space<vmem>> -> memref<128xi32, #tpu.memory_space<vmem>>
      %dma_start3A_2414 = arith.constant 0 : i32
      %dma_start3A_2415 = arith.constant 0 : i32
      %dma_start3A_2416 = tpu.memref_slice %arg2[%dma_start3A_2414, %dma_start3A_2415] : memref<100000x128xf32, #tpu.memory_space<hbm>> -> memref<100000x128xf32, #tpu.memory_space<hbm>>
      %dma_start3A_2417 = tpu.memref_slice %arg8[%dma_start3A_2406] : memref<5x!tpu.dma_semaphore, #tpu.memory_space<semaphore_mem>> -> memref<1x!tpu.dma_semaphore, #tpu.memory_space<semaphore_mem>>
      %dma_start3A_2418 = tpu.memref_squeeze %dma_start3A_2417 : memref<1x!tpu.dma_semaphore, #tpu.memory_space<semaphore_mem>> -> memref<!tpu.dma_semaphore, #tpu.memory_space<semaphore_mem>>
      tpu.enqueue_indirect_dma source(%dma_start3A_2416 : memref<100000x128xf32, #tpu.memory_space<hbm>>) target(%dma_start3A_2410 : memref<128x128xf32, #tpu.memory_space<vmem>>) offsets(%dma_start3A_2413 : memref<128xi32, #tpu.memory_space<vmem>>) semaphore(%dma_start3A_2418 : memref<!tpu.dma_semaphore, #tpu.memory_space<semaphore_mem>>)
      %add3A_2419 = arith.constant 5 : i32
      %add3A_2420 = arith.addi %add3A_1889, %add3A_2419 : i32
      %sub3A_2421 = arith.constant 4 : i32
      %sub3A_2422 = arith.subi %add3A_2420, %sub3A_2421 : i32
      %dma_wait3A_2423 = arith.constant 1 : i32
      %dma_wait3A_2424 = arith.constant 1 : i32
      %dma_wait3A_2425 = arith.constant 1 : i32
      %dma_wait3A_2426 = arith.constant 0 : i32
      %dma_wait3A_2427 = arith.constant 0 : i32
      %dma_wait3A_2428 = tpu.memref_slice %arg6[%dma_wait3A_2424, %dma_wait3A_2426, %dma_wait3A_2427] : memref<5x128x128xf32, #tpu.memory_space<vmem>> -> memref<1x128x128xf32, #tpu.memory_space<vmem>>
      %dma_wait3A_2429 = tpu.memref_squeeze %dma_wait3A_2428 : memref<1x128x128xf32, #tpu.memory_space<vmem>> -> memref<128x128xf32, #tpu.memory_space<vmem>>
      %dma_wait3A_2430 = arith.constant 0 : i32
      %dma_wait3A_2431 = tpu.memref_slice %arg5[%dma_wait3A_2423, %dma_wait3A_2430] : memref<10x128xi32, #tpu.memory_space<vmem>> -> memref<1x128xi32, #tpu.memory_space<vmem>>
      %dma_wait3A_2432 = tpu.memref_squeeze %dma_wait3A_2431 : memref<1x128xi32, #tpu.memory_space<vmem>> -> memref<128xi32, #tpu.memory_space<vmem>>
      %dma_wait3A_2433 = arith.constant 0 : i32
      %dma_wait3A_2434 = arith.constant 0 : i32
      %dma_wait3A_2435 = tpu.memref_slice %arg2[%dma_wait3A_2433, %dma_wait3A_2434] : memref<100000x128xf32, #tpu.memory_space<hbm>> -> memref<100000x128xf32, #tpu.memory_space<hbm>>
      %dma_wait3A_2436 = tpu.memref_slice %arg8[%dma_wait3A_2425] : memref<5x!tpu.dma_semaphore, #tpu.memory_space<semaphore_mem>> -> memref<1x!tpu.dma_semaphore, #tpu.memory_space<semaphore_mem>>
      %dma_wait3A_2437 = tpu.memref_squeeze %dma_wait3A_2436 : memref<1x!tpu.dma_semaphore, #tpu.memory_space<semaphore_mem>> -> memref<!tpu.dma_semaphore, #tpu.memory_space<semaphore_mem>>
      tpu.wait_indirect_dma semaphore(%dma_wait3A_2437 : memref<!tpu.dma_semaphore, #tpu.memory_space<semaphore_mem>>) src(%dma_wait3A_2435 : memref<100000x128xf32, #tpu.memory_space<hbm>>) dst(%dma_wait3A_2429 : memref<128x128xf32, #tpu.memory_space<vmem>>)
      %mul3A_2438 = arith.constant 128 : i32
      %mul3A_2439 = arith.muli %sub3A_2422, %mul3A_2438 : i32
      %add3A_2440 = arith.addi %mul3A_2, %mul3A_2439 : i32
      %dma_start3A_2441 = arith.constant 1 : i32
      %dma_start3A_2442 = arith.constant 1 : i32
      %dma_start3A_2443 = arith.constant 0 : i32
      %dma_start3A_2444 = arith.constant 0 : i32
      %dma_start3A_2445 = tpu.memref_slice %arg6[%dma_start3A_2441, %dma_start3A_2443, %dma_start3A_2444] : memref<5x128x128xf32, #tpu.memory_space<vmem>> -> memref<1x128x128xf32, #tpu.memory_space<vmem>>
      %dma_start3A_2446 = tpu.memref_squeeze %dma_start3A_2445 : memref<1x128x128xf32, #tpu.memory_space<vmem>> -> memref<128x128xf32, #tpu.memory_space<vmem>>
      %dma_start3A_2447 = arith.constant 0 : i32
      %dma_start3A_2448 = tpu.memref_slice %arg4[%add3A_2440, %dma_start3A_2447] : memref<819200x128xf32, #tpu.memory_space<hbm>> -> memref<128x128xf32, #tpu.memory_space<hbm>>
      %dma_start3A_2449 = tpu.memref_slice %arg9[%dma_start3A_2442] : memref<5x!tpu.dma_semaphore, #tpu.memory_space<semaphore_mem>> -> memref<1x!tpu.dma_semaphore, #tpu.memory_space<semaphore_mem>>
      %dma_start3A_2450 = tpu.memref_squeeze %dma_start3A_2449 : memref<1x!tpu.dma_semaphore, #tpu.memory_space<semaphore_mem>> -> memref<!tpu.dma_semaphore, #tpu.memory_space<semaphore_mem>>
      %dma_start3A_2451 = arith.constant 0 : i32
      %dma_start3A_2452 = tpu.memref_slice %arg4[%add3A_2440, %dma_start3A_2451] : memref<819200x128xf32, #tpu.memory_space<hbm>> -> memref<128x128xf32, #tpu.memory_space<hbm>>
      %dma_start3A_2453 = arith.constant 0 : i32
      %dma_start3A_2454 = arith.constant 0 : i32
      %dma_start3A_2455 = tpu.memref_slice %arg6[%dma_start3A_2441, %dma_start3A_2453, %dma_start3A_2454] : memref<5x128x128xf32, #tpu.memory_space<vmem>> -> memref<1x128x128xf32, #tpu.memory_space<vmem>>
      %dma_start3A_2456 = tpu.memref_squeeze %dma_start3A_2455 : memref<1x128x128xf32, #tpu.memory_space<vmem>> -> memref<128x128xf32, #tpu.memory_space<vmem>>
      tpu.enqueue_dma source(%dma_start3A_2456 : memref<128x128xf32, #tpu.memory_space<vmem>>) target(%dma_start3A_2452 : memref<128x128xf32, #tpu.memory_space<hbm>>) target_semaphore(%dma_start3A_2450 : memref<!tpu.dma_semaphore, #tpu.memory_space<semaphore_mem>>)
      %add3A_2457 = arith.constant 10 : i32
      %add3A_2458 = arith.addi %sub3A_2422, %add3A_2457 : i32
      %mul3A_2459 = arith.constant 128 : i32
      %mul3A_2460 = arith.muli %add3A_2458, %mul3A_2459 : i32
      %add3A_2461 = arith.addi %mul3A_2, %mul3A_2460 : i32
      %dma_start3A_2462 = arith.constant 1 : i32
      %dma_start3A_2463 = arith.constant 1 : i32
      %dma_start3A_2464 = arith.constant 0 : i32
      %dma_start3A_2465 = tpu.memref_slice %arg5[%dma_start3A_2462, %dma_start3A_2464] : memref<10x128xi32, #tpu.memory_space<vmem>> -> memref<1x128xi32, #tpu.memory_space<vmem>>
      %dma_start3A_2466 = tpu.memref_squeeze %dma_start3A_2465 : memref<1x128xi32, #tpu.memory_space<vmem>> -> memref<128xi32, #tpu.memory_space<vmem>>
      %dma_start3A_2467 = tpu.memref_slice %arg3[%add3A_2461] : memref<819200xi32, #tpu.memory_space<hbm>> -> memref<128xi32, #tpu.memory_space<hbm>>
      %dma_start3A_2468 = tpu.memref_slice %arg7[%dma_start3A_2463] : memref<10x!tpu.dma_semaphore, #tpu.memory_space<semaphore_mem>> -> memref<1x!tpu.dma_semaphore, #tpu.memory_space<semaphore_mem>>
      %dma_start3A_2469 = tpu.memref_squeeze %dma_start3A_2468 : memref<1x!tpu.dma_semaphore, #tpu.memory_space<semaphore_mem>> -> memref<!tpu.dma_semaphore, #tpu.memory_space<semaphore_mem>>
      %dma_start3A_2470 = arith.constant 0 : i32
      %dma_start3A_2471 = tpu.memref_slice %arg5[%dma_start3A_2462, %dma_start3A_2470] : memref<10x128xi32, #tpu.memory_space<vmem>> -> memref<1x128xi32, #tpu.memory_space<vmem>>
      %dma_start3A_2472 = tpu.memref_squeeze %dma_start3A_2471 : memref<1x128xi32, #tpu.memory_space<vmem>> -> memref<128xi32, #tpu.memory_space<vmem>>
      %dma_start3A_2473 = tpu.memref_slice %arg3[%add3A_2461] : memref<819200xi32, #tpu.memory_space<hbm>> -> memref<128xi32, #tpu.memory_space<hbm>>
      tpu.enqueue_dma source(%dma_start3A_2473 : memref<128xi32, #tpu.memory_space<hbm>>) target(%dma_start3A_2472 : memref<128xi32, #tpu.memory_space<vmem>>) target_semaphore(%dma_start3A_2469 : memref<!tpu.dma_semaphore, #tpu.memory_space<semaphore_mem>>)
      %sub3A_2474 = arith.constant 5 : i32
      %sub3A_2475 = arith.subi %add3A_2420, %sub3A_2474 : i32
      %mul3A_2476 = arith.constant 128 : i32
      %mul3A_2477 = arith.muli %sub3A_2475, %mul3A_2476 : i32
      %add3A_2478 = arith.addi %mul3A_2, %mul3A_2477 : i32
      %dma_wait3A_2479 = arith.constant 0 : i32
      %dma_wait3A_2480 = arith.constant 0 : i32
      %dma_wait3A_2481 = arith.constant 0 : i32
      %dma_wait3A_2482 = arith.constant 0 : i32
      %dma_wait3A_2483 = tpu.memref_slice %arg6[%dma_wait3A_2479, %dma_wait3A_2481, %dma_wait3A_2482] : memref<5x128x128xf32, #tpu.memory_space<vmem>> -> memref<1x128x128xf32, #tpu.memory_space<vmem>>
      %dma_wait3A_2484 = tpu.memref_squeeze %dma_wait3A_2483 : memref<1x128x128xf32, #tpu.memory_space<vmem>> -> memref<128x128xf32, #tpu.memory_space<vmem>>
      %dma_wait3A_2485 = arith.constant 0 : i32
      %dma_wait3A_2486 = tpu.memref_slice %arg4[%add3A_2478, %dma_wait3A_2485] : memref<819200x128xf32, #tpu.memory_space<hbm>> -> memref<128x128xf32, #tpu.memory_space<hbm>>
      %dma_wait3A_2487 = tpu.memref_slice %arg9[%dma_wait3A_2480] : memref<5x!tpu.dma_semaphore, #tpu.memory_space<semaphore_mem>> -> memref<1x!tpu.dma_semaphore, #tpu.memory_space<semaphore_mem>>
      %dma_wait3A_2488 = tpu.memref_squeeze %dma_wait3A_2487 : memref<1x!tpu.dma_semaphore, #tpu.memory_space<semaphore_mem>> -> memref<!tpu.dma_semaphore, #tpu.memory_space<semaphore_mem>>
      %dma_wait3A_2489 = arith.constant 0 : i32
      %dma_wait3A_2490 = tpu.memref_slice %arg4[%add3A_2478, %dma_wait3A_2489] : memref<819200x128xf32, #tpu.memory_space<hbm>> -> memref<128x128xf32, #tpu.memory_space<hbm>>
      %dma_wait3A_2491 = arith.constant 0 : i32
      %dma_wait3A_2492 = arith.constant 0 : i32
      %dma_wait3A_2493 = tpu.memref_slice %arg6[%dma_wait3A_2479, %dma_wait3A_2491, %dma_wait3A_2492] : memref<5x128x128xf32, #tpu.memory_space<vmem>> -> memref<1x128x128xf32, #tpu.memory_space<vmem>>
      %dma_wait3A_2494 = tpu.memref_squeeze %dma_wait3A_2493 : memref<1x128x128xf32, #tpu.memory_space<vmem>> -> memref<128x128xf32, #tpu.memory_space<vmem>>
      tpu.wait_dma2 semaphore(%dma_wait3A_2488 : memref<!tpu.dma_semaphore, #tpu.memory_space<semaphore_mem>>) src(%dma_wait3A_2494 : memref<128x128xf32, #tpu.memory_space<vmem>>) dst(%dma_wait3A_2490 : memref<128x128xf32, #tpu.memory_space<hbm>>)
      %mul3A_2495 = arith.constant 128 : i32
      %mul3A_2496 = arith.muli %add3A_2420, %mul3A_2495 : i32
      %add3A_2497 = arith.addi %mul3A_2, %mul3A_2496 : i32
      %dma_wait3A_2498 = arith.constant 5 : i32
      %dma_wait3A_2499 = arith.constant 5 : i32
      %dma_wait3A_2500 = arith.constant 0 : i32
      %dma_wait3A_2501 = tpu.memref_slice %arg5[%dma_wait3A_2498, %dma_wait3A_2500] : memref<10x128xi32, #tpu.memory_space<vmem>> -> memref<1x128xi32, #tpu.memory_space<vmem>>
      %dma_wait3A_2502 = tpu.memref_squeeze %dma_wait3A_2501 : memref<1x128xi32, #tpu.memory_space<vmem>> -> memref<128xi32, #tpu.memory_space<vmem>>
      %dma_wait3A_2503 = tpu.memref_slice %arg3[%add3A_2497] : memref<819200xi32, #tpu.memory_space<hbm>> -> memref<128xi32, #tpu.memory_space<hbm>>
      %dma_wait3A_2504 = tpu.memref_slice %arg7[%dma_wait3A_2499] : memref<10x!tpu.dma_semaphore, #tpu.memory_space<semaphore_mem>> -> memref<1x!tpu.dma_semaphore, #tpu.memory_space<semaphore_mem>>
      %dma_wait3A_2505 = tpu.memref_squeeze %dma_wait3A_2504 : memref<1x!tpu.dma_semaphore, #tpu.memory_space<semaphore_mem>> -> memref<!tpu.dma_semaphore, #tpu.memory_space<semaphore_mem>>
      %dma_wait3A_2506 = arith.constant 0 : i32
      %dma_wait3A_2507 = tpu.memref_slice %arg5[%dma_wait3A_2498, %dma_wait3A_2506] : memref<10x128xi32, #tpu.memory_space<vmem>> -> memref<1x128xi32, #tpu.memory_space<vmem>>
      %dma_wait3A_2508 = tpu.memref_squeeze %dma_wait3A_2507 : memref<1x128xi32, #tpu.memory_space<vmem>> -> memref<128xi32, #tpu.memory_space<vmem>>
      %dma_wait3A_2509 = tpu.memref_slice %arg3[%add3A_2497] : memref<819200xi32, #tpu.memory_space<hbm>> -> memref<128xi32, #tpu.memory_space<hbm>>
      tpu.wait_dma2 semaphore(%dma_wait3A_2505 : memref<!tpu.dma_semaphore, #tpu.memory_space<semaphore_mem>>) src(%dma_wait3A_2509 : memref<128xi32, #tpu.memory_space<hbm>>) dst(%dma_wait3A_2508 : memref<128xi32, #tpu.memory_space<vmem>>)
      %dma_start3A_2510 = arith.constant 5 : i32
      %dma_start3A_2511 = arith.constant 0 : i32
      %dma_start3A_2512 = arith.constant 0 : i32
      %dma_start3A_2513 = arith.constant 0 : i32
      %dma_start3A_2514 = arith.constant 0 : i32
      %dma_start3A_2515 = tpu.memref_slice %arg6[%dma_start3A_2511, %dma_start3A_2513, %dma_start3A_2514] : memref<5x128x128xf32, #tpu.memory_space<vmem>> -> memref<1x128x128xf32, #tpu.memory_space<vmem>>
      %dma_start3A_2516 = tpu.memref_squeeze %dma_start3A_2515 : memref<1x128x128xf32, #tpu.memory_space<vmem>> -> memref<128x128xf32, #tpu.memory_space<vmem>>
      %dma_start3A_2517 = arith.constant 0 : i32
      %dma_start3A_2518 = tpu.memref_slice %arg5[%dma_start3A_2510, %dma_start3A_2517] : memref<10x128xi32, #tpu.memory_space<vmem>> -> memref<1x128xi32, #tpu.memory_space<vmem>>
      %dma_start3A_2519 = tpu.memref_squeeze %dma_start3A_2518 : memref<1x128xi32, #tpu.memory_space<vmem>> -> memref<128xi32, #tpu.memory_space<vmem>>
      %dma_start3A_2520 = arith.constant 0 : i32
      %dma_start3A_2521 = arith.constant 0 : i32
      %dma_start3A_2522 = tpu.memref_slice %arg2[%dma_start3A_2520, %dma_start3A_2521] : memref<100000x128xf32, #tpu.memory_space<hbm>> -> memref<100000x128xf32, #tpu.memory_space<hbm>>
      %dma_start3A_2523 = tpu.memref_slice %arg8[%dma_start3A_2512] : memref<5x!tpu.dma_semaphore, #tpu.memory_space<semaphore_mem>> -> memref<1x!tpu.dma_semaphore, #tpu.memory_space<semaphore_mem>>
      %dma_start3A_2524 = tpu.memref_squeeze %dma_start3A_2523 : memref<1x!tpu.dma_semaphore, #tpu.memory_space<semaphore_mem>> -> memref<!tpu.dma_semaphore, #tpu.memory_space<semaphore_mem>>
      tpu.enqueue_indirect_dma source(%dma_start3A_2522 : memref<100000x128xf32, #tpu.memory_space<hbm>>) target(%dma_start3A_2516 : memref<128x128xf32, #tpu.memory_space<vmem>>) offsets(%dma_start3A_2519 : memref<128xi32, #tpu.memory_space<vmem>>) semaphore(%dma_start3A_2524 : memref<!tpu.dma_semaphore, #tpu.memory_space<semaphore_mem>>)
      %add3A_2525 = arith.constant 6 : i32
      %add3A_2526 = arith.addi %add3A_1889, %add3A_2525 : i32
      %sub3A_2527 = arith.constant 4 : i32
      %sub3A_2528 = arith.subi %add3A_2526, %sub3A_2527 : i32
      %dma_wait3A_2529 = arith.constant 2 : i32
      %dma_wait3A_2530 = arith.constant 2 : i32
      %dma_wait3A_2531 = arith.constant 2 : i32
      %dma_wait3A_2532 = arith.constant 0 : i32
      %dma_wait3A_2533 = arith.constant 0 : i32
      %dma_wait3A_2534 = tpu.memref_slice %arg6[%dma_wait3A_2530, %dma_wait3A_2532, %dma_wait3A_2533] : memref<5x128x128xf32, #tpu.memory_space<vmem>> -> memref<1x128x128xf32, #tpu.memory_space<vmem>>
      %dma_wait3A_2535 = tpu.memref_squeeze %dma_wait3A_2534 : memref<1x128x128xf32, #tpu.memory_space<vmem>> -> memref<128x128xf32, #tpu.memory_space<vmem>>
      %dma_wait3A_2536 = arith.constant 0 : i32
      %dma_wait3A_2537 = tpu.memref_slice %arg5[%dma_wait3A_2529, %dma_wait3A_2536] : memref<10x128xi32, #tpu.memory_space<vmem>> -> memref<1x128xi32, #tpu.memory_space<vmem>>
      %dma_wait3A_2538 = tpu.memref_squeeze %dma_wait3A_2537 : memref<1x128xi32, #tpu.memory_space<vmem>> -> memref<128xi32, #tpu.memory_space<vmem>>
      %dma_wait3A_2539 = arith.constant 0 : i32
      %dma_wait3A_2540 = arith.constant 0 : i32
      %dma_wait3A_2541 = tpu.memref_slice %arg2[%dma_wait3A_2539, %dma_wait3A_2540] : memref<100000x128xf32, #tpu.memory_space<hbm>> -> memref<100000x128xf32, #tpu.memory_space<hbm>>
      %dma_wait3A_2542 = tpu.memref_slice %arg8[%dma_wait3A_2531] : memref<5x!tpu.dma_semaphore, #tpu.memory_space<semaphore_mem>> -> memref<1x!tpu.dma_semaphore, #tpu.memory_space<semaphore_mem>>
      %dma_wait3A_2543 = tpu.memref_squeeze %dma_wait3A_2542 : memref<1x!tpu.dma_semaphore, #tpu.memory_space<semaphore_mem>> -> memref<!tpu.dma_semaphore, #tpu.memory_space<semaphore_mem>>
      tpu.wait_indirect_dma semaphore(%dma_wait3A_2543 : memref<!tpu.dma_semaphore, #tpu.memory_space<semaphore_mem>>) src(%dma_wait3A_2541 : memref<100000x128xf32, #tpu.memory_space<hbm>>) dst(%dma_wait3A_2535 : memref<128x128xf32, #tpu.memory_space<vmem>>)
      %mul3A_2544 = arith.constant 128 : i32
      %mul3A_2545 = arith.muli %sub3A_2528, %mul3A_2544 : i32
      %add3A_2546 = arith.addi %mul3A_2, %mul3A_2545 : i32
      %dma_start3A_2547 = arith.constant 2 : i32
      %dma_start3A_2548 = arith.constant 2 : i32
      %dma_start3A_2549 = arith.constant 0 : i32
      %dma_start3A_2550 = arith.constant 0 : i32
      %dma_start3A_2551 = tpu.memref_slice %arg6[%dma_start3A_2547, %dma_start3A_2549, %dma_start3A_2550] : memref<5x128x128xf32, #tpu.memory_space<vmem>> -> memref<1x128x128xf32, #tpu.memory_space<vmem>>
      %dma_start3A_2552 = tpu.memref_squeeze %dma_start3A_2551 : memref<1x128x128xf32, #tpu.memory_space<vmem>> -> memref<128x128xf32, #tpu.memory_space<vmem>>
      %dma_start3A_2553 = arith.constant 0 : i32
      %dma_start3A_2554 = tpu.memref_slice %arg4[%add3A_2546, %dma_start3A_2553] : memref<819200x128xf32, #tpu.memory_space<hbm>> -> memref<128x128xf32, #tpu.memory_space<hbm>>
      %dma_start3A_2555 = tpu.memref_slice %arg9[%dma_start3A_2548] : memref<5x!tpu.dma_semaphore, #tpu.memory_space<semaphore_mem>> -> memref<1x!tpu.dma_semaphore, #tpu.memory_space<semaphore_mem>>
      %dma_start3A_2556 = tpu.memref_squeeze %dma_start3A_2555 : memref<1x!tpu.dma_semaphore, #tpu.memory_space<semaphore_mem>> -> memref<!tpu.dma_semaphore, #tpu.memory_space<semaphore_mem>>
      %dma_start3A_2557 = arith.constant 0 : i32
      %dma_start3A_2558 = tpu.memref_slice %arg4[%add3A_2546, %dma_start3A_2557] : memref<819200x128xf32, #tpu.memory_space<hbm>> -> memref<128x128xf32, #tpu.memory_space<hbm>>
      %dma_start3A_2559 = arith.constant 0 : i32
      %dma_start3A_2560 = arith.constant 0 : i32
      %dma_start3A_2561 = tpu.memref_slice %arg6[%dma_start3A_2547, %dma_start3A_2559, %dma_start3A_2560] : memref<5x128x128xf32, #tpu.memory_space<vmem>> -> memref<1x128x128xf32, #tpu.memory_space<vmem>>
      %dma_start3A_2562 = tpu.memref_squeeze %dma_start3A_2561 : memref<1x128x128xf32, #tpu.memory_space<vmem>> -> memref<128x128xf32, #tpu.memory_space<vmem>>
      tpu.enqueue_dma source(%dma_start3A_2562 : memref<128x128xf32, #tpu.memory_space<vmem>>) target(%dma_start3A_2558 : memref<128x128xf32, #tpu.memory_space<hbm>>) target_semaphore(%dma_start3A_2556 : memref<!tpu.dma_semaphore, #tpu.memory_space<semaphore_mem>>)
      %add3A_2563 = arith.constant 10 : i32
      %add3A_2564 = arith.addi %sub3A_2528, %add3A_2563 : i32
      %mul3A_2565 = arith.constant 128 : i32
      %mul3A_2566 = arith.muli %add3A_2564, %mul3A_2565 : i32
      %add3A_2567 = arith.addi %mul3A_2, %mul3A_2566 : i32
      %dma_start3A_2568 = arith.constant 2 : i32
      %dma_start3A_2569 = arith.constant 2 : i32
      %dma_start3A_2570 = arith.constant 0 : i32
      %dma_start3A_2571 = tpu.memref_slice %arg5[%dma_start3A_2568, %dma_start3A_2570] : memref<10x128xi32, #tpu.memory_space<vmem>> -> memref<1x128xi32, #tpu.memory_space<vmem>>
      %dma_start3A_2572 = tpu.memref_squeeze %dma_start3A_2571 : memref<1x128xi32, #tpu.memory_space<vmem>> -> memref<128xi32, #tpu.memory_space<vmem>>
      %dma_start3A_2573 = tpu.memref_slice %arg3[%add3A_2567] : memref<819200xi32, #tpu.memory_space<hbm>> -> memref<128xi32, #tpu.memory_space<hbm>>
      %dma_start3A_2574 = tpu.memref_slice %arg7[%dma_start3A_2569] : memref<10x!tpu.dma_semaphore, #tpu.memory_space<semaphore_mem>> -> memref<1x!tpu.dma_semaphore, #tpu.memory_space<semaphore_mem>>
      %dma_start3A_2575 = tpu.memref_squeeze %dma_start3A_2574 : memref<1x!tpu.dma_semaphore, #tpu.memory_space<semaphore_mem>> -> memref<!tpu.dma_semaphore, #tpu.memory_space<semaphore_mem>>
      %dma_start3A_2576 = arith.constant 0 : i32
      %dma_start3A_2577 = tpu.memref_slice %arg5[%dma_start3A_2568, %dma_start3A_2576] : memref<10x128xi32, #tpu.memory_space<vmem>> -> memref<1x128xi32, #tpu.memory_space<vmem>>
      %dma_start3A_2578 = tpu.memref_squeeze %dma_start3A_2577 : memref<1x128xi32, #tpu.memory_space<vmem>> -> memref<128xi32, #tpu.memory_space<vmem>>
      %dma_start3A_2579 = tpu.memref_slice %arg3[%add3A_2567] : memref<819200xi32, #tpu.memory_space<hbm>> -> memref<128xi32, #tpu.memory_space<hbm>>
      tpu.enqueue_dma source(%dma_start3A_2579 : memref<128xi32, #tpu.memory_space<hbm>>) target(%dma_start3A_2578 : memref<128xi32, #tpu.memory_space<vmem>>) target_semaphore(%dma_start3A_2575 : memref<!tpu.dma_semaphore, #tpu.memory_space<semaphore_mem>>)
      %sub3A_2580 = arith.constant 5 : i32
      %sub3A_2581 = arith.subi %add3A_2526, %sub3A_2580 : i32
      %mul3A_2582 = arith.constant 128 : i32
      %mul3A_2583 = arith.muli %sub3A_2581, %mul3A_2582 : i32
      %add3A_2584 = arith.addi %mul3A_2, %mul3A_2583 : i32
      %dma_wait3A_2585 = arith.constant 1 : i32
      %dma_wait3A_2586 = arith.constant 1 : i32
      %dma_wait3A_2587 = arith.constant 0 : i32
      %dma_wait3A_2588 = arith.constant 0 : i32
      %dma_wait3A_2589 = tpu.memref_slice %arg6[%dma_wait3A_2585, %dma_wait3A_2587, %dma_wait3A_2588] : memref<5x128x128xf32, #tpu.memory_space<vmem>> -> memref<1x128x128xf32, #tpu.memory_space<vmem>>
      %dma_wait3A_2590 = tpu.memref_squeeze %dma_wait3A_2589 : memref<1x128x128xf32, #tpu.memory_space<vmem>> -> memref<128x128xf32, #tpu.memory_space<vmem>>
      %dma_wait3A_2591 = arith.constant 0 : i32
      %dma_wait3A_2592 = tpu.memref_slice %arg4[%add3A_2584, %dma_wait3A_2591] : memref<819200x128xf32, #tpu.memory_space<hbm>> -> memref<128x128xf32, #tpu.memory_space<hbm>>
      %dma_wait3A_2593 = tpu.memref_slice %arg9[%dma_wait3A_2586] : memref<5x!tpu.dma_semaphore, #tpu.memory_space<semaphore_mem>> -> memref<1x!tpu.dma_semaphore, #tpu.memory_space<semaphore_mem>>
      %dma_wait3A_2594 = tpu.memref_squeeze %dma_wait3A_2593 : memref<1x!tpu.dma_semaphore, #tpu.memory_space<semaphore_mem>> -> memref<!tpu.dma_semaphore, #tpu.memory_space<semaphore_mem>>
      %dma_wait3A_2595 = arith.constant 0 : i32
      %dma_wait3A_2596 = tpu.memref_slice %arg4[%add3A_2584, %dma_wait3A_2595] : memref<819200x128xf32, #tpu.memory_space<hbm>> -> memref<128x128xf32, #tpu.memory_space<hbm>>
      %dma_wait3A_2597 = arith.constant 0 : i32
      %dma_wait3A_2598 = arith.constant 0 : i32
      %dma_wait3A_2599 = tpu.memref_slice %arg6[%dma_wait3A_2585, %dma_wait3A_2597, %dma_wait3A_2598] : memref<5x128x128xf32, #tpu.memory_space<vmem>> -> memref<1x128x128xf32, #tpu.memory_space<vmem>>
      %dma_wait3A_2600 = tpu.memref_squeeze %dma_wait3A_2599 : memref<1x128x128xf32, #tpu.memory_space<vmem>> -> memref<128x128xf32, #tpu.memory_space<vmem>>
      tpu.wait_dma2 semaphore(%dma_wait3A_2594 : memref<!tpu.dma_semaphore, #tpu.memory_space<semaphore_mem>>) src(%dma_wait3A_2600 : memref<128x128xf32, #tpu.memory_space<vmem>>) dst(%dma_wait3A_2596 : memref<128x128xf32, #tpu.memory_space<hbm>>)
      %mul3A_2601 = arith.constant 128 : i32
      %mul3A_2602 = arith.muli %add3A_2526, %mul3A_2601 : i32
      %add3A_2603 = arith.addi %mul3A_2, %mul3A_2602 : i32
      %dma_wait3A_2604 = arith.constant 6 : i32
      %dma_wait3A_2605 = arith.constant 6 : i32
      %dma_wait3A_2606 = arith.constant 0 : i32
      %dma_wait3A_2607 = tpu.memref_slice %arg5[%dma_wait3A_2604, %dma_wait3A_2606] : memref<10x128xi32, #tpu.memory_space<vmem>> -> memref<1x128xi32, #tpu.memory_space<vmem>>
      %dma_wait3A_2608 = tpu.memref_squeeze %dma_wait3A_2607 : memref<1x128xi32, #tpu.memory_space<vmem>> -> memref<128xi32, #tpu.memory_space<vmem>>
      %dma_wait3A_2609 = tpu.memref_slice %arg3[%add3A_2603] : memref<819200xi32, #tpu.memory_space<hbm>> -> memref<128xi32, #tpu.memory_space<hbm>>
      %dma_wait3A_2610 = tpu.memref_slice %arg7[%dma_wait3A_2605] : memref<10x!tpu.dma_semaphore, #tpu.memory_space<semaphore_mem>> -> memref<1x!tpu.dma_semaphore, #tpu.memory_space<semaphore_mem>>
      %dma_wait3A_2611 = tpu.memref_squeeze %dma_wait3A_2610 : memref<1x!tpu.dma_semaphore, #tpu.memory_space<semaphore_mem>> -> memref<!tpu.dma_semaphore, #tpu.memory_space<semaphore_mem>>
      %dma_wait3A_2612 = arith.constant 0 : i32
      %dma_wait3A_2613 = tpu.memref_slice %arg5[%dma_wait3A_2604, %dma_wait3A_2612] : memref<10x128xi32, #tpu.memory_space<vmem>> -> memref<1x128xi32, #tpu.memory_space<vmem>>
      %dma_wait3A_2614 = tpu.memref_squeeze %dma_wait3A_2613 : memref<1x128xi32, #tpu.memory_space<vmem>> -> memref<128xi32, #tpu.memory_space<vmem>>
      %dma_wait3A_2615 = tpu.memref_slice %arg3[%add3A_2603] : memref<819200xi32, #tpu.memory_space<hbm>> -> memref<128xi32, #tpu.memory_space<hbm>>
      tpu.wait_dma2 semaphore(%dma_wait3A_2611 : memref<!tpu.dma_semaphore, #tpu.memory_space<semaphore_mem>>) src(%dma_wait3A_2615 : memref<128xi32, #tpu.memory_space<hbm>>) dst(%dma_wait3A_2614 : memref<128xi32, #tpu.memory_space<vmem>>)
      %dma_start3A_2616 = arith.constant 6 : i32
      %dma_start3A_2617 = arith.constant 1 : i32
      %dma_start3A_2618 = arith.constant 1 : i32
      %dma_start3A_2619 = arith.constant 0 : i32
      %dma_start3A_2620 = arith.constant 0 : i32
      %dma_start3A_2621 = tpu.memref_slice %arg6[%dma_start3A_2617, %dma_start3A_2619, %dma_start3A_2620] : memref<5x128x128xf32, #tpu.memory_space<vmem>> -> memref<1x128x128xf32, #tpu.memory_space<vmem>>
      %dma_start3A_2622 = tpu.memref_squeeze %dma_start3A_2621 : memref<1x128x128xf32, #tpu.memory_space<vmem>> -> memref<128x128xf32, #tpu.memory_space<vmem>>
      %dma_start3A_2623 = arith.constant 0 : i32
      %dma_start3A_2624 = tpu.memref_slice %arg5[%dma_start3A_2616, %dma_start3A_2623] : memref<10x128xi32, #tpu.memory_space<vmem>> -> memref<1x128xi32, #tpu.memory_space<vmem>>
      %dma_start3A_2625 = tpu.memref_squeeze %dma_start3A_2624 : memref<1x128xi32, #tpu.memory_space<vmem>> -> memref<128xi32, #tpu.memory_space<vmem>>
      %dma_start3A_2626 = arith.constant 0 : i32
      %dma_start3A_2627 = arith.constant 0 : i32
      %dma_start3A_2628 = tpu.memref_slice %arg2[%dma_start3A_2626, %dma_start3A_2627] : memref<100000x128xf32, #tpu.memory_space<hbm>> -> memref<100000x128xf32, #tpu.memory_space<hbm>>
      %dma_start3A_2629 = tpu.memref_slice %arg8[%dma_start3A_2618] : memref<5x!tpu.dma_semaphore, #tpu.memory_space<semaphore_mem>> -> memref<1x!tpu.dma_semaphore, #tpu.memory_space<semaphore_mem>>
      %dma_start3A_2630 = tpu.memref_squeeze %dma_start3A_2629 : memref<1x!tpu.dma_semaphore, #tpu.memory_space<semaphore_mem>> -> memref<!tpu.dma_semaphore, #tpu.memory_space<semaphore_mem>>
      tpu.enqueue_indirect_dma source(%dma_start3A_2628 : memref<100000x128xf32, #tpu.memory_space<hbm>>) target(%dma_start3A_2622 : memref<128x128xf32, #tpu.memory_space<vmem>>) offsets(%dma_start3A_2625 : memref<128xi32, #tpu.memory_space<vmem>>) semaphore(%dma_start3A_2630 : memref<!tpu.dma_semaphore, #tpu.memory_space<semaphore_mem>>)
      %add3A_2631 = arith.constant 7 : i32
      %add3A_2632 = arith.addi %add3A_1889, %add3A_2631 : i32
      %sub3A_2633 = arith.constant 4 : i32
      %sub3A_2634 = arith.subi %add3A_2632, %sub3A_2633 : i32
      %dma_wait3A_2635 = arith.constant 3 : i32
      %dma_wait3A_2636 = arith.constant 3 : i32
      %dma_wait3A_2637 = arith.constant 3 : i32
      %dma_wait3A_2638 = arith.constant 0 : i32
      %dma_wait3A_2639 = arith.constant 0 : i32
      %dma_wait3A_2640 = tpu.memref_slice %arg6[%dma_wait3A_2636, %dma_wait3A_2638, %dma_wait3A_2639] : memref<5x128x128xf32, #tpu.memory_space<vmem>> -> memref<1x128x128xf32, #tpu.memory_space<vmem>>
      %dma_wait3A_2641 = tpu.memref_squeeze %dma_wait3A_2640 : memref<1x128x128xf32, #tpu.memory_space<vmem>> -> memref<128x128xf32, #tpu.memory_space<vmem>>
      %dma_wait3A_2642 = arith.constant 0 : i32
      %dma_wait3A_2643 = tpu.memref_slice %arg5[%dma_wait3A_2635, %dma_wait3A_2642] : memref<10x128xi32, #tpu.memory_space<vmem>> -> memref<1x128xi32, #tpu.memory_space<vmem>>
      %dma_wait3A_2644 = tpu.memref_squeeze %dma_wait3A_2643 : memref<1x128xi32, #tpu.memory_space<vmem>> -> memref<128xi32, #tpu.memory_space<vmem>>
      %dma_wait3A_2645 = arith.constant 0 : i32
      %dma_wait3A_2646 = arith.constant 0 : i32
      %dma_wait3A_2647 = tpu.memref_slice %arg2[%dma_wait3A_2645, %dma_wait3A_2646] : memref<100000x128xf32, #tpu.memory_space<hbm>> -> memref<100000x128xf32, #tpu.memory_space<hbm>>
      %dma_wait3A_2648 = tpu.memref_slice %arg8[%dma_wait3A_2637] : memref<5x!tpu.dma_semaphore, #tpu.memory_space<semaphore_mem>> -> memref<1x!tpu.dma_semaphore, #tpu.memory_space<semaphore_mem>>
      %dma_wait3A_2649 = tpu.memref_squeeze %dma_wait3A_2648 : memref<1x!tpu.dma_semaphore, #tpu.memory_space<semaphore_mem>> -> memref<!tpu.dma_semaphore, #tpu.memory_space<semaphore_mem>>
      tpu.wait_indirect_dma semaphore(%dma_wait3A_2649 : memref<!tpu.dma_semaphore, #tpu.memory_space<semaphore_mem>>) src(%dma_wait3A_2647 : memref<100000x128xf32, #tpu.memory_space<hbm>>) dst(%dma_wait3A_2641 : memref<128x128xf32, #tpu.memory_space<vmem>>)
      %mul3A_2650 = arith.constant 128 : i32
      %mul3A_2651 = arith.muli %sub3A_2634, %mul3A_2650 : i32
      %add3A_2652 = arith.addi %mul3A_2, %mul3A_2651 : i32
      %dma_start3A_2653 = arith.constant 3 : i32
      %dma_start3A_2654 = arith.constant 3 : i32
      %dma_start3A_2655 = arith.constant 0 : i32
      %dma_start3A_2656 = arith.constant 0 : i32
      %dma_start3A_2657 = tpu.memref_slice %arg6[%dma_start3A_2653, %dma_start3A_2655, %dma_start3A_2656] : memref<5x128x128xf32, #tpu.memory_space<vmem>> -> memref<1x128x128xf32, #tpu.memory_space<vmem>>
      %dma_start3A_2658 = tpu.memref_squeeze %dma_start3A_2657 : memref<1x128x128xf32, #tpu.memory_space<vmem>> -> memref<128x128xf32, #tpu.memory_space<vmem>>
      %dma_start3A_2659 = arith.constant 0 : i32
      %dma_start3A_2660 = tpu.memref_slice %arg4[%add3A_2652, %dma_start3A_2659] : memref<819200x128xf32, #tpu.memory_space<hbm>> -> memref<128x128xf32, #tpu.memory_space<hbm>>
      %dma_start3A_2661 = tpu.memref_slice %arg9[%dma_start3A_2654] : memref<5x!tpu.dma_semaphore, #tpu.memory_space<semaphore_mem>> -> memref<1x!tpu.dma_semaphore, #tpu.memory_space<semaphore_mem>>
      %dma_start3A_2662 = tpu.memref_squeeze %dma_start3A_2661 : memref<1x!tpu.dma_semaphore, #tpu.memory_space<semaphore_mem>> -> memref<!tpu.dma_semaphore, #tpu.memory_space<semaphore_mem>>
      %dma_start3A_2663 = arith.constant 0 : i32
      %dma_start3A_2664 = tpu.memref_slice %arg4[%add3A_2652, %dma_start3A_2663] : memref<819200x128xf32, #tpu.memory_space<hbm>> -> memref<128x128xf32, #tpu.memory_space<hbm>>
      %dma_start3A_2665 = arith.constant 0 : i32
      %dma_start3A_2666 = arith.constant 0 : i32
      %dma_start3A_2667 = tpu.memref_slice %arg6[%dma_start3A_2653, %dma_start3A_2665, %dma_start3A_2666] : memref<5x128x128xf32, #tpu.memory_space<vmem>> -> memref<1x128x128xf32, #tpu.memory_space<vmem>>
      %dma_start3A_2668 = tpu.memref_squeeze %dma_start3A_2667 : memref<1x128x128xf32, #tpu.memory_space<vmem>> -> memref<128x128xf32, #tpu.memory_space<vmem>>
      tpu.enqueue_dma source(%dma_start3A_2668 : memref<128x128xf32, #tpu.memory_space<vmem>>) target(%dma_start3A_2664 : memref<128x128xf32, #tpu.memory_space<hbm>>) target_semaphore(%dma_start3A_2662 : memref<!tpu.dma_semaphore, #tpu.memory_space<semaphore_mem>>)
      %add3A_2669 = arith.constant 10 : i32
      %add3A_2670 = arith.addi %sub3A_2634, %add3A_2669 : i32
      %mul3A_2671 = arith.constant 128 : i32
      %mul3A_2672 = arith.muli %add3A_2670, %mul3A_2671 : i32
      %add3A_2673 = arith.addi %mul3A_2, %mul3A_2672 : i32
      %dma_start3A_2674 = arith.constant 3 : i32
      %dma_start3A_2675 = arith.constant 3 : i32
      %dma_start3A_2676 = arith.constant 0 : i32
      %dma_start3A_2677 = tpu.memref_slice %arg5[%dma_start3A_2674, %dma_start3A_2676] : memref<10x128xi32, #tpu.memory_space<vmem>> -> memref<1x128xi32, #tpu.memory_space<vmem>>
      %dma_start3A_2678 = tpu.memref_squeeze %dma_start3A_2677 : memref<1x128xi32, #tpu.memory_space<vmem>> -> memref<128xi32, #tpu.memory_space<vmem>>
      %dma_start3A_2679 = tpu.memref_slice %arg3[%add3A_2673] : memref<819200xi32, #tpu.memory_space<hbm>> -> memref<128xi32, #tpu.memory_space<hbm>>
      %dma_start3A_2680 = tpu.memref_slice %arg7[%dma_start3A_2675] : memref<10x!tpu.dma_semaphore, #tpu.memory_space<semaphore_mem>> -> memref<1x!tpu.dma_semaphore, #tpu.memory_space<semaphore_mem>>
      %dma_start3A_2681 = tpu.memref_squeeze %dma_start3A_2680 : memref<1x!tpu.dma_semaphore, #tpu.memory_space<semaphore_mem>> -> memref<!tpu.dma_semaphore, #tpu.memory_space<semaphore_mem>>
      %dma_start3A_2682 = arith.constant 0 : i32
      %dma_start3A_2683 = tpu.memref_slice %arg5[%dma_start3A_2674, %dma_start3A_2682] : memref<10x128xi32, #tpu.memory_space<vmem>> -> memref<1x128xi32, #tpu.memory_space<vmem>>
      %dma_start3A_2684 = tpu.memref_squeeze %dma_start3A_2683 : memref<1x128xi32, #tpu.memory_space<vmem>> -> memref<128xi32, #tpu.memory_space<vmem>>
      %dma_start3A_2685 = tpu.memref_slice %arg3[%add3A_2673] : memref<819200xi32, #tpu.memory_space<hbm>> -> memref<128xi32, #tpu.memory_space<hbm>>
      tpu.enqueue_dma source(%dma_start3A_2685 : memref<128xi32, #tpu.memory_space<hbm>>) target(%dma_start3A_2684 : memref<128xi32, #tpu.memory_space<vmem>>) target_semaphore(%dma_start3A_2681 : memref<!tpu.dma_semaphore, #tpu.memory_space<semaphore_mem>>)
      %sub3A_2686 = arith.constant 5 : i32
      %sub3A_2687 = arith.subi %add3A_2632, %sub3A_2686 : i32
      %mul3A_2688 = arith.constant 128 : i32
      %mul3A_2689 = arith.muli %sub3A_2687, %mul3A_2688 : i32
      %add3A_2690 = arith.addi %mul3A_2, %mul3A_2689 : i32
      %dma_wait3A_2691 = arith.constant 2 : i32
      %dma_wait3A_2692 = arith.constant 2 : i32
      %dma_wait3A_2693 = arith.constant 0 : i32
      %dma_wait3A_2694 = arith.constant 0 : i32
      %dma_wait3A_2695 = tpu.memref_slice %arg6[%dma_wait3A_2691, %dma_wait3A_2693, %dma_wait3A_2694] : memref<5x128x128xf32, #tpu.memory_space<vmem>> -> memref<1x128x128xf32, #tpu.memory_space<vmem>>
      %dma_wait3A_2696 = tpu.memref_squeeze %dma_wait3A_2695 : memref<1x128x128xf32, #tpu.memory_space<vmem>> -> memref<128x128xf32, #tpu.memory_space<vmem>>
      %dma_wait3A_2697 = arith.constant 0 : i32
      %dma_wait3A_2698 = tpu.memref_slice %arg4[%add3A_2690, %dma_wait3A_2697] : memref<819200x128xf32, #tpu.memory_space<hbm>> -> memref<128x128xf32, #tpu.memory_space<hbm>>
      %dma_wait3A_2699 = tpu.memref_slice %arg9[%dma_wait3A_2692] : memref<5x!tpu.dma_semaphore, #tpu.memory_space<semaphore_mem>> -> memref<1x!tpu.dma_semaphore, #tpu.memory_space<semaphore_mem>>
      %dma_wait3A_2700 = tpu.memref_squeeze %dma_wait3A_2699 : memref<1x!tpu.dma_semaphore, #tpu.memory_space<semaphore_mem>> -> memref<!tpu.dma_semaphore, #tpu.memory_space<semaphore_mem>>
      %dma_wait3A_2701 = arith.constant 0 : i32
      %dma_wait3A_2702 = tpu.memref_slice %arg4[%add3A_2690, %dma_wait3A_2701] : memref<819200x128xf32, #tpu.memory_space<hbm>> -> memref<128x128xf32, #tpu.memory_space<hbm>>
      %dma_wait3A_2703 = arith.constant 0 : i32
      %dma_wait3A_2704 = arith.constant 0 : i32
      %dma_wait3A_2705 = tpu.memref_slice %arg6[%dma_wait3A_2691, %dma_wait3A_2703, %dma_wait3A_2704] : memref<5x128x128xf32, #tpu.memory_space<vmem>> -> memref<1x128x128xf32, #tpu.memory_space<vmem>>
      %dma_wait3A_2706 = tpu.memref_squeeze %dma_wait3A_2705 : memref<1x128x128xf32, #tpu.memory_space<vmem>> -> memref<128x128xf32, #tpu.memory_space<vmem>>
      tpu.wait_dma2 semaphore(%dma_wait3A_2700 : memref<!tpu.dma_semaphore, #tpu.memory_space<semaphore_mem>>) src(%dma_wait3A_2706 : memref<128x128xf32, #tpu.memory_space<vmem>>) dst(%dma_wait3A_2702 : memref<128x128xf32, #tpu.memory_space<hbm>>)
      %mul3A_2707 = arith.constant 128 : i32
      %mul3A_2708 = arith.muli %add3A_2632, %mul3A_2707 : i32
      %add3A_2709 = arith.addi %mul3A_2, %mul3A_2708 : i32
      %dma_wait3A_2710 = arith.constant 7 : i32
      %dma_wait3A_2711 = arith.constant 7 : i32
      %dma_wait3A_2712 = arith.constant 0 : i32
      %dma_wait3A_2713 = tpu.memref_slice %arg5[%dma_wait3A_2710, %dma_wait3A_2712] : memref<10x128xi32, #tpu.memory_space<vmem>> -> memref<1x128xi32, #tpu.memory_space<vmem>>
      %dma_wait3A_2714 = tpu.memref_squeeze %dma_wait3A_2713 : memref<1x128xi32, #tpu.memory_space<vmem>> -> memref<128xi32, #tpu.memory_space<vmem>>
      %dma_wait3A_2715 = tpu.memref_slice %arg3[%add3A_2709] : memref<819200xi32, #tpu.memory_space<hbm>> -> memref<128xi32, #tpu.memory_space<hbm>>
      %dma_wait3A_2716 = tpu.memref_slice %arg7[%dma_wait3A_2711] : memref<10x!tpu.dma_semaphore, #tpu.memory_space<semaphore_mem>> -> memref<1x!tpu.dma_semaphore, #tpu.memory_space<semaphore_mem>>
      %dma_wait3A_2717 = tpu.memref_squeeze %dma_wait3A_2716 : memref<1x!tpu.dma_semaphore, #tpu.memory_space<semaphore_mem>> -> memref<!tpu.dma_semaphore, #tpu.memory_space<semaphore_mem>>
      %dma_wait3A_2718 = arith.constant 0 : i32
      %dma_wait3A_2719 = tpu.memref_slice %arg5[%dma_wait3A_2710, %dma_wait3A_2718] : memref<10x128xi32, #tpu.memory_space<vmem>> -> memref<1x128xi32, #tpu.memory_space<vmem>>
      %dma_wait3A_2720 = tpu.memref_squeeze %dma_wait3A_2719 : memref<1x128xi32, #tpu.memory_space<vmem>> -> memref<128xi32, #tpu.memory_space<vmem>>
      %dma_wait3A_2721 = tpu.memref_slice %arg3[%add3A_2709] : memref<819200xi32, #tpu.memory_space<hbm>> -> memref<128xi32, #tpu.memory_space<hbm>>
      tpu.wait_dma2 semaphore(%dma_wait3A_2717 : memref<!tpu.dma_semaphore, #tpu.memory_space<semaphore_mem>>) src(%dma_wait3A_2721 : memref<128xi32, #tpu.memory_space<hbm>>) dst(%dma_wait3A_2720 : memref<128xi32, #tpu.memory_space<vmem>>)
      %dma_start3A_2722 = arith.constant 7 : i32
      %dma_start3A_2723 = arith.constant 2 : i32
      %dma_start3A_2724 = arith.constant 2 : i32
      %dma_start3A_2725 = arith.constant 0 : i32
      %dma_start3A_2726 = arith.constant 0 : i32
      %dma_start3A_2727 = tpu.memref_slice %arg6[%dma_start3A_2723, %dma_start3A_2725, %dma_start3A_2726] : memref<5x128x128xf32, #tpu.memory_space<vmem>> -> memref<1x128x128xf32, #tpu.memory_space<vmem>>
      %dma_start3A_2728 = tpu.memref_squeeze %dma_start3A_2727 : memref<1x128x128xf32, #tpu.memory_space<vmem>> -> memref<128x128xf32, #tpu.memory_space<vmem>>
      %dma_start3A_2729 = arith.constant 0 : i32
      %dma_start3A_2730 = tpu.memref_slice %arg5[%dma_start3A_2722, %dma_start3A_2729] : memref<10x128xi32, #tpu.memory_space<vmem>> -> memref<1x128xi32, #tpu.memory_space<vmem>>
      %dma_start3A_2731 = tpu.memref_squeeze %dma_start3A_2730 : memref<1x128xi32, #tpu.memory_space<vmem>> -> memref<128xi32, #tpu.memory_space<vmem>>
      %dma_start3A_2732 = arith.constant 0 : i32
      %dma_start3A_2733 = arith.constant 0 : i32
      %dma_start3A_2734 = tpu.memref_slice %arg2[%dma_start3A_2732, %dma_start3A_2733] : memref<100000x128xf32, #tpu.memory_space<hbm>> -> memref<100000x128xf32, #tpu.memory_space<hbm>>
      %dma_start3A_2735 = tpu.memref_slice %arg8[%dma_start3A_2724] : memref<5x!tpu.dma_semaphore, #tpu.memory_space<semaphore_mem>> -> memref<1x!tpu.dma_semaphore, #tpu.memory_space<semaphore_mem>>
      %dma_start3A_2736 = tpu.memref_squeeze %dma_start3A_2735 : memref<1x!tpu.dma_semaphore, #tpu.memory_space<semaphore_mem>> -> memref<!tpu.dma_semaphore, #tpu.memory_space<semaphore_mem>>
      tpu.enqueue_indirect_dma source(%dma_start3A_2734 : memref<100000x128xf32, #tpu.memory_space<hbm>>) target(%dma_start3A_2728 : memref<128x128xf32, #tpu.memory_space<vmem>>) offsets(%dma_start3A_2731 : memref<128xi32, #tpu.memory_space<vmem>>) semaphore(%dma_start3A_2736 : memref<!tpu.dma_semaphore, #tpu.memory_space<semaphore_mem>>)
      %add3A_2737 = arith.constant 8 : i32
      %add3A_2738 = arith.addi %add3A_1889, %add3A_2737 : i32
      %sub3A_2739 = arith.constant 4 : i32
      %sub3A_2740 = arith.subi %add3A_2738, %sub3A_2739 : i32
      %dma_wait3A_2741 = arith.constant 4 : i32
      %dma_wait3A_2742 = arith.constant 4 : i32
      %dma_wait3A_2743 = arith.constant 4 : i32
      %dma_wait3A_2744 = arith.constant 0 : i32
      %dma_wait3A_2745 = arith.constant 0 : i32
      %dma_wait3A_2746 = tpu.memref_slice %arg6[%dma_wait3A_2742, %dma_wait3A_2744, %dma_wait3A_2745] : memref<5x128x128xf32, #tpu.memory_space<vmem>> -> memref<1x128x128xf32, #tpu.memory_space<vmem>>
      %dma_wait3A_2747 = tpu.memref_squeeze %dma_wait3A_2746 : memref<1x128x128xf32, #tpu.memory_space<vmem>> -> memref<128x128xf32, #tpu.memory_space<vmem>>
      %dma_wait3A_2748 = arith.constant 0 : i32
      %dma_wait3A_2749 = tpu.memref_slice %arg5[%dma_wait3A_2741, %dma_wait3A_2748] : memref<10x128xi32, #tpu.memory_space<vmem>> -> memref<1x128xi32, #tpu.memory_space<vmem>>
      %dma_wait3A_2750 = tpu.memref_squeeze %dma_wait3A_2749 : memref<1x128xi32, #tpu.memory_space<vmem>> -> memref<128xi32, #tpu.memory_space<vmem>>
      %dma_wait3A_2751 = arith.constant 0 : i32
      %dma_wait3A_2752 = arith.constant 0 : i32
      %dma_wait3A_2753 = tpu.memref_slice %arg2[%dma_wait3A_2751, %dma_wait3A_2752] : memref<100000x128xf32, #tpu.memory_space<hbm>> -> memref<100000x128xf32, #tpu.memory_space<hbm>>
      %dma_wait3A_2754 = tpu.memref_slice %arg8[%dma_wait3A_2743] : memref<5x!tpu.dma_semaphore, #tpu.memory_space<semaphore_mem>> -> memref<1x!tpu.dma_semaphore, #tpu.memory_space<semaphore_mem>>
      %dma_wait3A_2755 = tpu.memref_squeeze %dma_wait3A_2754 : memref<1x!tpu.dma_semaphore, #tpu.memory_space<semaphore_mem>> -> memref<!tpu.dma_semaphore, #tpu.memory_space<semaphore_mem>>
      tpu.wait_indirect_dma semaphore(%dma_wait3A_2755 : memref<!tpu.dma_semaphore, #tpu.memory_space<semaphore_mem>>) src(%dma_wait3A_2753 : memref<100000x128xf32, #tpu.memory_space<hbm>>) dst(%dma_wait3A_2747 : memref<128x128xf32, #tpu.memory_space<vmem>>)
      %mul3A_2756 = arith.constant 128 : i32
      %mul3A_2757 = arith.muli %sub3A_2740, %mul3A_2756 : i32
      %add3A_2758 = arith.addi %mul3A_2, %mul3A_2757 : i32
      %dma_start3A_2759 = arith.constant 4 : i32
      %dma_start3A_2760 = arith.constant 4 : i32
      %dma_start3A_2761 = arith.constant 0 : i32
      %dma_start3A_2762 = arith.constant 0 : i32
      %dma_start3A_2763 = tpu.memref_slice %arg6[%dma_start3A_2759, %dma_start3A_2761, %dma_start3A_2762] : memref<5x128x128xf32, #tpu.memory_space<vmem>> -> memref<1x128x128xf32, #tpu.memory_space<vmem>>
      %dma_start3A_2764 = tpu.memref_squeeze %dma_start3A_2763 : memref<1x128x128xf32, #tpu.memory_space<vmem>> -> memref<128x128xf32, #tpu.memory_space<vmem>>
      %dma_start3A_2765 = arith.constant 0 : i32
      %dma_start3A_2766 = tpu.memref_slice %arg4[%add3A_2758, %dma_start3A_2765] : memref<819200x128xf32, #tpu.memory_space<hbm>> -> memref<128x128xf32, #tpu.memory_space<hbm>>
      %dma_start3A_2767 = tpu.memref_slice %arg9[%dma_start3A_2760] : memref<5x!tpu.dma_semaphore, #tpu.memory_space<semaphore_mem>> -> memref<1x!tpu.dma_semaphore, #tpu.memory_space<semaphore_mem>>
      %dma_start3A_2768 = tpu.memref_squeeze %dma_start3A_2767 : memref<1x!tpu.dma_semaphore, #tpu.memory_space<semaphore_mem>> -> memref<!tpu.dma_semaphore, #tpu.memory_space<semaphore_mem>>
      %dma_start3A_2769 = arith.constant 0 : i32
      %dma_start3A_2770 = tpu.memref_slice %arg4[%add3A_2758, %dma_start3A_2769] : memref<819200x128xf32, #tpu.memory_space<hbm>> -> memref<128x128xf32, #tpu.memory_space<hbm>>
      %dma_start3A_2771 = arith.constant 0 : i32
      %dma_start3A_2772 = arith.constant 0 : i32
      %dma_start3A_2773 = tpu.memref_slice %arg6[%dma_start3A_2759, %dma_start3A_2771, %dma_start3A_2772] : memref<5x128x128xf32, #tpu.memory_space<vmem>> -> memref<1x128x128xf32, #tpu.memory_space<vmem>>
      %dma_start3A_2774 = tpu.memref_squeeze %dma_start3A_2773 : memref<1x128x128xf32, #tpu.memory_space<vmem>> -> memref<128x128xf32, #tpu.memory_space<vmem>>
      tpu.enqueue_dma source(%dma_start3A_2774 : memref<128x128xf32, #tpu.memory_space<vmem>>) target(%dma_start3A_2770 : memref<128x128xf32, #tpu.memory_space<hbm>>) target_semaphore(%dma_start3A_2768 : memref<!tpu.dma_semaphore, #tpu.memory_space<semaphore_mem>>)
      %add3A_2775 = arith.constant 10 : i32
      %add3A_2776 = arith.addi %sub3A_2740, %add3A_2775 : i32
      %mul3A_2777 = arith.constant 128 : i32
      %mul3A_2778 = arith.muli %add3A_2776, %mul3A_2777 : i32
      %add3A_2779 = arith.addi %mul3A_2, %mul3A_2778 : i32
      %dma_start3A_2780 = arith.constant 4 : i32
      %dma_start3A_2781 = arith.constant 4 : i32
      %dma_start3A_2782 = arith.constant 0 : i32
      %dma_start3A_2783 = tpu.memref_slice %arg5[%dma_start3A_2780, %dma_start3A_2782] : memref<10x128xi32, #tpu.memory_space<vmem>> -> memref<1x128xi32, #tpu.memory_space<vmem>>
      %dma_start3A_2784 = tpu.memref_squeeze %dma_start3A_2783 : memref<1x128xi32, #tpu.memory_space<vmem>> -> memref<128xi32, #tpu.memory_space<vmem>>
      %dma_start3A_2785 = tpu.memref_slice %arg3[%add3A_2779] : memref<819200xi32, #tpu.memory_space<hbm>> -> memref<128xi32, #tpu.memory_space<hbm>>
      %dma_start3A_2786 = tpu.memref_slice %arg7[%dma_start3A_2781] : memref<10x!tpu.dma_semaphore, #tpu.memory_space<semaphore_mem>> -> memref<1x!tpu.dma_semaphore, #tpu.memory_space<semaphore_mem>>
      %dma_start3A_2787 = tpu.memref_squeeze %dma_start3A_2786 : memref<1x!tpu.dma_semaphore, #tpu.memory_space<semaphore_mem>> -> memref<!tpu.dma_semaphore, #tpu.memory_space<semaphore_mem>>
      %dma_start3A_2788 = arith.constant 0 : i32
      %dma_start3A_2789 = tpu.memref_slice %arg5[%dma_start3A_2780, %dma_start3A_2788] : memref<10x128xi32, #tpu.memory_space<vmem>> -> memref<1x128xi32, #tpu.memory_space<vmem>>
      %dma_start3A_2790 = tpu.memref_squeeze %dma_start3A_2789 : memref<1x128xi32, #tpu.memory_space<vmem>> -> memref<128xi32, #tpu.memory_space<vmem>>
      %dma_start3A_2791 = tpu.memref_slice %arg3[%add3A_2779] : memref<819200xi32, #tpu.memory_space<hbm>> -> memref<128xi32, #tpu.memory_space<hbm>>
      tpu.enqueue_dma source(%dma_start3A_2791 : memref<128xi32, #tpu.memory_space<hbm>>) target(%dma_start3A_2790 : memref<128xi32, #tpu.memory_space<vmem>>) target_semaphore(%dma_start3A_2787 : memref<!tpu.dma_semaphore, #tpu.memory_space<semaphore_mem>>)
      %sub3A_2792 = arith.constant 5 : i32
      %sub3A_2793 = arith.subi %add3A_2738, %sub3A_2792 : i32
      %mul3A_2794 = arith.constant 128 : i32
      %mul3A_2795 = arith.muli %sub3A_2793, %mul3A_2794 : i32
      %add3A_2796 = arith.addi %mul3A_2, %mul3A_2795 : i32
      %dma_wait3A_2797 = arith.constant 3 : i32
      %dma_wait3A_2798 = arith.constant 3 : i32
      %dma_wait3A_2799 = arith.constant 0 : i32
      %dma_wait3A_2800 = arith.constant 0 : i32
      %dma_wait3A_2801 = tpu.memref_slice %arg6[%dma_wait3A_2797, %dma_wait3A_2799, %dma_wait3A_2800] : memref<5x128x128xf32, #tpu.memory_space<vmem>> -> memref<1x128x128xf32, #tpu.memory_space<vmem>>
      %dma_wait3A_2802 = tpu.memref_squeeze %dma_wait3A_2801 : memref<1x128x128xf32, #tpu.memory_space<vmem>> -> memref<128x128xf32, #tpu.memory_space<vmem>>
      %dma_wait3A_2803 = arith.constant 0 : i32
      %dma_wait3A_2804 = tpu.memref_slice %arg4[%add3A_2796, %dma_wait3A_2803] : memref<819200x128xf32, #tpu.memory_space<hbm>> -> memref<128x128xf32, #tpu.memory_space<hbm>>
      %dma_wait3A_2805 = tpu.memref_slice %arg9[%dma_wait3A_2798] : memref<5x!tpu.dma_semaphore, #tpu.memory_space<semaphore_mem>> -> memref<1x!tpu.dma_semaphore, #tpu.memory_space<semaphore_mem>>
      %dma_wait3A_2806 = tpu.memref_squeeze %dma_wait3A_2805 : memref<1x!tpu.dma_semaphore, #tpu.memory_space<semaphore_mem>> -> memref<!tpu.dma_semaphore, #tpu.memory_space<semaphore_mem>>
      %dma_wait3A_2807 = arith.constant 0 : i32
      %dma_wait3A_2808 = tpu.memref_slice %arg4[%add3A_2796, %dma_wait3A_2807] : memref<819200x128xf32, #tpu.memory_space<hbm>> -> memref<128x128xf32, #tpu.memory_space<hbm>>
      %dma_wait3A_2809 = arith.constant 0 : i32
      %dma_wait3A_2810 = arith.constant 0 : i32
      %dma_wait3A_2811 = tpu.memref_slice %arg6[%dma_wait3A_2797, %dma_wait3A_2809, %dma_wait3A_2810] : memref<5x128x128xf32, #tpu.memory_space<vmem>> -> memref<1x128x128xf32, #tpu.memory_space<vmem>>
      %dma_wait3A_2812 = tpu.memref_squeeze %dma_wait3A_2811 : memref<1x128x128xf32, #tpu.memory_space<vmem>> -> memref<128x128xf32, #tpu.memory_space<vmem>>
      tpu.wait_dma2 semaphore(%dma_wait3A_2806 : memref<!tpu.dma_semaphore, #tpu.memory_space<semaphore_mem>>) src(%dma_wait3A_2812 : memref<128x128xf32, #tpu.memory_space<vmem>>) dst(%dma_wait3A_2808 : memref<128x128xf32, #tpu.memory_space<hbm>>)
      %mul3A_2813 = arith.constant 128 : i32
      %mul3A_2814 = arith.muli %add3A_2738, %mul3A_2813 : i32
      %add3A_2815 = arith.addi %mul3A_2, %mul3A_2814 : i32
      %dma_wait3A_2816 = arith.constant 8 : i32
      %dma_wait3A_2817 = arith.constant 8 : i32
      %dma_wait3A_2818 = arith.constant 0 : i32
      %dma_wait3A_2819 = tpu.memref_slice %arg5[%dma_wait3A_2816, %dma_wait3A_2818] : memref<10x128xi32, #tpu.memory_space<vmem>> -> memref<1x128xi32, #tpu.memory_space<vmem>>
      %dma_wait3A_2820 = tpu.memref_squeeze %dma_wait3A_2819 : memref<1x128xi32, #tpu.memory_space<vmem>> -> memref<128xi32, #tpu.memory_space<vmem>>
      %dma_wait3A_2821 = tpu.memref_slice %arg3[%add3A_2815] : memref<819200xi32, #tpu.memory_space<hbm>> -> memref<128xi32, #tpu.memory_space<hbm>>
      %dma_wait3A_2822 = tpu.memref_slice %arg7[%dma_wait3A_2817] : memref<10x!tpu.dma_semaphore, #tpu.memory_space<semaphore_mem>> -> memref<1x!tpu.dma_semaphore, #tpu.memory_space<semaphore_mem>>
      %dma_wait3A_2823 = tpu.memref_squeeze %dma_wait3A_2822 : memref<1x!tpu.dma_semaphore, #tpu.memory_space<semaphore_mem>> -> memref<!tpu.dma_semaphore, #tpu.memory_space<semaphore_mem>>
      %dma_wait3A_2824 = arith.constant 0 : i32
      %dma_wait3A_2825 = tpu.memref_slice %arg5[%dma_wait3A_2816, %dma_wait3A_2824] : memref<10x128xi32, #tpu.memory_space<vmem>> -> memref<1x128xi32, #tpu.memory_space<vmem>>
      %dma_wait3A_2826 = tpu.memref_squeeze %dma_wait3A_2825 : memref<1x128xi32, #tpu.memory_space<vmem>> -> memref<128xi32, #tpu.memory_space<vmem>>
      %dma_wait3A_2827 = tpu.memref_slice %arg3[%add3A_2815] : memref<819200xi32, #tpu.memory_space<hbm>> -> memref<128xi32, #tpu.memory_space<hbm>>
      tpu.wait_dma2 semaphore(%dma_wait3A_2823 : memref<!tpu.dma_semaphore, #tpu.memory_space<semaphore_mem>>) src(%dma_wait3A_2827 : memref<128xi32, #tpu.memory_space<hbm>>) dst(%dma_wait3A_2826 : memref<128xi32, #tpu.memory_space<vmem>>)
      %dma_start3A_2828 = arith.constant 8 : i32
      %dma_start3A_2829 = arith.constant 3 : i32
      %dma_start3A_2830 = arith.constant 3 : i32
      %dma_start3A_2831 = arith.constant 0 : i32
      %dma_start3A_2832 = arith.constant 0 : i32
      %dma_start3A_2833 = tpu.memref_slice %arg6[%dma_start3A_2829, %dma_start3A_2831, %dma_start3A_2832] : memref<5x128x128xf32, #tpu.memory_space<vmem>> -> memref<1x128x128xf32, #tpu.memory_space<vmem>>
      %dma_start3A_2834 = tpu.memref_squeeze %dma_start3A_2833 : memref<1x128x128xf32, #tpu.memory_space<vmem>> -> memref<128x128xf32, #tpu.memory_space<vmem>>
      %dma_start3A_2835 = arith.constant 0 : i32
      %dma_start3A_2836 = tpu.memref_slice %arg5[%dma_start3A_2828, %dma_start3A_2835] : memref<10x128xi32, #tpu.memory_space<vmem>> -> memref<1x128xi32, #tpu.memory_space<vmem>>
      %dma_start3A_2837 = tpu.memref_squeeze %dma_start3A_2836 : memref<1x128xi32, #tpu.memory_space<vmem>> -> memref<128xi32, #tpu.memory_space<vmem>>
      %dma_start3A_2838 = arith.constant 0 : i32
      %dma_start3A_2839 = arith.constant 0 : i32
      %dma_start3A_2840 = tpu.memref_slice %arg2[%dma_start3A_2838, %dma_start3A_2839] : memref<100000x128xf32, #tpu.memory_space<hbm>> -> memref<100000x128xf32, #tpu.memory_space<hbm>>
      %dma_start3A_2841 = tpu.memref_slice %arg8[%dma_start3A_2830] : memref<5x!tpu.dma_semaphore, #tpu.memory_space<semaphore_mem>> -> memref<1x!tpu.dma_semaphore, #tpu.memory_space<semaphore_mem>>
      %dma_start3A_2842 = tpu.memref_squeeze %dma_start3A_2841 : memref<1x!tpu.dma_semaphore, #tpu.memory_space<semaphore_mem>> -> memref<!tpu.dma_semaphore, #tpu.memory_space<semaphore_mem>>
      tpu.enqueue_indirect_dma source(%dma_start3A_2840 : memref<100000x128xf32, #tpu.memory_space<hbm>>) target(%dma_start3A_2834 : memref<128x128xf32, #tpu.memory_space<vmem>>) offsets(%dma_start3A_2837 : memref<128xi32, #tpu.memory_space<vmem>>) semaphore(%dma_start3A_2842 : memref<!tpu.dma_semaphore, #tpu.memory_space<semaphore_mem>>)
      %add3A_2843 = arith.constant 9 : i32
      %add3A_2844 = arith.addi %add3A_1889, %add3A_2843 : i32
      %sub3A_2845 = arith.constant 4 : i32
      %sub3A_2846 = arith.subi %add3A_2844, %sub3A_2845 : i32
      %dma_wait3A_2847 = arith.constant 5 : i32
      %dma_wait3A_2848 = arith.constant 0 : i32
      %dma_wait3A_2849 = arith.constant 0 : i32
      %dma_wait3A_2850 = arith.constant 0 : i32
      %dma_wait3A_2851 = arith.constant 0 : i32
      %dma_wait3A_2852 = tpu.memref_slice %arg6[%dma_wait3A_2848, %dma_wait3A_2850, %dma_wait3A_2851] : memref<5x128x128xf32, #tpu.memory_space<vmem>> -> memref<1x128x128xf32, #tpu.memory_space<vmem>>
      %dma_wait3A_2853 = tpu.memref_squeeze %dma_wait3A_2852 : memref<1x128x128xf32, #tpu.memory_space<vmem>> -> memref<128x128xf32, #tpu.memory_space<vmem>>
      %dma_wait3A_2854 = arith.constant 0 : i32
      %dma_wait3A_2855 = tpu.memref_slice %arg5[%dma_wait3A_2847, %dma_wait3A_2854] : memref<10x128xi32, #tpu.memory_space<vmem>> -> memref<1x128xi32, #tpu.memory_space<vmem>>
      %dma_wait3A_2856 = tpu.memref_squeeze %dma_wait3A_2855 : memref<1x128xi32, #tpu.memory_space<vmem>> -> memref<128xi32, #tpu.memory_space<vmem>>
      %dma_wait3A_2857 = arith.constant 0 : i32
      %dma_wait3A_2858 = arith.constant 0 : i32
      %dma_wait3A_2859 = tpu.memref_slice %arg2[%dma_wait3A_2857, %dma_wait3A_2858] : memref<100000x128xf32, #tpu.memory_space<hbm>> -> memref<100000x128xf32, #tpu.memory_space<hbm>>
      %dma_wait3A_2860 = tpu.memref_slice %arg8[%dma_wait3A_2849] : memref<5x!tpu.dma_semaphore, #tpu.memory_space<semaphore_mem>> -> memref<1x!tpu.dma_semaphore, #tpu.memory_space<semaphore_mem>>
      %dma_wait3A_2861 = tpu.memref_squeeze %dma_wait3A_2860 : memref<1x!tpu.dma_semaphore, #tpu.memory_space<semaphore_mem>> -> memref<!tpu.dma_semaphore, #tpu.memory_space<semaphore_mem>>
      tpu.wait_indirect_dma semaphore(%dma_wait3A_2861 : memref<!tpu.dma_semaphore, #tpu.memory_space<semaphore_mem>>) src(%dma_wait3A_2859 : memref<100000x128xf32, #tpu.memory_space<hbm>>) dst(%dma_wait3A_2853 : memref<128x128xf32, #tpu.memory_space<vmem>>)
      %mul3A_2862 = arith.constant 128 : i32
      %mul3A_2863 = arith.muli %sub3A_2846, %mul3A_2862 : i32
      %add3A_2864 = arith.addi %mul3A_2, %mul3A_2863 : i32
      %dma_start3A_2865 = arith.constant 0 : i32
      %dma_start3A_2866 = arith.constant 0 : i32
      %dma_start3A_2867 = arith.constant 0 : i32
      %dma_start3A_2868 = arith.constant 0 : i32
      %dma_start3A_2869 = tpu.memref_slice %arg6[%dma_start3A_2865, %dma_start3A_2867, %dma_start3A_2868] : memref<5x128x128xf32, #tpu.memory_space<vmem>> -> memref<1x128x128xf32, #tpu.memory_space<vmem>>
      %dma_start3A_2870 = tpu.memref_squeeze %dma_start3A_2869 : memref<1x128x128xf32, #tpu.memory_space<vmem>> -> memref<128x128xf32, #tpu.memory_space<vmem>>
      %dma_start3A_2871 = arith.constant 0 : i32
      %dma_start3A_2872 = tpu.memref_slice %arg4[%add3A_2864, %dma_start3A_2871] : memref<819200x128xf32, #tpu.memory_space<hbm>> -> memref<128x128xf32, #tpu.memory_space<hbm>>
      %dma_start3A_2873 = tpu.memref_slice %arg9[%dma_start3A_2866] : memref<5x!tpu.dma_semaphore, #tpu.memory_space<semaphore_mem>> -> memref<1x!tpu.dma_semaphore, #tpu.memory_space<semaphore_mem>>
      %dma_start3A_2874 = tpu.memref_squeeze %dma_start3A_2873 : memref<1x!tpu.dma_semaphore, #tpu.memory_space<semaphore_mem>> -> memref<!tpu.dma_semaphore, #tpu.memory_space<semaphore_mem>>
      %dma_start3A_2875 = arith.constant 0 : i32
      %dma_start3A_2876 = tpu.memref_slice %arg4[%add3A_2864, %dma_start3A_2875] : memref<819200x128xf32, #tpu.memory_space<hbm>> -> memref<128x128xf32, #tpu.memory_space<hbm>>
      %dma_start3A_2877 = arith.constant 0 : i32
      %dma_start3A_2878 = arith.constant 0 : i32
      %dma_start3A_2879 = tpu.memref_slice %arg6[%dma_start3A_2865, %dma_start3A_2877, %dma_start3A_2878] : memref<5x128x128xf32, #tpu.memory_space<vmem>> -> memref<1x128x128xf32, #tpu.memory_space<vmem>>
      %dma_start3A_2880 = tpu.memref_squeeze %dma_start3A_2879 : memref<1x128x128xf32, #tpu.memory_space<vmem>> -> memref<128x128xf32, #tpu.memory_space<vmem>>
      tpu.enqueue_dma source(%dma_start3A_2880 : memref<128x128xf32, #tpu.memory_space<vmem>>) target(%dma_start3A_2876 : memref<128x128xf32, #tpu.memory_space<hbm>>) target_semaphore(%dma_start3A_2874 : memref<!tpu.dma_semaphore, #tpu.memory_space<semaphore_mem>>)
      %add3A_2881 = arith.constant 10 : i32
      %add3A_2882 = arith.addi %sub3A_2846, %add3A_2881 : i32
      %mul3A_2883 = arith.constant 128 : i32
      %mul3A_2884 = arith.muli %add3A_2882, %mul3A_2883 : i32
      %add3A_2885 = arith.addi %mul3A_2, %mul3A_2884 : i32
      %dma_start3A_2886 = arith.constant 5 : i32
      %dma_start3A_2887 = arith.constant 5 : i32
      %dma_start3A_2888 = arith.constant 0 : i32
      %dma_start3A_2889 = tpu.memref_slice %arg5[%dma_start3A_2886, %dma_start3A_2888] : memref<10x128xi32, #tpu.memory_space<vmem>> -> memref<1x128xi32, #tpu.memory_space<vmem>>
      %dma_start3A_2890 = tpu.memref_squeeze %dma_start3A_2889 : memref<1x128xi32, #tpu.memory_space<vmem>> -> memref<128xi32, #tpu.memory_space<vmem>>
      %dma_start3A_2891 = tpu.memref_slice %arg3[%add3A_2885] : memref<819200xi32, #tpu.memory_space<hbm>> -> memref<128xi32, #tpu.memory_space<hbm>>
      %dma_start3A_2892 = tpu.memref_slice %arg7[%dma_start3A_2887] : memref<10x!tpu.dma_semaphore, #tpu.memory_space<semaphore_mem>> -> memref<1x!tpu.dma_semaphore, #tpu.memory_space<semaphore_mem>>
      %dma_start3A_2893 = tpu.memref_squeeze %dma_start3A_2892 : memref<1x!tpu.dma_semaphore, #tpu.memory_space<semaphore_mem>> -> memref<!tpu.dma_semaphore, #tpu.memory_space<semaphore_mem>>
      %dma_start3A_2894 = arith.constant 0 : i32
      %dma_start3A_2895 = tpu.memref_slice %arg5[%dma_start3A_2886, %dma_start3A_2894] : memref<10x128xi32, #tpu.memory_space<vmem>> -> memref<1x128xi32, #tpu.memory_space<vmem>>
      %dma_start3A_2896 = tpu.memref_squeeze %dma_start3A_2895 : memref<1x128xi32, #tpu.memory_space<vmem>> -> memref<128xi32, #tpu.memory_space<vmem>>
      %dma_start3A_2897 = tpu.memref_slice %arg3[%add3A_2885] : memref<819200xi32, #tpu.memory_space<hbm>> -> memref<128xi32, #tpu.memory_space<hbm>>
      tpu.enqueue_dma source(%dma_start3A_2897 : memref<128xi32, #tpu.memory_space<hbm>>) target(%dma_start3A_2896 : memref<128xi32, #tpu.memory_space<vmem>>) target_semaphore(%dma_start3A_2893 : memref<!tpu.dma_semaphore, #tpu.memory_space<semaphore_mem>>)
      %sub3A_2898 = arith.constant 5 : i32
      %sub3A_2899 = arith.subi %add3A_2844, %sub3A_2898 : i32
      %mul3A_2900 = arith.constant 128 : i32
      %mul3A_2901 = arith.muli %sub3A_2899, %mul3A_2900 : i32
      %add3A_2902 = arith.addi %mul3A_2, %mul3A_2901 : i32
      %dma_wait3A_2903 = arith.constant 4 : i32
      %dma_wait3A_2904 = arith.constant 4 : i32
      %dma_wait3A_2905 = arith.constant 0 : i32
      %dma_wait3A_2906 = arith.constant 0 : i32
      %dma_wait3A_2907 = tpu.memref_slice %arg6[%dma_wait3A_2903, %dma_wait3A_2905, %dma_wait3A_2906] : memref<5x128x128xf32, #tpu.memory_space<vmem>> -> memref<1x128x128xf32, #tpu.memory_space<vmem>>
      %dma_wait3A_2908 = tpu.memref_squeeze %dma_wait3A_2907 : memref<1x128x128xf32, #tpu.memory_space<vmem>> -> memref<128x128xf32, #tpu.memory_space<vmem>>
      %dma_wait3A_2909 = arith.constant 0 : i32
      %dma_wait3A_2910 = tpu.memref_slice %arg4[%add3A_2902, %dma_wait3A_2909] : memref<819200x128xf32, #tpu.memory_space<hbm>> -> memref<128x128xf32, #tpu.memory_space<hbm>>
      %dma_wait3A_2911 = tpu.memref_slice %arg9[%dma_wait3A_2904] : memref<5x!tpu.dma_semaphore, #tpu.memory_space<semaphore_mem>> -> memref<1x!tpu.dma_semaphore, #tpu.memory_space<semaphore_mem>>
      %dma_wait3A_2912 = tpu.memref_squeeze %dma_wait3A_2911 : memref<1x!tpu.dma_semaphore, #tpu.memory_space<semaphore_mem>> -> memref<!tpu.dma_semaphore, #tpu.memory_space<semaphore_mem>>
      %dma_wait3A_2913 = arith.constant 0 : i32
      %dma_wait3A_2914 = tpu.memref_slice %arg4[%add3A_2902, %dma_wait3A_2913] : memref<819200x128xf32, #tpu.memory_space<hbm>> -> memref<128x128xf32, #tpu.memory_space<hbm>>
      %dma_wait3A_2915 = arith.constant 0 : i32
      %dma_wait3A_2916 = arith.constant 0 : i32
      %dma_wait3A_2917 = tpu.memref_slice %arg6[%dma_wait3A_2903, %dma_wait3A_2915, %dma_wait3A_2916] : memref<5x128x128xf32, #tpu.memory_space<vmem>> -> memref<1x128x128xf32, #tpu.memory_space<vmem>>
      %dma_wait3A_2918 = tpu.memref_squeeze %dma_wait3A_2917 : memref<1x128x128xf32, #tpu.memory_space<vmem>> -> memref<128x128xf32, #tpu.memory_space<vmem>>
      tpu.wait_dma2 semaphore(%dma_wait3A_2912 : memref<!tpu.dma_semaphore, #tpu.memory_space<semaphore_mem>>) src(%dma_wait3A_2918 : memref<128x128xf32, #tpu.memory_space<vmem>>) dst(%dma_wait3A_2914 : memref<128x128xf32, #tpu.memory_space<hbm>>)
      %mul3A_2919 = arith.constant 128 : i32
      %mul3A_2920 = arith.muli %add3A_2844, %mul3A_2919 : i32
      %add3A_2921 = arith.addi %mul3A_2, %mul3A_2920 : i32
      %dma_wait3A_2922 = arith.constant 9 : i32
      %dma_wait3A_2923 = arith.constant 9 : i32
      %dma_wait3A_2924 = arith.constant 0 : i32
      %dma_wait3A_2925 = tpu.memref_slice %arg5[%dma_wait3A_2922, %dma_wait3A_2924] : memref<10x128xi32, #tpu.memory_space<vmem>> -> memref<1x128xi32, #tpu.memory_space<vmem>>
      %dma_wait3A_2926 = tpu.memref_squeeze %dma_wait3A_2925 : memref<1x128xi32, #tpu.memory_space<vmem>> -> memref<128xi32, #tpu.memory_space<vmem>>
      %dma_wait3A_2927 = tpu.memref_slice %arg3[%add3A_2921] : memref<819200xi32, #tpu.memory_space<hbm>> -> memref<128xi32, #tpu.memory_space<hbm>>
      %dma_wait3A_2928 = tpu.memref_slice %arg7[%dma_wait3A_2923] : memref<10x!tpu.dma_semaphore, #tpu.memory_space<semaphore_mem>> -> memref<1x!tpu.dma_semaphore, #tpu.memory_space<semaphore_mem>>
      %dma_wait3A_2929 = tpu.memref_squeeze %dma_wait3A_2928 : memref<1x!tpu.dma_semaphore, #tpu.memory_space<semaphore_mem>> -> memref<!tpu.dma_semaphore, #tpu.memory_space<semaphore_mem>>
      %dma_wait3A_2930 = arith.constant 0 : i32
      %dma_wait3A_2931 = tpu.memref_slice %arg5[%dma_wait3A_2922, %dma_wait3A_2930] : memref<10x128xi32, #tpu.memory_space<vmem>> -> memref<1x128xi32, #tpu.memory_space<vmem>>
      %dma_wait3A_2932 = tpu.memref_squeeze %dma_wait3A_2931 : memref<1x128xi32, #tpu.memory_space<vmem>> -> memref<128xi32, #tpu.memory_space<vmem>>
      %dma_wait3A_2933 = tpu.memref_slice %arg3[%add3A_2921] : memref<819200xi32, #tpu.memory_space<hbm>> -> memref<128xi32, #tpu.memory_space<hbm>>
      tpu.wait_dma2 semaphore(%dma_wait3A_2929 : memref<!tpu.dma_semaphore, #tpu.memory_space<semaphore_mem>>) src(%dma_wait3A_2933 : memref<128xi32, #tpu.memory_space<hbm>>) dst(%dma_wait3A_2932 : memref<128xi32, #tpu.memory_space<vmem>>)
      %dma_start3A_2934 = arith.constant 9 : i32
      %dma_start3A_2935 = arith.constant 4 : i32
      %dma_start3A_2936 = arith.constant 4 : i32
      %dma_start3A_2937 = arith.constant 0 : i32
      %dma_start3A_2938 = arith.constant 0 : i32
      %dma_start3A_2939 = tpu.memref_slice %arg6[%dma_start3A_2935, %dma_start3A_2937, %dma_start3A_2938] : memref<5x128x128xf32, #tpu.memory_space<vmem>> -> memref<1x128x128xf32, #tpu.memory_space<vmem>>
      %dma_start3A_2940 = tpu.memref_squeeze %dma_start3A_2939 : memref<1x128x128xf32, #tpu.memory_space<vmem>> -> memref<128x128xf32, #tpu.memory_space<vmem>>
      %dma_start3A_2941 = arith.constant 0 : i32
      %dma_start3A_2942 = tpu.memref_slice %arg5[%dma_start3A_2934, %dma_start3A_2941] : memref<10x128xi32, #tpu.memory_space<vmem>> -> memref<1x128xi32, #tpu.memory_space<vmem>>
      %dma_start3A_2943 = tpu.memref_squeeze %dma_start3A_2942 : memref<1x128xi32, #tpu.memory_space<vmem>> -> memref<128xi32, #tpu.memory_space<vmem>>
      %dma_start3A_2944 = arith.constant 0 : i32
      %dma_start3A_2945 = arith.constant 0 : i32
      %dma_start3A_2946 = tpu.memref_slice %arg2[%dma_start3A_2944, %dma_start3A_2945] : memref<100000x128xf32, #tpu.memory_space<hbm>> -> memref<100000x128xf32, #tpu.memory_space<hbm>>
      %dma_start3A_2947 = tpu.memref_slice %arg8[%dma_start3A_2936] : memref<5x!tpu.dma_semaphore, #tpu.memory_space<semaphore_mem>> -> memref<1x!tpu.dma_semaphore, #tpu.memory_space<semaphore_mem>>
      %dma_start3A_2948 = tpu.memref_squeeze %dma_start3A_2947 : memref<1x!tpu.dma_semaphore, #tpu.memory_space<semaphore_mem>> -> memref<!tpu.dma_semaphore, #tpu.memory_space<semaphore_mem>>
      tpu.enqueue_indirect_dma source(%dma_start3A_2946 : memref<100000x128xf32, #tpu.memory_space<hbm>>) target(%dma_start3A_2940 : memref<128x128xf32, #tpu.memory_space<vmem>>) offsets(%dma_start3A_2943 : memref<128xi32, #tpu.memory_space<vmem>>) semaphore(%dma_start3A_2948 : memref<!tpu.dma_semaphore, #tpu.memory_space<semaphore_mem>>)
    }
    %scan3A_806 = arith.constant 18 : i32
    %dma_wait3A_807 = arith.constant 6 : i32
    %dma_wait3A_808 = arith.constant 1 : i32
    %dma_wait3A_809 = arith.constant 1 : i32
    %dma_wait3A_810 = arith.constant 0 : i32
    %dma_wait3A_811 = arith.constant 0 : i32
    %dma_wait3A_812 = tpu.memref_slice %arg6[%dma_wait3A_808, %dma_wait3A_810, %dma_wait3A_811] : memref<5x128x128xf32, #tpu.memory_space<vmem>> -> memref<1x128x128xf32, #tpu.memory_space<vmem>>
    %dma_wait3A_813 = tpu.memref_squeeze %dma_wait3A_812 : memref<1x128x128xf32, #tpu.memory_space<vmem>> -> memref<128x128xf32, #tpu.memory_space<vmem>>
    %dma_wait3A_814 = arith.constant 0 : i32
    %dma_wait3A_815 = tpu.memref_slice %arg5[%dma_wait3A_807, %dma_wait3A_814] : memref<10x128xi32, #tpu.memory_space<vmem>> -> memref<1x128xi32, #tpu.memory_space<vmem>>
    %dma_wait3A_816 = tpu.memref_squeeze %dma_wait3A_815 : memref<1x128xi32, #tpu.memory_space<vmem>> -> memref<128xi32, #tpu.memory_space<vmem>>
    %dma_wait3A_817 = arith.constant 0 : i32
    %dma_wait3A_818 = arith.constant 0 : i32
    %dma_wait3A_819 = tpu.memref_slice %arg2[%dma_wait3A_817, %dma_wait3A_818] : memref<100000x128xf32, #tpu.memory_space<hbm>> -> memref<100000x128xf32, #tpu.memory_space<hbm>>
    %dma_wait3A_820 = tpu.memref_slice %arg8[%dma_wait3A_809] : memref<5x!tpu.dma_semaphore, #tpu.memory_space<semaphore_mem>> -> memref<1x!tpu.dma_semaphore, #tpu.memory_space<semaphore_mem>>
    %dma_wait3A_821 = tpu.memref_squeeze %dma_wait3A_820 : memref<1x!tpu.dma_semaphore, #tpu.memory_space<semaphore_mem>> -> memref<!tpu.dma_semaphore, #tpu.memory_space<semaphore_mem>>
    tpu.wait_indirect_dma semaphore(%dma_wait3A_821 : memref<!tpu.dma_semaphore, #tpu.memory_space<semaphore_mem>>) src(%dma_wait3A_819 : memref<100000x128xf32, #tpu.memory_space<hbm>>) dst(%dma_wait3A_813 : memref<128x128xf32, #tpu.memory_space<vmem>>)
    %add3A_822 = arith.constant 23808 : i32
    %add3A_823 = arith.addi %mul3A_2, %add3A_822 : i32
    %dma_start3A_824 = arith.constant 1 : i32
    %dma_start3A_825 = arith.constant 1 : i32
    %dma_start3A_826 = arith.constant 0 : i32
    %dma_start3A_827 = arith.constant 0 : i32
    %dma_start3A_828 = tpu.memref_slice %arg6[%dma_start3A_824, %dma_start3A_826, %dma_start3A_827] : memref<5x128x128xf32, #tpu.memory_space<vmem>> -> memref<1x128x128xf32, #tpu.memory_space<vmem>>
    %dma_start3A_829 = tpu.memref_squeeze %dma_start3A_828 : memref<1x128x128xf32, #tpu.memory_space<vmem>> -> memref<128x128xf32, #tpu.memory_space<vmem>>
    %dma_start3A_830 = arith.constant 0 : i32
    %dma_start3A_831 = tpu.memref_slice %arg4[%add3A_823, %dma_start3A_830] : memref<819200x128xf32, #tpu.memory_space<hbm>> -> memref<128x128xf32, #tpu.memory_space<hbm>>
    %dma_start3A_832 = tpu.memref_slice %arg9[%dma_start3A_825] : memref<5x!tpu.dma_semaphore, #tpu.memory_space<semaphore_mem>> -> memref<1x!tpu.dma_semaphore, #tpu.memory_space<semaphore_mem>>
    %dma_start3A_833 = tpu.memref_squeeze %dma_start3A_832 : memref<1x!tpu.dma_semaphore, #tpu.memory_space<semaphore_mem>> -> memref<!tpu.dma_semaphore, #tpu.memory_space<semaphore_mem>>
    %dma_start3A_834 = arith.constant 0 : i32
    %dma_start3A_835 = tpu.memref_slice %arg4[%add3A_823, %dma_start3A_834] : memref<819200x128xf32, #tpu.memory_space<hbm>> -> memref<128x128xf32, #tpu.memory_space<hbm>>
    %dma_start3A_836 = arith.constant 0 : i32
    %dma_start3A_837 = arith.constant 0 : i32
    %dma_start3A_838 = tpu.memref_slice %arg6[%dma_start3A_824, %dma_start3A_836, %dma_start3A_837] : memref<5x128x128xf32, #tpu.memory_space<vmem>> -> memref<1x128x128xf32, #tpu.memory_space<vmem>>
    %dma_start3A_839 = tpu.memref_squeeze %dma_start3A_838 : memref<1x128x128xf32, #tpu.memory_space<vmem>> -> memref<128x128xf32, #tpu.memory_space<vmem>>
    tpu.enqueue_dma source(%dma_start3A_839 : memref<128x128xf32, #tpu.memory_space<vmem>>) target(%dma_start3A_835 : memref<128x128xf32, #tpu.memory_space<hbm>>) target_semaphore(%dma_start3A_833 : memref<!tpu.dma_semaphore, #tpu.memory_space<semaphore_mem>>)
    %add3A_840 = arith.constant 25088 : i32
    %add3A_841 = arith.addi %mul3A_2, %add3A_840 : i32
    %dma_start3A_842 = arith.constant 6 : i32
    %dma_start3A_843 = arith.constant 6 : i32
    %dma_start3A_844 = arith.constant 0 : i32
    %dma_start3A_845 = tpu.memref_slice %arg5[%dma_start3A_842, %dma_start3A_844] : memref<10x128xi32, #tpu.memory_space<vmem>> -> memref<1x128xi32, #tpu.memory_space<vmem>>
    %dma_start3A_846 = tpu.memref_squeeze %dma_start3A_845 : memref<1x128xi32, #tpu.memory_space<vmem>> -> memref<128xi32, #tpu.memory_space<vmem>>
    %dma_start3A_847 = tpu.memref_slice %arg3[%add3A_841] : memref<819200xi32, #tpu.memory_space<hbm>> -> memref<128xi32, #tpu.memory_space<hbm>>
    %dma_start3A_848 = tpu.memref_slice %arg7[%dma_start3A_843] : memref<10x!tpu.dma_semaphore, #tpu.memory_space<semaphore_mem>> -> memref<1x!tpu.dma_semaphore, #tpu.memory_space<semaphore_mem>>
    %dma_start3A_849 = tpu.memref_squeeze %dma_start3A_848 : memref<1x!tpu.dma_semaphore, #tpu.memory_space<semaphore_mem>> -> memref<!tpu.dma_semaphore, #tpu.memory_space<semaphore_mem>>
    %dma_start3A_850 = arith.constant 0 : i32
    %dma_start3A_851 = tpu.memref_slice %arg5[%dma_start3A_842, %dma_start3A_850] : memref<10x128xi32, #tpu.memory_space<vmem>> -> memref<1x128xi32, #tpu.memory_space<vmem>>
    %dma_start3A_852 = tpu.memref_squeeze %dma_start3A_851 : memref<1x128xi32, #tpu.memory_space<vmem>> -> memref<128xi32, #tpu.memory_space<vmem>>
    %dma_start3A_853 = tpu.memref_slice %arg3[%add3A_841] : memref<819200xi32, #tpu.memory_space<hbm>> -> memref<128xi32, #tpu.memory_space<hbm>>
    tpu.enqueue_dma source(%dma_start3A_853 : memref<128xi32, #tpu.memory_space<hbm>>) target(%dma_start3A_852 : memref<128xi32, #tpu.memory_space<vmem>>) target_semaphore(%dma_start3A_849 : memref<!tpu.dma_semaphore, #tpu.memory_space<semaphore_mem>>)
    %add3A_854 = arith.constant 23680 : i32
    %add3A_855 = arith.addi %mul3A_2, %add3A_854 : i32
    %dma_wait3A_856 = arith.constant 0 : i32
    %dma_wait3A_857 = arith.constant 0 : i32
    %dma_wait3A_858 = arith.constant 0 : i32
    %dma_wait3A_859 = arith.constant 0 : i32
    %dma_wait3A_860 = tpu.memref_slice %arg6[%dma_wait3A_856, %dma_wait3A_858, %dma_wait3A_859] : memref<5x128x128xf32, #tpu.memory_space<vmem>> -> memref<1x128x128xf32, #tpu.memory_space<vmem>>
    %dma_wait3A_861 = tpu.memref_squeeze %dma_wait3A_860 : memref<1x128x128xf32, #tpu.memory_space<vmem>> -> memref<128x128xf32, #tpu.memory_space<vmem>>
    %dma_wait3A_862 = arith.constant 0 : i32
    %dma_wait3A_863 = tpu.memref_slice %arg4[%add3A_855, %dma_wait3A_862] : memref<819200x128xf32, #tpu.memory_space<hbm>> -> memref<128x128xf32, #tpu.memory_space<hbm>>
    %dma_wait3A_864 = tpu.memref_slice %arg9[%dma_wait3A_857] : memref<5x!tpu.dma_semaphore, #tpu.memory_space<semaphore_mem>> -> memref<1x!tpu.dma_semaphore, #tpu.memory_space<semaphore_mem>>
    %dma_wait3A_865 = tpu.memref_squeeze %dma_wait3A_864 : memref<1x!tpu.dma_semaphore, #tpu.memory_space<semaphore_mem>> -> memref<!tpu.dma_semaphore, #tpu.memory_space<semaphore_mem>>
    %dma_wait3A_866 = arith.constant 0 : i32
    %dma_wait3A_867 = tpu.memref_slice %arg4[%add3A_855, %dma_wait3A_866] : memref<819200x128xf32, #tpu.memory_space<hbm>> -> memref<128x128xf32, #tpu.memory_space<hbm>>
    %dma_wait3A_868 = arith.constant 0 : i32
    %dma_wait3A_869 = arith.constant 0 : i32
    %dma_wait3A_870 = tpu.memref_slice %arg6[%dma_wait3A_856, %dma_wait3A_868, %dma_wait3A_869] : memref<5x128x128xf32, #tpu.memory_space<vmem>> -> memref<1x128x128xf32, #tpu.memory_space<vmem>>
    %dma_wait3A_871 = tpu.memref_squeeze %dma_wait3A_870 : memref<1x128x128xf32, #tpu.memory_space<vmem>> -> memref<128x128xf32, #tpu.memory_space<vmem>>
    tpu.wait_dma2 semaphore(%dma_wait3A_865 : memref<!tpu.dma_semaphore, #tpu.memory_space<semaphore_mem>>) src(%dma_wait3A_871 : memref<128x128xf32, #tpu.memory_space<vmem>>) dst(%dma_wait3A_867 : memref<128x128xf32, #tpu.memory_space<hbm>>)
    %add3A_872 = arith.constant 24320 : i32
    %add3A_873 = arith.addi %mul3A_2, %add3A_872 : i32
    %dma_wait3A_874 = arith.constant 0 : i32
    %dma_wait3A_875 = arith.constant 0 : i32
    %dma_wait3A_876 = arith.constant 0 : i32
    %dma_wait3A_877 = tpu.memref_slice %arg5[%dma_wait3A_874, %dma_wait3A_876] : memref<10x128xi32, #tpu.memory_space<vmem>> -> memref<1x128xi32, #tpu.memory_space<vmem>>
    %dma_wait3A_878 = tpu.memref_squeeze %dma_wait3A_877 : memref<1x128xi32, #tpu.memory_space<vmem>> -> memref<128xi32, #tpu.memory_space<vmem>>
    %dma_wait3A_879 = tpu.memref_slice %arg3[%add3A_873] : memref<819200xi32, #tpu.memory_space<hbm>> -> memref<128xi32, #tpu.memory_space<hbm>>
    %dma_wait3A_880 = tpu.memref_slice %arg7[%dma_wait3A_875] : memref<10x!tpu.dma_semaphore, #tpu.memory_space<semaphore_mem>> -> memref<1x!tpu.dma_semaphore, #tpu.memory_space<semaphore_mem>>
    %dma_wait3A_881 = tpu.memref_squeeze %dma_wait3A_880 : memref<1x!tpu.dma_semaphore, #tpu.memory_space<semaphore_mem>> -> memref<!tpu.dma_semaphore, #tpu.memory_space<semaphore_mem>>
    %dma_wait3A_882 = arith.constant 0 : i32
    %dma_wait3A_883 = tpu.memref_slice %arg5[%dma_wait3A_874, %dma_wait3A_882] : memref<10x128xi32, #tpu.memory_space<vmem>> -> memref<1x128xi32, #tpu.memory_space<vmem>>
    %dma_wait3A_884 = tpu.memref_squeeze %dma_wait3A_883 : memref<1x128xi32, #tpu.memory_space<vmem>> -> memref<128xi32, #tpu.memory_space<vmem>>
    %dma_wait3A_885 = tpu.memref_slice %arg3[%add3A_873] : memref<819200xi32, #tpu.memory_space<hbm>> -> memref<128xi32, #tpu.memory_space<hbm>>
    tpu.wait_dma2 semaphore(%dma_wait3A_881 : memref<!tpu.dma_semaphore, #tpu.memory_space<semaphore_mem>>) src(%dma_wait3A_885 : memref<128xi32, #tpu.memory_space<hbm>>) dst(%dma_wait3A_884 : memref<128xi32, #tpu.memory_space<vmem>>)
    %dma_start3A_886 = arith.constant 0 : i32
    %dma_start3A_887 = arith.constant 0 : i32
    %dma_start3A_888 = arith.constant 0 : i32
    %dma_start3A_889 = arith.constant 0 : i32
    %dma_start3A_890 = arith.constant 0 : i32
    %dma_start3A_891 = tpu.memref_slice %arg6[%dma_start3A_887, %dma_start3A_889, %dma_start3A_890] : memref<5x128x128xf32, #tpu.memory_space<vmem>> -> memref<1x128x128xf32, #tpu.memory_space<vmem>>
    %dma_start3A_892 = tpu.memref_squeeze %dma_start3A_891 : memref<1x128x128xf32, #tpu.memory_space<vmem>> -> memref<128x128xf32, #tpu.memory_space<vmem>>
    %dma_start3A_893 = arith.constant 0 : i32
    %dma_start3A_894 = tpu.memref_slice %arg5[%dma_start3A_886, %dma_start3A_893] : memref<10x128xi32, #tpu.memory_space<vmem>> -> memref<1x128xi32, #tpu.memory_space<vmem>>
    %dma_start3A_895 = tpu.memref_squeeze %dma_start3A_894 : memref<1x128xi32, #tpu.memory_space<vmem>> -> memref<128xi32, #tpu.memory_space<vmem>>
    %dma_start3A_896 = arith.constant 0 : i32
    %dma_start3A_897 = arith.constant 0 : i32
    %dma_start3A_898 = tpu.memref_slice %arg2[%dma_start3A_896, %dma_start3A_897] : memref<100000x128xf32, #tpu.memory_space<hbm>> -> memref<100000x128xf32, #tpu.memory_space<hbm>>
    %dma_start3A_899 = tpu.memref_slice %arg8[%dma_start3A_888] : memref<5x!tpu.dma_semaphore, #tpu.memory_space<semaphore_mem>> -> memref<1x!tpu.dma_semaphore, #tpu.memory_space<semaphore_mem>>
    %dma_start3A_900 = tpu.memref_squeeze %dma_start3A_899 : memref<1x!tpu.dma_semaphore, #tpu.memory_space<semaphore_mem>> -> memref<!tpu.dma_semaphore, #tpu.memory_space<semaphore_mem>>
    tpu.enqueue_indirect_dma source(%dma_start3A_898 : memref<100000x128xf32, #tpu.memory_space<hbm>>) target(%dma_start3A_892 : memref<128x128xf32, #tpu.memory_space<vmem>>) offsets(%dma_start3A_895 : memref<128xi32, #tpu.memory_space<vmem>>) semaphore(%dma_start3A_900 : memref<!tpu.dma_semaphore, #tpu.memory_space<semaphore_mem>>)
    %dma_wait3A_901 = arith.constant 7 : i32
    %dma_wait3A_902 = arith.constant 2 : i32
    %dma_wait3A_903 = arith.constant 2 : i32
    %dma_wait3A_904 = arith.constant 0 : i32
    %dma_wait3A_905 = arith.constant 0 : i32
    %dma_wait3A_906 = tpu.memref_slice %arg6[%dma_wait3A_902, %dma_wait3A_904, %dma_wait3A_905] : memref<5x128x128xf32, #tpu.memory_space<vmem>> -> memref<1x128x128xf32, #tpu.memory_space<vmem>>
    %dma_wait3A_907 = tpu.memref_squeeze %dma_wait3A_906 : memref<1x128x128xf32, #tpu.memory_space<vmem>> -> memref<128x128xf32, #tpu.memory_space<vmem>>
    %dma_wait3A_908 = arith.constant 0 : i32
    %dma_wait3A_909 = tpu.memref_slice %arg5[%dma_wait3A_901, %dma_wait3A_908] : memref<10x128xi32, #tpu.memory_space<vmem>> -> memref<1x128xi32, #tpu.memory_space<vmem>>
    %dma_wait3A_910 = tpu.memref_squeeze %dma_wait3A_909 : memref<1x128xi32, #tpu.memory_space<vmem>> -> memref<128xi32, #tpu.memory_space<vmem>>
    %dma_wait3A_911 = arith.constant 0 : i32
    %dma_wait3A_912 = arith.constant 0 : i32
    %dma_wait3A_913 = tpu.memref_slice %arg2[%dma_wait3A_911, %dma_wait3A_912] : memref<100000x128xf32, #tpu.memory_space<hbm>> -> memref<100000x128xf32, #tpu.memory_space<hbm>>
    %dma_wait3A_914 = tpu.memref_slice %arg8[%dma_wait3A_903] : memref<5x!tpu.dma_semaphore, #tpu.memory_space<semaphore_mem>> -> memref<1x!tpu.dma_semaphore, #tpu.memory_space<semaphore_mem>>
    %dma_wait3A_915 = tpu.memref_squeeze %dma_wait3A_914 : memref<1x!tpu.dma_semaphore, #tpu.memory_space<semaphore_mem>> -> memref<!tpu.dma_semaphore, #tpu.memory_space<semaphore_mem>>
    tpu.wait_indirect_dma semaphore(%dma_wait3A_915 : memref<!tpu.dma_semaphore, #tpu.memory_space<semaphore_mem>>) src(%dma_wait3A_913 : memref<100000x128xf32, #tpu.memory_space<hbm>>) dst(%dma_wait3A_907 : memref<128x128xf32, #tpu.memory_space<vmem>>)
    %add3A_916 = arith.constant 23936 : i32
    %add3A_917 = arith.addi %mul3A_2, %add3A_916 : i32
    %dma_start3A_918 = arith.constant 2 : i32
    %dma_start3A_919 = arith.constant 2 : i32
    %dma_start3A_920 = arith.constant 0 : i32
    %dma_start3A_921 = arith.constant 0 : i32
    %dma_start3A_922 = tpu.memref_slice %arg6[%dma_start3A_918, %dma_start3A_920, %dma_start3A_921] : memref<5x128x128xf32, #tpu.memory_space<vmem>> -> memref<1x128x128xf32, #tpu.memory_space<vmem>>
    %dma_start3A_923 = tpu.memref_squeeze %dma_start3A_922 : memref<1x128x128xf32, #tpu.memory_space<vmem>> -> memref<128x128xf32, #tpu.memory_space<vmem>>
    %dma_start3A_924 = arith.constant 0 : i32
    %dma_start3A_925 = tpu.memref_slice %arg4[%add3A_917, %dma_start3A_924] : memref<819200x128xf32, #tpu.memory_space<hbm>> -> memref<128x128xf32, #tpu.memory_space<hbm>>
    %dma_start3A_926 = tpu.memref_slice %arg9[%dma_start3A_919] : memref<5x!tpu.dma_semaphore, #tpu.memory_space<semaphore_mem>> -> memref<1x!tpu.dma_semaphore, #tpu.memory_space<semaphore_mem>>
    %dma_start3A_927 = tpu.memref_squeeze %dma_start3A_926 : memref<1x!tpu.dma_semaphore, #tpu.memory_space<semaphore_mem>> -> memref<!tpu.dma_semaphore, #tpu.memory_space<semaphore_mem>>
    %dma_start3A_928 = arith.constant 0 : i32
    %dma_start3A_929 = tpu.memref_slice %arg4[%add3A_917, %dma_start3A_928] : memref<819200x128xf32, #tpu.memory_space<hbm>> -> memref<128x128xf32, #tpu.memory_space<hbm>>
    %dma_start3A_930 = arith.constant 0 : i32
    %dma_start3A_931 = arith.constant 0 : i32
    %dma_start3A_932 = tpu.memref_slice %arg6[%dma_start3A_918, %dma_start3A_930, %dma_start3A_931] : memref<5x128x128xf32, #tpu.memory_space<vmem>> -> memref<1x128x128xf32, #tpu.memory_space<vmem>>
    %dma_start3A_933 = tpu.memref_squeeze %dma_start3A_932 : memref<1x128x128xf32, #tpu.memory_space<vmem>> -> memref<128x128xf32, #tpu.memory_space<vmem>>
    tpu.enqueue_dma source(%dma_start3A_933 : memref<128x128xf32, #tpu.memory_space<vmem>>) target(%dma_start3A_929 : memref<128x128xf32, #tpu.memory_space<hbm>>) target_semaphore(%dma_start3A_927 : memref<!tpu.dma_semaphore, #tpu.memory_space<semaphore_mem>>)
    %add3A_934 = arith.constant 25216 : i32
    %add3A_935 = arith.addi %mul3A_2, %add3A_934 : i32
    %dma_start3A_936 = arith.constant 7 : i32
    %dma_start3A_937 = arith.constant 7 : i32
    %dma_start3A_938 = arith.constant 0 : i32
    %dma_start3A_939 = tpu.memref_slice %arg5[%dma_start3A_936, %dma_start3A_938] : memref<10x128xi32, #tpu.memory_space<vmem>> -> memref<1x128xi32, #tpu.memory_space<vmem>>
    %dma_start3A_940 = tpu.memref_squeeze %dma_start3A_939 : memref<1x128xi32, #tpu.memory_space<vmem>> -> memref<128xi32, #tpu.memory_space<vmem>>
    %dma_start3A_941 = tpu.memref_slice %arg3[%add3A_935] : memref<819200xi32, #tpu.memory_space<hbm>> -> memref<128xi32, #tpu.memory_space<hbm>>
    %dma_start3A_942 = tpu.memref_slice %arg7[%dma_start3A_937] : memref<10x!tpu.dma_semaphore, #tpu.memory_space<semaphore_mem>> -> memref<1x!tpu.dma_semaphore, #tpu.memory_space<semaphore_mem>>
    %dma_start3A_943 = tpu.memref_squeeze %dma_start3A_942 : memref<1x!tpu.dma_semaphore, #tpu.memory_space<semaphore_mem>> -> memref<!tpu.dma_semaphore, #tpu.memory_space<semaphore_mem>>
    %dma_start3A_944 = arith.constant 0 : i32
    %dma_start3A_945 = tpu.memref_slice %arg5[%dma_start3A_936, %dma_start3A_944] : memref<10x128xi32, #tpu.memory_space<vmem>> -> memref<1x128xi32, #tpu.memory_space<vmem>>
    %dma_start3A_946 = tpu.memref_squeeze %dma_start3A_945 : memref<1x128xi32, #tpu.memory_space<vmem>> -> memref<128xi32, #tpu.memory_space<vmem>>
    %dma_start3A_947 = tpu.memref_slice %arg3[%add3A_935] : memref<819200xi32, #tpu.memory_space<hbm>> -> memref<128xi32, #tpu.memory_space<hbm>>
    tpu.enqueue_dma source(%dma_start3A_947 : memref<128xi32, #tpu.memory_space<hbm>>) target(%dma_start3A_946 : memref<128xi32, #tpu.memory_space<vmem>>) target_semaphore(%dma_start3A_943 : memref<!tpu.dma_semaphore, #tpu.memory_space<semaphore_mem>>)
    %add3A_948 = arith.constant 23808 : i32
    %add3A_949 = arith.addi %mul3A_2, %add3A_948 : i32
    %dma_wait3A_950 = arith.constant 1 : i32
    %dma_wait3A_951 = arith.constant 1 : i32
    %dma_wait3A_952 = arith.constant 0 : i32
    %dma_wait3A_953 = arith.constant 0 : i32
    %dma_wait3A_954 = tpu.memref_slice %arg6[%dma_wait3A_950, %dma_wait3A_952, %dma_wait3A_953] : memref<5x128x128xf32, #tpu.memory_space<vmem>> -> memref<1x128x128xf32, #tpu.memory_space<vmem>>
    %dma_wait3A_955 = tpu.memref_squeeze %dma_wait3A_954 : memref<1x128x128xf32, #tpu.memory_space<vmem>> -> memref<128x128xf32, #tpu.memory_space<vmem>>
    %dma_wait3A_956 = arith.constant 0 : i32
    %dma_wait3A_957 = tpu.memref_slice %arg4[%add3A_949, %dma_wait3A_956] : memref<819200x128xf32, #tpu.memory_space<hbm>> -> memref<128x128xf32, #tpu.memory_space<hbm>>
    %dma_wait3A_958 = tpu.memref_slice %arg9[%dma_wait3A_951] : memref<5x!tpu.dma_semaphore, #tpu.memory_space<semaphore_mem>> -> memref<1x!tpu.dma_semaphore, #tpu.memory_space<semaphore_mem>>
    %dma_wait3A_959 = tpu.memref_squeeze %dma_wait3A_958 : memref<1x!tpu.dma_semaphore, #tpu.memory_space<semaphore_mem>> -> memref<!tpu.dma_semaphore, #tpu.memory_space<semaphore_mem>>
    %dma_wait3A_960 = arith.constant 0 : i32
    %dma_wait3A_961 = tpu.memref_slice %arg4[%add3A_949, %dma_wait3A_960] : memref<819200x128xf32, #tpu.memory_space<hbm>> -> memref<128x128xf32, #tpu.memory_space<hbm>>
    %dma_wait3A_962 = arith.constant 0 : i32
    %dma_wait3A_963 = arith.constant 0 : i32
    %dma_wait3A_964 = tpu.memref_slice %arg6[%dma_wait3A_950, %dma_wait3A_962, %dma_wait3A_963] : memref<5x128x128xf32, #tpu.memory_space<vmem>> -> memref<1x128x128xf32, #tpu.memory_space<vmem>>
    %dma_wait3A_965 = tpu.memref_squeeze %dma_wait3A_964 : memref<1x128x128xf32, #tpu.memory_space<vmem>> -> memref<128x128xf32, #tpu.memory_space<vmem>>
    tpu.wait_dma2 semaphore(%dma_wait3A_959 : memref<!tpu.dma_semaphore, #tpu.memory_space<semaphore_mem>>) src(%dma_wait3A_965 : memref<128x128xf32, #tpu.memory_space<vmem>>) dst(%dma_wait3A_961 : memref<128x128xf32, #tpu.memory_space<hbm>>)
    %add3A_966 = arith.constant 24448 : i32
    %add3A_967 = arith.addi %mul3A_2, %add3A_966 : i32
    %dma_wait3A_968 = arith.constant 1 : i32
    %dma_wait3A_969 = arith.constant 1 : i32
    %dma_wait3A_970 = arith.constant 0 : i32
    %dma_wait3A_971 = tpu.memref_slice %arg5[%dma_wait3A_968, %dma_wait3A_970] : memref<10x128xi32, #tpu.memory_space<vmem>> -> memref<1x128xi32, #tpu.memory_space<vmem>>
    %dma_wait3A_972 = tpu.memref_squeeze %dma_wait3A_971 : memref<1x128xi32, #tpu.memory_space<vmem>> -> memref<128xi32, #tpu.memory_space<vmem>>
    %dma_wait3A_973 = tpu.memref_slice %arg3[%add3A_967] : memref<819200xi32, #tpu.memory_space<hbm>> -> memref<128xi32, #tpu.memory_space<hbm>>
    %dma_wait3A_974 = tpu.memref_slice %arg7[%dma_wait3A_969] : memref<10x!tpu.dma_semaphore, #tpu.memory_space<semaphore_mem>> -> memref<1x!tpu.dma_semaphore, #tpu.memory_space<semaphore_mem>>
    %dma_wait3A_975 = tpu.memref_squeeze %dma_wait3A_974 : memref<1x!tpu.dma_semaphore, #tpu.memory_space<semaphore_mem>> -> memref<!tpu.dma_semaphore, #tpu.memory_space<semaphore_mem>>
    %dma_wait3A_976 = arith.constant 0 : i32
    %dma_wait3A_977 = tpu.memref_slice %arg5[%dma_wait3A_968, %dma_wait3A_976] : memref<10x128xi32, #tpu.memory_space<vmem>> -> memref<1x128xi32, #tpu.memory_space<vmem>>
    %dma_wait3A_978 = tpu.memref_squeeze %dma_wait3A_977 : memref<1x128xi32, #tpu.memory_space<vmem>> -> memref<128xi32, #tpu.memory_space<vmem>>
    %dma_wait3A_979 = tpu.memref_slice %arg3[%add3A_967] : memref<819200xi32, #tpu.memory_space<hbm>> -> memref<128xi32, #tpu.memory_space<hbm>>
    tpu.wait_dma2 semaphore(%dma_wait3A_975 : memref<!tpu.dma_semaphore, #tpu.memory_space<semaphore_mem>>) src(%dma_wait3A_979 : memref<128xi32, #tpu.memory_space<hbm>>) dst(%dma_wait3A_978 : memref<128xi32, #tpu.memory_space<vmem>>)
    %dma_start3A_980 = arith.constant 1 : i32
    %dma_start3A_981 = arith.constant 1 : i32
    %dma_start3A_982 = arith.constant 1 : i32
    %dma_start3A_983 = arith.constant 0 : i32
    %dma_start3A_984 = arith.constant 0 : i32
    %dma_start3A_985 = tpu.memref_slice %arg6[%dma_start3A_981, %dma_start3A_983, %dma_start3A_984] : memref<5x128x128xf32, #tpu.memory_space<vmem>> -> memref<1x128x128xf32, #tpu.memory_space<vmem>>
    %dma_start3A_986 = tpu.memref_squeeze %dma_start3A_985 : memref<1x128x128xf32, #tpu.memory_space<vmem>> -> memref<128x128xf32, #tpu.memory_space<vmem>>
    %dma_start3A_987 = arith.constant 0 : i32
    %dma_start3A_988 = tpu.memref_slice %arg5[%dma_start3A_980, %dma_start3A_987] : memref<10x128xi32, #tpu.memory_space<vmem>> -> memref<1x128xi32, #tpu.memory_space<vmem>>
    %dma_start3A_989 = tpu.memref_squeeze %dma_start3A_988 : memref<1x128xi32, #tpu.memory_space<vmem>> -> memref<128xi32, #tpu.memory_space<vmem>>
    %dma_start3A_990 = arith.constant 0 : i32
    %dma_start3A_991 = arith.constant 0 : i32
    %dma_start3A_992 = tpu.memref_slice %arg2[%dma_start3A_990, %dma_start3A_991] : memref<100000x128xf32, #tpu.memory_space<hbm>> -> memref<100000x128xf32, #tpu.memory_space<hbm>>
    %dma_start3A_993 = tpu.memref_slice %arg8[%dma_start3A_982] : memref<5x!tpu.dma_semaphore, #tpu.memory_space<semaphore_mem>> -> memref<1x!tpu.dma_semaphore, #tpu.memory_space<semaphore_mem>>
    %dma_start3A_994 = tpu.memref_squeeze %dma_start3A_993 : memref<1x!tpu.dma_semaphore, #tpu.memory_space<semaphore_mem>> -> memref<!tpu.dma_semaphore, #tpu.memory_space<semaphore_mem>>
    tpu.enqueue_indirect_dma source(%dma_start3A_992 : memref<100000x128xf32, #tpu.memory_space<hbm>>) target(%dma_start3A_986 : memref<128x128xf32, #tpu.memory_space<vmem>>) offsets(%dma_start3A_989 : memref<128xi32, #tpu.memory_space<vmem>>) semaphore(%dma_start3A_994 : memref<!tpu.dma_semaphore, #tpu.memory_space<semaphore_mem>>)
    %dma_wait3A_995 = arith.constant 8 : i32
    %dma_wait3A_996 = arith.constant 3 : i32
    %dma_wait3A_997 = arith.constant 3 : i32
    %dma_wait3A_998 = arith.constant 0 : i32
    %dma_wait3A_999 = arith.constant 0 : i32
    %dma_wait3A_1000 = tpu.memref_slice %arg6[%dma_wait3A_996, %dma_wait3A_998, %dma_wait3A_999] : memref<5x128x128xf32, #tpu.memory_space<vmem>> -> memref<1x128x128xf32, #tpu.memory_space<vmem>>
    %dma_wait3A_1001 = tpu.memref_squeeze %dma_wait3A_1000 : memref<1x128x128xf32, #tpu.memory_space<vmem>> -> memref<128x128xf32, #tpu.memory_space<vmem>>
    %dma_wait3A_1002 = arith.constant 0 : i32
    %dma_wait3A_1003 = tpu.memref_slice %arg5[%dma_wait3A_995, %dma_wait3A_1002] : memref<10x128xi32, #tpu.memory_space<vmem>> -> memref<1x128xi32, #tpu.memory_space<vmem>>
    %dma_wait3A_1004 = tpu.memref_squeeze %dma_wait3A_1003 : memref<1x128xi32, #tpu.memory_space<vmem>> -> memref<128xi32, #tpu.memory_space<vmem>>
    %dma_wait3A_1005 = arith.constant 0 : i32
    %dma_wait3A_1006 = arith.constant 0 : i32
    %dma_wait3A_1007 = tpu.memref_slice %arg2[%dma_wait3A_1005, %dma_wait3A_1006] : memref<100000x128xf32, #tpu.memory_space<hbm>> -> memref<100000x128xf32, #tpu.memory_space<hbm>>
    %dma_wait3A_1008 = tpu.memref_slice %arg8[%dma_wait3A_997] : memref<5x!tpu.dma_semaphore, #tpu.memory_space<semaphore_mem>> -> memref<1x!tpu.dma_semaphore, #tpu.memory_space<semaphore_mem>>
    %dma_wait3A_1009 = tpu.memref_squeeze %dma_wait3A_1008 : memref<1x!tpu.dma_semaphore, #tpu.memory_space<semaphore_mem>> -> memref<!tpu.dma_semaphore, #tpu.memory_space<semaphore_mem>>
    tpu.wait_indirect_dma semaphore(%dma_wait3A_1009 : memref<!tpu.dma_semaphore, #tpu.memory_space<semaphore_mem>>) src(%dma_wait3A_1007 : memref<100000x128xf32, #tpu.memory_space<hbm>>) dst(%dma_wait3A_1001 : memref<128x128xf32, #tpu.memory_space<vmem>>)
    %add3A_1010 = arith.constant 24064 : i32
    %add3A_1011 = arith.addi %mul3A_2, %add3A_1010 : i32
    %dma_start3A_1012 = arith.constant 3 : i32
    %dma_start3A_1013 = arith.constant 3 : i32
    %dma_start3A_1014 = arith.constant 0 : i32
    %dma_start3A_1015 = arith.constant 0 : i32
    %dma_start3A_1016 = tpu.memref_slice %arg6[%dma_start3A_1012, %dma_start3A_1014, %dma_start3A_1015] : memref<5x128x128xf32, #tpu.memory_space<vmem>> -> memref<1x128x128xf32, #tpu.memory_space<vmem>>
    %dma_start3A_1017 = tpu.memref_squeeze %dma_start3A_1016 : memref<1x128x128xf32, #tpu.memory_space<vmem>> -> memref<128x128xf32, #tpu.memory_space<vmem>>
    %dma_start3A_1018 = arith.constant 0 : i32
    %dma_start3A_1019 = tpu.memref_slice %arg4[%add3A_1011, %dma_start3A_1018] : memref<819200x128xf32, #tpu.memory_space<hbm>> -> memref<128x128xf32, #tpu.memory_space<hbm>>
    %dma_start3A_1020 = tpu.memref_slice %arg9[%dma_start3A_1013] : memref<5x!tpu.dma_semaphore, #tpu.memory_space<semaphore_mem>> -> memref<1x!tpu.dma_semaphore, #tpu.memory_space<semaphore_mem>>
    %dma_start3A_1021 = tpu.memref_squeeze %dma_start3A_1020 : memref<1x!tpu.dma_semaphore, #tpu.memory_space<semaphore_mem>> -> memref<!tpu.dma_semaphore, #tpu.memory_space<semaphore_mem>>
    %dma_start3A_1022 = arith.constant 0 : i32
    %dma_start3A_1023 = tpu.memref_slice %arg4[%add3A_1011, %dma_start3A_1022] : memref<819200x128xf32, #tpu.memory_space<hbm>> -> memref<128x128xf32, #tpu.memory_space<hbm>>
    %dma_start3A_1024 = arith.constant 0 : i32
    %dma_start3A_1025 = arith.constant 0 : i32
    %dma_start3A_1026 = tpu.memref_slice %arg6[%dma_start3A_1012, %dma_start3A_1024, %dma_start3A_1025] : memref<5x128x128xf32, #tpu.memory_space<vmem>> -> memref<1x128x128xf32, #tpu.memory_space<vmem>>
    %dma_start3A_1027 = tpu.memref_squeeze %dma_start3A_1026 : memref<1x128x128xf32, #tpu.memory_space<vmem>> -> memref<128x128xf32, #tpu.memory_space<vmem>>
    tpu.enqueue_dma source(%dma_start3A_1027 : memref<128x128xf32, #tpu.memory_space<vmem>>) target(%dma_start3A_1023 : memref<128x128xf32, #tpu.memory_space<hbm>>) target_semaphore(%dma_start3A_1021 : memref<!tpu.dma_semaphore, #tpu.memory_space<semaphore_mem>>)
    %add3A_1028 = arith.constant 25344 : i32
    %add3A_1029 = arith.addi %mul3A_2, %add3A_1028 : i32
    %dma_start3A_1030 = arith.constant 8 : i32
    %dma_start3A_1031 = arith.constant 8 : i32
    %dma_start3A_1032 = arith.constant 0 : i32
    %dma_start3A_1033 = tpu.memref_slice %arg5[%dma_start3A_1030, %dma_start3A_1032] : memref<10x128xi32, #tpu.memory_space<vmem>> -> memref<1x128xi32, #tpu.memory_space<vmem>>
    %dma_start3A_1034 = tpu.memref_squeeze %dma_start3A_1033 : memref<1x128xi32, #tpu.memory_space<vmem>> -> memref<128xi32, #tpu.memory_space<vmem>>
    %dma_start3A_1035 = tpu.memref_slice %arg3[%add3A_1029] : memref<819200xi32, #tpu.memory_space<hbm>> -> memref<128xi32, #tpu.memory_space<hbm>>
    %dma_start3A_1036 = tpu.memref_slice %arg7[%dma_start3A_1031] : memref<10x!tpu.dma_semaphore, #tpu.memory_space<semaphore_mem>> -> memref<1x!tpu.dma_semaphore, #tpu.memory_space<semaphore_mem>>
    %dma_start3A_1037 = tpu.memref_squeeze %dma_start3A_1036 : memref<1x!tpu.dma_semaphore, #tpu.memory_space<semaphore_mem>> -> memref<!tpu.dma_semaphore, #tpu.memory_space<semaphore_mem>>
    %dma_start3A_1038 = arith.constant 0 : i32
    %dma_start3A_1039 = tpu.memref_slice %arg5[%dma_start3A_1030, %dma_start3A_1038] : memref<10x128xi32, #tpu.memory_space<vmem>> -> memref<1x128xi32, #tpu.memory_space<vmem>>
    %dma_start3A_1040 = tpu.memref_squeeze %dma_start3A_1039 : memref<1x128xi32, #tpu.memory_space<vmem>> -> memref<128xi32, #tpu.memory_space<vmem>>
    %dma_start3A_1041 = tpu.memref_slice %arg3[%add3A_1029] : memref<819200xi32, #tpu.memory_space<hbm>> -> memref<128xi32, #tpu.memory_space<hbm>>
    tpu.enqueue_dma source(%dma_start3A_1041 : memref<128xi32, #tpu.memory_space<hbm>>) target(%dma_start3A_1040 : memref<128xi32, #tpu.memory_space<vmem>>) target_semaphore(%dma_start3A_1037 : memref<!tpu.dma_semaphore, #tpu.memory_space<semaphore_mem>>)
    %add3A_1042 = arith.constant 23936 : i32
    %add3A_1043 = arith.addi %mul3A_2, %add3A_1042 : i32
    %dma_wait3A_1044 = arith.constant 2 : i32
    %dma_wait3A_1045 = arith.constant 2 : i32
    %dma_wait3A_1046 = arith.constant 0 : i32
    %dma_wait3A_1047 = arith.constant 0 : i32
    %dma_wait3A_1048 = tpu.memref_slice %arg6[%dma_wait3A_1044, %dma_wait3A_1046, %dma_wait3A_1047] : memref<5x128x128xf32, #tpu.memory_space<vmem>> -> memref<1x128x128xf32, #tpu.memory_space<vmem>>
    %dma_wait3A_1049 = tpu.memref_squeeze %dma_wait3A_1048 : memref<1x128x128xf32, #tpu.memory_space<vmem>> -> memref<128x128xf32, #tpu.memory_space<vmem>>
    %dma_wait3A_1050 = arith.constant 0 : i32
    %dma_wait3A_1051 = tpu.memref_slice %arg4[%add3A_1043, %dma_wait3A_1050] : memref<819200x128xf32, #tpu.memory_space<hbm>> -> memref<128x128xf32, #tpu.memory_space<hbm>>
    %dma_wait3A_1052 = tpu.memref_slice %arg9[%dma_wait3A_1045] : memref<5x!tpu.dma_semaphore, #tpu.memory_space<semaphore_mem>> -> memref<1x!tpu.dma_semaphore, #tpu.memory_space<semaphore_mem>>
    %dma_wait3A_1053 = tpu.memref_squeeze %dma_wait3A_1052 : memref<1x!tpu.dma_semaphore, #tpu.memory_space<semaphore_mem>> -> memref<!tpu.dma_semaphore, #tpu.memory_space<semaphore_mem>>
    %dma_wait3A_1054 = arith.constant 0 : i32
    %dma_wait3A_1055 = tpu.memref_slice %arg4[%add3A_1043, %dma_wait3A_1054] : memref<819200x128xf32, #tpu.memory_space<hbm>> -> memref<128x128xf32, #tpu.memory_space<hbm>>
    %dma_wait3A_1056 = arith.constant 0 : i32
    %dma_wait3A_1057 = arith.constant 0 : i32
    %dma_wait3A_1058 = tpu.memref_slice %arg6[%dma_wait3A_1044, %dma_wait3A_1056, %dma_wait3A_1057] : memref<5x128x128xf32, #tpu.memory_space<vmem>> -> memref<1x128x128xf32, #tpu.memory_space<vmem>>
    %dma_wait3A_1059 = tpu.memref_squeeze %dma_wait3A_1058 : memref<1x128x128xf32, #tpu.memory_space<vmem>> -> memref<128x128xf32, #tpu.memory_space<vmem>>
    tpu.wait_dma2 semaphore(%dma_wait3A_1053 : memref<!tpu.dma_semaphore, #tpu.memory_space<semaphore_mem>>) src(%dma_wait3A_1059 : memref<128x128xf32, #tpu.memory_space<vmem>>) dst(%dma_wait3A_1055 : memref<128x128xf32, #tpu.memory_space<hbm>>)
    %add3A_1060 = arith.constant 24576 : i32
    %add3A_1061 = arith.addi %mul3A_2, %add3A_1060 : i32
    %dma_wait3A_1062 = arith.constant 2 : i32
    %dma_wait3A_1063 = arith.constant 2 : i32
    %dma_wait3A_1064 = arith.constant 0 : i32
    %dma_wait3A_1065 = tpu.memref_slice %arg5[%dma_wait3A_1062, %dma_wait3A_1064] : memref<10x128xi32, #tpu.memory_space<vmem>> -> memref<1x128xi32, #tpu.memory_space<vmem>>
    %dma_wait3A_1066 = tpu.memref_squeeze %dma_wait3A_1065 : memref<1x128xi32, #tpu.memory_space<vmem>> -> memref<128xi32, #tpu.memory_space<vmem>>
    %dma_wait3A_1067 = tpu.memref_slice %arg3[%add3A_1061] : memref<819200xi32, #tpu.memory_space<hbm>> -> memref<128xi32, #tpu.memory_space<hbm>>
    %dma_wait3A_1068 = tpu.memref_slice %arg7[%dma_wait3A_1063] : memref<10x!tpu.dma_semaphore, #tpu.memory_space<semaphore_mem>> -> memref<1x!tpu.dma_semaphore, #tpu.memory_space<semaphore_mem>>
    %dma_wait3A_1069 = tpu.memref_squeeze %dma_wait3A_1068 : memref<1x!tpu.dma_semaphore, #tpu.memory_space<semaphore_mem>> -> memref<!tpu.dma_semaphore, #tpu.memory_space<semaphore_mem>>
    %dma_wait3A_1070 = arith.constant 0 : i32
    %dma_wait3A_1071 = tpu.memref_slice %arg5[%dma_wait3A_1062, %dma_wait3A_1070] : memref<10x128xi32, #tpu.memory_space<vmem>> -> memref<1x128xi32, #tpu.memory_space<vmem>>
    %dma_wait3A_1072 = tpu.memref_squeeze %dma_wait3A_1071 : memref<1x128xi32, #tpu.memory_space<vmem>> -> memref<128xi32, #tpu.memory_space<vmem>>
    %dma_wait3A_1073 = tpu.memref_slice %arg3[%add3A_1061] : memref<819200xi32, #tpu.memory_space<hbm>> -> memref<128xi32, #tpu.memory_space<hbm>>
    tpu.wait_dma2 semaphore(%dma_wait3A_1069 : memref<!tpu.dma_semaphore, #tpu.memory_space<semaphore_mem>>) src(%dma_wait3A_1073 : memref<128xi32, #tpu.memory_space<hbm>>) dst(%dma_wait3A_1072 : memref<128xi32, #tpu.memory_space<vmem>>)
    %dma_start3A_1074 = arith.constant 2 : i32
    %dma_start3A_1075 = arith.constant 2 : i32
    %dma_start3A_1076 = arith.constant 2 : i32
    %dma_start3A_1077 = arith.constant 0 : i32
    %dma_start3A_1078 = arith.constant 0 : i32
    %dma_start3A_1079 = tpu.memref_slice %arg6[%dma_start3A_1075, %dma_start3A_1077, %dma_start3A_1078] : memref<5x128x128xf32, #tpu.memory_space<vmem>> -> memref<1x128x128xf32, #tpu.memory_space<vmem>>
    %dma_start3A_1080 = tpu.memref_squeeze %dma_start3A_1079 : memref<1x128x128xf32, #tpu.memory_space<vmem>> -> memref<128x128xf32, #tpu.memory_space<vmem>>
    %dma_start3A_1081 = arith.constant 0 : i32
    %dma_start3A_1082 = tpu.memref_slice %arg5[%dma_start3A_1074, %dma_start3A_1081] : memref<10x128xi32, #tpu.memory_space<vmem>> -> memref<1x128xi32, #tpu.memory_space<vmem>>
    %dma_start3A_1083 = tpu.memref_squeeze %dma_start3A_1082 : memref<1x128xi32, #tpu.memory_space<vmem>> -> memref<128xi32, #tpu.memory_space<vmem>>
    %dma_start3A_1084 = arith.constant 0 : i32
    %dma_start3A_1085 = arith.constant 0 : i32
    %dma_start3A_1086 = tpu.memref_slice %arg2[%dma_start3A_1084, %dma_start3A_1085] : memref<100000x128xf32, #tpu.memory_space<hbm>> -> memref<100000x128xf32, #tpu.memory_space<hbm>>
    %dma_start3A_1087 = tpu.memref_slice %arg8[%dma_start3A_1076] : memref<5x!tpu.dma_semaphore, #tpu.memory_space<semaphore_mem>> -> memref<1x!tpu.dma_semaphore, #tpu.memory_space<semaphore_mem>>
    %dma_start3A_1088 = tpu.memref_squeeze %dma_start3A_1087 : memref<1x!tpu.dma_semaphore, #tpu.memory_space<semaphore_mem>> -> memref<!tpu.dma_semaphore, #tpu.memory_space<semaphore_mem>>
    tpu.enqueue_indirect_dma source(%dma_start3A_1086 : memref<100000x128xf32, #tpu.memory_space<hbm>>) target(%dma_start3A_1080 : memref<128x128xf32, #tpu.memory_space<vmem>>) offsets(%dma_start3A_1083 : memref<128xi32, #tpu.memory_space<vmem>>) semaphore(%dma_start3A_1088 : memref<!tpu.dma_semaphore, #tpu.memory_space<semaphore_mem>>)
    %dma_wait3A_1089 = arith.constant 9 : i32
    %dma_wait3A_1090 = arith.constant 4 : i32
    %dma_wait3A_1091 = arith.constant 4 : i32
    %dma_wait3A_1092 = arith.constant 0 : i32
    %dma_wait3A_1093 = arith.constant 0 : i32
    %dma_wait3A_1094 = tpu.memref_slice %arg6[%dma_wait3A_1090, %dma_wait3A_1092, %dma_wait3A_1093] : memref<5x128x128xf32, #tpu.memory_space<vmem>> -> memref<1x128x128xf32, #tpu.memory_space<vmem>>
    %dma_wait3A_1095 = tpu.memref_squeeze %dma_wait3A_1094 : memref<1x128x128xf32, #tpu.memory_space<vmem>> -> memref<128x128xf32, #tpu.memory_space<vmem>>
    %dma_wait3A_1096 = arith.constant 0 : i32
    %dma_wait3A_1097 = tpu.memref_slice %arg5[%dma_wait3A_1089, %dma_wait3A_1096] : memref<10x128xi32, #tpu.memory_space<vmem>> -> memref<1x128xi32, #tpu.memory_space<vmem>>
    %dma_wait3A_1098 = tpu.memref_squeeze %dma_wait3A_1097 : memref<1x128xi32, #tpu.memory_space<vmem>> -> memref<128xi32, #tpu.memory_space<vmem>>
    %dma_wait3A_1099 = arith.constant 0 : i32
    %dma_wait3A_1100 = arith.constant 0 : i32
    %dma_wait3A_1101 = tpu.memref_slice %arg2[%dma_wait3A_1099, %dma_wait3A_1100] : memref<100000x128xf32, #tpu.memory_space<hbm>> -> memref<100000x128xf32, #tpu.memory_space<hbm>>
    %dma_wait3A_1102 = tpu.memref_slice %arg8[%dma_wait3A_1091] : memref<5x!tpu.dma_semaphore, #tpu.memory_space<semaphore_mem>> -> memref<1x!tpu.dma_semaphore, #tpu.memory_space<semaphore_mem>>
    %dma_wait3A_1103 = tpu.memref_squeeze %dma_wait3A_1102 : memref<1x!tpu.dma_semaphore, #tpu.memory_space<semaphore_mem>> -> memref<!tpu.dma_semaphore, #tpu.memory_space<semaphore_mem>>
    tpu.wait_indirect_dma semaphore(%dma_wait3A_1103 : memref<!tpu.dma_semaphore, #tpu.memory_space<semaphore_mem>>) src(%dma_wait3A_1101 : memref<100000x128xf32, #tpu.memory_space<hbm>>) dst(%dma_wait3A_1095 : memref<128x128xf32, #tpu.memory_space<vmem>>)
    %add3A_1104 = arith.constant 24192 : i32
    %add3A_1105 = arith.addi %mul3A_2, %add3A_1104 : i32
    %dma_start3A_1106 = arith.constant 4 : i32
    %dma_start3A_1107 = arith.constant 4 : i32
    %dma_start3A_1108 = arith.constant 0 : i32
    %dma_start3A_1109 = arith.constant 0 : i32
    %dma_start3A_1110 = tpu.memref_slice %arg6[%dma_start3A_1106, %dma_start3A_1108, %dma_start3A_1109] : memref<5x128x128xf32, #tpu.memory_space<vmem>> -> memref<1x128x128xf32, #tpu.memory_space<vmem>>
    %dma_start3A_1111 = tpu.memref_squeeze %dma_start3A_1110 : memref<1x128x128xf32, #tpu.memory_space<vmem>> -> memref<128x128xf32, #tpu.memory_space<vmem>>
    %dma_start3A_1112 = arith.constant 0 : i32
    %dma_start3A_1113 = tpu.memref_slice %arg4[%add3A_1105, %dma_start3A_1112] : memref<819200x128xf32, #tpu.memory_space<hbm>> -> memref<128x128xf32, #tpu.memory_space<hbm>>
    %dma_start3A_1114 = tpu.memref_slice %arg9[%dma_start3A_1107] : memref<5x!tpu.dma_semaphore, #tpu.memory_space<semaphore_mem>> -> memref<1x!tpu.dma_semaphore, #tpu.memory_space<semaphore_mem>>
    %dma_start3A_1115 = tpu.memref_squeeze %dma_start3A_1114 : memref<1x!tpu.dma_semaphore, #tpu.memory_space<semaphore_mem>> -> memref<!tpu.dma_semaphore, #tpu.memory_space<semaphore_mem>>
    %dma_start3A_1116 = arith.constant 0 : i32
    %dma_start3A_1117 = tpu.memref_slice %arg4[%add3A_1105, %dma_start3A_1116] : memref<819200x128xf32, #tpu.memory_space<hbm>> -> memref<128x128xf32, #tpu.memory_space<hbm>>
    %dma_start3A_1118 = arith.constant 0 : i32
    %dma_start3A_1119 = arith.constant 0 : i32
    %dma_start3A_1120 = tpu.memref_slice %arg6[%dma_start3A_1106, %dma_start3A_1118, %dma_start3A_1119] : memref<5x128x128xf32, #tpu.memory_space<vmem>> -> memref<1x128x128xf32, #tpu.memory_space<vmem>>
    %dma_start3A_1121 = tpu.memref_squeeze %dma_start3A_1120 : memref<1x128x128xf32, #tpu.memory_space<vmem>> -> memref<128x128xf32, #tpu.memory_space<vmem>>
    tpu.enqueue_dma source(%dma_start3A_1121 : memref<128x128xf32, #tpu.memory_space<vmem>>) target(%dma_start3A_1117 : memref<128x128xf32, #tpu.memory_space<hbm>>) target_semaphore(%dma_start3A_1115 : memref<!tpu.dma_semaphore, #tpu.memory_space<semaphore_mem>>)
    %add3A_1122 = arith.constant 25472 : i32
    %add3A_1123 = arith.addi %mul3A_2, %add3A_1122 : i32
    %dma_start3A_1124 = arith.constant 9 : i32
    %dma_start3A_1125 = arith.constant 9 : i32
    %dma_start3A_1126 = arith.constant 0 : i32
    %dma_start3A_1127 = tpu.memref_slice %arg5[%dma_start3A_1124, %dma_start3A_1126] : memref<10x128xi32, #tpu.memory_space<vmem>> -> memref<1x128xi32, #tpu.memory_space<vmem>>
    %dma_start3A_1128 = tpu.memref_squeeze %dma_start3A_1127 : memref<1x128xi32, #tpu.memory_space<vmem>> -> memref<128xi32, #tpu.memory_space<vmem>>
    %dma_start3A_1129 = tpu.memref_slice %arg3[%add3A_1123] : memref<819200xi32, #tpu.memory_space<hbm>> -> memref<128xi32, #tpu.memory_space<hbm>>
    %dma_start3A_1130 = tpu.memref_slice %arg7[%dma_start3A_1125] : memref<10x!tpu.dma_semaphore, #tpu.memory_space<semaphore_mem>> -> memref<1x!tpu.dma_semaphore, #tpu.memory_space<semaphore_mem>>
    %dma_start3A_1131 = tpu.memref_squeeze %dma_start3A_1130 : memref<1x!tpu.dma_semaphore, #tpu.memory_space<semaphore_mem>> -> memref<!tpu.dma_semaphore, #tpu.memory_space<semaphore_mem>>
    %dma_start3A_1132 = arith.constant 0 : i32
    %dma_start3A_1133 = tpu.memref_slice %arg5[%dma_start3A_1124, %dma_start3A_1132] : memref<10x128xi32, #tpu.memory_space<vmem>> -> memref<1x128xi32, #tpu.memory_space<vmem>>
    %dma_start3A_1134 = tpu.memref_squeeze %dma_start3A_1133 : memref<1x128xi32, #tpu.memory_space<vmem>> -> memref<128xi32, #tpu.memory_space<vmem>>
    %dma_start3A_1135 = tpu.memref_slice %arg3[%add3A_1123] : memref<819200xi32, #tpu.memory_space<hbm>> -> memref<128xi32, #tpu.memory_space<hbm>>
    tpu.enqueue_dma source(%dma_start3A_1135 : memref<128xi32, #tpu.memory_space<hbm>>) target(%dma_start3A_1134 : memref<128xi32, #tpu.memory_space<vmem>>) target_semaphore(%dma_start3A_1131 : memref<!tpu.dma_semaphore, #tpu.memory_space<semaphore_mem>>)
    %add3A_1136 = arith.constant 24064 : i32
    %add3A_1137 = arith.addi %mul3A_2, %add3A_1136 : i32
    %dma_wait3A_1138 = arith.constant 3 : i32
    %dma_wait3A_1139 = arith.constant 3 : i32
    %dma_wait3A_1140 = arith.constant 0 : i32
    %dma_wait3A_1141 = arith.constant 0 : i32
    %dma_wait3A_1142 = tpu.memref_slice %arg6[%dma_wait3A_1138, %dma_wait3A_1140, %dma_wait3A_1141] : memref<5x128x128xf32, #tpu.memory_space<vmem>> -> memref<1x128x128xf32, #tpu.memory_space<vmem>>
    %dma_wait3A_1143 = tpu.memref_squeeze %dma_wait3A_1142 : memref<1x128x128xf32, #tpu.memory_space<vmem>> -> memref<128x128xf32, #tpu.memory_space<vmem>>
    %dma_wait3A_1144 = arith.constant 0 : i32
    %dma_wait3A_1145 = tpu.memref_slice %arg4[%add3A_1137, %dma_wait3A_1144] : memref<819200x128xf32, #tpu.memory_space<hbm>> -> memref<128x128xf32, #tpu.memory_space<hbm>>
    %dma_wait3A_1146 = tpu.memref_slice %arg9[%dma_wait3A_1139] : memref<5x!tpu.dma_semaphore, #tpu.memory_space<semaphore_mem>> -> memref<1x!tpu.dma_semaphore, #tpu.memory_space<semaphore_mem>>
    %dma_wait3A_1147 = tpu.memref_squeeze %dma_wait3A_1146 : memref<1x!tpu.dma_semaphore, #tpu.memory_space<semaphore_mem>> -> memref<!tpu.dma_semaphore, #tpu.memory_space<semaphore_mem>>
    %dma_wait3A_1148 = arith.constant 0 : i32
    %dma_wait3A_1149 = tpu.memref_slice %arg4[%add3A_1137, %dma_wait3A_1148] : memref<819200x128xf32, #tpu.memory_space<hbm>> -> memref<128x128xf32, #tpu.memory_space<hbm>>
    %dma_wait3A_1150 = arith.constant 0 : i32
    %dma_wait3A_1151 = arith.constant 0 : i32
    %dma_wait3A_1152 = tpu.memref_slice %arg6[%dma_wait3A_1138, %dma_wait3A_1150, %dma_wait3A_1151] : memref<5x128x128xf32, #tpu.memory_space<vmem>> -> memref<1x128x128xf32, #tpu.memory_space<vmem>>
    %dma_wait3A_1153 = tpu.memref_squeeze %dma_wait3A_1152 : memref<1x128x128xf32, #tpu.memory_space<vmem>> -> memref<128x128xf32, #tpu.memory_space<vmem>>
    tpu.wait_dma2 semaphore(%dma_wait3A_1147 : memref<!tpu.dma_semaphore, #tpu.memory_space<semaphore_mem>>) src(%dma_wait3A_1153 : memref<128x128xf32, #tpu.memory_space<vmem>>) dst(%dma_wait3A_1149 : memref<128x128xf32, #tpu.memory_space<hbm>>)
    %add3A_1154 = arith.constant 24704 : i32
    %add3A_1155 = arith.addi %mul3A_2, %add3A_1154 : i32
    %dma_wait3A_1156 = arith.constant 3 : i32
    %dma_wait3A_1157 = arith.constant 3 : i32
    %dma_wait3A_1158 = arith.constant 0 : i32
    %dma_wait3A_1159 = tpu.memref_slice %arg5[%dma_wait3A_1156, %dma_wait3A_1158] : memref<10x128xi32, #tpu.memory_space<vmem>> -> memref<1x128xi32, #tpu.memory_space<vmem>>
    %dma_wait3A_1160 = tpu.memref_squeeze %dma_wait3A_1159 : memref<1x128xi32, #tpu.memory_space<vmem>> -> memref<128xi32, #tpu.memory_space<vmem>>
    %dma_wait3A_1161 = tpu.memref_slice %arg3[%add3A_1155] : memref<819200xi32, #tpu.memory_space<hbm>> -> memref<128xi32, #tpu.memory_space<hbm>>
    %dma_wait3A_1162 = tpu.memref_slice %arg7[%dma_wait3A_1157] : memref<10x!tpu.dma_semaphore, #tpu.memory_space<semaphore_mem>> -> memref<1x!tpu.dma_semaphore, #tpu.memory_space<semaphore_mem>>
    %dma_wait3A_1163 = tpu.memref_squeeze %dma_wait3A_1162 : memref<1x!tpu.dma_semaphore, #tpu.memory_space<semaphore_mem>> -> memref<!tpu.dma_semaphore, #tpu.memory_space<semaphore_mem>>
    %dma_wait3A_1164 = arith.constant 0 : i32
    %dma_wait3A_1165 = tpu.memref_slice %arg5[%dma_wait3A_1156, %dma_wait3A_1164] : memref<10x128xi32, #tpu.memory_space<vmem>> -> memref<1x128xi32, #tpu.memory_space<vmem>>
    %dma_wait3A_1166 = tpu.memref_squeeze %dma_wait3A_1165 : memref<1x128xi32, #tpu.memory_space<vmem>> -> memref<128xi32, #tpu.memory_space<vmem>>
    %dma_wait3A_1167 = tpu.memref_slice %arg3[%add3A_1155] : memref<819200xi32, #tpu.memory_space<hbm>> -> memref<128xi32, #tpu.memory_space<hbm>>
    tpu.wait_dma2 semaphore(%dma_wait3A_1163 : memref<!tpu.dma_semaphore, #tpu.memory_space<semaphore_mem>>) src(%dma_wait3A_1167 : memref<128xi32, #tpu.memory_space<hbm>>) dst(%dma_wait3A_1166 : memref<128xi32, #tpu.memory_space<vmem>>)
    %dma_start3A_1168 = arith.constant 3 : i32
    %dma_start3A_1169 = arith.constant 3 : i32
    %dma_start3A_1170 = arith.constant 3 : i32
    %dma_start3A_1171 = arith.constant 0 : i32
    %dma_start3A_1172 = arith.constant 0 : i32
    %dma_start3A_1173 = tpu.memref_slice %arg6[%dma_start3A_1169, %dma_start3A_1171, %dma_start3A_1172] : memref<5x128x128xf32, #tpu.memory_space<vmem>> -> memref<1x128x128xf32, #tpu.memory_space<vmem>>
    %dma_start3A_1174 = tpu.memref_squeeze %dma_start3A_1173 : memref<1x128x128xf32, #tpu.memory_space<vmem>> -> memref<128x128xf32, #tpu.memory_space<vmem>>
    %dma_start3A_1175 = arith.constant 0 : i32
    %dma_start3A_1176 = tpu.memref_slice %arg5[%dma_start3A_1168, %dma_start3A_1175] : memref<10x128xi32, #tpu.memory_space<vmem>> -> memref<1x128xi32, #tpu.memory_space<vmem>>
    %dma_start3A_1177 = tpu.memref_squeeze %dma_start3A_1176 : memref<1x128xi32, #tpu.memory_space<vmem>> -> memref<128xi32, #tpu.memory_space<vmem>>
    %dma_start3A_1178 = arith.constant 0 : i32
    %dma_start3A_1179 = arith.constant 0 : i32
    %dma_start3A_1180 = tpu.memref_slice %arg2[%dma_start3A_1178, %dma_start3A_1179] : memref<100000x128xf32, #tpu.memory_space<hbm>> -> memref<100000x128xf32, #tpu.memory_space<hbm>>
    %dma_start3A_1181 = tpu.memref_slice %arg8[%dma_start3A_1170] : memref<5x!tpu.dma_semaphore, #tpu.memory_space<semaphore_mem>> -> memref<1x!tpu.dma_semaphore, #tpu.memory_space<semaphore_mem>>
    %dma_start3A_1182 = tpu.memref_squeeze %dma_start3A_1181 : memref<1x!tpu.dma_semaphore, #tpu.memory_space<semaphore_mem>> -> memref<!tpu.dma_semaphore, #tpu.memory_space<semaphore_mem>>
    tpu.enqueue_indirect_dma source(%dma_start3A_1180 : memref<100000x128xf32, #tpu.memory_space<hbm>>) target(%dma_start3A_1174 : memref<128x128xf32, #tpu.memory_space<vmem>>) offsets(%dma_start3A_1177 : memref<128xi32, #tpu.memory_space<vmem>>) semaphore(%dma_start3A_1182 : memref<!tpu.dma_semaphore, #tpu.memory_space<semaphore_mem>>)
    %dma_wait3A_1183 = arith.constant 0 : i32
    %dma_wait3A_1184 = arith.constant 0 : i32
    %dma_wait3A_1185 = arith.constant 0 : i32
    %dma_wait3A_1186 = arith.constant 0 : i32
    %dma_wait3A_1187 = arith.constant 0 : i32
    %dma_wait3A_1188 = tpu.memref_slice %arg6[%dma_wait3A_1184, %dma_wait3A_1186, %dma_wait3A_1187] : memref<5x128x128xf32, #tpu.memory_space<vmem>> -> memref<1x128x128xf32, #tpu.memory_space<vmem>>
    %dma_wait3A_1189 = tpu.memref_squeeze %dma_wait3A_1188 : memref<1x128x128xf32, #tpu.memory_space<vmem>> -> memref<128x128xf32, #tpu.memory_space<vmem>>
    %dma_wait3A_1190 = arith.constant 0 : i32
    %dma_wait3A_1191 = tpu.memref_slice %arg5[%dma_wait3A_1183, %dma_wait3A_1190] : memref<10x128xi32, #tpu.memory_space<vmem>> -> memref<1x128xi32, #tpu.memory_space<vmem>>
    %dma_wait3A_1192 = tpu.memref_squeeze %dma_wait3A_1191 : memref<1x128xi32, #tpu.memory_space<vmem>> -> memref<128xi32, #tpu.memory_space<vmem>>
    %dma_wait3A_1193 = arith.constant 0 : i32
    %dma_wait3A_1194 = arith.constant 0 : i32
    %dma_wait3A_1195 = tpu.memref_slice %arg2[%dma_wait3A_1193, %dma_wait3A_1194] : memref<100000x128xf32, #tpu.memory_space<hbm>> -> memref<100000x128xf32, #tpu.memory_space<hbm>>
    %dma_wait3A_1196 = tpu.memref_slice %arg8[%dma_wait3A_1185] : memref<5x!tpu.dma_semaphore, #tpu.memory_space<semaphore_mem>> -> memref<1x!tpu.dma_semaphore, #tpu.memory_space<semaphore_mem>>
    %dma_wait3A_1197 = tpu.memref_squeeze %dma_wait3A_1196 : memref<1x!tpu.dma_semaphore, #tpu.memory_space<semaphore_mem>> -> memref<!tpu.dma_semaphore, #tpu.memory_space<semaphore_mem>>
    tpu.wait_indirect_dma semaphore(%dma_wait3A_1197 : memref<!tpu.dma_semaphore, #tpu.memory_space<semaphore_mem>>) src(%dma_wait3A_1195 : memref<100000x128xf32, #tpu.memory_space<hbm>>) dst(%dma_wait3A_1189 : memref<128x128xf32, #tpu.memory_space<vmem>>)
    %add3A_1198 = arith.constant 24320 : i32
    %add3A_1199 = arith.addi %mul3A_2, %add3A_1198 : i32
    %dma_start3A_1200 = arith.constant 0 : i32
    %dma_start3A_1201 = arith.constant 0 : i32
    %dma_start3A_1202 = arith.constant 0 : i32
    %dma_start3A_1203 = arith.constant 0 : i32
    %dma_start3A_1204 = tpu.memref_slice %arg6[%dma_start3A_1200, %dma_start3A_1202, %dma_start3A_1203] : memref<5x128x128xf32, #tpu.memory_space<vmem>> -> memref<1x128x128xf32, #tpu.memory_space<vmem>>
    %dma_start3A_1205 = tpu.memref_squeeze %dma_start3A_1204 : memref<1x128x128xf32, #tpu.memory_space<vmem>> -> memref<128x128xf32, #tpu.memory_space<vmem>>
    %dma_start3A_1206 = arith.constant 0 : i32
    %dma_start3A_1207 = tpu.memref_slice %arg4[%add3A_1199, %dma_start3A_1206] : memref<819200x128xf32, #tpu.memory_space<hbm>> -> memref<128x128xf32, #tpu.memory_space<hbm>>
    %dma_start3A_1208 = tpu.memref_slice %arg9[%dma_start3A_1201] : memref<5x!tpu.dma_semaphore, #tpu.memory_space<semaphore_mem>> -> memref<1x!tpu.dma_semaphore, #tpu.memory_space<semaphore_mem>>
    %dma_start3A_1209 = tpu.memref_squeeze %dma_start3A_1208 : memref<1x!tpu.dma_semaphore, #tpu.memory_space<semaphore_mem>> -> memref<!tpu.dma_semaphore, #tpu.memory_space<semaphore_mem>>
    %dma_start3A_1210 = arith.constant 0 : i32
    %dma_start3A_1211 = tpu.memref_slice %arg4[%add3A_1199, %dma_start3A_1210] : memref<819200x128xf32, #tpu.memory_space<hbm>> -> memref<128x128xf32, #tpu.memory_space<hbm>>
    %dma_start3A_1212 = arith.constant 0 : i32
    %dma_start3A_1213 = arith.constant 0 : i32
    %dma_start3A_1214 = tpu.memref_slice %arg6[%dma_start3A_1200, %dma_start3A_1212, %dma_start3A_1213] : memref<5x128x128xf32, #tpu.memory_space<vmem>> -> memref<1x128x128xf32, #tpu.memory_space<vmem>>
    %dma_start3A_1215 = tpu.memref_squeeze %dma_start3A_1214 : memref<1x128x128xf32, #tpu.memory_space<vmem>> -> memref<128x128xf32, #tpu.memory_space<vmem>>
    tpu.enqueue_dma source(%dma_start3A_1215 : memref<128x128xf32, #tpu.memory_space<vmem>>) target(%dma_start3A_1211 : memref<128x128xf32, #tpu.memory_space<hbm>>) target_semaphore(%dma_start3A_1209 : memref<!tpu.dma_semaphore, #tpu.memory_space<semaphore_mem>>)
    %add3A_1216 = arith.constant 24192 : i32
    %add3A_1217 = arith.addi %mul3A_2, %add3A_1216 : i32
    %dma_wait3A_1218 = arith.constant 4 : i32
    %dma_wait3A_1219 = arith.constant 4 : i32
    %dma_wait3A_1220 = arith.constant 0 : i32
    %dma_wait3A_1221 = arith.constant 0 : i32
    %dma_wait3A_1222 = tpu.memref_slice %arg6[%dma_wait3A_1218, %dma_wait3A_1220, %dma_wait3A_1221] : memref<5x128x128xf32, #tpu.memory_space<vmem>> -> memref<1x128x128xf32, #tpu.memory_space<vmem>>
    %dma_wait3A_1223 = tpu.memref_squeeze %dma_wait3A_1222 : memref<1x128x128xf32, #tpu.memory_space<vmem>> -> memref<128x128xf32, #tpu.memory_space<vmem>>
    %dma_wait3A_1224 = arith.constant 0 : i32
    %dma_wait3A_1225 = tpu.memref_slice %arg4[%add3A_1217, %dma_wait3A_1224] : memref<819200x128xf32, #tpu.memory_space<hbm>> -> memref<128x128xf32, #tpu.memory_space<hbm>>
    %dma_wait3A_1226 = tpu.memref_slice %arg9[%dma_wait3A_1219] : memref<5x!tpu.dma_semaphore, #tpu.memory_space<semaphore_mem>> -> memref<1x!tpu.dma_semaphore, #tpu.memory_space<semaphore_mem>>
    %dma_wait3A_1227 = tpu.memref_squeeze %dma_wait3A_1226 : memref<1x!tpu.dma_semaphore, #tpu.memory_space<semaphore_mem>> -> memref<!tpu.dma_semaphore, #tpu.memory_space<semaphore_mem>>
    %dma_wait3A_1228 = arith.constant 0 : i32
    %dma_wait3A_1229 = tpu.memref_slice %arg4[%add3A_1217, %dma_wait3A_1228] : memref<819200x128xf32, #tpu.memory_space<hbm>> -> memref<128x128xf32, #tpu.memory_space<hbm>>
    %dma_wait3A_1230 = arith.constant 0 : i32
    %dma_wait3A_1231 = arith.constant 0 : i32
    %dma_wait3A_1232 = tpu.memref_slice %arg6[%dma_wait3A_1218, %dma_wait3A_1230, %dma_wait3A_1231] : memref<5x128x128xf32, #tpu.memory_space<vmem>> -> memref<1x128x128xf32, #tpu.memory_space<vmem>>
    %dma_wait3A_1233 = tpu.memref_squeeze %dma_wait3A_1232 : memref<1x128x128xf32, #tpu.memory_space<vmem>> -> memref<128x128xf32, #tpu.memory_space<vmem>>
    tpu.wait_dma2 semaphore(%dma_wait3A_1227 : memref<!tpu.dma_semaphore, #tpu.memory_space<semaphore_mem>>) src(%dma_wait3A_1233 : memref<128x128xf32, #tpu.memory_space<vmem>>) dst(%dma_wait3A_1229 : memref<128x128xf32, #tpu.memory_space<hbm>>)
    %add3A_1234 = arith.constant 24832 : i32
    %add3A_1235 = arith.addi %mul3A_2, %add3A_1234 : i32
    %dma_wait3A_1236 = arith.constant 4 : i32
    %dma_wait3A_1237 = arith.constant 4 : i32
    %dma_wait3A_1238 = arith.constant 0 : i32
    %dma_wait3A_1239 = tpu.memref_slice %arg5[%dma_wait3A_1236, %dma_wait3A_1238] : memref<10x128xi32, #tpu.memory_space<vmem>> -> memref<1x128xi32, #tpu.memory_space<vmem>>
    %dma_wait3A_1240 = tpu.memref_squeeze %dma_wait3A_1239 : memref<1x128xi32, #tpu.memory_space<vmem>> -> memref<128xi32, #tpu.memory_space<vmem>>
    %dma_wait3A_1241 = tpu.memref_slice %arg3[%add3A_1235] : memref<819200xi32, #tpu.memory_space<hbm>> -> memref<128xi32, #tpu.memory_space<hbm>>
    %dma_wait3A_1242 = tpu.memref_slice %arg7[%dma_wait3A_1237] : memref<10x!tpu.dma_semaphore, #tpu.memory_space<semaphore_mem>> -> memref<1x!tpu.dma_semaphore, #tpu.memory_space<semaphore_mem>>
    %dma_wait3A_1243 = tpu.memref_squeeze %dma_wait3A_1242 : memref<1x!tpu.dma_semaphore, #tpu.memory_space<semaphore_mem>> -> memref<!tpu.dma_semaphore, #tpu.memory_space<semaphore_mem>>
    %dma_wait3A_1244 = arith.constant 0 : i32
    %dma_wait3A_1245 = tpu.memref_slice %arg5[%dma_wait3A_1236, %dma_wait3A_1244] : memref<10x128xi32, #tpu.memory_space<vmem>> -> memref<1x128xi32, #tpu.memory_space<vmem>>
    %dma_wait3A_1246 = tpu.memref_squeeze %dma_wait3A_1245 : memref<1x128xi32, #tpu.memory_space<vmem>> -> memref<128xi32, #tpu.memory_space<vmem>>
    %dma_wait3A_1247 = tpu.memref_slice %arg3[%add3A_1235] : memref<819200xi32, #tpu.memory_space<hbm>> -> memref<128xi32, #tpu.memory_space<hbm>>
    tpu.wait_dma2 semaphore(%dma_wait3A_1243 : memref<!tpu.dma_semaphore, #tpu.memory_space<semaphore_mem>>) src(%dma_wait3A_1247 : memref<128xi32, #tpu.memory_space<hbm>>) dst(%dma_wait3A_1246 : memref<128xi32, #tpu.memory_space<vmem>>)
    %dma_start3A_1248 = arith.constant 4 : i32
    %dma_start3A_1249 = arith.constant 4 : i32
    %dma_start3A_1250 = arith.constant 4 : i32
    %dma_start3A_1251 = arith.constant 0 : i32
    %dma_start3A_1252 = arith.constant 0 : i32
    %dma_start3A_1253 = tpu.memref_slice %arg6[%dma_start3A_1249, %dma_start3A_1251, %dma_start3A_1252] : memref<5x128x128xf32, #tpu.memory_space<vmem>> -> memref<1x128x128xf32, #tpu.memory_space<vmem>>
    %dma_start3A_1254 = tpu.memref_squeeze %dma_start3A_1253 : memref<1x128x128xf32, #tpu.memory_space<vmem>> -> memref<128x128xf32, #tpu.memory_space<vmem>>
    %dma_start3A_1255 = arith.constant 0 : i32
    %dma_start3A_1256 = tpu.memref_slice %arg5[%dma_start3A_1248, %dma_start3A_1255] : memref<10x128xi32, #tpu.memory_space<vmem>> -> memref<1x128xi32, #tpu.memory_space<vmem>>
    %dma_start3A_1257 = tpu.memref_squeeze %dma_start3A_1256 : memref<1x128xi32, #tpu.memory_space<vmem>> -> memref<128xi32, #tpu.memory_space<vmem>>
    %dma_start3A_1258 = arith.constant 0 : i32
    %dma_start3A_1259 = arith.constant 0 : i32
    %dma_start3A_1260 = tpu.memref_slice %arg2[%dma_start3A_1258, %dma_start3A_1259] : memref<100000x128xf32, #tpu.memory_space<hbm>> -> memref<100000x128xf32, #tpu.memory_space<hbm>>
    %dma_start3A_1261 = tpu.memref_slice %arg8[%dma_start3A_1250] : memref<5x!tpu.dma_semaphore, #tpu.memory_space<semaphore_mem>> -> memref<1x!tpu.dma_semaphore, #tpu.memory_space<semaphore_mem>>
    %dma_start3A_1262 = tpu.memref_squeeze %dma_start3A_1261 : memref<1x!tpu.dma_semaphore, #tpu.memory_space<semaphore_mem>> -> memref<!tpu.dma_semaphore, #tpu.memory_space<semaphore_mem>>
    tpu.enqueue_indirect_dma source(%dma_start3A_1260 : memref<100000x128xf32, #tpu.memory_space<hbm>>) target(%dma_start3A_1254 : memref<128x128xf32, #tpu.memory_space<vmem>>) offsets(%dma_start3A_1257 : memref<128xi32, #tpu.memory_space<vmem>>) semaphore(%dma_start3A_1262 : memref<!tpu.dma_semaphore, #tpu.memory_space<semaphore_mem>>)
    %dma_wait3A_1263 = arith.constant 1 : i32
    %dma_wait3A_1264 = arith.constant 1 : i32
    %dma_wait3A_1265 = arith.constant 1 : i32
    %dma_wait3A_1266 = arith.constant 0 : i32
    %dma_wait3A_1267 = arith.constant 0 : i32
    %dma_wait3A_1268 = tpu.memref_slice %arg6[%dma_wait3A_1264, %dma_wait3A_1266, %dma_wait3A_1267] : memref<5x128x128xf32, #tpu.memory_space<vmem>> -> memref<1x128x128xf32, #tpu.memory_space<vmem>>
    %dma_wait3A_1269 = tpu.memref_squeeze %dma_wait3A_1268 : memref<1x128x128xf32, #tpu.memory_space<vmem>> -> memref<128x128xf32, #tpu.memory_space<vmem>>
    %dma_wait3A_1270 = arith.constant 0 : i32
    %dma_wait3A_1271 = tpu.memref_slice %arg5[%dma_wait3A_1263, %dma_wait3A_1270] : memref<10x128xi32, #tpu.memory_space<vmem>> -> memref<1x128xi32, #tpu.memory_space<vmem>>
    %dma_wait3A_1272 = tpu.memref_squeeze %dma_wait3A_1271 : memref<1x128xi32, #tpu.memory_space<vmem>> -> memref<128xi32, #tpu.memory_space<vmem>>
    %dma_wait3A_1273 = arith.constant 0 : i32
    %dma_wait3A_1274 = arith.constant 0 : i32
    %dma_wait3A_1275 = tpu.memref_slice %arg2[%dma_wait3A_1273, %dma_wait3A_1274] : memref<100000x128xf32, #tpu.memory_space<hbm>> -> memref<100000x128xf32, #tpu.memory_space<hbm>>
    %dma_wait3A_1276 = tpu.memref_slice %arg8[%dma_wait3A_1265] : memref<5x!tpu.dma_semaphore, #tpu.memory_space<semaphore_mem>> -> memref<1x!tpu.dma_semaphore, #tpu.memory_space<semaphore_mem>>
    %dma_wait3A_1277 = tpu.memref_squeeze %dma_wait3A_1276 : memref<1x!tpu.dma_semaphore, #tpu.memory_space<semaphore_mem>> -> memref<!tpu.dma_semaphore, #tpu.memory_space<semaphore_mem>>
    tpu.wait_indirect_dma semaphore(%dma_wait3A_1277 : memref<!tpu.dma_semaphore, #tpu.memory_space<semaphore_mem>>) src(%dma_wait3A_1275 : memref<100000x128xf32, #tpu.memory_space<hbm>>) dst(%dma_wait3A_1269 : memref<128x128xf32, #tpu.memory_space<vmem>>)
    %add3A_1278 = arith.constant 24448 : i32
    %add3A_1279 = arith.addi %mul3A_2, %add3A_1278 : i32
    %dma_start3A_1280 = arith.constant 1 : i32
    %dma_start3A_1281 = arith.constant 1 : i32
    %dma_start3A_1282 = arith.constant 0 : i32
    %dma_start3A_1283 = arith.constant 0 : i32
    %dma_start3A_1284 = tpu.memref_slice %arg6[%dma_start3A_1280, %dma_start3A_1282, %dma_start3A_1283] : memref<5x128x128xf32, #tpu.memory_space<vmem>> -> memref<1x128x128xf32, #tpu.memory_space<vmem>>
    %dma_start3A_1285 = tpu.memref_squeeze %dma_start3A_1284 : memref<1x128x128xf32, #tpu.memory_space<vmem>> -> memref<128x128xf32, #tpu.memory_space<vmem>>
    %dma_start3A_1286 = arith.constant 0 : i32
    %dma_start3A_1287 = tpu.memref_slice %arg4[%add3A_1279, %dma_start3A_1286] : memref<819200x128xf32, #tpu.memory_space<hbm>> -> memref<128x128xf32, #tpu.memory_space<hbm>>
    %dma_start3A_1288 = tpu.memref_slice %arg9[%dma_start3A_1281] : memref<5x!tpu.dma_semaphore, #tpu.memory_space<semaphore_mem>> -> memref<1x!tpu.dma_semaphore, #tpu.memory_space<semaphore_mem>>
    %dma_start3A_1289 = tpu.memref_squeeze %dma_start3A_1288 : memref<1x!tpu.dma_semaphore, #tpu.memory_space<semaphore_mem>> -> memref<!tpu.dma_semaphore, #tpu.memory_space<semaphore_mem>>
    %dma_start3A_1290 = arith.constant 0 : i32
    %dma_start3A_1291 = tpu.memref_slice %arg4[%add3A_1279, %dma_start3A_1290] : memref<819200x128xf32, #tpu.memory_space<hbm>> -> memref<128x128xf32, #tpu.memory_space<hbm>>
    %dma_start3A_1292 = arith.constant 0 : i32
    %dma_start3A_1293 = arith.constant 0 : i32
    %dma_start3A_1294 = tpu.memref_slice %arg6[%dma_start3A_1280, %dma_start3A_1292, %dma_start3A_1293] : memref<5x128x128xf32, #tpu.memory_space<vmem>> -> memref<1x128x128xf32, #tpu.memory_space<vmem>>
    %dma_start3A_1295 = tpu.memref_squeeze %dma_start3A_1294 : memref<1x128x128xf32, #tpu.memory_space<vmem>> -> memref<128x128xf32, #tpu.memory_space<vmem>>
    tpu.enqueue_dma source(%dma_start3A_1295 : memref<128x128xf32, #tpu.memory_space<vmem>>) target(%dma_start3A_1291 : memref<128x128xf32, #tpu.memory_space<hbm>>) target_semaphore(%dma_start3A_1289 : memref<!tpu.dma_semaphore, #tpu.memory_space<semaphore_mem>>)
    %add3A_1296 = arith.constant 24320 : i32
    %add3A_1297 = arith.addi %mul3A_2, %add3A_1296 : i32
    %dma_wait3A_1298 = arith.constant 0 : i32
    %dma_wait3A_1299 = arith.constant 0 : i32
    %dma_wait3A_1300 = arith.constant 0 : i32
    %dma_wait3A_1301 = arith.constant 0 : i32
    %dma_wait3A_1302 = tpu.memref_slice %arg6[%dma_wait3A_1298, %dma_wait3A_1300, %dma_wait3A_1301] : memref<5x128x128xf32, #tpu.memory_space<vmem>> -> memref<1x128x128xf32, #tpu.memory_space<vmem>>
    %dma_wait3A_1303 = tpu.memref_squeeze %dma_wait3A_1302 : memref<1x128x128xf32, #tpu.memory_space<vmem>> -> memref<128x128xf32, #tpu.memory_space<vmem>>
    %dma_wait3A_1304 = arith.constant 0 : i32
    %dma_wait3A_1305 = tpu.memref_slice %arg4[%add3A_1297, %dma_wait3A_1304] : memref<819200x128xf32, #tpu.memory_space<hbm>> -> memref<128x128xf32, #tpu.memory_space<hbm>>
    %dma_wait3A_1306 = tpu.memref_slice %arg9[%dma_wait3A_1299] : memref<5x!tpu.dma_semaphore, #tpu.memory_space<semaphore_mem>> -> memref<1x!tpu.dma_semaphore, #tpu.memory_space<semaphore_mem>>
    %dma_wait3A_1307 = tpu.memref_squeeze %dma_wait3A_1306 : memref<1x!tpu.dma_semaphore, #tpu.memory_space<semaphore_mem>> -> memref<!tpu.dma_semaphore, #tpu.memory_space<semaphore_mem>>
    %dma_wait3A_1308 = arith.constant 0 : i32
    %dma_wait3A_1309 = tpu.memref_slice %arg4[%add3A_1297, %dma_wait3A_1308] : memref<819200x128xf32, #tpu.memory_space<hbm>> -> memref<128x128xf32, #tpu.memory_space<hbm>>
    %dma_wait3A_1310 = arith.constant 0 : i32
    %dma_wait3A_1311 = arith.constant 0 : i32
    %dma_wait3A_1312 = tpu.memref_slice %arg6[%dma_wait3A_1298, %dma_wait3A_1310, %dma_wait3A_1311] : memref<5x128x128xf32, #tpu.memory_space<vmem>> -> memref<1x128x128xf32, #tpu.memory_space<vmem>>
    %dma_wait3A_1313 = tpu.memref_squeeze %dma_wait3A_1312 : memref<1x128x128xf32, #tpu.memory_space<vmem>> -> memref<128x128xf32, #tpu.memory_space<vmem>>
    tpu.wait_dma2 semaphore(%dma_wait3A_1307 : memref<!tpu.dma_semaphore, #tpu.memory_space<semaphore_mem>>) src(%dma_wait3A_1313 : memref<128x128xf32, #tpu.memory_space<vmem>>) dst(%dma_wait3A_1309 : memref<128x128xf32, #tpu.memory_space<hbm>>)
    %add3A_1314 = arith.constant 24960 : i32
    %add3A_1315 = arith.addi %mul3A_2, %add3A_1314 : i32
    %dma_wait3A_1316 = arith.constant 5 : i32
    %dma_wait3A_1317 = arith.constant 5 : i32
    %dma_wait3A_1318 = arith.constant 0 : i32
    %dma_wait3A_1319 = tpu.memref_slice %arg5[%dma_wait3A_1316, %dma_wait3A_1318] : memref<10x128xi32, #tpu.memory_space<vmem>> -> memref<1x128xi32, #tpu.memory_space<vmem>>
    %dma_wait3A_1320 = tpu.memref_squeeze %dma_wait3A_1319 : memref<1x128xi32, #tpu.memory_space<vmem>> -> memref<128xi32, #tpu.memory_space<vmem>>
    %dma_wait3A_1321 = tpu.memref_slice %arg3[%add3A_1315] : memref<819200xi32, #tpu.memory_space<hbm>> -> memref<128xi32, #tpu.memory_space<hbm>>
    %dma_wait3A_1322 = tpu.memref_slice %arg7[%dma_wait3A_1317] : memref<10x!tpu.dma_semaphore, #tpu.memory_space<semaphore_mem>> -> memref<1x!tpu.dma_semaphore, #tpu.memory_space<semaphore_mem>>
    %dma_wait3A_1323 = tpu.memref_squeeze %dma_wait3A_1322 : memref<1x!tpu.dma_semaphore, #tpu.memory_space<semaphore_mem>> -> memref<!tpu.dma_semaphore, #tpu.memory_space<semaphore_mem>>
    %dma_wait3A_1324 = arith.constant 0 : i32
    %dma_wait3A_1325 = tpu.memref_slice %arg5[%dma_wait3A_1316, %dma_wait3A_1324] : memref<10x128xi32, #tpu.memory_space<vmem>> -> memref<1x128xi32, #tpu.memory_space<vmem>>
    %dma_wait3A_1326 = tpu.memref_squeeze %dma_wait3A_1325 : memref<1x128xi32, #tpu.memory_space<vmem>> -> memref<128xi32, #tpu.memory_space<vmem>>
    %dma_wait3A_1327 = tpu.memref_slice %arg3[%add3A_1315] : memref<819200xi32, #tpu.memory_space<hbm>> -> memref<128xi32, #tpu.memory_space<hbm>>
    tpu.wait_dma2 semaphore(%dma_wait3A_1323 : memref<!tpu.dma_semaphore, #tpu.memory_space<semaphore_mem>>) src(%dma_wait3A_1327 : memref<128xi32, #tpu.memory_space<hbm>>) dst(%dma_wait3A_1326 : memref<128xi32, #tpu.memory_space<vmem>>)
    %dma_start3A_1328 = arith.constant 5 : i32
    %dma_start3A_1329 = arith.constant 0 : i32
    %dma_start3A_1330 = arith.constant 0 : i32
    %dma_start3A_1331 = arith.constant 0 : i32
    %dma_start3A_1332 = arith.constant 0 : i32
    %dma_start3A_1333 = tpu.memref_slice %arg6[%dma_start3A_1329, %dma_start3A_1331, %dma_start3A_1332] : memref<5x128x128xf32, #tpu.memory_space<vmem>> -> memref<1x128x128xf32, #tpu.memory_space<vmem>>
    %dma_start3A_1334 = tpu.memref_squeeze %dma_start3A_1333 : memref<1x128x128xf32, #tpu.memory_space<vmem>> -> memref<128x128xf32, #tpu.memory_space<vmem>>
    %dma_start3A_1335 = arith.constant 0 : i32
    %dma_start3A_1336 = tpu.memref_slice %arg5[%dma_start3A_1328, %dma_start3A_1335] : memref<10x128xi32, #tpu.memory_space<vmem>> -> memref<1x128xi32, #tpu.memory_space<vmem>>
    %dma_start3A_1337 = tpu.memref_squeeze %dma_start3A_1336 : memref<1x128xi32, #tpu.memory_space<vmem>> -> memref<128xi32, #tpu.memory_space<vmem>>
    %dma_start3A_1338 = arith.constant 0 : i32
    %dma_start3A_1339 = arith.constant 0 : i32
    %dma_start3A_1340 = tpu.memref_slice %arg2[%dma_start3A_1338, %dma_start3A_1339] : memref<100000x128xf32, #tpu.memory_space<hbm>> -> memref<100000x128xf32, #tpu.memory_space<hbm>>
    %dma_start3A_1341 = tpu.memref_slice %arg8[%dma_start3A_1330] : memref<5x!tpu.dma_semaphore, #tpu.memory_space<semaphore_mem>> -> memref<1x!tpu.dma_semaphore, #tpu.memory_space<semaphore_mem>>
    %dma_start3A_1342 = tpu.memref_squeeze %dma_start3A_1341 : memref<1x!tpu.dma_semaphore, #tpu.memory_space<semaphore_mem>> -> memref<!tpu.dma_semaphore, #tpu.memory_space<semaphore_mem>>
    tpu.enqueue_indirect_dma source(%dma_start3A_1340 : memref<100000x128xf32, #tpu.memory_space<hbm>>) target(%dma_start3A_1334 : memref<128x128xf32, #tpu.memory_space<vmem>>) offsets(%dma_start3A_1337 : memref<128xi32, #tpu.memory_space<vmem>>) semaphore(%dma_start3A_1342 : memref<!tpu.dma_semaphore, #tpu.memory_space<semaphore_mem>>)
    %dma_wait3A_1343 = arith.constant 2 : i32
    %dma_wait3A_1344 = arith.constant 2 : i32
    %dma_wait3A_1345 = arith.constant 2 : i32
    %dma_wait3A_1346 = arith.constant 0 : i32
    %dma_wait3A_1347 = arith.constant 0 : i32
    %dma_wait3A_1348 = tpu.memref_slice %arg6[%dma_wait3A_1344, %dma_wait3A_1346, %dma_wait3A_1347] : memref<5x128x128xf32, #tpu.memory_space<vmem>> -> memref<1x128x128xf32, #tpu.memory_space<vmem>>
    %dma_wait3A_1349 = tpu.memref_squeeze %dma_wait3A_1348 : memref<1x128x128xf32, #tpu.memory_space<vmem>> -> memref<128x128xf32, #tpu.memory_space<vmem>>
    %dma_wait3A_1350 = arith.constant 0 : i32
    %dma_wait3A_1351 = tpu.memref_slice %arg5[%dma_wait3A_1343, %dma_wait3A_1350] : memref<10x128xi32, #tpu.memory_space<vmem>> -> memref<1x128xi32, #tpu.memory_space<vmem>>
    %dma_wait3A_1352 = tpu.memref_squeeze %dma_wait3A_1351 : memref<1x128xi32, #tpu.memory_space<vmem>> -> memref<128xi32, #tpu.memory_space<vmem>>
    %dma_wait3A_1353 = arith.constant 0 : i32
    %dma_wait3A_1354 = arith.constant 0 : i32
    %dma_wait3A_1355 = tpu.memref_slice %arg2[%dma_wait3A_1353, %dma_wait3A_1354] : memref<100000x128xf32, #tpu.memory_space<hbm>> -> memref<100000x128xf32, #tpu.memory_space<hbm>>
    %dma_wait3A_1356 = tpu.memref_slice %arg8[%dma_wait3A_1345] : memref<5x!tpu.dma_semaphore, #tpu.memory_space<semaphore_mem>> -> memref<1x!tpu.dma_semaphore, #tpu.memory_space<semaphore_mem>>
    %dma_wait3A_1357 = tpu.memref_squeeze %dma_wait3A_1356 : memref<1x!tpu.dma_semaphore, #tpu.memory_space<semaphore_mem>> -> memref<!tpu.dma_semaphore, #tpu.memory_space<semaphore_mem>>
    tpu.wait_indirect_dma semaphore(%dma_wait3A_1357 : memref<!tpu.dma_semaphore, #tpu.memory_space<semaphore_mem>>) src(%dma_wait3A_1355 : memref<100000x128xf32, #tpu.memory_space<hbm>>) dst(%dma_wait3A_1349 : memref<128x128xf32, #tpu.memory_space<vmem>>)
    %add3A_1358 = arith.constant 24576 : i32
    %add3A_1359 = arith.addi %mul3A_2, %add3A_1358 : i32
    %dma_start3A_1360 = arith.constant 2 : i32
    %dma_start3A_1361 = arith.constant 2 : i32
    %dma_start3A_1362 = arith.constant 0 : i32
    %dma_start3A_1363 = arith.constant 0 : i32
    %dma_start3A_1364 = tpu.memref_slice %arg6[%dma_start3A_1360, %dma_start3A_1362, %dma_start3A_1363] : memref<5x128x128xf32, #tpu.memory_space<vmem>> -> memref<1x128x128xf32, #tpu.memory_space<vmem>>
    %dma_start3A_1365 = tpu.memref_squeeze %dma_start3A_1364 : memref<1x128x128xf32, #tpu.memory_space<vmem>> -> memref<128x128xf32, #tpu.memory_space<vmem>>
    %dma_start3A_1366 = arith.constant 0 : i32
    %dma_start3A_1367 = tpu.memref_slice %arg4[%add3A_1359, %dma_start3A_1366] : memref<819200x128xf32, #tpu.memory_space<hbm>> -> memref<128x128xf32, #tpu.memory_space<hbm>>
    %dma_start3A_1368 = tpu.memref_slice %arg9[%dma_start3A_1361] : memref<5x!tpu.dma_semaphore, #tpu.memory_space<semaphore_mem>> -> memref<1x!tpu.dma_semaphore, #tpu.memory_space<semaphore_mem>>
    %dma_start3A_1369 = tpu.memref_squeeze %dma_start3A_1368 : memref<1x!tpu.dma_semaphore, #tpu.memory_space<semaphore_mem>> -> memref<!tpu.dma_semaphore, #tpu.memory_space<semaphore_mem>>
    %dma_start3A_1370 = arith.constant 0 : i32
    %dma_start3A_1371 = tpu.memref_slice %arg4[%add3A_1359, %dma_start3A_1370] : memref<819200x128xf32, #tpu.memory_space<hbm>> -> memref<128x128xf32, #tpu.memory_space<hbm>>
    %dma_start3A_1372 = arith.constant 0 : i32
    %dma_start3A_1373 = arith.constant 0 : i32
    %dma_start3A_1374 = tpu.memref_slice %arg6[%dma_start3A_1360, %dma_start3A_1372, %dma_start3A_1373] : memref<5x128x128xf32, #tpu.memory_space<vmem>> -> memref<1x128x128xf32, #tpu.memory_space<vmem>>
    %dma_start3A_1375 = tpu.memref_squeeze %dma_start3A_1374 : memref<1x128x128xf32, #tpu.memory_space<vmem>> -> memref<128x128xf32, #tpu.memory_space<vmem>>
    tpu.enqueue_dma source(%dma_start3A_1375 : memref<128x128xf32, #tpu.memory_space<vmem>>) target(%dma_start3A_1371 : memref<128x128xf32, #tpu.memory_space<hbm>>) target_semaphore(%dma_start3A_1369 : memref<!tpu.dma_semaphore, #tpu.memory_space<semaphore_mem>>)
    %add3A_1376 = arith.constant 24448 : i32
    %add3A_1377 = arith.addi %mul3A_2, %add3A_1376 : i32
    %dma_wait3A_1378 = arith.constant 1 : i32
    %dma_wait3A_1379 = arith.constant 1 : i32
    %dma_wait3A_1380 = arith.constant 0 : i32
    %dma_wait3A_1381 = arith.constant 0 : i32
    %dma_wait3A_1382 = tpu.memref_slice %arg6[%dma_wait3A_1378, %dma_wait3A_1380, %dma_wait3A_1381] : memref<5x128x128xf32, #tpu.memory_space<vmem>> -> memref<1x128x128xf32, #tpu.memory_space<vmem>>
    %dma_wait3A_1383 = tpu.memref_squeeze %dma_wait3A_1382 : memref<1x128x128xf32, #tpu.memory_space<vmem>> -> memref<128x128xf32, #tpu.memory_space<vmem>>
    %dma_wait3A_1384 = arith.constant 0 : i32
    %dma_wait3A_1385 = tpu.memref_slice %arg4[%add3A_1377, %dma_wait3A_1384] : memref<819200x128xf32, #tpu.memory_space<hbm>> -> memref<128x128xf32, #tpu.memory_space<hbm>>
    %dma_wait3A_1386 = tpu.memref_slice %arg9[%dma_wait3A_1379] : memref<5x!tpu.dma_semaphore, #tpu.memory_space<semaphore_mem>> -> memref<1x!tpu.dma_semaphore, #tpu.memory_space<semaphore_mem>>
    %dma_wait3A_1387 = tpu.memref_squeeze %dma_wait3A_1386 : memref<1x!tpu.dma_semaphore, #tpu.memory_space<semaphore_mem>> -> memref<!tpu.dma_semaphore, #tpu.memory_space<semaphore_mem>>
    %dma_wait3A_1388 = arith.constant 0 : i32
    %dma_wait3A_1389 = tpu.memref_slice %arg4[%add3A_1377, %dma_wait3A_1388] : memref<819200x128xf32, #tpu.memory_space<hbm>> -> memref<128x128xf32, #tpu.memory_space<hbm>>
    %dma_wait3A_1390 = arith.constant 0 : i32
    %dma_wait3A_1391 = arith.constant 0 : i32
    %dma_wait3A_1392 = tpu.memref_slice %arg6[%dma_wait3A_1378, %dma_wait3A_1390, %dma_wait3A_1391] : memref<5x128x128xf32, #tpu.memory_space<vmem>> -> memref<1x128x128xf32, #tpu.memory_space<vmem>>
    %dma_wait3A_1393 = tpu.memref_squeeze %dma_wait3A_1392 : memref<1x128x128xf32, #tpu.memory_space<vmem>> -> memref<128x128xf32, #tpu.memory_space<vmem>>
    tpu.wait_dma2 semaphore(%dma_wait3A_1387 : memref<!tpu.dma_semaphore, #tpu.memory_space<semaphore_mem>>) src(%dma_wait3A_1393 : memref<128x128xf32, #tpu.memory_space<vmem>>) dst(%dma_wait3A_1389 : memref<128x128xf32, #tpu.memory_space<hbm>>)
    %add3A_1394 = arith.constant 25088 : i32
    %add3A_1395 = arith.addi %mul3A_2, %add3A_1394 : i32
    %dma_wait3A_1396 = arith.constant 6 : i32
    %dma_wait3A_1397 = arith.constant 6 : i32
    %dma_wait3A_1398 = arith.constant 0 : i32
    %dma_wait3A_1399 = tpu.memref_slice %arg5[%dma_wait3A_1396, %dma_wait3A_1398] : memref<10x128xi32, #tpu.memory_space<vmem>> -> memref<1x128xi32, #tpu.memory_space<vmem>>
    %dma_wait3A_1400 = tpu.memref_squeeze %dma_wait3A_1399 : memref<1x128xi32, #tpu.memory_space<vmem>> -> memref<128xi32, #tpu.memory_space<vmem>>
    %dma_wait3A_1401 = tpu.memref_slice %arg3[%add3A_1395] : memref<819200xi32, #tpu.memory_space<hbm>> -> memref<128xi32, #tpu.memory_space<hbm>>
    %dma_wait3A_1402 = tpu.memref_slice %arg7[%dma_wait3A_1397] : memref<10x!tpu.dma_semaphore, #tpu.memory_space<semaphore_mem>> -> memref<1x!tpu.dma_semaphore, #tpu.memory_space<semaphore_mem>>
    %dma_wait3A_1403 = tpu.memref_squeeze %dma_wait3A_1402 : memref<1x!tpu.dma_semaphore, #tpu.memory_space<semaphore_mem>> -> memref<!tpu.dma_semaphore, #tpu.memory_space<semaphore_mem>>
    %dma_wait3A_1404 = arith.constant 0 : i32
    %dma_wait3A_1405 = tpu.memref_slice %arg5[%dma_wait3A_1396, %dma_wait3A_1404] : memref<10x128xi32, #tpu.memory_space<vmem>> -> memref<1x128xi32, #tpu.memory_space<vmem>>
    %dma_wait3A_1406 = tpu.memref_squeeze %dma_wait3A_1405 : memref<1x128xi32, #tpu.memory_space<vmem>> -> memref<128xi32, #tpu.memory_space<vmem>>
    %dma_wait3A_1407 = tpu.memref_slice %arg3[%add3A_1395] : memref<819200xi32, #tpu.memory_space<hbm>> -> memref<128xi32, #tpu.memory_space<hbm>>
    tpu.wait_dma2 semaphore(%dma_wait3A_1403 : memref<!tpu.dma_semaphore, #tpu.memory_space<semaphore_mem>>) src(%dma_wait3A_1407 : memref<128xi32, #tpu.memory_space<hbm>>) dst(%dma_wait3A_1406 : memref<128xi32, #tpu.memory_space<vmem>>)
    %dma_start3A_1408 = arith.constant 6 : i32
    %dma_start3A_1409 = arith.constant 1 : i32
    %dma_start3A_1410 = arith.constant 1 : i32
    %dma_start3A_1411 = arith.constant 0 : i32
    %dma_start3A_1412 = arith.constant 0 : i32
    %dma_start3A_1413 = tpu.memref_slice %arg6[%dma_start3A_1409, %dma_start3A_1411, %dma_start3A_1412] : memref<5x128x128xf32, #tpu.memory_space<vmem>> -> memref<1x128x128xf32, #tpu.memory_space<vmem>>
    %dma_start3A_1414 = tpu.memref_squeeze %dma_start3A_1413 : memref<1x128x128xf32, #tpu.memory_space<vmem>> -> memref<128x128xf32, #tpu.memory_space<vmem>>
    %dma_start3A_1415 = arith.constant 0 : i32
    %dma_start3A_1416 = tpu.memref_slice %arg5[%dma_start3A_1408, %dma_start3A_1415] : memref<10x128xi32, #tpu.memory_space<vmem>> -> memref<1x128xi32, #tpu.memory_space<vmem>>
    %dma_start3A_1417 = tpu.memref_squeeze %dma_start3A_1416 : memref<1x128xi32, #tpu.memory_space<vmem>> -> memref<128xi32, #tpu.memory_space<vmem>>
    %dma_start3A_1418 = arith.constant 0 : i32
    %dma_start3A_1419 = arith.constant 0 : i32
    %dma_start3A_1420 = tpu.memref_slice %arg2[%dma_start3A_1418, %dma_start3A_1419] : memref<100000x128xf32, #tpu.memory_space<hbm>> -> memref<100000x128xf32, #tpu.memory_space<hbm>>
    %dma_start3A_1421 = tpu.memref_slice %arg8[%dma_start3A_1410] : memref<5x!tpu.dma_semaphore, #tpu.memory_space<semaphore_mem>> -> memref<1x!tpu.dma_semaphore, #tpu.memory_space<semaphore_mem>>
    %dma_start3A_1422 = tpu.memref_squeeze %dma_start3A_1421 : memref<1x!tpu.dma_semaphore, #tpu.memory_space<semaphore_mem>> -> memref<!tpu.dma_semaphore, #tpu.memory_space<semaphore_mem>>
    tpu.enqueue_indirect_dma source(%dma_start3A_1420 : memref<100000x128xf32, #tpu.memory_space<hbm>>) target(%dma_start3A_1414 : memref<128x128xf32, #tpu.memory_space<vmem>>) offsets(%dma_start3A_1417 : memref<128xi32, #tpu.memory_space<vmem>>) semaphore(%dma_start3A_1422 : memref<!tpu.dma_semaphore, #tpu.memory_space<semaphore_mem>>)
    %dma_wait3A_1423 = arith.constant 3 : i32
    %dma_wait3A_1424 = arith.constant 3 : i32
    %dma_wait3A_1425 = arith.constant 3 : i32
    %dma_wait3A_1426 = arith.constant 0 : i32
    %dma_wait3A_1427 = arith.constant 0 : i32
    %dma_wait3A_1428 = tpu.memref_slice %arg6[%dma_wait3A_1424, %dma_wait3A_1426, %dma_wait3A_1427] : memref<5x128x128xf32, #tpu.memory_space<vmem>> -> memref<1x128x128xf32, #tpu.memory_space<vmem>>
    %dma_wait3A_1429 = tpu.memref_squeeze %dma_wait3A_1428 : memref<1x128x128xf32, #tpu.memory_space<vmem>> -> memref<128x128xf32, #tpu.memory_space<vmem>>
    %dma_wait3A_1430 = arith.constant 0 : i32
    %dma_wait3A_1431 = tpu.memref_slice %arg5[%dma_wait3A_1423, %dma_wait3A_1430] : memref<10x128xi32, #tpu.memory_space<vmem>> -> memref<1x128xi32, #tpu.memory_space<vmem>>
    %dma_wait3A_1432 = tpu.memref_squeeze %dma_wait3A_1431 : memref<1x128xi32, #tpu.memory_space<vmem>> -> memref<128xi32, #tpu.memory_space<vmem>>
    %dma_wait3A_1433 = arith.constant 0 : i32
    %dma_wait3A_1434 = arith.constant 0 : i32
    %dma_wait3A_1435 = tpu.memref_slice %arg2[%dma_wait3A_1433, %dma_wait3A_1434] : memref<100000x128xf32, #tpu.memory_space<hbm>> -> memref<100000x128xf32, #tpu.memory_space<hbm>>
    %dma_wait3A_1436 = tpu.memref_slice %arg8[%dma_wait3A_1425] : memref<5x!tpu.dma_semaphore, #tpu.memory_space<semaphore_mem>> -> memref<1x!tpu.dma_semaphore, #tpu.memory_space<semaphore_mem>>
    %dma_wait3A_1437 = tpu.memref_squeeze %dma_wait3A_1436 : memref<1x!tpu.dma_semaphore, #tpu.memory_space<semaphore_mem>> -> memref<!tpu.dma_semaphore, #tpu.memory_space<semaphore_mem>>
    tpu.wait_indirect_dma semaphore(%dma_wait3A_1437 : memref<!tpu.dma_semaphore, #tpu.memory_space<semaphore_mem>>) src(%dma_wait3A_1435 : memref<100000x128xf32, #tpu.memory_space<hbm>>) dst(%dma_wait3A_1429 : memref<128x128xf32, #tpu.memory_space<vmem>>)
    %add3A_1438 = arith.constant 24704 : i32
    %add3A_1439 = arith.addi %mul3A_2, %add3A_1438 : i32
    %dma_start3A_1440 = arith.constant 3 : i32
    %dma_start3A_1441 = arith.constant 3 : i32
    %dma_start3A_1442 = arith.constant 0 : i32
    %dma_start3A_1443 = arith.constant 0 : i32
    %dma_start3A_1444 = tpu.memref_slice %arg6[%dma_start3A_1440, %dma_start3A_1442, %dma_start3A_1443] : memref<5x128x128xf32, #tpu.memory_space<vmem>> -> memref<1x128x128xf32, #tpu.memory_space<vmem>>
    %dma_start3A_1445 = tpu.memref_squeeze %dma_start3A_1444 : memref<1x128x128xf32, #tpu.memory_space<vmem>> -> memref<128x128xf32, #tpu.memory_space<vmem>>
    %dma_start3A_1446 = arith.constant 0 : i32
    %dma_start3A_1447 = tpu.memref_slice %arg4[%add3A_1439, %dma_start3A_1446] : memref<819200x128xf32, #tpu.memory_space<hbm>> -> memref<128x128xf32, #tpu.memory_space<hbm>>
    %dma_start3A_1448 = tpu.memref_slice %arg9[%dma_start3A_1441] : memref<5x!tpu.dma_semaphore, #tpu.memory_space<semaphore_mem>> -> memref<1x!tpu.dma_semaphore, #tpu.memory_space<semaphore_mem>>
    %dma_start3A_1449 = tpu.memref_squeeze %dma_start3A_1448 : memref<1x!tpu.dma_semaphore, #tpu.memory_space<semaphore_mem>> -> memref<!tpu.dma_semaphore, #tpu.memory_space<semaphore_mem>>
    %dma_start3A_1450 = arith.constant 0 : i32
    %dma_start3A_1451 = tpu.memref_slice %arg4[%add3A_1439, %dma_start3A_1450] : memref<819200x128xf32, #tpu.memory_space<hbm>> -> memref<128x128xf32, #tpu.memory_space<hbm>>
    %dma_start3A_1452 = arith.constant 0 : i32
    %dma_start3A_1453 = arith.constant 0 : i32
    %dma_start3A_1454 = tpu.memref_slice %arg6[%dma_start3A_1440, %dma_start3A_1452, %dma_start3A_1453] : memref<5x128x128xf32, #tpu.memory_space<vmem>> -> memref<1x128x128xf32, #tpu.memory_space<vmem>>
    %dma_start3A_1455 = tpu.memref_squeeze %dma_start3A_1454 : memref<1x128x128xf32, #tpu.memory_space<vmem>> -> memref<128x128xf32, #tpu.memory_space<vmem>>
    tpu.enqueue_dma source(%dma_start3A_1455 : memref<128x128xf32, #tpu.memory_space<vmem>>) target(%dma_start3A_1451 : memref<128x128xf32, #tpu.memory_space<hbm>>) target_semaphore(%dma_start3A_1449 : memref<!tpu.dma_semaphore, #tpu.memory_space<semaphore_mem>>)
    %add3A_1456 = arith.constant 24576 : i32
    %add3A_1457 = arith.addi %mul3A_2, %add3A_1456 : i32
    %dma_wait3A_1458 = arith.constant 2 : i32
    %dma_wait3A_1459 = arith.constant 2 : i32
    %dma_wait3A_1460 = arith.constant 0 : i32
    %dma_wait3A_1461 = arith.constant 0 : i32
    %dma_wait3A_1462 = tpu.memref_slice %arg6[%dma_wait3A_1458, %dma_wait3A_1460, %dma_wait3A_1461] : memref<5x128x128xf32, #tpu.memory_space<vmem>> -> memref<1x128x128xf32, #tpu.memory_space<vmem>>
    %dma_wait3A_1463 = tpu.memref_squeeze %dma_wait3A_1462 : memref<1x128x128xf32, #tpu.memory_space<vmem>> -> memref<128x128xf32, #tpu.memory_space<vmem>>
    %dma_wait3A_1464 = arith.constant 0 : i32
    %dma_wait3A_1465 = tpu.memref_slice %arg4[%add3A_1457, %dma_wait3A_1464] : memref<819200x128xf32, #tpu.memory_space<hbm>> -> memref<128x128xf32, #tpu.memory_space<hbm>>
    %dma_wait3A_1466 = tpu.memref_slice %arg9[%dma_wait3A_1459] : memref<5x!tpu.dma_semaphore, #tpu.memory_space<semaphore_mem>> -> memref<1x!tpu.dma_semaphore, #tpu.memory_space<semaphore_mem>>
    %dma_wait3A_1467 = tpu.memref_squeeze %dma_wait3A_1466 : memref<1x!tpu.dma_semaphore, #tpu.memory_space<semaphore_mem>> -> memref<!tpu.dma_semaphore, #tpu.memory_space<semaphore_mem>>
    %dma_wait3A_1468 = arith.constant 0 : i32
    %dma_wait3A_1469 = tpu.memref_slice %arg4[%add3A_1457, %dma_wait3A_1468] : memref<819200x128xf32, #tpu.memory_space<hbm>> -> memref<128x128xf32, #tpu.memory_space<hbm>>
    %dma_wait3A_1470 = arith.constant 0 : i32
    %dma_wait3A_1471 = arith.constant 0 : i32
    %dma_wait3A_1472 = tpu.memref_slice %arg6[%dma_wait3A_1458, %dma_wait3A_1470, %dma_wait3A_1471] : memref<5x128x128xf32, #tpu.memory_space<vmem>> -> memref<1x128x128xf32, #tpu.memory_space<vmem>>
    %dma_wait3A_1473 = tpu.memref_squeeze %dma_wait3A_1472 : memref<1x128x128xf32, #tpu.memory_space<vmem>> -> memref<128x128xf32, #tpu.memory_space<vmem>>
    tpu.wait_dma2 semaphore(%dma_wait3A_1467 : memref<!tpu.dma_semaphore, #tpu.memory_space<semaphore_mem>>) src(%dma_wait3A_1473 : memref<128x128xf32, #tpu.memory_space<vmem>>) dst(%dma_wait3A_1469 : memref<128x128xf32, #tpu.memory_space<hbm>>)
    %add3A_1474 = arith.constant 25216 : i32
    %add3A_1475 = arith.addi %mul3A_2, %add3A_1474 : i32
    %dma_wait3A_1476 = arith.constant 7 : i32
    %dma_wait3A_1477 = arith.constant 7 : i32
    %dma_wait3A_1478 = arith.constant 0 : i32
    %dma_wait3A_1479 = tpu.memref_slice %arg5[%dma_wait3A_1476, %dma_wait3A_1478] : memref<10x128xi32, #tpu.memory_space<vmem>> -> memref<1x128xi32, #tpu.memory_space<vmem>>
    %dma_wait3A_1480 = tpu.memref_squeeze %dma_wait3A_1479 : memref<1x128xi32, #tpu.memory_space<vmem>> -> memref<128xi32, #tpu.memory_space<vmem>>
    %dma_wait3A_1481 = tpu.memref_slice %arg3[%add3A_1475] : memref<819200xi32, #tpu.memory_space<hbm>> -> memref<128xi32, #tpu.memory_space<hbm>>
    %dma_wait3A_1482 = tpu.memref_slice %arg7[%dma_wait3A_1477] : memref<10x!tpu.dma_semaphore, #tpu.memory_space<semaphore_mem>> -> memref<1x!tpu.dma_semaphore, #tpu.memory_space<semaphore_mem>>
    %dma_wait3A_1483 = tpu.memref_squeeze %dma_wait3A_1482 : memref<1x!tpu.dma_semaphore, #tpu.memory_space<semaphore_mem>> -> memref<!tpu.dma_semaphore, #tpu.memory_space<semaphore_mem>>
    %dma_wait3A_1484 = arith.constant 0 : i32
    %dma_wait3A_1485 = tpu.memref_slice %arg5[%dma_wait3A_1476, %dma_wait3A_1484] : memref<10x128xi32, #tpu.memory_space<vmem>> -> memref<1x128xi32, #tpu.memory_space<vmem>>
    %dma_wait3A_1486 = tpu.memref_squeeze %dma_wait3A_1485 : memref<1x128xi32, #tpu.memory_space<vmem>> -> memref<128xi32, #tpu.memory_space<vmem>>
    %dma_wait3A_1487 = tpu.memref_slice %arg3[%add3A_1475] : memref<819200xi32, #tpu.memory_space<hbm>> -> memref<128xi32, #tpu.memory_space<hbm>>
    tpu.wait_dma2 semaphore(%dma_wait3A_1483 : memref<!tpu.dma_semaphore, #tpu.memory_space<semaphore_mem>>) src(%dma_wait3A_1487 : memref<128xi32, #tpu.memory_space<hbm>>) dst(%dma_wait3A_1486 : memref<128xi32, #tpu.memory_space<vmem>>)
    %dma_start3A_1488 = arith.constant 7 : i32
    %dma_start3A_1489 = arith.constant 2 : i32
    %dma_start3A_1490 = arith.constant 2 : i32
    %dma_start3A_1491 = arith.constant 0 : i32
    %dma_start3A_1492 = arith.constant 0 : i32
    %dma_start3A_1493 = tpu.memref_slice %arg6[%dma_start3A_1489, %dma_start3A_1491, %dma_start3A_1492] : memref<5x128x128xf32, #tpu.memory_space<vmem>> -> memref<1x128x128xf32, #tpu.memory_space<vmem>>
    %dma_start3A_1494 = tpu.memref_squeeze %dma_start3A_1493 : memref<1x128x128xf32, #tpu.memory_space<vmem>> -> memref<128x128xf32, #tpu.memory_space<vmem>>
    %dma_start3A_1495 = arith.constant 0 : i32
    %dma_start3A_1496 = tpu.memref_slice %arg5[%dma_start3A_1488, %dma_start3A_1495] : memref<10x128xi32, #tpu.memory_space<vmem>> -> memref<1x128xi32, #tpu.memory_space<vmem>>
    %dma_start3A_1497 = tpu.memref_squeeze %dma_start3A_1496 : memref<1x128xi32, #tpu.memory_space<vmem>> -> memref<128xi32, #tpu.memory_space<vmem>>
    %dma_start3A_1498 = arith.constant 0 : i32
    %dma_start3A_1499 = arith.constant 0 : i32
    %dma_start3A_1500 = tpu.memref_slice %arg2[%dma_start3A_1498, %dma_start3A_1499] : memref<100000x128xf32, #tpu.memory_space<hbm>> -> memref<100000x128xf32, #tpu.memory_space<hbm>>
    %dma_start3A_1501 = tpu.memref_slice %arg8[%dma_start3A_1490] : memref<5x!tpu.dma_semaphore, #tpu.memory_space<semaphore_mem>> -> memref<1x!tpu.dma_semaphore, #tpu.memory_space<semaphore_mem>>
    %dma_start3A_1502 = tpu.memref_squeeze %dma_start3A_1501 : memref<1x!tpu.dma_semaphore, #tpu.memory_space<semaphore_mem>> -> memref<!tpu.dma_semaphore, #tpu.memory_space<semaphore_mem>>
    tpu.enqueue_indirect_dma source(%dma_start3A_1500 : memref<100000x128xf32, #tpu.memory_space<hbm>>) target(%dma_start3A_1494 : memref<128x128xf32, #tpu.memory_space<vmem>>) offsets(%dma_start3A_1497 : memref<128xi32, #tpu.memory_space<vmem>>) semaphore(%dma_start3A_1502 : memref<!tpu.dma_semaphore, #tpu.memory_space<semaphore_mem>>)
    %dma_wait3A_1503 = arith.constant 4 : i32
    %dma_wait3A_1504 = arith.constant 4 : i32
    %dma_wait3A_1505 = arith.constant 4 : i32
    %dma_wait3A_1506 = arith.constant 0 : i32
    %dma_wait3A_1507 = arith.constant 0 : i32
    %dma_wait3A_1508 = tpu.memref_slice %arg6[%dma_wait3A_1504, %dma_wait3A_1506, %dma_wait3A_1507] : memref<5x128x128xf32, #tpu.memory_space<vmem>> -> memref<1x128x128xf32, #tpu.memory_space<vmem>>
    %dma_wait3A_1509 = tpu.memref_squeeze %dma_wait3A_1508 : memref<1x128x128xf32, #tpu.memory_space<vmem>> -> memref<128x128xf32, #tpu.memory_space<vmem>>
    %dma_wait3A_1510 = arith.constant 0 : i32
    %dma_wait3A_1511 = tpu.memref_slice %arg5[%dma_wait3A_1503, %dma_wait3A_1510] : memref<10x128xi32, #tpu.memory_space<vmem>> -> memref<1x128xi32, #tpu.memory_space<vmem>>
    %dma_wait3A_1512 = tpu.memref_squeeze %dma_wait3A_1511 : memref<1x128xi32, #tpu.memory_space<vmem>> -> memref<128xi32, #tpu.memory_space<vmem>>
    %dma_wait3A_1513 = arith.constant 0 : i32
    %dma_wait3A_1514 = arith.constant 0 : i32
    %dma_wait3A_1515 = tpu.memref_slice %arg2[%dma_wait3A_1513, %dma_wait3A_1514] : memref<100000x128xf32, #tpu.memory_space<hbm>> -> memref<100000x128xf32, #tpu.memory_space<hbm>>
    %dma_wait3A_1516 = tpu.memref_slice %arg8[%dma_wait3A_1505] : memref<5x!tpu.dma_semaphore, #tpu.memory_space<semaphore_mem>> -> memref<1x!tpu.dma_semaphore, #tpu.memory_space<semaphore_mem>>
    %dma_wait3A_1517 = tpu.memref_squeeze %dma_wait3A_1516 : memref<1x!tpu.dma_semaphore, #tpu.memory_space<semaphore_mem>> -> memref<!tpu.dma_semaphore, #tpu.memory_space<semaphore_mem>>
    tpu.wait_indirect_dma semaphore(%dma_wait3A_1517 : memref<!tpu.dma_semaphore, #tpu.memory_space<semaphore_mem>>) src(%dma_wait3A_1515 : memref<100000x128xf32, #tpu.memory_space<hbm>>) dst(%dma_wait3A_1509 : memref<128x128xf32, #tpu.memory_space<vmem>>)
    %add3A_1518 = arith.constant 24832 : i32
    %add3A_1519 = arith.addi %mul3A_2, %add3A_1518 : i32
    %dma_start3A_1520 = arith.constant 4 : i32
    %dma_start3A_1521 = arith.constant 4 : i32
    %dma_start3A_1522 = arith.constant 0 : i32
    %dma_start3A_1523 = arith.constant 0 : i32
    %dma_start3A_1524 = tpu.memref_slice %arg6[%dma_start3A_1520, %dma_start3A_1522, %dma_start3A_1523] : memref<5x128x128xf32, #tpu.memory_space<vmem>> -> memref<1x128x128xf32, #tpu.memory_space<vmem>>
    %dma_start3A_1525 = tpu.memref_squeeze %dma_start3A_1524 : memref<1x128x128xf32, #tpu.memory_space<vmem>> -> memref<128x128xf32, #tpu.memory_space<vmem>>
    %dma_start3A_1526 = arith.constant 0 : i32
    %dma_start3A_1527 = tpu.memref_slice %arg4[%add3A_1519, %dma_start3A_1526] : memref<819200x128xf32, #tpu.memory_space<hbm>> -> memref<128x128xf32, #tpu.memory_space<hbm>>
    %dma_start3A_1528 = tpu.memref_slice %arg9[%dma_start3A_1521] : memref<5x!tpu.dma_semaphore, #tpu.memory_space<semaphore_mem>> -> memref<1x!tpu.dma_semaphore, #tpu.memory_space<semaphore_mem>>
    %dma_start3A_1529 = tpu.memref_squeeze %dma_start3A_1528 : memref<1x!tpu.dma_semaphore, #tpu.memory_space<semaphore_mem>> -> memref<!tpu.dma_semaphore, #tpu.memory_space<semaphore_mem>>
    %dma_start3A_1530 = arith.constant 0 : i32
    %dma_start3A_1531 = tpu.memref_slice %arg4[%add3A_1519, %dma_start3A_1530] : memref<819200x128xf32, #tpu.memory_space<hbm>> -> memref<128x128xf32, #tpu.memory_space<hbm>>
    %dma_start3A_1532 = arith.constant 0 : i32
    %dma_start3A_1533 = arith.constant 0 : i32
    %dma_start3A_1534 = tpu.memref_slice %arg6[%dma_start3A_1520, %dma_start3A_1532, %dma_start3A_1533] : memref<5x128x128xf32, #tpu.memory_space<vmem>> -> memref<1x128x128xf32, #tpu.memory_space<vmem>>
    %dma_start3A_1535 = tpu.memref_squeeze %dma_start3A_1534 : memref<1x128x128xf32, #tpu.memory_space<vmem>> -> memref<128x128xf32, #tpu.memory_space<vmem>>
    tpu.enqueue_dma source(%dma_start3A_1535 : memref<128x128xf32, #tpu.memory_space<vmem>>) target(%dma_start3A_1531 : memref<128x128xf32, #tpu.memory_space<hbm>>) target_semaphore(%dma_start3A_1529 : memref<!tpu.dma_semaphore, #tpu.memory_space<semaphore_mem>>)
    %add3A_1536 = arith.constant 24704 : i32
    %add3A_1537 = arith.addi %mul3A_2, %add3A_1536 : i32
    %dma_wait3A_1538 = arith.constant 3 : i32
    %dma_wait3A_1539 = arith.constant 3 : i32
    %dma_wait3A_1540 = arith.constant 0 : i32
    %dma_wait3A_1541 = arith.constant 0 : i32
    %dma_wait3A_1542 = tpu.memref_slice %arg6[%dma_wait3A_1538, %dma_wait3A_1540, %dma_wait3A_1541] : memref<5x128x128xf32, #tpu.memory_space<vmem>> -> memref<1x128x128xf32, #tpu.memory_space<vmem>>
    %dma_wait3A_1543 = tpu.memref_squeeze %dma_wait3A_1542 : memref<1x128x128xf32, #tpu.memory_space<vmem>> -> memref<128x128xf32, #tpu.memory_space<vmem>>
    %dma_wait3A_1544 = arith.constant 0 : i32
    %dma_wait3A_1545 = tpu.memref_slice %arg4[%add3A_1537, %dma_wait3A_1544] : memref<819200x128xf32, #tpu.memory_space<hbm>> -> memref<128x128xf32, #tpu.memory_space<hbm>>
    %dma_wait3A_1546 = tpu.memref_slice %arg9[%dma_wait3A_1539] : memref<5x!tpu.dma_semaphore, #tpu.memory_space<semaphore_mem>> -> memref<1x!tpu.dma_semaphore, #tpu.memory_space<semaphore_mem>>
    %dma_wait3A_1547 = tpu.memref_squeeze %dma_wait3A_1546 : memref<1x!tpu.dma_semaphore, #tpu.memory_space<semaphore_mem>> -> memref<!tpu.dma_semaphore, #tpu.memory_space<semaphore_mem>>
    %dma_wait3A_1548 = arith.constant 0 : i32
    %dma_wait3A_1549 = tpu.memref_slice %arg4[%add3A_1537, %dma_wait3A_1548] : memref<819200x128xf32, #tpu.memory_space<hbm>> -> memref<128x128xf32, #tpu.memory_space<hbm>>
    %dma_wait3A_1550 = arith.constant 0 : i32
    %dma_wait3A_1551 = arith.constant 0 : i32
    %dma_wait3A_1552 = tpu.memref_slice %arg6[%dma_wait3A_1538, %dma_wait3A_1550, %dma_wait3A_1551] : memref<5x128x128xf32, #tpu.memory_space<vmem>> -> memref<1x128x128xf32, #tpu.memory_space<vmem>>
    %dma_wait3A_1553 = tpu.memref_squeeze %dma_wait3A_1552 : memref<1x128x128xf32, #tpu.memory_space<vmem>> -> memref<128x128xf32, #tpu.memory_space<vmem>>
    tpu.wait_dma2 semaphore(%dma_wait3A_1547 : memref<!tpu.dma_semaphore, #tpu.memory_space<semaphore_mem>>) src(%dma_wait3A_1553 : memref<128x128xf32, #tpu.memory_space<vmem>>) dst(%dma_wait3A_1549 : memref<128x128xf32, #tpu.memory_space<hbm>>)
    %add3A_1554 = arith.constant 25344 : i32
    %add3A_1555 = arith.addi %mul3A_2, %add3A_1554 : i32
    %dma_wait3A_1556 = arith.constant 8 : i32
    %dma_wait3A_1557 = arith.constant 8 : i32
    %dma_wait3A_1558 = arith.constant 0 : i32
    %dma_wait3A_1559 = tpu.memref_slice %arg5[%dma_wait3A_1556, %dma_wait3A_1558] : memref<10x128xi32, #tpu.memory_space<vmem>> -> memref<1x128xi32, #tpu.memory_space<vmem>>
    %dma_wait3A_1560 = tpu.memref_squeeze %dma_wait3A_1559 : memref<1x128xi32, #tpu.memory_space<vmem>> -> memref<128xi32, #tpu.memory_space<vmem>>
    %dma_wait3A_1561 = tpu.memref_slice %arg3[%add3A_1555] : memref<819200xi32, #tpu.memory_space<hbm>> -> memref<128xi32, #tpu.memory_space<hbm>>
    %dma_wait3A_1562 = tpu.memref_slice %arg7[%dma_wait3A_1557] : memref<10x!tpu.dma_semaphore, #tpu.memory_space<semaphore_mem>> -> memref<1x!tpu.dma_semaphore, #tpu.memory_space<semaphore_mem>>
    %dma_wait3A_1563 = tpu.memref_squeeze %dma_wait3A_1562 : memref<1x!tpu.dma_semaphore, #tpu.memory_space<semaphore_mem>> -> memref<!tpu.dma_semaphore, #tpu.memory_space<semaphore_mem>>
    %dma_wait3A_1564 = arith.constant 0 : i32
    %dma_wait3A_1565 = tpu.memref_slice %arg5[%dma_wait3A_1556, %dma_wait3A_1564] : memref<10x128xi32, #tpu.memory_space<vmem>> -> memref<1x128xi32, #tpu.memory_space<vmem>>
    %dma_wait3A_1566 = tpu.memref_squeeze %dma_wait3A_1565 : memref<1x128xi32, #tpu.memory_space<vmem>> -> memref<128xi32, #tpu.memory_space<vmem>>
    %dma_wait3A_1567 = tpu.memref_slice %arg3[%add3A_1555] : memref<819200xi32, #tpu.memory_space<hbm>> -> memref<128xi32, #tpu.memory_space<hbm>>
    tpu.wait_dma2 semaphore(%dma_wait3A_1563 : memref<!tpu.dma_semaphore, #tpu.memory_space<semaphore_mem>>) src(%dma_wait3A_1567 : memref<128xi32, #tpu.memory_space<hbm>>) dst(%dma_wait3A_1566 : memref<128xi32, #tpu.memory_space<vmem>>)
    %dma_start3A_1568 = arith.constant 8 : i32
    %dma_start3A_1569 = arith.constant 3 : i32
    %dma_start3A_1570 = arith.constant 3 : i32
    %dma_start3A_1571 = arith.constant 0 : i32
    %dma_start3A_1572 = arith.constant 0 : i32
    %dma_start3A_1573 = tpu.memref_slice %arg6[%dma_start3A_1569, %dma_start3A_1571, %dma_start3A_1572] : memref<5x128x128xf32, #tpu.memory_space<vmem>> -> memref<1x128x128xf32, #tpu.memory_space<vmem>>
    %dma_start3A_1574 = tpu.memref_squeeze %dma_start3A_1573 : memref<1x128x128xf32, #tpu.memory_space<vmem>> -> memref<128x128xf32, #tpu.memory_space<vmem>>
    %dma_start3A_1575 = arith.constant 0 : i32
    %dma_start3A_1576 = tpu.memref_slice %arg5[%dma_start3A_1568, %dma_start3A_1575] : memref<10x128xi32, #tpu.memory_space<vmem>> -> memref<1x128xi32, #tpu.memory_space<vmem>>
    %dma_start3A_1577 = tpu.memref_squeeze %dma_start3A_1576 : memref<1x128xi32, #tpu.memory_space<vmem>> -> memref<128xi32, #tpu.memory_space<vmem>>
    %dma_start3A_1578 = arith.constant 0 : i32
    %dma_start3A_1579 = arith.constant 0 : i32
    %dma_start3A_1580 = tpu.memref_slice %arg2[%dma_start3A_1578, %dma_start3A_1579] : memref<100000x128xf32, #tpu.memory_space<hbm>> -> memref<100000x128xf32, #tpu.memory_space<hbm>>
    %dma_start3A_1581 = tpu.memref_slice %arg8[%dma_start3A_1570] : memref<5x!tpu.dma_semaphore, #tpu.memory_space<semaphore_mem>> -> memref<1x!tpu.dma_semaphore, #tpu.memory_space<semaphore_mem>>
    %dma_start3A_1582 = tpu.memref_squeeze %dma_start3A_1581 : memref<1x!tpu.dma_semaphore, #tpu.memory_space<semaphore_mem>> -> memref<!tpu.dma_semaphore, #tpu.memory_space<semaphore_mem>>
    tpu.enqueue_indirect_dma source(%dma_start3A_1580 : memref<100000x128xf32, #tpu.memory_space<hbm>>) target(%dma_start3A_1574 : memref<128x128xf32, #tpu.memory_space<vmem>>) offsets(%dma_start3A_1577 : memref<128xi32, #tpu.memory_space<vmem>>) semaphore(%dma_start3A_1582 : memref<!tpu.dma_semaphore, #tpu.memory_space<semaphore_mem>>)
    %dma_wait3A_1583 = arith.constant 5 : i32
    %dma_wait3A_1584 = arith.constant 0 : i32
    %dma_wait3A_1585 = arith.constant 0 : i32
    %dma_wait3A_1586 = arith.constant 0 : i32
    %dma_wait3A_1587 = arith.constant 0 : i32
    %dma_wait3A_1588 = tpu.memref_slice %arg6[%dma_wait3A_1584, %dma_wait3A_1586, %dma_wait3A_1587] : memref<5x128x128xf32, #tpu.memory_space<vmem>> -> memref<1x128x128xf32, #tpu.memory_space<vmem>>
    %dma_wait3A_1589 = tpu.memref_squeeze %dma_wait3A_1588 : memref<1x128x128xf32, #tpu.memory_space<vmem>> -> memref<128x128xf32, #tpu.memory_space<vmem>>
    %dma_wait3A_1590 = arith.constant 0 : i32
    %dma_wait3A_1591 = tpu.memref_slice %arg5[%dma_wait3A_1583, %dma_wait3A_1590] : memref<10x128xi32, #tpu.memory_space<vmem>> -> memref<1x128xi32, #tpu.memory_space<vmem>>
    %dma_wait3A_1592 = tpu.memref_squeeze %dma_wait3A_1591 : memref<1x128xi32, #tpu.memory_space<vmem>> -> memref<128xi32, #tpu.memory_space<vmem>>
    %dma_wait3A_1593 = arith.constant 0 : i32
    %dma_wait3A_1594 = arith.constant 0 : i32
    %dma_wait3A_1595 = tpu.memref_slice %arg2[%dma_wait3A_1593, %dma_wait3A_1594] : memref<100000x128xf32, #tpu.memory_space<hbm>> -> memref<100000x128xf32, #tpu.memory_space<hbm>>
    %dma_wait3A_1596 = tpu.memref_slice %arg8[%dma_wait3A_1585] : memref<5x!tpu.dma_semaphore, #tpu.memory_space<semaphore_mem>> -> memref<1x!tpu.dma_semaphore, #tpu.memory_space<semaphore_mem>>
    %dma_wait3A_1597 = tpu.memref_squeeze %dma_wait3A_1596 : memref<1x!tpu.dma_semaphore, #tpu.memory_space<semaphore_mem>> -> memref<!tpu.dma_semaphore, #tpu.memory_space<semaphore_mem>>
    tpu.wait_indirect_dma semaphore(%dma_wait3A_1597 : memref<!tpu.dma_semaphore, #tpu.memory_space<semaphore_mem>>) src(%dma_wait3A_1595 : memref<100000x128xf32, #tpu.memory_space<hbm>>) dst(%dma_wait3A_1589 : memref<128x128xf32, #tpu.memory_space<vmem>>)
    %add3A_1598 = arith.constant 24960 : i32
    %add3A_1599 = arith.addi %mul3A_2, %add3A_1598 : i32
    %dma_start3A_1600 = arith.constant 0 : i32
    %dma_start3A_1601 = arith.constant 0 : i32
    %dma_start3A_1602 = arith.constant 0 : i32
    %dma_start3A_1603 = arith.constant 0 : i32
    %dma_start3A_1604 = tpu.memref_slice %arg6[%dma_start3A_1600, %dma_start3A_1602, %dma_start3A_1603] : memref<5x128x128xf32, #tpu.memory_space<vmem>> -> memref<1x128x128xf32, #tpu.memory_space<vmem>>
    %dma_start3A_1605 = tpu.memref_squeeze %dma_start3A_1604 : memref<1x128x128xf32, #tpu.memory_space<vmem>> -> memref<128x128xf32, #tpu.memory_space<vmem>>
    %dma_start3A_1606 = arith.constant 0 : i32
    %dma_start3A_1607 = tpu.memref_slice %arg4[%add3A_1599, %dma_start3A_1606] : memref<819200x128xf32, #tpu.memory_space<hbm>> -> memref<128x128xf32, #tpu.memory_space<hbm>>
    %dma_start3A_1608 = tpu.memref_slice %arg9[%dma_start3A_1601] : memref<5x!tpu.dma_semaphore, #tpu.memory_space<semaphore_mem>> -> memref<1x!tpu.dma_semaphore, #tpu.memory_space<semaphore_mem>>
    %dma_start3A_1609 = tpu.memref_squeeze %dma_start3A_1608 : memref<1x!tpu.dma_semaphore, #tpu.memory_space<semaphore_mem>> -> memref<!tpu.dma_semaphore, #tpu.memory_space<semaphore_mem>>
    %dma_start3A_1610 = arith.constant 0 : i32
    %dma_start3A_1611 = tpu.memref_slice %arg4[%add3A_1599, %dma_start3A_1610] : memref<819200x128xf32, #tpu.memory_space<hbm>> -> memref<128x128xf32, #tpu.memory_space<hbm>>
    %dma_start3A_1612 = arith.constant 0 : i32
    %dma_start3A_1613 = arith.constant 0 : i32
    %dma_start3A_1614 = tpu.memref_slice %arg6[%dma_start3A_1600, %dma_start3A_1612, %dma_start3A_1613] : memref<5x128x128xf32, #tpu.memory_space<vmem>> -> memref<1x128x128xf32, #tpu.memory_space<vmem>>
    %dma_start3A_1615 = tpu.memref_squeeze %dma_start3A_1614 : memref<1x128x128xf32, #tpu.memory_space<vmem>> -> memref<128x128xf32, #tpu.memory_space<vmem>>
    tpu.enqueue_dma source(%dma_start3A_1615 : memref<128x128xf32, #tpu.memory_space<vmem>>) target(%dma_start3A_1611 : memref<128x128xf32, #tpu.memory_space<hbm>>) target_semaphore(%dma_start3A_1609 : memref<!tpu.dma_semaphore, #tpu.memory_space<semaphore_mem>>)
    %add3A_1616 = arith.constant 24832 : i32
    %add3A_1617 = arith.addi %mul3A_2, %add3A_1616 : i32
    %dma_wait3A_1618 = arith.constant 4 : i32
    %dma_wait3A_1619 = arith.constant 4 : i32
    %dma_wait3A_1620 = arith.constant 0 : i32
    %dma_wait3A_1621 = arith.constant 0 : i32
    %dma_wait3A_1622 = tpu.memref_slice %arg6[%dma_wait3A_1618, %dma_wait3A_1620, %dma_wait3A_1621] : memref<5x128x128xf32, #tpu.memory_space<vmem>> -> memref<1x128x128xf32, #tpu.memory_space<vmem>>
    %dma_wait3A_1623 = tpu.memref_squeeze %dma_wait3A_1622 : memref<1x128x128xf32, #tpu.memory_space<vmem>> -> memref<128x128xf32, #tpu.memory_space<vmem>>
    %dma_wait3A_1624 = arith.constant 0 : i32
    %dma_wait3A_1625 = tpu.memref_slice %arg4[%add3A_1617, %dma_wait3A_1624] : memref<819200x128xf32, #tpu.memory_space<hbm>> -> memref<128x128xf32, #tpu.memory_space<hbm>>
    %dma_wait3A_1626 = tpu.memref_slice %arg9[%dma_wait3A_1619] : memref<5x!tpu.dma_semaphore, #tpu.memory_space<semaphore_mem>> -> memref<1x!tpu.dma_semaphore, #tpu.memory_space<semaphore_mem>>
    %dma_wait3A_1627 = tpu.memref_squeeze %dma_wait3A_1626 : memref<1x!tpu.dma_semaphore, #tpu.memory_space<semaphore_mem>> -> memref<!tpu.dma_semaphore, #tpu.memory_space<semaphore_mem>>
    %dma_wait3A_1628 = arith.constant 0 : i32
    %dma_wait3A_1629 = tpu.memref_slice %arg4[%add3A_1617, %dma_wait3A_1628] : memref<819200x128xf32, #tpu.memory_space<hbm>> -> memref<128x128xf32, #tpu.memory_space<hbm>>
    %dma_wait3A_1630 = arith.constant 0 : i32
    %dma_wait3A_1631 = arith.constant 0 : i32
    %dma_wait3A_1632 = tpu.memref_slice %arg6[%dma_wait3A_1618, %dma_wait3A_1630, %dma_wait3A_1631] : memref<5x128x128xf32, #tpu.memory_space<vmem>> -> memref<1x128x128xf32, #tpu.memory_space<vmem>>
    %dma_wait3A_1633 = tpu.memref_squeeze %dma_wait3A_1632 : memref<1x128x128xf32, #tpu.memory_space<vmem>> -> memref<128x128xf32, #tpu.memory_space<vmem>>
    tpu.wait_dma2 semaphore(%dma_wait3A_1627 : memref<!tpu.dma_semaphore, #tpu.memory_space<semaphore_mem>>) src(%dma_wait3A_1633 : memref<128x128xf32, #tpu.memory_space<vmem>>) dst(%dma_wait3A_1629 : memref<128x128xf32, #tpu.memory_space<hbm>>)
    %add3A_1634 = arith.constant 25472 : i32
    %add3A_1635 = arith.addi %mul3A_2, %add3A_1634 : i32
    %dma_wait3A_1636 = arith.constant 9 : i32
    %dma_wait3A_1637 = arith.constant 9 : i32
    %dma_wait3A_1638 = arith.constant 0 : i32
    %dma_wait3A_1639 = tpu.memref_slice %arg5[%dma_wait3A_1636, %dma_wait3A_1638] : memref<10x128xi32, #tpu.memory_space<vmem>> -> memref<1x128xi32, #tpu.memory_space<vmem>>
    %dma_wait3A_1640 = tpu.memref_squeeze %dma_wait3A_1639 : memref<1x128xi32, #tpu.memory_space<vmem>> -> memref<128xi32, #tpu.memory_space<vmem>>
    %dma_wait3A_1641 = tpu.memref_slice %arg3[%add3A_1635] : memref<819200xi32, #tpu.memory_space<hbm>> -> memref<128xi32, #tpu.memory_space<hbm>>
    %dma_wait3A_1642 = tpu.memref_slice %arg7[%dma_wait3A_1637] : memref<10x!tpu.dma_semaphore, #tpu.memory_space<semaphore_mem>> -> memref<1x!tpu.dma_semaphore, #tpu.memory_space<semaphore_mem>>
    %dma_wait3A_1643 = tpu.memref_squeeze %dma_wait3A_1642 : memref<1x!tpu.dma_semaphore, #tpu.memory_space<semaphore_mem>> -> memref<!tpu.dma_semaphore, #tpu.memory_space<semaphore_mem>>
    %dma_wait3A_1644 = arith.constant 0 : i32
    %dma_wait3A_1645 = tpu.memref_slice %arg5[%dma_wait3A_1636, %dma_wait3A_1644] : memref<10x128xi32, #tpu.memory_space<vmem>> -> memref<1x128xi32, #tpu.memory_space<vmem>>
    %dma_wait3A_1646 = tpu.memref_squeeze %dma_wait3A_1645 : memref<1x128xi32, #tpu.memory_space<vmem>> -> memref<128xi32, #tpu.memory_space<vmem>>
    %dma_wait3A_1647 = tpu.memref_slice %arg3[%add3A_1635] : memref<819200xi32, #tpu.memory_space<hbm>> -> memref<128xi32, #tpu.memory_space<hbm>>
    tpu.wait_dma2 semaphore(%dma_wait3A_1643 : memref<!tpu.dma_semaphore, #tpu.memory_space<semaphore_mem>>) src(%dma_wait3A_1647 : memref<128xi32, #tpu.memory_space<hbm>>) dst(%dma_wait3A_1646 : memref<128xi32, #tpu.memory_space<vmem>>)
    %dma_start3A_1648 = arith.constant 9 : i32
    %dma_start3A_1649 = arith.constant 4 : i32
    %dma_start3A_1650 = arith.constant 4 : i32
    %dma_start3A_1651 = arith.constant 0 : i32
    %dma_start3A_1652 = arith.constant 0 : i32
    %dma_start3A_1653 = tpu.memref_slice %arg6[%dma_start3A_1649, %dma_start3A_1651, %dma_start3A_1652] : memref<5x128x128xf32, #tpu.memory_space<vmem>> -> memref<1x128x128xf32, #tpu.memory_space<vmem>>
    %dma_start3A_1654 = tpu.memref_squeeze %dma_start3A_1653 : memref<1x128x128xf32, #tpu.memory_space<vmem>> -> memref<128x128xf32, #tpu.memory_space<vmem>>
    %dma_start3A_1655 = arith.constant 0 : i32
    %dma_start3A_1656 = tpu.memref_slice %arg5[%dma_start3A_1648, %dma_start3A_1655] : memref<10x128xi32, #tpu.memory_space<vmem>> -> memref<1x128xi32, #tpu.memory_space<vmem>>
    %dma_start3A_1657 = tpu.memref_squeeze %dma_start3A_1656 : memref<1x128xi32, #tpu.memory_space<vmem>> -> memref<128xi32, #tpu.memory_space<vmem>>
    %dma_start3A_1658 = arith.constant 0 : i32
    %dma_start3A_1659 = arith.constant 0 : i32
    %dma_start3A_1660 = tpu.memref_slice %arg2[%dma_start3A_1658, %dma_start3A_1659] : memref<100000x128xf32, #tpu.memory_space<hbm>> -> memref<100000x128xf32, #tpu.memory_space<hbm>>
    %dma_start3A_1661 = tpu.memref_slice %arg8[%dma_start3A_1650] : memref<5x!tpu.dma_semaphore, #tpu.memory_space<semaphore_mem>> -> memref<1x!tpu.dma_semaphore, #tpu.memory_space<semaphore_mem>>
    %dma_start3A_1662 = tpu.memref_squeeze %dma_start3A_1661 : memref<1x!tpu.dma_semaphore, #tpu.memory_space<semaphore_mem>> -> memref<!tpu.dma_semaphore, #tpu.memory_space<semaphore_mem>>
    tpu.enqueue_indirect_dma source(%dma_start3A_1660 : memref<100000x128xf32, #tpu.memory_space<hbm>>) target(%dma_start3A_1654 : memref<128x128xf32, #tpu.memory_space<vmem>>) offsets(%dma_start3A_1657 : memref<128xi32, #tpu.memory_space<vmem>>) semaphore(%dma_start3A_1662 : memref<!tpu.dma_semaphore, #tpu.memory_space<semaphore_mem>>)
    %dma_wait3A_1663 = arith.constant 6 : i32
    %dma_wait3A_1664 = arith.constant 1 : i32
    %dma_wait3A_1665 = arith.constant 1 : i32
    %dma_wait3A_1666 = arith.constant 0 : i32
    %dma_wait3A_1667 = arith.constant 0 : i32
    %dma_wait3A_1668 = tpu.memref_slice %arg6[%dma_wait3A_1664, %dma_wait3A_1666, %dma_wait3A_1667] : memref<5x128x128xf32, #tpu.memory_space<vmem>> -> memref<1x128x128xf32, #tpu.memory_space<vmem>>
    %dma_wait3A_1669 = tpu.memref_squeeze %dma_wait3A_1668 : memref<1x128x128xf32, #tpu.memory_space<vmem>> -> memref<128x128xf32, #tpu.memory_space<vmem>>
    %dma_wait3A_1670 = arith.constant 0 : i32
    %dma_wait3A_1671 = tpu.memref_slice %arg5[%dma_wait3A_1663, %dma_wait3A_1670] : memref<10x128xi32, #tpu.memory_space<vmem>> -> memref<1x128xi32, #tpu.memory_space<vmem>>
    %dma_wait3A_1672 = tpu.memref_squeeze %dma_wait3A_1671 : memref<1x128xi32, #tpu.memory_space<vmem>> -> memref<128xi32, #tpu.memory_space<vmem>>
    %dma_wait3A_1673 = arith.constant 0 : i32
    %dma_wait3A_1674 = arith.constant 0 : i32
    %dma_wait3A_1675 = tpu.memref_slice %arg2[%dma_wait3A_1673, %dma_wait3A_1674] : memref<100000x128xf32, #tpu.memory_space<hbm>> -> memref<100000x128xf32, #tpu.memory_space<hbm>>
    %dma_wait3A_1676 = tpu.memref_slice %arg8[%dma_wait3A_1665] : memref<5x!tpu.dma_semaphore, #tpu.memory_space<semaphore_mem>> -> memref<1x!tpu.dma_semaphore, #tpu.memory_space<semaphore_mem>>
    %dma_wait3A_1677 = tpu.memref_squeeze %dma_wait3A_1676 : memref<1x!tpu.dma_semaphore, #tpu.memory_space<semaphore_mem>> -> memref<!tpu.dma_semaphore, #tpu.memory_space<semaphore_mem>>
    tpu.wait_indirect_dma semaphore(%dma_wait3A_1677 : memref<!tpu.dma_semaphore, #tpu.memory_space<semaphore_mem>>) src(%dma_wait3A_1675 : memref<100000x128xf32, #tpu.memory_space<hbm>>) dst(%dma_wait3A_1669 : memref<128x128xf32, #tpu.memory_space<vmem>>)
    %add3A_1678 = arith.constant 25088 : i32
    %add3A_1679 = arith.addi %mul3A_2, %add3A_1678 : i32
    %dma_start3A_1680 = arith.constant 1 : i32
    %dma_start3A_1681 = arith.constant 1 : i32
    %dma_start3A_1682 = arith.constant 0 : i32
    %dma_start3A_1683 = arith.constant 0 : i32
    %dma_start3A_1684 = tpu.memref_slice %arg6[%dma_start3A_1680, %dma_start3A_1682, %dma_start3A_1683] : memref<5x128x128xf32, #tpu.memory_space<vmem>> -> memref<1x128x128xf32, #tpu.memory_space<vmem>>
    %dma_start3A_1685 = tpu.memref_squeeze %dma_start3A_1684 : memref<1x128x128xf32, #tpu.memory_space<vmem>> -> memref<128x128xf32, #tpu.memory_space<vmem>>
    %dma_start3A_1686 = arith.constant 0 : i32
    %dma_start3A_1687 = tpu.memref_slice %arg4[%add3A_1679, %dma_start3A_1686] : memref<819200x128xf32, #tpu.memory_space<hbm>> -> memref<128x128xf32, #tpu.memory_space<hbm>>
    %dma_start3A_1688 = tpu.memref_slice %arg9[%dma_start3A_1681] : memref<5x!tpu.dma_semaphore, #tpu.memory_space<semaphore_mem>> -> memref<1x!tpu.dma_semaphore, #tpu.memory_space<semaphore_mem>>
    %dma_start3A_1689 = tpu.memref_squeeze %dma_start3A_1688 : memref<1x!tpu.dma_semaphore, #tpu.memory_space<semaphore_mem>> -> memref<!tpu.dma_semaphore, #tpu.memory_space<semaphore_mem>>
    %dma_start3A_1690 = arith.constant 0 : i32
    %dma_start3A_1691 = tpu.memref_slice %arg4[%add3A_1679, %dma_start3A_1690] : memref<819200x128xf32, #tpu.memory_space<hbm>> -> memref<128x128xf32, #tpu.memory_space<hbm>>
    %dma_start3A_1692 = arith.constant 0 : i32
    %dma_start3A_1693 = arith.constant 0 : i32
    %dma_start3A_1694 = tpu.memref_slice %arg6[%dma_start3A_1680, %dma_start3A_1692, %dma_start3A_1693] : memref<5x128x128xf32, #tpu.memory_space<vmem>> -> memref<1x128x128xf32, #tpu.memory_space<vmem>>
    %dma_start3A_1695 = tpu.memref_squeeze %dma_start3A_1694 : memref<1x128x128xf32, #tpu.memory_space<vmem>> -> memref<128x128xf32, #tpu.memory_space<vmem>>
    tpu.enqueue_dma source(%dma_start3A_1695 : memref<128x128xf32, #tpu.memory_space<vmem>>) target(%dma_start3A_1691 : memref<128x128xf32, #tpu.memory_space<hbm>>) target_semaphore(%dma_start3A_1689 : memref<!tpu.dma_semaphore, #tpu.memory_space<semaphore_mem>>)
    %dma_wait3A_1696 = arith.constant 7 : i32
    %dma_wait3A_1697 = arith.constant 2 : i32
    %dma_wait3A_1698 = arith.constant 2 : i32
    %dma_wait3A_1699 = arith.constant 0 : i32
    %dma_wait3A_1700 = arith.constant 0 : i32
    %dma_wait3A_1701 = tpu.memref_slice %arg6[%dma_wait3A_1697, %dma_wait3A_1699, %dma_wait3A_1700] : memref<5x128x128xf32, #tpu.memory_space<vmem>> -> memref<1x128x128xf32, #tpu.memory_space<vmem>>
    %dma_wait3A_1702 = tpu.memref_squeeze %dma_wait3A_1701 : memref<1x128x128xf32, #tpu.memory_space<vmem>> -> memref<128x128xf32, #tpu.memory_space<vmem>>
    %dma_wait3A_1703 = arith.constant 0 : i32
    %dma_wait3A_1704 = tpu.memref_slice %arg5[%dma_wait3A_1696, %dma_wait3A_1703] : memref<10x128xi32, #tpu.memory_space<vmem>> -> memref<1x128xi32, #tpu.memory_space<vmem>>
    %dma_wait3A_1705 = tpu.memref_squeeze %dma_wait3A_1704 : memref<1x128xi32, #tpu.memory_space<vmem>> -> memref<128xi32, #tpu.memory_space<vmem>>
    %dma_wait3A_1706 = arith.constant 0 : i32
    %dma_wait3A_1707 = arith.constant 0 : i32
    %dma_wait3A_1708 = tpu.memref_slice %arg2[%dma_wait3A_1706, %dma_wait3A_1707] : memref<100000x128xf32, #tpu.memory_space<hbm>> -> memref<100000x128xf32, #tpu.memory_space<hbm>>
    %dma_wait3A_1709 = tpu.memref_slice %arg8[%dma_wait3A_1698] : memref<5x!tpu.dma_semaphore, #tpu.memory_space<semaphore_mem>> -> memref<1x!tpu.dma_semaphore, #tpu.memory_space<semaphore_mem>>
    %dma_wait3A_1710 = tpu.memref_squeeze %dma_wait3A_1709 : memref<1x!tpu.dma_semaphore, #tpu.memory_space<semaphore_mem>> -> memref<!tpu.dma_semaphore, #tpu.memory_space<semaphore_mem>>
    tpu.wait_indirect_dma semaphore(%dma_wait3A_1710 : memref<!tpu.dma_semaphore, #tpu.memory_space<semaphore_mem>>) src(%dma_wait3A_1708 : memref<100000x128xf32, #tpu.memory_space<hbm>>) dst(%dma_wait3A_1702 : memref<128x128xf32, #tpu.memory_space<vmem>>)
    %add3A_1711 = arith.constant 25216 : i32
    %add3A_1712 = arith.addi %mul3A_2, %add3A_1711 : i32
    %dma_start3A_1713 = arith.constant 2 : i32
    %dma_start3A_1714 = arith.constant 2 : i32
    %dma_start3A_1715 = arith.constant 0 : i32
    %dma_start3A_1716 = arith.constant 0 : i32
    %dma_start3A_1717 = tpu.memref_slice %arg6[%dma_start3A_1713, %dma_start3A_1715, %dma_start3A_1716] : memref<5x128x128xf32, #tpu.memory_space<vmem>> -> memref<1x128x128xf32, #tpu.memory_space<vmem>>
    %dma_start3A_1718 = tpu.memref_squeeze %dma_start3A_1717 : memref<1x128x128xf32, #tpu.memory_space<vmem>> -> memref<128x128xf32, #tpu.memory_space<vmem>>
    %dma_start3A_1719 = arith.constant 0 : i32
    %dma_start3A_1720 = tpu.memref_slice %arg4[%add3A_1712, %dma_start3A_1719] : memref<819200x128xf32, #tpu.memory_space<hbm>> -> memref<128x128xf32, #tpu.memory_space<hbm>>
    %dma_start3A_1721 = tpu.memref_slice %arg9[%dma_start3A_1714] : memref<5x!tpu.dma_semaphore, #tpu.memory_space<semaphore_mem>> -> memref<1x!tpu.dma_semaphore, #tpu.memory_space<semaphore_mem>>
    %dma_start3A_1722 = tpu.memref_squeeze %dma_start3A_1721 : memref<1x!tpu.dma_semaphore, #tpu.memory_space<semaphore_mem>> -> memref<!tpu.dma_semaphore, #tpu.memory_space<semaphore_mem>>
    %dma_start3A_1723 = arith.constant 0 : i32
    %dma_start3A_1724 = tpu.memref_slice %arg4[%add3A_1712, %dma_start3A_1723] : memref<819200x128xf32, #tpu.memory_space<hbm>> -> memref<128x128xf32, #tpu.memory_space<hbm>>
    %dma_start3A_1725 = arith.constant 0 : i32
    %dma_start3A_1726 = arith.constant 0 : i32
    %dma_start3A_1727 = tpu.memref_slice %arg6[%dma_start3A_1713, %dma_start3A_1725, %dma_start3A_1726] : memref<5x128x128xf32, #tpu.memory_space<vmem>> -> memref<1x128x128xf32, #tpu.memory_space<vmem>>
    %dma_start3A_1728 = tpu.memref_squeeze %dma_start3A_1727 : memref<1x128x128xf32, #tpu.memory_space<vmem>> -> memref<128x128xf32, #tpu.memory_space<vmem>>
    tpu.enqueue_dma source(%dma_start3A_1728 : memref<128x128xf32, #tpu.memory_space<vmem>>) target(%dma_start3A_1724 : memref<128x128xf32, #tpu.memory_space<hbm>>) target_semaphore(%dma_start3A_1722 : memref<!tpu.dma_semaphore, #tpu.memory_space<semaphore_mem>>)
    %dma_wait3A_1729 = arith.constant 8 : i32
    %dma_wait3A_1730 = arith.constant 3 : i32
    %dma_wait3A_1731 = arith.constant 3 : i32
    %dma_wait3A_1732 = arith.constant 0 : i32
    %dma_wait3A_1733 = arith.constant 0 : i32
    %dma_wait3A_1734 = tpu.memref_slice %arg6[%dma_wait3A_1730, %dma_wait3A_1732, %dma_wait3A_1733] : memref<5x128x128xf32, #tpu.memory_space<vmem>> -> memref<1x128x128xf32, #tpu.memory_space<vmem>>
    %dma_wait3A_1735 = tpu.memref_squeeze %dma_wait3A_1734 : memref<1x128x128xf32, #tpu.memory_space<vmem>> -> memref<128x128xf32, #tpu.memory_space<vmem>>
    %dma_wait3A_1736 = arith.constant 0 : i32
    %dma_wait3A_1737 = tpu.memref_slice %arg5[%dma_wait3A_1729, %dma_wait3A_1736] : memref<10x128xi32, #tpu.memory_space<vmem>> -> memref<1x128xi32, #tpu.memory_space<vmem>>
    %dma_wait3A_1738 = tpu.memref_squeeze %dma_wait3A_1737 : memref<1x128xi32, #tpu.memory_space<vmem>> -> memref<128xi32, #tpu.memory_space<vmem>>
    %dma_wait3A_1739 = arith.constant 0 : i32
    %dma_wait3A_1740 = arith.constant 0 : i32
    %dma_wait3A_1741 = tpu.memref_slice %arg2[%dma_wait3A_1739, %dma_wait3A_1740] : memref<100000x128xf32, #tpu.memory_space<hbm>> -> memref<100000x128xf32, #tpu.memory_space<hbm>>
    %dma_wait3A_1742 = tpu.memref_slice %arg8[%dma_wait3A_1731] : memref<5x!tpu.dma_semaphore, #tpu.memory_space<semaphore_mem>> -> memref<1x!tpu.dma_semaphore, #tpu.memory_space<semaphore_mem>>
    %dma_wait3A_1743 = tpu.memref_squeeze %dma_wait3A_1742 : memref<1x!tpu.dma_semaphore, #tpu.memory_space<semaphore_mem>> -> memref<!tpu.dma_semaphore, #tpu.memory_space<semaphore_mem>>
    tpu.wait_indirect_dma semaphore(%dma_wait3A_1743 : memref<!tpu.dma_semaphore, #tpu.memory_space<semaphore_mem>>) src(%dma_wait3A_1741 : memref<100000x128xf32, #tpu.memory_space<hbm>>) dst(%dma_wait3A_1735 : memref<128x128xf32, #tpu.memory_space<vmem>>)
    %add3A_1744 = arith.constant 25344 : i32
    %add3A_1745 = arith.addi %mul3A_2, %add3A_1744 : i32
    %dma_start3A_1746 = arith.constant 3 : i32
    %dma_start3A_1747 = arith.constant 3 : i32
    %dma_start3A_1748 = arith.constant 0 : i32
    %dma_start3A_1749 = arith.constant 0 : i32
    %dma_start3A_1750 = tpu.memref_slice %arg6[%dma_start3A_1746, %dma_start3A_1748, %dma_start3A_1749] : memref<5x128x128xf32, #tpu.memory_space<vmem>> -> memref<1x128x128xf32, #tpu.memory_space<vmem>>
    %dma_start3A_1751 = tpu.memref_squeeze %dma_start3A_1750 : memref<1x128x128xf32, #tpu.memory_space<vmem>> -> memref<128x128xf32, #tpu.memory_space<vmem>>
    %dma_start3A_1752 = arith.constant 0 : i32
    %dma_start3A_1753 = tpu.memref_slice %arg4[%add3A_1745, %dma_start3A_1752] : memref<819200x128xf32, #tpu.memory_space<hbm>> -> memref<128x128xf32, #tpu.memory_space<hbm>>
    %dma_start3A_1754 = tpu.memref_slice %arg9[%dma_start3A_1747] : memref<5x!tpu.dma_semaphore, #tpu.memory_space<semaphore_mem>> -> memref<1x!tpu.dma_semaphore, #tpu.memory_space<semaphore_mem>>
    %dma_start3A_1755 = tpu.memref_squeeze %dma_start3A_1754 : memref<1x!tpu.dma_semaphore, #tpu.memory_space<semaphore_mem>> -> memref<!tpu.dma_semaphore, #tpu.memory_space<semaphore_mem>>
    %dma_start3A_1756 = arith.constant 0 : i32
    %dma_start3A_1757 = tpu.memref_slice %arg4[%add3A_1745, %dma_start3A_1756] : memref<819200x128xf32, #tpu.memory_space<hbm>> -> memref<128x128xf32, #tpu.memory_space<hbm>>
    %dma_start3A_1758 = arith.constant 0 : i32
    %dma_start3A_1759 = arith.constant 0 : i32
    %dma_start3A_1760 = tpu.memref_slice %arg6[%dma_start3A_1746, %dma_start3A_1758, %dma_start3A_1759] : memref<5x128x128xf32, #tpu.memory_space<vmem>> -> memref<1x128x128xf32, #tpu.memory_space<vmem>>
    %dma_start3A_1761 = tpu.memref_squeeze %dma_start3A_1760 : memref<1x128x128xf32, #tpu.memory_space<vmem>> -> memref<128x128xf32, #tpu.memory_space<vmem>>
    tpu.enqueue_dma source(%dma_start3A_1761 : memref<128x128xf32, #tpu.memory_space<vmem>>) target(%dma_start3A_1757 : memref<128x128xf32, #tpu.memory_space<hbm>>) target_semaphore(%dma_start3A_1755 : memref<!tpu.dma_semaphore, #tpu.memory_space<semaphore_mem>>)
    %dma_wait3A_1762 = arith.constant 9 : i32
    %dma_wait3A_1763 = arith.constant 4 : i32
    %dma_wait3A_1764 = arith.constant 4 : i32
    %dma_wait3A_1765 = arith.constant 0 : i32
    %dma_wait3A_1766 = arith.constant 0 : i32
    %dma_wait3A_1767 = tpu.memref_slice %arg6[%dma_wait3A_1763, %dma_wait3A_1765, %dma_wait3A_1766] : memref<5x128x128xf32, #tpu.memory_space<vmem>> -> memref<1x128x128xf32, #tpu.memory_space<vmem>>
    %dma_wait3A_1768 = tpu.memref_squeeze %dma_wait3A_1767 : memref<1x128x128xf32, #tpu.memory_space<vmem>> -> memref<128x128xf32, #tpu.memory_space<vmem>>
    %dma_wait3A_1769 = arith.constant 0 : i32
    %dma_wait3A_1770 = tpu.memref_slice %arg5[%dma_wait3A_1762, %dma_wait3A_1769] : memref<10x128xi32, #tpu.memory_space<vmem>> -> memref<1x128xi32, #tpu.memory_space<vmem>>
    %dma_wait3A_1771 = tpu.memref_squeeze %dma_wait3A_1770 : memref<1x128xi32, #tpu.memory_space<vmem>> -> memref<128xi32, #tpu.memory_space<vmem>>
    %dma_wait3A_1772 = arith.constant 0 : i32
    %dma_wait3A_1773 = arith.constant 0 : i32
    %dma_wait3A_1774 = tpu.memref_slice %arg2[%dma_wait3A_1772, %dma_wait3A_1773] : memref<100000x128xf32, #tpu.memory_space<hbm>> -> memref<100000x128xf32, #tpu.memory_space<hbm>>
    %dma_wait3A_1775 = tpu.memref_slice %arg8[%dma_wait3A_1764] : memref<5x!tpu.dma_semaphore, #tpu.memory_space<semaphore_mem>> -> memref<1x!tpu.dma_semaphore, #tpu.memory_space<semaphore_mem>>
    %dma_wait3A_1776 = tpu.memref_squeeze %dma_wait3A_1775 : memref<1x!tpu.dma_semaphore, #tpu.memory_space<semaphore_mem>> -> memref<!tpu.dma_semaphore, #tpu.memory_space<semaphore_mem>>
    tpu.wait_indirect_dma semaphore(%dma_wait3A_1776 : memref<!tpu.dma_semaphore, #tpu.memory_space<semaphore_mem>>) src(%dma_wait3A_1774 : memref<100000x128xf32, #tpu.memory_space<hbm>>) dst(%dma_wait3A_1768 : memref<128x128xf32, #tpu.memory_space<vmem>>)
    %add3A_1777 = arith.constant 25472 : i32
    %add3A_1778 = arith.addi %mul3A_2, %add3A_1777 : i32
    %dma_start3A_1779 = arith.constant 4 : i32
    %dma_start3A_1780 = arith.constant 4 : i32
    %dma_start3A_1781 = arith.constant 0 : i32
    %dma_start3A_1782 = arith.constant 0 : i32
    %dma_start3A_1783 = tpu.memref_slice %arg6[%dma_start3A_1779, %dma_start3A_1781, %dma_start3A_1782] : memref<5x128x128xf32, #tpu.memory_space<vmem>> -> memref<1x128x128xf32, #tpu.memory_space<vmem>>
    %dma_start3A_1784 = tpu.memref_squeeze %dma_start3A_1783 : memref<1x128x128xf32, #tpu.memory_space<vmem>> -> memref<128x128xf32, #tpu.memory_space<vmem>>
    %dma_start3A_1785 = arith.constant 0 : i32
    %dma_start3A_1786 = tpu.memref_slice %arg4[%add3A_1778, %dma_start3A_1785] : memref<819200x128xf32, #tpu.memory_space<hbm>> -> memref<128x128xf32, #tpu.memory_space<hbm>>
    %dma_start3A_1787 = tpu.memref_slice %arg9[%dma_start3A_1780] : memref<5x!tpu.dma_semaphore, #tpu.memory_space<semaphore_mem>> -> memref<1x!tpu.dma_semaphore, #tpu.memory_space<semaphore_mem>>
    %dma_start3A_1788 = tpu.memref_squeeze %dma_start3A_1787 : memref<1x!tpu.dma_semaphore, #tpu.memory_space<semaphore_mem>> -> memref<!tpu.dma_semaphore, #tpu.memory_space<semaphore_mem>>
    %dma_start3A_1789 = arith.constant 0 : i32
    %dma_start3A_1790 = tpu.memref_slice %arg4[%add3A_1778, %dma_start3A_1789] : memref<819200x128xf32, #tpu.memory_space<hbm>> -> memref<128x128xf32, #tpu.memory_space<hbm>>
    %dma_start3A_1791 = arith.constant 0 : i32
    %dma_start3A_1792 = arith.constant 0 : i32
    %dma_start3A_1793 = tpu.memref_slice %arg6[%dma_start3A_1779, %dma_start3A_1791, %dma_start3A_1792] : memref<5x128x128xf32, #tpu.memory_space<vmem>> -> memref<1x128x128xf32, #tpu.memory_space<vmem>>
    %dma_start3A_1794 = tpu.memref_squeeze %dma_start3A_1793 : memref<1x128x128xf32, #tpu.memory_space<vmem>> -> memref<128x128xf32, #tpu.memory_space<vmem>>
    tpu.enqueue_dma source(%dma_start3A_1794 : memref<128x128xf32, #tpu.memory_space<vmem>>) target(%dma_start3A_1790 : memref<128x128xf32, #tpu.memory_space<hbm>>) target_semaphore(%dma_start3A_1788 : memref<!tpu.dma_semaphore, #tpu.memory_space<semaphore_mem>>)
    %add3A_1795 = arith.constant 24960 : i32
    %add3A_1796 = arith.addi %mul3A_2, %add3A_1795 : i32
    %dma_wait3A_1797 = arith.constant 0 : i32
    %dma_wait3A_1798 = arith.constant 0 : i32
    %dma_wait3A_1799 = arith.constant 0 : i32
    %dma_wait3A_1800 = arith.constant 0 : i32
    %dma_wait3A_1801 = tpu.memref_slice %arg6[%dma_wait3A_1797, %dma_wait3A_1799, %dma_wait3A_1800] : memref<5x128x128xf32, #tpu.memory_space<vmem>> -> memref<1x128x128xf32, #tpu.memory_space<vmem>>
    %dma_wait3A_1802 = tpu.memref_squeeze %dma_wait3A_1801 : memref<1x128x128xf32, #tpu.memory_space<vmem>> -> memref<128x128xf32, #tpu.memory_space<vmem>>
    %dma_wait3A_1803 = arith.constant 0 : i32
    %dma_wait3A_1804 = tpu.memref_slice %arg4[%add3A_1796, %dma_wait3A_1803] : memref<819200x128xf32, #tpu.memory_space<hbm>> -> memref<128x128xf32, #tpu.memory_space<hbm>>
    %dma_wait3A_1805 = tpu.memref_slice %arg9[%dma_wait3A_1798] : memref<5x!tpu.dma_semaphore, #tpu.memory_space<semaphore_mem>> -> memref<1x!tpu.dma_semaphore, #tpu.memory_space<semaphore_mem>>
    %dma_wait3A_1806 = tpu.memref_squeeze %dma_wait3A_1805 : memref<1x!tpu.dma_semaphore, #tpu.memory_space<semaphore_mem>> -> memref<!tpu.dma_semaphore, #tpu.memory_space<semaphore_mem>>
    %dma_wait3A_1807 = arith.constant 0 : i32
    %dma_wait3A_1808 = tpu.memref_slice %arg4[%add3A_1796, %dma_wait3A_1807] : memref<819200x128xf32, #tpu.memory_space<hbm>> -> memref<128x128xf32, #tpu.memory_space<hbm>>
    %dma_wait3A_1809 = arith.constant 0 : i32
    %dma_wait3A_1810 = arith.constant 0 : i32
    %dma_wait3A_1811 = tpu.memref_slice %arg6[%dma_wait3A_1797, %dma_wait3A_1809, %dma_wait3A_1810] : memref<5x128x128xf32, #tpu.memory_space<vmem>> -> memref<1x128x128xf32, #tpu.memory_space<vmem>>
    %dma_wait3A_1812 = tpu.memref_squeeze %dma_wait3A_1811 : memref<1x128x128xf32, #tpu.memory_space<vmem>> -> memref<128x128xf32, #tpu.memory_space<vmem>>
    tpu.wait_dma2 semaphore(%dma_wait3A_1806 : memref<!tpu.dma_semaphore, #tpu.memory_space<semaphore_mem>>) src(%dma_wait3A_1812 : memref<128x128xf32, #tpu.memory_space<vmem>>) dst(%dma_wait3A_1808 : memref<128x128xf32, #tpu.memory_space<hbm>>)
    %add3A_1813 = arith.constant 25088 : i32
    %add3A_1814 = arith.addi %mul3A_2, %add3A_1813 : i32
    %dma_wait3A_1815 = arith.constant 1 : i32
    %dma_wait3A_1816 = arith.constant 1 : i32
    %dma_wait3A_1817 = arith.constant 0 : i32
    %dma_wait3A_1818 = arith.constant 0 : i32
    %dma_wait3A_1819 = tpu.memref_slice %arg6[%dma_wait3A_1815, %dma_wait3A_1817, %dma_wait3A_1818] : memref<5x128x128xf32, #tpu.memory_space<vmem>> -> memref<1x128x128xf32, #tpu.memory_space<vmem>>
    %dma_wait3A_1820 = tpu.memref_squeeze %dma_wait3A_1819 : memref<1x128x128xf32, #tpu.memory_space<vmem>> -> memref<128x128xf32, #tpu.memory_space<vmem>>
    %dma_wait3A_1821 = arith.constant 0 : i32
    %dma_wait3A_1822 = tpu.memref_slice %arg4[%add3A_1814, %dma_wait3A_1821] : memref<819200x128xf32, #tpu.memory_space<hbm>> -> memref<128x128xf32, #tpu.memory_space<hbm>>
    %dma_wait3A_1823 = tpu.memref_slice %arg9[%dma_wait3A_1816] : memref<5x!tpu.dma_semaphore, #tpu.memory_space<semaphore_mem>> -> memref<1x!tpu.dma_semaphore, #tpu.memory_space<semaphore_mem>>
    %dma_wait3A_1824 = tpu.memref_squeeze %dma_wait3A_1823 : memref<1x!tpu.dma_semaphore, #tpu.memory_space<semaphore_mem>> -> memref<!tpu.dma_semaphore, #tpu.memory_space<semaphore_mem>>
    %dma_wait3A_1825 = arith.constant 0 : i32
    %dma_wait3A_1826 = tpu.memref_slice %arg4[%add3A_1814, %dma_wait3A_1825] : memref<819200x128xf32, #tpu.memory_space<hbm>> -> memref<128x128xf32, #tpu.memory_space<hbm>>
    %dma_wait3A_1827 = arith.constant 0 : i32
    %dma_wait3A_1828 = arith.constant 0 : i32
    %dma_wait3A_1829 = tpu.memref_slice %arg6[%dma_wait3A_1815, %dma_wait3A_1827, %dma_wait3A_1828] : memref<5x128x128xf32, #tpu.memory_space<vmem>> -> memref<1x128x128xf32, #tpu.memory_space<vmem>>
    %dma_wait3A_1830 = tpu.memref_squeeze %dma_wait3A_1829 : memref<1x128x128xf32, #tpu.memory_space<vmem>> -> memref<128x128xf32, #tpu.memory_space<vmem>>
    tpu.wait_dma2 semaphore(%dma_wait3A_1824 : memref<!tpu.dma_semaphore, #tpu.memory_space<semaphore_mem>>) src(%dma_wait3A_1830 : memref<128x128xf32, #tpu.memory_space<vmem>>) dst(%dma_wait3A_1826 : memref<128x128xf32, #tpu.memory_space<hbm>>)
    %add3A_1831 = arith.constant 25216 : i32
    %add3A_1832 = arith.addi %mul3A_2, %add3A_1831 : i32
    %dma_wait3A_1833 = arith.constant 2 : i32
    %dma_wait3A_1834 = arith.constant 2 : i32
    %dma_wait3A_1835 = arith.constant 0 : i32
    %dma_wait3A_1836 = arith.constant 0 : i32
    %dma_wait3A_1837 = tpu.memref_slice %arg6[%dma_wait3A_1833, %dma_wait3A_1835, %dma_wait3A_1836] : memref<5x128x128xf32, #tpu.memory_space<vmem>> -> memref<1x128x128xf32, #tpu.memory_space<vmem>>
    %dma_wait3A_1838 = tpu.memref_squeeze %dma_wait3A_1837 : memref<1x128x128xf32, #tpu.memory_space<vmem>> -> memref<128x128xf32, #tpu.memory_space<vmem>>
    %dma_wait3A_1839 = arith.constant 0 : i32
    %dma_wait3A_1840 = tpu.memref_slice %arg4[%add3A_1832, %dma_wait3A_1839] : memref<819200x128xf32, #tpu.memory_space<hbm>> -> memref<128x128xf32, #tpu.memory_space<hbm>>
    %dma_wait3A_1841 = tpu.memref_slice %arg9[%dma_wait3A_1834] : memref<5x!tpu.dma_semaphore, #tpu.memory_space<semaphore_mem>> -> memref<1x!tpu.dma_semaphore, #tpu.memory_space<semaphore_mem>>
    %dma_wait3A_1842 = tpu.memref_squeeze %dma_wait3A_1841 : memref<1x!tpu.dma_semaphore, #tpu.memory_space<semaphore_mem>> -> memref<!tpu.dma_semaphore, #tpu.memory_space<semaphore_mem>>
    %dma_wait3A_1843 = arith.constant 0 : i32
    %dma_wait3A_1844 = tpu.memref_slice %arg4[%add3A_1832, %dma_wait3A_1843] : memref<819200x128xf32, #tpu.memory_space<hbm>> -> memref<128x128xf32, #tpu.memory_space<hbm>>
    %dma_wait3A_1845 = arith.constant 0 : i32
    %dma_wait3A_1846 = arith.constant 0 : i32
    %dma_wait3A_1847 = tpu.memref_slice %arg6[%dma_wait3A_1833, %dma_wait3A_1845, %dma_wait3A_1846] : memref<5x128x128xf32, #tpu.memory_space<vmem>> -> memref<1x128x128xf32, #tpu.memory_space<vmem>>
    %dma_wait3A_1848 = tpu.memref_squeeze %dma_wait3A_1847 : memref<1x128x128xf32, #tpu.memory_space<vmem>> -> memref<128x128xf32, #tpu.memory_space<vmem>>
    tpu.wait_dma2 semaphore(%dma_wait3A_1842 : memref<!tpu.dma_semaphore, #tpu.memory_space<semaphore_mem>>) src(%dma_wait3A_1848 : memref<128x128xf32, #tpu.memory_space<vmem>>) dst(%dma_wait3A_1844 : memref<128x128xf32, #tpu.memory_space<hbm>>)
    %add3A_1849 = arith.constant 25344 : i32
    %add3A_1850 = arith.addi %mul3A_2, %add3A_1849 : i32
    %dma_wait3A_1851 = arith.constant 3 : i32
    %dma_wait3A_1852 = arith.constant 3 : i32
    %dma_wait3A_1853 = arith.constant 0 : i32
    %dma_wait3A_1854 = arith.constant 0 : i32
    %dma_wait3A_1855 = tpu.memref_slice %arg6[%dma_wait3A_1851, %dma_wait3A_1853, %dma_wait3A_1854] : memref<5x128x128xf32, #tpu.memory_space<vmem>> -> memref<1x128x128xf32, #tpu.memory_space<vmem>>
    %dma_wait3A_1856 = tpu.memref_squeeze %dma_wait3A_1855 : memref<1x128x128xf32, #tpu.memory_space<vmem>> -> memref<128x128xf32, #tpu.memory_space<vmem>>
    %dma_wait3A_1857 = arith.constant 0 : i32
    %dma_wait3A_1858 = tpu.memref_slice %arg4[%add3A_1850, %dma_wait3A_1857] : memref<819200x128xf32, #tpu.memory_space<hbm>> -> memref<128x128xf32, #tpu.memory_space<hbm>>
    %dma_wait3A_1859 = tpu.memref_slice %arg9[%dma_wait3A_1852] : memref<5x!tpu.dma_semaphore, #tpu.memory_space<semaphore_mem>> -> memref<1x!tpu.dma_semaphore, #tpu.memory_space<semaphore_mem>>
    %dma_wait3A_1860 = tpu.memref_squeeze %dma_wait3A_1859 : memref<1x!tpu.dma_semaphore, #tpu.memory_space<semaphore_mem>> -> memref<!tpu.dma_semaphore, #tpu.memory_space<semaphore_mem>>
    %dma_wait3A_1861 = arith.constant 0 : i32
    %dma_wait3A_1862 = tpu.memref_slice %arg4[%add3A_1850, %dma_wait3A_1861] : memref<819200x128xf32, #tpu.memory_space<hbm>> -> memref<128x128xf32, #tpu.memory_space<hbm>>
    %dma_wait3A_1863 = arith.constant 0 : i32
    %dma_wait3A_1864 = arith.constant 0 : i32
    %dma_wait3A_1865 = tpu.memref_slice %arg6[%dma_wait3A_1851, %dma_wait3A_1863, %dma_wait3A_1864] : memref<5x128x128xf32, #tpu.memory_space<vmem>> -> memref<1x128x128xf32, #tpu.memory_space<vmem>>
    %dma_wait3A_1866 = tpu.memref_squeeze %dma_wait3A_1865 : memref<1x128x128xf32, #tpu.memory_space<vmem>> -> memref<128x128xf32, #tpu.memory_space<vmem>>
    tpu.wait_dma2 semaphore(%dma_wait3A_1860 : memref<!tpu.dma_semaphore, #tpu.memory_space<semaphore_mem>>) src(%dma_wait3A_1866 : memref<128x128xf32, #tpu.memory_space<vmem>>) dst(%dma_wait3A_1862 : memref<128x128xf32, #tpu.memory_space<hbm>>)
    %add3A_1867 = arith.constant 25472 : i32
    %add3A_1868 = arith.addi %mul3A_2, %add3A_1867 : i32
    %dma_wait3A_1869 = arith.constant 4 : i32
    %dma_wait3A_1870 = arith.constant 4 : i32
    %dma_wait3A_1871 = arith.constant 0 : i32
    %dma_wait3A_1872 = arith.constant 0 : i32
    %dma_wait3A_1873 = tpu.memref_slice %arg6[%dma_wait3A_1869, %dma_wait3A_1871, %dma_wait3A_1872] : memref<5x128x128xf32, #tpu.memory_space<vmem>> -> memref<1x128x128xf32, #tpu.memory_space<vmem>>
    %dma_wait3A_1874 = tpu.memref_squeeze %dma_wait3A_1873 : memref<1x128x128xf32, #tpu.memory_space<vmem>> -> memref<128x128xf32, #tpu.memory_space<vmem>>
    %dma_wait3A_1875 = arith.constant 0 : i32
    %dma_wait3A_1876 = tpu.memref_slice %arg4[%add3A_1868, %dma_wait3A_1875] : memref<819200x128xf32, #tpu.memory_space<hbm>> -> memref<128x128xf32, #tpu.memory_space<hbm>>
    %dma_wait3A_1877 = tpu.memref_slice %arg9[%dma_wait3A_1870] : memref<5x!tpu.dma_semaphore, #tpu.memory_space<semaphore_mem>> -> memref<1x!tpu.dma_semaphore, #tpu.memory_space<semaphore_mem>>
    %dma_wait3A_1878 = tpu.memref_squeeze %dma_wait3A_1877 : memref<1x!tpu.dma_semaphore, #tpu.memory_space<semaphore_mem>> -> memref<!tpu.dma_semaphore, #tpu.memory_space<semaphore_mem>>
    %dma_wait3A_1879 = arith.constant 0 : i32
    %dma_wait3A_1880 = tpu.memref_slice %arg4[%add3A_1868, %dma_wait3A_1879] : memref<819200x128xf32, #tpu.memory_space<hbm>> -> memref<128x128xf32, #tpu.memory_space<hbm>>
    %dma_wait3A_1881 = arith.constant 0 : i32
    %dma_wait3A_1882 = arith.constant 0 : i32
    %dma_wait3A_1883 = tpu.memref_slice %arg6[%dma_wait3A_1869, %dma_wait3A_1881, %dma_wait3A_1882] : memref<5x128x128xf32, #tpu.memory_space<vmem>> -> memref<1x128x128xf32, #tpu.memory_space<vmem>>
    %dma_wait3A_1884 = tpu.memref_squeeze %dma_wait3A_1883 : memref<1x128x128xf32, #tpu.memory_space<vmem>> -> memref<128x128xf32, #tpu.memory_space<vmem>>
    tpu.wait_dma2 semaphore(%dma_wait3A_1878 : memref<!tpu.dma_semaphore, #tpu.memory_space<semaphore_mem>>) src(%dma_wait3A_1884 : memref<128x128xf32, #tpu.memory_space<vmem>>) dst(%dma_wait3A_1880 : memref<128x128xf32, #tpu.memory_space<hbm>>)
    return
  }
}

</mosaic_0001>

<sc_bundles>
// kernel: kernel.3.cloned.1.call-start
scs
__scs_entry_jumppad:
0x0: {  	(pc) =	sbr.rel $0x88, $3  }
0x1: {  	(tag) =	ssettag $0x0;
	lr =	simm.s32 $0x1  }
0x2: {  	[smem:$0x3F9F] =	sst lr;
	_ =	strace $0xD0000000  }
0x3: {  	_ = 	snop  }
0x4: {  	_ = 	snop  }
0x5: {  	_ = 	snop  }
0x6: {  	_ = 	snop  }
0x7: {  	_ = 	snop  }
__scs_overlays_trampoline_lowered:
0x8: {  	[smem:$0x3FAE] =	sst s0  }
0x9: {  	[smem:$0x3FAF] =	sst s1  }
0xa: {  	[smem:$0x3FB0] =	sst s2  }
0xb: {  	[smem:$0x3FB1] =	sst s3  }
0xc: {  	[smem:$0x3FB2] =	sst s4  }
0xd: {  	[smem:$0x3FB3] =	sst s5  }
0xe: {  	[smem:$0x3FB4] =	sst s6  }
0xf: {  	[smem:$0x3FB5] =	sst s7  }
0x10: {  	[smem:$0x3FB6] =	sst s8  }
0x11: {  	[smem:$0x3FB7] =	sst s9;
	s0 =	simm.s32 @!p0 $0x0  }
0x12: {  	s1 =	sld [smem:$0x3F9D];
	s0 =	simm.s32 @p0 $0x1  }
0x13: {  	[smem:$0x3FB8] =	sst s0;
	s0 =	simm.s32 @!p1 $0x0  }
0x14: {  	s2 =	sld [smem:$0x3F9C];
	s0 =	simm.s32 @p1 $0x1  }
0x15: {  	[smem:$0x3FB9] =	sst s0;
	s0 =	simm.s32 @!p2 $0x0  }
0x16: {  	s3 =	sld [smem:$0x3FDB];
	s0 =	simm.s32 @p2 $0x1  }
0x17: {  	s4 =	simm.s32 $0x1BF5;
	[smem:$0x3FBB] =	sst s0  }
0x18: {  	s0 =	sld [smem:$0x3F9E];
	_ =	swait.ge [sflag:s4], $0x0  }
0x19: {  	s7 =	sld [smem:$0x3F9F]  }
0x1a: {  	s8 =	sadd.s32 $0xFFFFE003, lr  }
0x1b: {  	s9 =	sadd.s32 $0xFFFFFEF7, lr;
	s5 =	simm.s32 $0xFFFFFFFF;
	p2 =	slt.u32 s8, $0xFFFFF086  }
0x1c: {  	p1 =	slt.u32 s9, $0xF7A;
	s5 =	simm.s32 @!p2 $0x0  }
0x1d: {  	s5 =	simm.s32 @p1 $0x1;
	p0 =	seq.s32 s7, s2  }
0x1e: {  	s7 =	smul.u32 @!p0 $0xF7A, s2;
	p2 =	seq.s32 @!p0 s5, $0x0  }
0x1f: {  	s9 =	smul.u32 $0xF7A, s1;
	s8 =	simm.s32 @!p0 $0x1BF5;
	p2 =	por !p2, p0  }
0x20: {  	[sflag:s8] =	ssyncset.s32 @!p0 $0xFFFFF086;
	s6 =	sadd.s32 @!p0 s3, s7;
	s7 =	simm.s32 @!p0 $0x108  }
0x21: {  	s3 =	sadd.s32 s3, s9;
	s6 =	sadd.s32 @!p0 $0x88, s6;
	s7 =	simm.s32 @p2 $0x1082  }
0x22: {  	[simem:s7], [sflag:s8] =	dma.local @!p0 [hbm:s6], $0xF7A  }
0x23: {  	s9 =	sor.u32 $0xD0000000, s2;
	s6 =	simm.s32 $0x108;
	_ =	swait.ge @!p0 [sflag:s8], $0x0  }
0x24: {  	s3 =	sadd.s32 $0x88, s3;
	s6 =	simm.s32 @!p1 $0x1082;
	[sflag:s4] =	ssyncset.s32 $0xFFFFF086  }
0x25: {  	[simem:s6], [sflag:s4] =	dma.local [hbm:s3], $0xF7A  }
0x26: {  	[smem:$0x3F9F] =	sst s1;
	(tag) =	ssettag s2;
	_ =	strace s9  }
0x27: {  	s1 =	sld [smem:$0x3FAF]  }
0x28: {  	s2 =	sld [smem:$0x3FB0]  }
0x29: {  	s4 =	sld [smem:$0x3FB2]  }
0x2a: {  	p0 =	seq.s32 s5, $0x0;
	s5 =	sld [smem:$0x3FB3]  }
0x2b: {  	s6 =	sld [smem:$0x3FB4]  }
0x2c: {  	s7 =	sld [smem:$0x3FB5]  }
0x2d: {  	s3 =	simm.s32 $0x108;
	s8 =	sld [smem:$0x3FB6]  }
0x2e: {  	s3 =	simm.s32 @!p0 $0x1082;
	s9 =	sld [smem:$0x3FB7]  }
0x2f: {  	lr =	sadd.s32 s0, s3;
	s0 =	sld [smem:$0x3FAE]  }
0x30: {  	s3 =	sld [smem:$0x3FB1]  }
0x31: {  	[smem:$0x3FBA] =	sst s10  }
0x32: {  	s10 =	sld [smem:$0x3FB8];
	_ =	sdelay $0x3  }
0x33: {  	p0 =	seq.s32 s10, $0x1;
	s10 =	sld [smem:$0x3FBA];
	_ =	sdelay $0x3  }
0x34: {  	[smem:$0x3FBA] =	sst s10  }
0x35: {  	s10 =	sld [smem:$0x3FB9];
	_ =	sdelay $0x3  }
0x36: {  	p1 =	seq.s32 s10, $0x1;
	s10 =	sld [smem:$0x3FBA];
	_ =	sdelay $0x3  }
0x37: {  	[smem:$0x3FBA] =	sst s10  }
0x38: {  	s10 =	sld [smem:$0x3FBB]  }
0x39: {  	_ = 	snop;
	(pc) =	sbr.ind lr, $3  }
0x3a: {  	_ = 	snop  }
0x3b: {  	_ = 	snop  }
0x3c: {  	p2 =	seq.s32 s10, $0x1;
	s10 =	sld [smem:$0x3FBA]  }
0x3d: {  	_ =	shalt  }
0x3e: {  	_ =	shalt  }
0x3f: {  	_ =	shalt  }
0x40: {  	_ =	shalt  }
0x41: {  	_ =	shalt  }
0x42: {  	_ =	shalt  }
0x43: {  	_ =	shalt  }
0x44: {  	_ =	shalt  }
0x45: {  	_ =	shalt  }
0x46: {  	_ =	shalt  }
0x47: {  	_ =	shalt  }
0x48: {  	_ =	shalt  }
0x49: {  	_ =	shalt  }
0x4a: {  	_ =	shalt  }
0x4b: {  	_ =	shalt  }
0x4c: {  	_ =	shalt  }
0x4d: {  	_ =	shalt  }
0x4e: {  	_ =	shalt  }
0x4f: {  	_ =	shalt  }
0x50: {  	_ =	shalt  }
0x51: {  	_ =	shalt  }
0x52: {  	_ =	shalt  }
0x53: {  	_ =	shalt  }
0x54: {  	_ =	shalt  }
0x55: {  	_ =	shalt  }
0x56: {  	_ =	shalt  }
0x57: {  	_ =	shalt  }
0x58: {  	_ =	shalt  }
0x59: {  	_ =	shalt  }
0x5a: {  	_ =	shalt  }
0x5b: {  	_ =	shalt  }
0x5c: {  	_ =	shalt  }
0x5d: {  	_ =	shalt  }
0x5e: {  	_ =	shalt  }
0x5f: {  	_ =	shalt  }
0x60: {  	_ =	shalt  }
0x61: {  	_ =	shalt  }
0x62: {  	_ =	shalt  }
0x63: {  	_ =	shalt  }
0x64: {  	_ =	shalt  }
0x65: {  	_ =	shalt  }
0x66: {  	_ =	shalt  }
0x67: {  	_ =	shalt  }
0x68: {  	_ =	shalt  }
0x69: {  	_ =	shalt  }
0x6a: {  	_ =	shalt  }
0x6b: {  	_ =	shalt  }
0x6c: {  	_ =	shalt  }
0x6d: {  	_ =	shalt  }
0x6e: {  	_ =	shalt  }
0x6f: {  	_ =	shalt  }
0x70: {  	_ =	shalt  }
0x71: {  	_ =	shalt  }
0x72: {  	_ =	shalt  }
0x73: {  	_ =	shalt  }
0x74: {  	_ =	shalt  }
0x75: {  	_ =	shalt  }
0x76: {  	_ =	shalt  }
0x77: {  	_ =	shalt  }
0x78: {  	_ =	shalt  }
0x79: {  	_ =	shalt  }
0x7a: {  	_ =	shalt  }
0x7b: {  	_ =	shalt  }
0x7c: {  	_ =	shalt  }
0x7d: {  	_ =	shalt  }
0x7e: {  	_ =	shalt  }
0x7f: {  	_ =	shalt  }
0x80: {  	_ =	shalt  }
0x81: {  	_ =	shalt  }
0x82: {  	_ =	shalt  }
0x83: {  	_ =	shalt  }
0x84: {  	_ =	shalt  }
0x85: {  	_ =	shalt  }
0x86: {  	_ =	shalt  }
0x87: {  	_ =	shalt  }
.Lfunc_end0:
.L_simem_size_0:
called_computation_lowered:
.L_overlay_start_0:
0x88: {  	s2 =	sld [smem:$0x3FD9]  }
0x89: {  	s3 =	sld [smem:$0x3FFE];
	_ =	sdelay $0x1  }
0x8a: {  	s1 =	srdreg.scid  }
0x8b: {  	s0 =	sand.u32 $0x1, s1  }
0x8c: {  	s17 =	sshll.u32 s0, $0xA;
	s2 =	sadd.s32 s3, s2  }
0x8d: {  	s2 =	sadd.s32 s2, s17  }
0x8e: {  	[smem:$0x3FC6] =	sst s2  }
0x8f: {  	_ = 	snop  }
0x90: {  	s2 =	sld [smem:$0x3FC8]  }
0x91: {  	s18 =	sld [smem:$0x3FD0];
	(tm) =	ssettm $0x1  }
0x92: {  	s4 =	sld [smem:$0x3FFB];
	_ =	sdelay $0x3  }
0x93: {  	_ =	strace s4  }
0x94: {  	s4 =	sld [smem:$0x3FFC];
	_ =	sdelay $0x3  }
0x95: {  	_ =	strace s4  }
0x96: {  	s4 =	sld [smem:$0x3FFD];
	_ =	sdelay $0x3  }
0x97: {  	_ =	strace s4  }
0x98: {  	_ =	strace $0x8FFFFFFF  }
0x99: {  	s19 =	sld [smem:$0x3FDB];
	_ =	sdelay $0x1  }
0x9a: {  	s5 =	simm.s32 $_scs_section_size  }
0x9b: {  	s6 =	simm.s32 $_size__tile_overlayer_lowered;
	s7 =	simm.s32 $_tile_overlayer_lowered  }
0x9c: {  	s22 =	simm.s32 $0x1BFF;
	s21 =	sshll.u32 s7, $0x1;
	s4 =	sadd.s32 s5, s19  }
0x9d: {  	s8 =	simm.s32 $0x0;
	s20 =	sshll.u32 s6, $0x1;
	s6 =	sadd.s32 s21, s4  }
0x9e: {  	[timem:s8], [sflag:s22] =	dma.local [hbm:s6], s20  }
0x9f: {  	_ =	swait.ge [sflag:s22], s20  }
0xa0: {  	s5 =	ssub.s32 $0x0, s20;
	[sflag:s22] =	ssyncset.done $0x0  }
0xa1: {  	[sflag:s22] =	ssyncadd.s32 s5;
	_ =	sdelay $0x1  }
0xa2: {  	s23 =	simm.s32 $0x1B8B  }
0xa3: {  	_ =	swait.ge [sflag:s23], $0x1  }
0xa4: {  	[sflag:s23] =	ssyncset.done $0x0  }
0xa5: {  	s25 =	simm.s32 $0x1B8E;
	s24 =	sld [smem:$0x3FFE];
	[sflag:s23] =	ssyncadd.s32 $0xFFFFFFFF  }
0xa6: {  	s26 =	simm.s32 $execute0_lowered;
	[smem:$0x3FD2] =	sst s25  }
0xa7: {  	s6 =	sshll.u32 s26, $0x1;
	_ =	strace $0x80000046;
	[dreg:$0x1] =	wrdreg $0xFFFFFFFF  }
0xa8: {  	s28 =	simm.s32 $_size_execute0_lowered;
	s4 =	sadd.s32 s4, s6;
	[dreg:$0x0] =	wrdreg $0x0  }
0xa9: {  	s6 =	sshll.u32 s28, $0x1;
	[dreg:$0x2] =	wrdreg s4  }
0xaa: {  	[dreg:$0x3] =	wrdreg s6  }
0xab: {  	[dreg:$0x4] =	wrdreg $0xC0  }
0xac: {  	_ =	task [dreg:s8], $0x5FFFF  }
0xad: {  	[dreg:$0x1] =	wrdreg $0xFFFFFFFF  }
0xae: {  	[dreg:$0x0] =	wrdreg $0x60  }
0xaf: {  	[dreg:$0x2] =	wrdreg s2  }
0xb0: {  	[dreg:$0x3] =	wrdreg s24  }
0xb1: {  	[dreg:$0x4] =	wrdreg s18  }
0xb2: {  	[dreg:$0x5] =	wrdreg $0x9  }
0xb3: {  	_ =	task.clear_ibuf [dreg:s8], $0x6FFFF;
	_ =	strace $0x90000046  }
0xb4: {  	s29 =	simm.s32 $0x9;
	_ =	strace $0x80000048  }
0xb5: {  	_ =	swait.ge [sflag:s29], $0x1  }
0xb6: {  	[sflag:s29] =	ssyncadd.s32 $0xFFFFFFFF  }
0xb7: {  	_ =	strace $0x90000048  }
0xb8: {  	_ =	sfence  }
0xb9: {  	s30 =	sld [smem:$0x0];
	_ =	sdelay $0x2  }
0xba: {  	s31 =	sshll.u32 s1, $0xD;
	s1 =	sshrl.u32 s1, $0x2  }
0xbb: {  	s3 =	sand.u32 $0x4000, s31;
	s1 =	sadd.s32 s1, s30  }
0xbc: {  	s0 =	sor.u32 s3, s0;
	s1 =	sshll.u32 s1, $0x11  }
0xbd: {  	s0 =	sor.u32 s1, s0  }
0xbe: {  	s0 =	sadd.s32 $0x8F2B, s0  }
0xbf: {  	[sflag:s0] =	ssyncadd.remote.s32 $0x1  }
0xc0: {  	_ =	sfence.sel $0xFFFF  }
0xc1: {  	[dreg:$0x0] =	wrdreg $0xFFFFFFFF;
	(pc) =	sbr.abs _section_cstart, $3  }
0xc2: {  	[dreg:$0x1] =	wrdreg $0xFFFFFFFF  }
0xc3: {  	_ =	task.clear_ibuf [dreg:s8], $0x2FFFF;
	_ =	strace $0x9FFFFFFF  }
0xc4: {  	(tm) =	ssettm $0x7FFFFFFF  }
0xc5: {  	_ =	shalt  }
tec
execute0_lowered:
.L_overlay_start_1:
0x0: {  	(tag) =	ssettag $0x1  }
0x1: {  	s1 =	rddreg [dreg:$0x0]  }
0x2: {  	s2 =	rddreg [dreg:$0x1];
	s3 =	srdreg.scid  }
0x3: {  	s20 =	stileid.u32;
	s0 =	rddreg [dreg:$0x2];
	s4 =	sand.u32 $0x1, s3  }
0x4: {  	s5 =	sshll.u32 s20, $0x1;
	s3 =	simm.s32 $0x0;
	s12 =	smul.u32 $0xC800, s20  }
0x5: {  	s5 =	sor.u32 s4, s5;
	s8 =	ssub.s32 $0x2, s4;
	s14 =	smul.u32 $0x6400, s4  }
0x6: {  	[smem:$0x7FF] =	sst s3;
	s7 =	smul.u32 $0x6400, s5;
	s21 =	sshrl.u32 s8, $0x1  }
0x7: {  	s6 =	sadd.s32 $0x400, s2;
	_ =	strace $0x80000047;
	s2 =	ssub.s32 s8, s21  }
0x8: {  	s14 =	sadd.s32 s14, s12;
	s13 =	sor.u32 $0x80, s7;
	s22 =	sshrl.u32 s7, $0x3  }
0x9: {  	s8 =	sor.u32 $0x100, s7;
	s11 =	sor.u32 $0x200, s7;
	s28 =	sadd.s32 $0xC80, s14  }
0xa: {  	s12 =	sadd.s32 $0x6200, s7;
	s30 =	sadd.s32 $0xC00, s14;
	s17 =	sadd.s32 $0xB80, s14  }
0xb: {  	s19 =	sadd.s32 $0xB00, s14;
	s2 =	smax.u32 s2, $0x1;
	s9 =	sshrl.u32 s13, $0x3  }
0xc: {  	s21 =	sadd.s32 s6, s22;
	s10 =	sshrl.u32 s8, $0x3;
	s15 =	sshrl.u32 s11, $0x3  }
0xd: {  	s17 =	sshrl.u32 s17, $0x3;
	s22 =	sshrl.u32 s19, $0x3;
	[smem:$0x7F2] =	sst s2  }
0xe: {  	s19 =	sadd.s32 $0x880, s14;
	s23 =	sadd.s32 s6, s9;
	[dreg:$0xe] =	wrdreg s21  }
0xf: {  	s13 =	sshll.u32 s13, $0x4;
	s10 =	sadd.s32 s6, s10;
	[dreg:$0xf] =	wrdreg s23  }
0x10: {  	s8 =	sshll.u32 s8, $0x4;
	s25 =	sadd.s32 s6, s15;
	[dreg:$0x10] =	wrdreg s10  }
0x11: {  	s9 =	sor.u32 $0x180, s7;
	s18 =	sadd.s32 s17, s6;
	[dreg:$0x12] =	wrdreg s25  }
0x12: {  	s15 =	sshrl.u32 s28, $0x3;
	s13 =	sadd.s32 s0, s13;
	[dreg:$0x6] =	wrdreg s18  }
0x13: {  	s8 =	sadd.s32 s0, s8;
	s24 =	sshrl.u32 s9, $0x3;
	[dreg:$0x19] =	wrdreg s13  }
0x14: {  	s15 =	sadd.s32 s15, s6;
	s23 =	sadd.s32 $0xA80, s14;
	[dreg:$0x1a] =	wrdreg s8  }
0x15: {  	s18 =	sadd.s32 $0x900, s14;
	s10 =	sadd.s32 s6, s24;
	[dreg:$0x4] =	wrdreg s15  }
0x16: {  	s9 =	sshll.u32 s9, $0x4;
	[dreg:$0x11] =	wrdreg s10;
	s10 =	sor.u32 $0x280, s7  }
0x17: {  	s15 =	sadd.s32 s22, s6;
	s24 =	sadd.s32 $0xA00, s14;
	s16 =	sshrl.u32 s10, $0x3  }
0x18: {  	[dreg:$0x7] =	wrdreg s15;
	s26 =	sadd.s32 s6, s16;
	s16 =	sshrl.u32 s30, $0x3  }
0x19: {  	s30 =	sadd.s32 $0x980, s14;
	s14 =	sadd.s32 $0x800, s14;
	[dreg:$0x13] =	wrdreg s26  }
0x1a: {  	s16 =	sadd.s32 s16, s6;
	s26 =	sshrl.u32 s24, $0x3;
	s17 =	sshrl.u32 s30, $0x3  }
0x1b: {  	s14 =	sshrl.u32 s14, $0x3;
	[dreg:$0x5] =	wrdreg s16;
	s16 =	sshrl.u32 s23, $0x3  }
0x1c: {  	s28 =	sadd.s32 s26, s6;
	s15 =	sadd.s32 s17, s6;
	s23 =	sshrl.u32 s19, $0x3  }
0x1d: {  	s17 =	sadd.s32 $0x6280, s7;
	s25 =	sadd.s32 s16, s6;
	[dreg:$0x9] =	wrdreg s28  }
0x1e: {  	s16 =	sshrl.u32 s18, $0x3;
	[dreg:$0xa] =	wrdreg s15;
	s24 =	sadd.s32 s23, s6  }
0x1f: {  	s26 =	sshrl.u32 s17, $0x3;
	s28 =	smul.u32 $0x64000, s5;
	[dreg:$0x8] =	wrdreg s25  }
0x20: {  	s22 =	sadd.s32 s16, s6;
	s25 =	sshrl.u32 s12, $0x3;
	[dreg:$0xc] =	wrdreg s24  }
0x21: {  	s15 =	sadd.s32 s6, s26;
	s26 =	smul.u32 $0xC8000, s20;
	[dreg:$0xb] =	wrdreg s22  }
0x22: {  	s20 =	sadd.s32 $0x80, s21;
	s16 =	sadd.s32 s6, s25;
	[dreg:$0x15] =	wrdreg s15  }
0x23: {  	s15 =	sadd.s32 $0x6300, s7;
	s22 =	sshll.u32 s11, $0x4;
	[smem:$0x7F6] =	sst s20  }
0x24: {  	s7 =	sadd.s32 $0x6380, s7;
	[dreg:$0x14] =	wrdreg s16;
	s8 =	sadd.s32 s0, s22  }
0x25: {  	s18 =	sshrl.u32 s15, $0x3;
	s22 =	sadd.s32 $0x90, s21;
	[dreg:$0x1c] =	wrdreg s8  }
0x26: {  	s19 =	sshrl.u32 s7, $0x3;
	s18 =	sadd.s32 s6, s18;
	[smem:$0x7F7] =	sst s22  }
0x27: {  	s5 =	smul.u32 $0x320000, s5;
	s30 =	sadd.s32 s6, s19;
	[dreg:$0x16] =	wrdreg s18  }
0x28: {  	s23 =	sshll.u32 s10, $0x4;
	s19 =	sadd.s32 s0, s9;
	[dreg:$0x17] =	wrdreg s30  }
0x29: {  	s5 =	sshrl.u32 s5, $0x3;
	s8 =	sadd.s32 s0, s23;
	[dreg:$0x1b] =	wrdreg s19  }
0x2a: {  	s5 =	sadd.s32 s0, s5;
	s6 =	sadd.s32 s14, s6;
	[dreg:$0x1d] =	wrdreg s8  }
0x2b: {  	s9 =	sadd.s32 $0x5D800, s5;
	[dreg:$0xd] =	wrdreg s6  }
0x2c: {  	s10 =	sadd.s32 $0x5E000, s5;
	[smem:$0x7E9] =	sst s9  }
0x2d: {  	s29 =	simm.s32 $0x800;
	s11 =	sadd.s32 $0x5E800, s5;
	[smem:$0x7EA] =	sst s10  }
0x2e: {  	s24 =	sshll.u32 s12, $0x4;
	s12 =	sadd.s32 $0x5F000, s5;
	[smem:$0x7EB] =	sst s11  }
0x2f: {  	s31 =	simm.s32 $0x4800;
	s13 =	sadd.s32 $0x5F800, s5;
	[smem:$0x7EC] =	sst s12  }
0x30: {  	s4 =	smul.u32 $0x64000, s4;
	s14 =	sadd.s32 $0x60000, s5;
	[smem:$0x7ED] =	sst s13  }
0x31: {  	s2 =	simm.s32 $0x0;
	s16 =	sadd.s32 $0x61000, s5;
	[smem:$0x7EE] =	sst s14  }
0x32: {  	s25 =	sshll.u32 s17, $0x4;
	s17 =	sadd.s32 $0x61800, s5;
	[smem:$0x7F0] =	sst s16  }
0x33: {  	s20 =	simm.s32 $0x13;
	s23 =	sadd.s32 $0xA0, s21;
	[smem:$0x7F1] =	sst s17  }
0x34: {  	s7 =	sshll.u32 s7, $0x4;
	s18 =	sadd.s32 s0, s28;
	[smem:$0x7F8] =	sst s23  }
0x35: {  	s22 =	simm.s32 $0x14;
	s8 =	sadd.s32 s0, s24;
	[dreg:$0x18] =	wrdreg s18  }
0x36: {  	s28 =	sshll.u32 s15, $0x4;
	s15 =	sadd.s32 $0x60800, s5;
	[dreg:$0x1e] =	wrdreg s8  }
0x37: {  	s30 =	sadd.s32 s26, s0;
	s19 =	sadd.s32 $0x70, s21;
	[smem:$0x7EF] =	sst s15  }
0x38: {  	s24 =	sadd.s32 $0xB0, s21;
	s26 =	sadd.s32 $0xD0, s21;
	[smem:$0x7F5] =	sst s19  }
0x39: {  	s6 =	simm.s32 $0xC800;
	s10 =	simm.s32 $0x10800;
	[smem:$0x7F9] =	sst s24  }
0x3a: {  	s11 =	simm.s32 $0xC;
	s8 =	sadd.s32 s0, s25;
	[smem:$0x7FB] =	sst s26  }
0x3b: {  	s12 =	simm.s32 $0x10;
	s18 =	sadd.s32 $0x60, s21;
	[dreg:$0x1f] =	wrdreg s8  }
0x3c: {  	s14 =	simm.s32 $0xD;
	s25 =	sadd.s32 $0xC0, s21;
	[smem:$0x7F4] =	sst s18  }
0x3d: {  	s17 =	simm.s32 $0xE;
	s8 =	sadd.s32 s0, s28;
	[smem:$0x7FA] =	sst s25  }
0x3e: {  	s15 =	simm.s32 $0x11;
	s0 =	sadd.s32 s0, s7;
	[smem:$0x7E6] =	sst s8  }
0x3f: {  	s19 =	simm.s32 $0xF;
	s28 =	sadd.s32 $0xE0, s21;
	[smem:$0x7E7] =	sst s0  }
0x40: {  	s7 =	sadd.s32 s4, s30;
	s30 =	sadd.s32 $0xF0, s21;
	[smem:$0x7FC] =	sst s28  }
0x41: {  	s18 =	simm.s32 $0x80;
	s8 =	sadd.s32 $0x5D000, s5;
	[smem:$0x7FD] =	sst s30  }
0x42: {  	s4 =	simm.s32 $0x12;
	s0 =	sadd.s32 $0x7800, s7;
	[smem:$0x7E8] =	sst s8  }
0x43: {  	[smem:$0x7F3] =	sst s0;
	s0 =	simm.s32 $0x8800;
	s8 =	simm.s32 $0xB  }
.LBB2_1:
0x44: {  	[smem:$0x7E5] =	sst s2  }
0x45: {  	s24 =	rddreg [dreg:$0xe]  }
0x46: {  	s26 =	rddreg [dreg:$0xf]  }
0x47: {  	[tilespmem:s3], [sflag:$0x1] =	stream.linear.gather [hbm4b:s24+s3], $0x80, $0x38;
	[tilespmem:$0x14800] =	vst v63  }
0x48: {  	s28 =	rddreg [dreg:$0x10]  }
0x49: {  	[tilespmem:s18], [sflag:$0x2] =	stream.linear.gather [hbm4b:s26+s3], $0x80, $0x38;
	[tilespmem:$0x14800] =	vst v63  }
0x4a: {  	s30 =	simm.s32 $0x100;
	s2 =	rddreg [dreg:$0x11]  }
0x4b: {  	[tilespmem:s30], [sflag:$0x3] =	stream.linear.gather [hbm4b:s28+s3], $0x80, $0x38;
	[tilespmem:$0x14800] =	vst v63  }
0x4c: {  	s7 =	simm.s32 $0x180;
	s9 =	rddreg [dreg:$0x12]  }
0x4d: {  	[tilespmem:s7], [sflag:$0x4] =	stream.linear.gather [hbm4b:s2+s3], $0x80, $0x38;
	[tilespmem:$0x14800] =	vst v63  }
0x4e: {  	s13 =	simm.s32 $0x200;
	s16 =	rddreg [dreg:$0x13]  }
0x4f: {  	[tilespmem:s13], [sflag:$0x5] =	stream.linear.gather [hbm4b:s9+s3], $0x80, $0x38;
	[tilespmem:$0x14800] =	vst v63  }
0x50: {  	s21 =	simm.s32 $0x280;
	s23 =	sld [smem:$0x7F4]  }
0x51: {  	[tilespmem:s21], [sflag:$0x6] =	stream.linear.gather [hbm4b:s16+s3], $0x80, $0x38;
	[tilespmem:$0x14800] =	vst v63  }
0x52: {  	s25 =	simm.s32 $0x300;
	s28 =	sld [smem:$0x7F5]  }
0x53: {  	[tilespmem:s25], [sflag:$0x7] =	stream.linear.gather [hbm4b:s23+s3], $0x80, $0x38;
	[tilespmem:$0x14800] =	vst v63  }
0x54: {  	s30 =	simm.s32 $0x380;
	s2 =	sld [smem:$0x7F6]  }
0x55: {  	[tilespmem:s30], [sflag:$0x8] =	stream.linear.gather [hbm4b:s28+s3], $0x80, $0x38;
	[tilespmem:$0x14800] =	vst v63  }
0x56: {  	s13 =	simm.s32 $0x400;
	s16 =	sld [smem:$0x7F7]  }
0x57: {  	[tilespmem:s13], [sflag:$0x9] =	stream.linear.gather [hbm4b:s2+s3], $0x80, $0x38;
	[tilespmem:$0x14800] =	vst v63  }
0x58: {  	s23 =	simm.s32 $0x480  }
0x59: {  	[tilespmem:s23], [sflag:$0xA] =	stream.linear.gather [hbm4b:s16+s3], $0x80, $0x38;
	[tilespmem:$0x14800] =	vst v63  }
0x5a: {  	s23 =	simm.s32 $0x1  }
0x5b: {  	_ =	swait.ge [sflag:s23], $0x80  }
0x5c: {  	[sflag:s23] =	ssyncset.done $0x0  }
0x5d: {  	s30 =	simm.s32 $0x2;
	[sflag:s23] =	ssyncadd.s32 $0xFFFFFF80  }
0x5e: {  	[tilespmem:s29], [sflag:$0xB] =	stream.indirect.gather [hbm4b:s1+s18], $0x80, s3, s18, $0xb8;
	[tilespmem:$0x14800] =	vst v63  }
0x5f: {  	_ =	swait.ge [sflag:s30], $0x80  }
0x60: {  	[sflag:s30] =	ssyncset.done $0x0  }
0x61: {  	s2 =	simm.s32 $0x3;
	[sflag:s30] =	ssyncadd.s32 $0xFFFFFF80  }
0x62: {  	[tilespmem:s31], [sflag:$0xC] =	stream.indirect.gather [hbm4b:s1+s18], $0x80, s18, s18, $0xb8;
	[tilespmem:$0x14800] =	vst v63  }
0x63: {  	_ =	swait.ge [sflag:s2], $0x80  }
0x64: {  	[sflag:s2] =	ssyncset.done $0x0  }
0x65: {  	s5 =	simm.s32 $0x100;
	[sflag:s2] =	ssyncadd.s32 $0xFFFFFF80  }
0x66: {  	[tilespmem:s0], [sflag:$0xD] =	stream.indirect.gather [hbm4b:s1+s18], $0x80, s5, s18, $0xb8;
	[tilespmem:$0x14800] =	vst v63  }
0x67: {  	s5 =	simm.s32 $0x4  }
0x68: {  	_ =	swait.ge [sflag:s5], $0x80  }
0x69: {  	[sflag:s5] =	ssyncset.done $0x0  }
0x6a: {  	s7 =	simm.s32 $0x180;
	[sflag:s5] =	ssyncadd.s32 $0xFFFFFF80  }
0x6b: {  	[tilespmem:s6], [sflag:$0xE] =	stream.indirect.gather [hbm4b:s1+s18], $0x80, s7, s18, $0xb8;
	[tilespmem:$0x14800] =	vst v63  }
0x6c: {  	_ =	swait.ge [sflag:s8], $0x4000  }
0x6d: {  	[sflag:s8] =	ssyncset.done $0x0;
	s28 =	rddreg [dreg:$0x18]  }
0x6e: {  	s7 =	sld [smem:$0x7F8];
	[sflag:s8] =	ssyncadd.s32 $0xFFFFC000  }
0x6f: {  	[hbm4b:s28+s3] =	stream.linear.scatter [tilespmem:s29], [sflag:$0x10], $0x4000, $0x38;
	[tilespmem:$0x14800] =	vst v63  }
0x70: {  	_ = 	snop  }
0x71: {  	[tilespmem:s3], [sflag:$0x1] =	stream.linear.gather [hbm4b:s7+s3], $0x80, $0x38;
	[tilespmem:$0x14800] =	vst v63  }
0x72: {  	s7 =	simm.s32 $0x5  }
0x73: {  	_ =	swait.ge [sflag:s7], $0x80  }
0x74: {  	[sflag:s7] =	ssyncset.done $0x0  }
0x75: {  	s9 =	simm.s32 $0x200;
	[sflag:s7] =	ssyncadd.s32 $0xFFFFFF80  }
0x76: {  	[tilespmem:s10], [sflag:$0xF] =	stream.indirect.gather [hbm4b:s1+s18], $0x80, s9, s18, $0xb8;
	[tilespmem:$0x14800] =	vst v63  }
0x77: {  	_ =	swait.ge [sflag:s11], $0x4000  }
0x78: {  	[sflag:s11] =	ssyncset.done $0x0  }
0x79: {  	s9 =	rddreg [dreg:$0x19];
	[sflag:s11] =	ssyncadd.s32 $0xFFFFC000  }
0x7a: {  	[hbm4b:s9+s3] =	stream.linear.scatter [tilespmem:s31], [sflag:$0x11], $0x4000, $0x38;
	[tilespmem:$0x14800] =	vst v63  }
0x7b: {  	s9 =	sld [smem:$0x7F9];
	_ =	sdelay $0x2  }
0x7c: {  	[tilespmem:s18], [sflag:$0x2] =	stream.linear.gather [hbm4b:s9+s3], $0x80, $0x38;
	[tilespmem:$0x14800] =	vst v63  }
0x7d: {  	_ =	swait.ge [sflag:s12], $0x4000  }
0x7e: {  	[sflag:s12] =	ssyncset.done $0x0  }
0x7f: {  	s9 =	simm.s32 $0x6;
	[sflag:s12] =	ssyncadd.s32 $0xFFFFC000  }
0x80: {  	_ =	swait.ge [sflag:s9], $0x80  }
0x81: {  	[sflag:s9] =	ssyncset.done $0x0  }
0x82: {  	s26 =	simm.s32 $0x280;
	[sflag:s9] =	ssyncadd.s32 $0xFFFFFF80  }
0x83: {  	[tilespmem:s29], [sflag:$0xB] =	stream.indirect.gather [hbm4b:s1+s18], $0x80, s26, s18, $0xb8;
	[tilespmem:$0x14800] =	vst v63  }
0x84: {  	_ =	swait.ge [sflag:s14], $0x4000  }
0x85: {  	[sflag:s14] =	ssyncset.done $0x0  }
0x86: {  	s24 =	rddreg [dreg:$0x1a];
	[sflag:s14] =	ssyncadd.s32 $0xFFFFC000  }
0x87: {  	[hbm4b:s24+s3] =	stream.linear.scatter [tilespmem:s0], [sflag:$0x12], $0x4000, $0x38;
	[tilespmem:$0x14800] =	vst v63  }
0x88: {  	s24 =	sld [smem:$0x7FA];
	_ =	sdelay $0x1  }
0x89: {  	s13 =	simm.s32 $0x100  }
0x8a: {  	[tilespmem:s13], [sflag:$0x3] =	stream.linear.gather [hbm4b:s24+s3], $0x80, $0x38;
	[tilespmem:$0x14800] =	vst v63  }
0x8b: {  	_ =	swait.ge [sflag:s15], $0x4000  }
0x8c: {  	[sflag:s15] =	ssyncset.done $0x0  }
0x8d: {  	s13 =	simm.s32 $0x7;
	[sflag:s15] =	ssyncadd.s32 $0xFFFFC000  }
0x8e: {  	_ =	swait.ge [sflag:s13], $0x80  }
0x8f: {  	[sflag:s13] =	ssyncset.done $0x0  }
0x90: {  	s21 =	simm.s32 $0x300;
	[sflag:s13] =	ssyncadd.s32 $0xFFFFFF80  }
0x91: {  	[tilespmem:s31], [sflag:$0xC] =	stream.indirect.gather [hbm4b:s1+s18], $0x80, s21, s18, $0xb8;
	[tilespmem:$0x14800] =	vst v63  }
0x92: {  	_ =	swait.ge [sflag:s17], $0x4000  }
0x93: {  	[sflag:s17] =	ssyncset.done $0x0  }
0x94: {  	s21 =	rddreg [dreg:$0x1b];
	[sflag:s17] =	ssyncadd.s32 $0xFFFFC000  }
0x95: {  	[hbm4b:s21+s3] =	stream.linear.scatter [tilespmem:s6], [sflag:$0x13], $0x4000, $0x38;
	[tilespmem:$0x14800] =	vst v63  }
0x96: {  	s21 =	sld [smem:$0x7FB];
	_ =	sdelay $0x1  }
0x97: {  	s16 =	simm.s32 $0x180  }
0x98: {  	[tilespmem:s16], [sflag:$0x4] =	stream.linear.gather [hbm4b:s21+s3], $0x80, $0x38;
	[tilespmem:$0x14800] =	vst v63  }
0x99: {  	_ =	swait.ge [sflag:s4], $0x4000  }
0x9a: {  	[sflag:s4] =	ssyncset.done $0x0  }
0x9b: {  	s16 =	simm.s32 $0x8;
	[sflag:s4] =	ssyncadd.s32 $0xFFFFC000  }
0x9c: {  	_ =	swait.ge [sflag:s16], $0x80  }
0x9d: {  	[sflag:s16] =	ssyncset.done $0x0  }
0x9e: {  	s25 =	simm.s32 $0x380;
	[sflag:s16] =	ssyncadd.s32 $0xFFFFFF80  }
0x9f: {  	[tilespmem:s0], [sflag:$0xD] =	stream.indirect.gather [hbm4b:s1+s18], $0x80, s25, s18, $0xb8;
	[tilespmem:$0x14800] =	vst v63  }
0xa0: {  	_ =	swait.ge [sflag:s19], $0x4000  }
0xa1: {  	[sflag:s19] =	ssyncset.done $0x0;
	s25 =	rddreg [dreg:$0x1c]  }
0xa2: {  	s21 =	sld [smem:$0x7FC];
	[sflag:s19] =	ssyncadd.s32 $0xFFFFC000  }
0xa3: {  	[hbm4b:s25+s3] =	stream.linear.scatter [tilespmem:s10], [sflag:$0x14], $0x4000, $0x38;
	[tilespmem:$0x14800] =	vst v63  }
0xa4: {  	s28 =	simm.s32 $0x200  }
0xa5: {  	[tilespmem:s28], [sflag:$0x5] =	stream.linear.gather [hbm4b:s21+s3], $0x80, $0x38;
	[tilespmem:$0x14800] =	vst v63  }
0xa6: {  	_ =	swait.ge [sflag:s20], $0x4000  }
0xa7: {  	[sflag:s20] =	ssyncset.done $0x0  }
0xa8: {  	s21 =	simm.s32 $0x9;
	[sflag:s20] =	ssyncadd.s32 $0xFFFFC000  }
0xa9: {  	_ =	swait.ge [sflag:s21], $0x80  }
0xaa: {  	[sflag:s21] =	ssyncset.done $0x0  }
0xab: {  	s25 =	simm.s32 $0x400;
	[sflag:s21] =	ssyncadd.s32 $0xFFFFFF80  }
0xac: {  	[tilespmem:s6], [sflag:$0xE] =	stream.indirect.gather [hbm4b:s1+s18], $0x80, s25, s18, $0xb8;
	[tilespmem:$0x14800] =	vst v63  }
0xad: {  	_ =	swait.ge [sflag:s8], $0x4000  }
0xae: {  	[sflag:s8] =	ssyncset.done $0x0;
	s28 =	rddreg [dreg:$0x1d]  }
0xaf: {  	s25 =	sld [smem:$0x7FD];
	[sflag:s8] =	ssyncadd.s32 $0xFFFFC000  }
0xb0: {  	[hbm4b:s28+s3] =	stream.linear.scatter [tilespmem:s29], [sflag:$0x10], $0x4000, $0x38;
	[tilespmem:$0x14800] =	vst v63  }
0xb1: {  	s26 =	simm.s32 $0x280  }
0xb2: {  	[tilespmem:s26], [sflag:$0x6] =	stream.linear.gather [hbm4b:s25+s3], $0x80, $0x38;
	[tilespmem:$0x14800] =	vst v63  }
0xb3: {  	_ =	swait.ge [sflag:s22], $0x4000  }
0xb4: {  	[sflag:s22] =	ssyncset.done $0x0  }
0xb5: {  	s28 =	simm.s32 $0xA;
	[sflag:s22] =	ssyncadd.s32 $0xFFFFC000  }
0xb6: {  	_ =	swait.ge [sflag:s28], $0x80  }
0xb7: {  	[sflag:s28] =	ssyncset.done $0x0  }
0xb8: {  	s26 =	simm.s32 $0x480;
	[sflag:s28] =	ssyncadd.s32 $0xFFFFFF80  }
0xb9: {  	[tilespmem:s10], [sflag:$0xF] =	stream.indirect.gather [hbm4b:s1+s18], $0x80, s26, s18, $0xb8;
	[tilespmem:$0x14800] =	vst v63  }
0xba: {  	_ =	swait.ge [sflag:s11], $0x4000  }
0xbb: {  	s26 =	sld [smem:$0x7F3];
	_ =	sdelay $0x1  }
0xbc: {  	[sflag:s11] =	ssyncset.done $0x0  }
0xbd: {  	s24 =	rddreg [dreg:$0xd];
	[sflag:s11] =	ssyncadd.s32 $0xFFFFC000;
	s25 =	sadd.s32 $0xFFFFB800, s26  }
0xbe: {  	[hbm4b:s25+s3] =	stream.linear.scatter [tilespmem:s31], [sflag:$0x11], $0x4000, $0x38;
	[tilespmem:$0x14800] =	vst v63  }
0xbf: {  	s24 =	sadd.s32 $0x0, s24;
	s25 =	simm.s32 $0x300  }
0xc0: {  	[tilespmem:s25], [sflag:$0x7] =	stream.linear.gather [hbm4b:s24+s3], $0x80, $0x38;
	[tilespmem:$0x14800] =	vst v63  }
0xc1: {  	_ =	swait.ge [sflag:s12], $0x4000  }
0xc2: {  	[sflag:s12] =	ssyncset.done $0x0  }
0xc3: {  	[sflag:s12] =	ssyncadd.s32 $0xFFFFC000  }
0xc4: {  	_ =	swait.ge [sflag:s23], $0x80  }
0xc5: {  	[sflag:s23] =	ssyncset.done $0x0  }
0xc6: {  	[sflag:s23] =	ssyncadd.s32 $0xFFFFFF80  }
0xc7: {  	[tilespmem:s29], [sflag:$0xB] =	stream.indirect.gather [hbm4b:s1+s18], $0x80, s3, s18, $0xb8;
	[tilespmem:$0x14800] =	vst v63  }
0xc8: {  	_ =	swait.ge [sflag:s14], $0x4000  }
0xc9: {  	[sflag:s14] =	ssyncset.done $0x0  }
0xca: {  	s23 =	sadd.s32 $0xFFFFC000, s26;
	s24 =	rddreg [dreg:$0xc];
	[sflag:s14] =	ssyncadd.s32 $0xFFFFC000  }
0xcb: {  	[hbm4b:s23+s3] =	stream.linear.scatter [tilespmem:s0], [sflag:$0x12], $0x4000, $0x38;
	[tilespmem:$0x14800] =	vst v63  }
0xcc: {  	s25 =	simm.s32 $0x380;
	s24 =	sadd.s32 $0x0, s24  }
0xcd: {  	[tilespmem:s25], [sflag:$0x8] =	stream.linear.gather [hbm4b:s24+s3], $0x80, $0x38;
	[tilespmem:$0x14800] =	vst v63  }
0xce: {  	_ =	swait.ge [sflag:s15], $0x4000  }
0xcf: {  	[sflag:s15] =	ssyncset.done $0x0  }
0xd0: {  	[sflag:s15] =	ssyncadd.s32 $0xFFFFC000  }
0xd1: {  	_ =	swait.ge [sflag:s30], $0x80  }
0xd2: {  	[sflag:s30] =	ssyncset.done $0x0  }
0xd3: {  	[sflag:s30] =	ssyncadd.s32 $0xFFFFFF80  }
0xd4: {  	[tilespmem:s31], [sflag:$0xC] =	stream.indirect.gather [hbm4b:s1+s18], $0x80, s18, s18, $0xb8;
	[tilespmem:$0x14800] =	vst v63  }
0xd5: {  	_ =	swait.ge [sflag:s17], $0x4000  }
0xd6: {  	[sflag:s17] =	ssyncset.done $0x0  }
0xd7: {  	s23 =	sadd.s32 $0xFFFFC800, s26;
	s30 =	rddreg [dreg:$0xb];
	[sflag:s17] =	ssyncadd.s32 $0xFFFFC000  }
0xd8: {  	[hbm4b:s23+s3] =	stream.linear.scatter [tilespmem:s6], [sflag:$0x13], $0x4000, $0x38;
	[tilespmem:$0x14800] =	vst v63  }
0xd9: {  	s24 =	sadd.s32 $0x0, s30;
	s30 =	simm.s32 $0x400  }
0xda: {  	[tilespmem:s30], [sflag:$0x9] =	stream.linear.gather [hbm4b:s24+s3], $0x80, $0x38;
	[tilespmem:$0x14800] =	vst v63  }
0xdb: {  	_ =	swait.ge [sflag:s4], $0x4000  }
0xdc: {  	[sflag:s4] =	ssyncset.done $0x0  }
0xdd: {  	[sflag:s4] =	ssyncadd.s32 $0xFFFFC000  }
0xde: {  	_ =	swait.ge [sflag:s2], $0x80  }
0xdf: {  	[sflag:s2] =	ssyncset.done $0x0  }
0xe0: {  	s30 =	simm.s32 $0x100;
	[sflag:s2] =	ssyncadd.s32 $0xFFFFFF80  }
0xe1: {  	[tilespmem:s0], [sflag:$0xD] =	stream.indirect.gather [hbm4b:s1+s18], $0x80, s30, s18, $0xb8;
	[tilespmem:$0x14800] =	vst v63  }
0xe2: {  	_ =	swait.ge [sflag:s19], $0x4000  }
0xe3: {  	[sflag:s19] =	ssyncset.done $0x0  }
0xe4: {  	s2 =	sadd.s32 $0xFFFFD000, s26;
	s24 =	rddreg [dreg:$0xa];
	[sflag:s19] =	ssyncadd.s32 $0xFFFFC000  }
0xe5: {  	[hbm4b:s2+s3] =	stream.linear.scatter [tilespmem:s10], [sflag:$0x14], $0x4000, $0x38;
	[tilespmem:$0x14800] =	vst v63  }
0xe6: {  	s25 =	simm.s32 $0x480;
	s24 =	sadd.s32 $0x0, s24  }
0xe7: {  	[tilespmem:s25], [sflag:$0xA] =	stream.linear.gather [hbm4b:s24+s3], $0x80, $0x38;
	[tilespmem:$0x14800] =	vst v63  }
0xe8: {  	_ =	swait.ge [sflag:s20], $0x4000  }
0xe9: {  	[sflag:s20] =	ssyncset.done $0x0  }
0xea: {  	[sflag:s20] =	ssyncadd.s32 $0xFFFFC000  }
0xeb: {  	_ =	swait.ge [sflag:s5], $0x80  }
0xec: {  	[sflag:s5] =	ssyncset.done $0x0  }
0xed: {  	s2 =	simm.s32 $0x180;
	[sflag:s5] =	ssyncadd.s32 $0xFFFFFF80  }
0xee: {  	[tilespmem:s6], [sflag:$0xE] =	stream.indirect.gather [hbm4b:s1+s18], $0x80, s2, s18, $0xb8;
	[tilespmem:$0x14800] =	vst v63  }
0xef: {  	_ =	swait.ge [sflag:s8], $0x4000  }
0xf0: {  	[sflag:s8] =	ssyncset.done $0x0  }
0xf1: {  	s5 =	sadd.s32 $0xFFFFD800, s26;
	s24 =	rddreg [dreg:$0x9];
	[sflag:s8] =	ssyncadd.s32 $0xFFFFC000  }
0xf2: {  	[hbm4b:s5+s3] =	stream.linear.scatter [tilespmem:s29], [sflag:$0x10], $0x4000, $0x38;
	[tilespmem:$0x14800] =	vst v63  }
0xf3: {  	s24 =	sadd.s32 $0x0, s24  }
0xf4: {  	[tilespmem:s3], [sflag:$0x1] =	stream.linear.gather [hbm4b:s24+s3], $0x80, $0x38;
	[tilespmem:$0x14800] =	vst v63  }
0xf5: {  	_ =	swait.ge [sflag:s22], $0x4000  }
0xf6: {  	[sflag:s22] =	ssyncset.done $0x0  }
0xf7: {  	[sflag:s22] =	ssyncadd.s32 $0xFFFFC000  }
0xf8: {  	_ =	swait.ge [sflag:s7], $0x80  }
0xf9: {  	[sflag:s7] =	ssyncset.done $0x0  }
0xfa: {  	[sflag:s7] =	ssyncadd.s32 $0xFFFFFF80;
	s7 =	simm.s32 $0x200  }
0xfb: {  	[tilespmem:s10], [sflag:$0xF] =	stream.indirect.gather [hbm4b:s1+s18], $0x80, s7, s18, $0xb8;
	[tilespmem:$0x14800] =	vst v63  }
0xfc: {  	_ =	swait.ge [sflag:s11], $0x4000  }
0xfd: {  	[sflag:s11] =	ssyncset.done $0x0  }
0xfe: {  	s5 =	sadd.s32 $0xFFFFE000, s26;
	s24 =	rddreg [dreg:$0x8];
	[sflag:s11] =	ssyncadd.s32 $0xFFFFC000  }
0xff: {  	[hbm4b:s5+s3] =	stream.linear.scatter [tilespmem:s31], [sflag:$0x11], $0x4000, $0x38;
	[tilespmem:$0x14800] =	vst v63  }
0x100: {  	s24 =	sadd.s32 $0x0, s24  }
0x101: {  	[tilespmem:s18], [sflag:$0x2] =	stream.linear.gather [hbm4b:s24+s3], $0x80, $0x38;
	[tilespmem:$0x14800] =	vst v63  }
0x102: {  	_ =	swait.ge [sflag:s12], $0x4000  }
0x103: {  	[sflag:s12] =	ssyncset.done $0x0  }
0x104: {  	[sflag:s12] =	ssyncadd.s32 $0xFFFFC000  }
0x105: {  	_ =	swait.ge [sflag:s9], $0x80  }
0x106: {  	[sflag:s9] =	ssyncset.done $0x0  }
0x107: {  	s5 =	simm.s32 $0x280;
	[sflag:s9] =	ssyncadd.s32 $0xFFFFFF80  }
0x108: {  	[tilespmem:s29], [sflag:$0xB] =	stream.indirect.gather [hbm4b:s1+s18], $0x80, s5, s18, $0xb8;
	[tilespmem:$0x14800] =	vst v63  }
0x109: {  	_ =	swait.ge [sflag:s14], $0x4000  }
0x10a: {  	[sflag:s14] =	ssyncset.done $0x0  }
0x10b: {  	s9 =	sadd.s32 $0xFFFFE800, s26;
	s24 =	rddreg [dreg:$0x7];
	[sflag:s14] =	ssyncadd.s32 $0xFFFFC000  }
0x10c: {  	[hbm4b:s9+s3] =	stream.linear.scatter [tilespmem:s0], [sflag:$0x12], $0x4000, $0x38;
	[tilespmem:$0x14800] =	vst v63  }
0x10d: {  	s24 =	sadd.s32 $0x0, s24  }
0x10e: {  	[tilespmem:s30], [sflag:$0x3] =	stream.linear.gather [hbm4b:s24+s3], $0x80, $0x38;
	[tilespmem:$0x14800] =	vst v63  }
0x10f: {  	_ =	swait.ge [sflag:s15], $0x4000  }
0x110: {  	[sflag:s15] =	ssyncset.done $0x0  }
0x111: {  	[sflag:s15] =	ssyncadd.s32 $0xFFFFC000  }
0x112: {  	_ =	swait.ge [sflag:s13], $0x80  }
0x113: {  	[sflag:s13] =	ssyncset.done $0x0  }
0x114: {  	s30 =	simm.s32 $0x300;
	[sflag:s13] =	ssyncadd.s32 $0xFFFFFF80  }
0x115: {  	[tilespmem:s31], [sflag:$0xC] =	stream.indirect.gather [hbm4b:s1+s18], $0x80, s30, s18, $0xb8;
	[tilespmem:$0x14800] =	vst v63  }
0x116: {  	_ =	swait.ge [sflag:s17], $0x4000  }
0x117: {  	[sflag:s17] =	ssyncset.done $0x0  }
0x118: {  	s30 =	sadd.s32 $0xFFFFF000, s26;
	s13 =	rddreg [dreg:$0x6];
	[sflag:s17] =	ssyncadd.s32 $0xFFFFC000  }
0x119: {  	[hbm4b:s30+s3] =	stream.linear.scatter [tilespmem:s6], [sflag:$0x13], $0x4000, $0x38;
	[tilespmem:$0x14800] =	vst v63  }
0x11a: {  	s24 =	sadd.s32 $0x0, s13  }
0x11b: {  	[tilespmem:s2], [sflag:$0x4] =	stream.linear.gather [hbm4b:s24+s3], $0x80, $0x38;
	[tilespmem:$0x14800] =	vst v63  }
0x11c: {  	_ =	swait.ge [sflag:s4], $0x4000  }
0x11d: {  	[sflag:s4] =	ssyncset.done $0x0  }
0x11e: {  	[sflag:s4] =	ssyncadd.s32 $0xFFFFC000  }
0x11f: {  	_ =	swait.ge [sflag:s16], $0x80  }
0x120: {  	[sflag:s16] =	ssyncset.done $0x0  }
0x121: {  	s9 =	simm.s32 $0x380;
	[sflag:s16] =	ssyncadd.s32 $0xFFFFFF80  }
0x122: {  	[tilespmem:s0], [sflag:$0xD] =	stream.indirect.gather [hbm4b:s1+s18], $0x80, s9, s18, $0xb8;
	[tilespmem:$0x14800] =	vst v63  }
0x123: {  	_ =	swait.ge [sflag:s19], $0x4000  }
0x124: {  	[sflag:s19] =	ssyncset.done $0x0  }
0x125: {  	s16 =	sadd.s32 $0xFFFFF800, s26;
	s13 =	rddreg [dreg:$0x5];
	[sflag:s19] =	ssyncadd.s32 $0xFFFFC000  }
0x126: {  	[hbm4b:s16+s3] =	stream.linear.scatter [tilespmem:s10], [sflag:$0x14], $0x4000, $0x38;
	[tilespmem:$0x14800] =	vst v63  }
0x127: {  	s24 =	sadd.s32 $0x0, s13  }
0x128: {  	[tilespmem:s7], [sflag:$0x5] =	stream.linear.gather [hbm4b:s24+s3], $0x80, $0x38;
	[tilespmem:$0x14800] =	vst v63  }
0x129: {  	_ =	swait.ge [sflag:s20], $0x4000  }
0x12a: {  	[sflag:s20] =	ssyncset.done $0x0  }
0x12b: {  	[sflag:s20] =	ssyncadd.s32 $0xFFFFC000  }
0x12c: {  	_ =	swait.ge [sflag:s21], $0x80  }
0x12d: {  	[sflag:s21] =	ssyncset.done $0x0  }
0x12e: {  	s23 =	simm.s32 $0x400;
	[sflag:s21] =	ssyncadd.s32 $0xFFFFFF80  }
0x12f: {  	[tilespmem:s6], [sflag:$0xE] =	stream.indirect.gather [hbm4b:s1+s18], $0x80, s23, s18, $0xb8;
	[tilespmem:$0x14800] =	vst v63  }
0x130: {  	_ =	swait.ge [sflag:s8], $0x4000  }
0x131: {  	[sflag:s8] =	ssyncset.done $0x0  }
0x132: {  	s30 =	rddreg [dreg:$0x4];
	[sflag:s8] =	ssyncadd.s32 $0xFFFFC000  }
0x133: {  	[hbm4b:s26+s3] =	stream.linear.scatter [tilespmem:s29], [sflag:$0x10], $0x4000, $0x38;
	[tilespmem:$0x14800] =	vst v63  }
0x134: {  	s24 =	sadd.s32 $0x0, s30  }
0x135: {  	[tilespmem:s5], [sflag:$0x6] =	stream.linear.gather [hbm4b:s24+s3], $0x80, $0x38;
	[tilespmem:$0x14800] =	vst v63  }
0x136: {  	_ =	swait.ge [sflag:s22], $0x4000  }
0x137: {  	[sflag:s22] =	ssyncset.done $0x0  }
0x138: {  	[sflag:s22] =	ssyncadd.s32 $0xFFFFC000  }
0x139: {  	_ =	swait.ge [sflag:s28], $0x80  }
0x13a: {  	[sflag:s28] =	ssyncset.done $0x0  }
0x13b: {  	s25 =	sadd.s32 $0x5000, s26;
	s24 =	simm.s32 $0xA0;
	[sflag:s28] =	ssyncadd.s32 $0xFFFFFF80  }
.LBB2_2:
0x13c: {  	s2 =	simm.s32 $0x480  }
0x13d: {  	[tilespmem:s10], [sflag:$0xF] =	stream.indirect.gather [hbm4b:s1+s18], $0x80, s2, s18, $0xb8;
	[tilespmem:$0x14800] =	vst v63  }
0x13e: {  	_ =	swait.ge [sflag:s11], $0x4000  }
0x13f: {  	s26 =	smov.u32 s24;
	[sflag:s11] =	ssyncset.done $0x0  }
0x140: {  	s30 =	sadd.s32 $0xFFFFB800, s25;
	s28 =	rddreg [dreg:$0xd];
	[sflag:s11] =	ssyncadd.s32 $0xFFFFC000  }
0x141: {  	[hbm4b:s30+s3] =	stream.linear.scatter [tilespmem:s31], [sflag:$0x11], $0x4000, $0x38;
	[tilespmem:$0x14800] =	vst v63  }
0x142: {  	s7 =	simm.s32 $0x300;
	s28 =	sadd.s32 s26, s28  }
0x143: {  	[tilespmem:s7], [sflag:$0x7] =	stream.linear.gather [hbm4b:s28+s3], $0x80, $0x38;
	[tilespmem:$0x14800] =	vst v63  }
0x144: {  	_ =	swait.ge [sflag:s12], $0x4000  }
0x145: {  	[sflag:s12] =	ssyncset.done $0x0  }
0x146: {  	s5 =	simm.s32 $0x1;
	[sflag:s12] =	ssyncadd.s32 $0xFFFFC000  }
0x147: {  	_ =	swait.ge [sflag:s5], $0x80  }
0x148: {  	[sflag:s5] =	ssyncset.done $0x0  }
0x149: {  	[sflag:s5] =	ssyncadd.s32 $0xFFFFFF80  }
0x14a: {  	[tilespmem:s29], [sflag:$0xB] =	stream.indirect.gather [hbm4b:s1+s18], $0x80, s3, s18, $0xb8;
	[tilespmem:$0x14800] =	vst v63  }
0x14b: {  	_ =	swait.ge [sflag:s14], $0x4000  }
0x14c: {  	[sflag:s14] =	ssyncset.done $0x0  }
0x14d: {  	s13 =	sadd.s32 $0xFFFFC000, s25;
	s9 =	rddreg [dreg:$0xc];
	[sflag:s14] =	ssyncadd.s32 $0xFFFFC000  }
0x14e: {  	[hbm4b:s13+s3] =	stream.linear.scatter [tilespmem:s0], [sflag:$0x12], $0x4000, $0x38;
	[tilespmem:$0x14800] =	vst v63  }
0x14f: {  	s21 =	simm.s32 $0x380;
	s28 =	sadd.s32 s26, s9  }
0x150: {  	[tilespmem:s21], [sflag:$0x8] =	stream.linear.gather [hbm4b:s28+s3], $0x80, $0x38;
	[tilespmem:$0x14800] =	vst v63  }
0x151: {  	_ =	swait.ge [sflag:s15], $0x4000  }
0x152: {  	[sflag:s15] =	ssyncset.done $0x0  }
0x153: {  	s16 =	simm.s32 $0x2;
	[sflag:s15] =	ssyncadd.s32 $0xFFFFC000  }
0x154: {  	_ =	swait.ge [sflag:s16], $0x80  }
0x155: {  	[sflag:s16] =	ssyncset.done $0x0  }
0x156: {  	[sflag:s16] =	ssyncadd.s32 $0xFFFFFF80  }
0x157: {  	[tilespmem:s31], [sflag:$0xC] =	stream.indirect.gather [hbm4b:s1+s18], $0x80, s18, s18, $0xb8;
	[tilespmem:$0x14800] =	vst v63  }
0x158: {  	_ =	swait.ge [sflag:s17], $0x4000  }
0x159: {  	[sflag:s17] =	ssyncset.done $0x0  }
0x15a: {  	s5 =	sadd.s32 $0xFFFFC800, s25;
	s23 =	rddreg [dreg:$0xb];
	[sflag:s17] =	ssyncadd.s32 $0xFFFFC000  }
0x15b: {  	[hbm4b:s5+s3] =	stream.linear.scatter [tilespmem:s6], [sflag:$0x13], $0x4000, $0x38;
	[tilespmem:$0x14800] =	vst v63  }
0x15c: {  	s28 =	sadd.s32 s26, s23;
	s23 =	simm.s32 $0x400  }
0x15d: {  	[tilespmem:s23], [sflag:$0x9] =	stream.linear.gather [hbm4b:s28+s3], $0x80, $0x38;
	[tilespmem:$0x14800] =	vst v63  }
0x15e: {  	_ =	swait.ge [sflag:s4], $0x4000  }
0x15f: {  	[sflag:s4] =	ssyncset.done $0x0  }
0x160: {  	s9 =	simm.s32 $0x3;
	[sflag:s4] =	ssyncadd.s32 $0xFFFFC000  }
0x161: {  	_ =	swait.ge [sflag:s9], $0x80  }
0x162: {  	[sflag:s9] =	ssyncset.done $0x0  }
0x163: {  	s5 =	simm.s32 $0x100;
	[sflag:s9] =	ssyncadd.s32 $0xFFFFFF80  }
0x164: {  	[tilespmem:s0], [sflag:$0xD] =	stream.indirect.gather [hbm4b:s1+s18], $0x80, s5, s18, $0xb8;
	[tilespmem:$0x14800] =	vst v63  }
0x165: {  	_ =	swait.ge [sflag:s19], $0x4000  }
0x166: {  	[sflag:s19] =	ssyncset.done $0x0  }
0x167: {  	s16 =	sadd.s32 $0xFFFFD000, s25;
	s13 =	rddreg [dreg:$0xa];
	[sflag:s19] =	ssyncadd.s32 $0xFFFFC000  }
0x168: {  	[hbm4b:s16+s3] =	stream.linear.scatter [tilespmem:s10], [sflag:$0x14], $0x4000, $0x38;
	[tilespmem:$0x14800] =	vst v63  }
0x169: {  	s28 =	sadd.s32 s26, s13  }
0x16a: {  	[tilespmem:s2], [sflag:$0xA] =	stream.linear.gather [hbm4b:s28+s3], $0x80, $0x38;
	[tilespmem:$0x14800] =	vst v63  }
0x16b: {  	_ =	swait.ge [sflag:s20], $0x4000  }
0x16c: {  	[sflag:s20] =	ssyncset.done $0x0  }
0x16d: {  	s9 =	simm.s32 $0x4;
	[sflag:s20] =	ssyncadd.s32 $0xFFFFC000  }
0x16e: {  	_ =	swait.ge [sflag:s9], $0x80  }
0x16f: {  	[sflag:s9] =	ssyncset.done $0x0  }
0x170: {  	[sflag:s9] =	ssyncadd.s32 $0xFFFFFF80;
	s9 =	simm.s32 $0x180  }
0x171: {  	[tilespmem:s6], [sflag:$0xE] =	stream.indirect.gather [hbm4b:s1+s18], $0x80, s9, s18, $0xb8;
	[tilespmem:$0x14800] =	vst v63  }
0x172: {  	_ =	swait.ge [sflag:s8], $0x4000  }
0x173: {  	[sflag:s8] =	ssyncset.done $0x0  }
0x174: {  	s16 =	sadd.s32 $0xFFFFD800, s25;
	s13 =	rddreg [dreg:$0x9];
	[sflag:s8] =	ssyncadd.s32 $0xFFFFC000  }
0x175: {  	[hbm4b:s16+s3] =	stream.linear.scatter [tilespmem:s29], [sflag:$0x10], $0x4000, $0x38;
	[tilespmem:$0x14800] =	vst v63  }
0x176: {  	s28 =	sadd.s32 s26, s13  }
0x177: {  	[tilespmem:s3], [sflag:$0x1] =	stream.linear.gather [hbm4b:s28+s3], $0x80, $0x38;
	[tilespmem:$0x14800] =	vst v63  }
0x178: {  	_ =	swait.ge [sflag:s22], $0x4000  }
0x179: {  	[sflag:s22] =	ssyncset.done $0x0  }
0x17a: {  	s30 =	simm.s32 $0x5;
	[sflag:s22] =	ssyncadd.s32 $0xFFFFC000  }
0x17b: {  	_ =	swait.ge [sflag:s30], $0x80  }
0x17c: {  	[sflag:s30] =	ssyncset.done $0x0  }
0x17d: {  	s13 =	simm.s32 $0x200;
	[sflag:s30] =	ssyncadd.s32 $0xFFFFFF80  }
0x17e: {  	[tilespmem:s10], [sflag:$0xF] =	stream.indirect.gather [hbm4b:s1+s18], $0x80, s13, s18, $0xb8;
	[tilespmem:$0x14800] =	vst v63  }
0x17f: {  	_ =	swait.ge [sflag:s11], $0x4000  }
0x180: {  	[sflag:s11] =	ssyncset.done $0x0  }
0x181: {  	s16 =	sadd.s32 $0xFFFFE000, s25;
	s2 =	rddreg [dreg:$0x8];
	[sflag:s11] =	ssyncadd.s32 $0xFFFFC000  }
0x182: {  	[hbm4b:s16+s3] =	stream.linear.scatter [tilespmem:s31], [sflag:$0x11], $0x4000, $0x38;
	[tilespmem:$0x14800] =	vst v63  }
0x183: {  	s28 =	sadd.s32 s26, s2  }
0x184: {  	[tilespmem:s18], [sflag:$0x2] =	stream.linear.gather [hbm4b:s28+s3], $0x80, $0x38;
	[tilespmem:$0x14800] =	vst v63  }
0x185: {  	_ =	swait.ge [sflag:s12], $0x4000  }
0x186: {  	[sflag:s12] =	ssyncset.done $0x0  }
0x187: {  	s30 =	simm.s32 $0x6;
	[sflag:s12] =	ssyncadd.s32 $0xFFFFC000  }
0x188: {  	_ =	swait.ge [sflag:s30], $0x80  }
0x189: {  	[sflag:s30] =	ssyncset.done $0x0  }
0x18a: {  	s16 =	simm.s32 $0x280;
	[sflag:s30] =	ssyncadd.s32 $0xFFFFFF80  }
0x18b: {  	[tilespmem:s29], [sflag:$0xB] =	stream.indirect.gather [hbm4b:s1+s18], $0x80, s16, s18, $0xb8;
	[tilespmem:$0x14800] =	vst v63  }
0x18c: {  	_ =	swait.ge [sflag:s14], $0x4000  }
0x18d: {  	[sflag:s14] =	ssyncset.done $0x0  }
0x18e: {  	s2 =	sadd.s32 $0xFFFFE800, s25;
	s28 =	rddreg [dreg:$0x7];
	[sflag:s14] =	ssyncadd.s32 $0xFFFFC000  }
0x18f: {  	[hbm4b:s2+s3] =	stream.linear.scatter [tilespmem:s0], [sflag:$0x12], $0x4000, $0x38;
	[tilespmem:$0x14800] =	vst v63  }
0x190: {  	s28 =	sadd.s32 s26, s28  }
0x191: {  	[tilespmem:s5], [sflag:$0x3] =	stream.linear.gather [hbm4b:s28+s3], $0x80, $0x38;
	[tilespmem:$0x14800] =	vst v63  }
0x192: {  	_ =	swait.ge [sflag:s15], $0x4000  }
0x193: {  	[sflag:s15] =	ssyncset.done $0x0  }
0x194: {  	s30 =	simm.s32 $0x7;
	[sflag:s15] =	ssyncadd.s32 $0xFFFFC000  }
0x195: {  	_ =	swait.ge [sflag:s30], $0x80  }
0x196: {  	[sflag:s30] =	ssyncset.done $0x0  }
0x197: {  	[sflag:s30] =	ssyncadd.s32 $0xFFFFFF80  }
0x198: {  	[tilespmem:s31], [sflag:$0xC] =	stream.indirect.gather [hbm4b:s1+s18], $0x80, s7, s18, $0xb8;
	[tilespmem:$0x14800] =	vst v63  }
0x199: {  	_ =	swait.ge [sflag:s17], $0x4000  }
0x19a: {  	[sflag:s17] =	ssyncset.done $0x0  }
0x19b: {  	s7 =	sadd.s32 $0xFFFFF000, s25;
	s5 =	rddreg [dreg:$0x6];
	[sflag:s17] =	ssyncadd.s32 $0xFFFFC000  }
0x19c: {  	[hbm4b:s7+s3] =	stream.linear.scatter [tilespmem:s6], [sflag:$0x13], $0x4000, $0x38;
	[tilespmem:$0x14800] =	vst v63  }
0x19d: {  	s28 =	sadd.s32 s26, s5  }
0x19e: {  	[tilespmem:s9], [sflag:$0x4] =	stream.linear.gather [hbm4b:s28+s3], $0x80, $0x38;
	[tilespmem:$0x14800] =	vst v63  }
0x19f: {  	_ =	swait.ge [sflag:s4], $0x4000  }
0x1a0: {  	[sflag:s4] =	ssyncset.done $0x0  }
0x1a1: {  	s30 =	simm.s32 $0x8;
	[sflag:s4] =	ssyncadd.s32 $0xFFFFC000  }
0x1a2: {  	_ =	swait.ge [sflag:s30], $0x80  }
0x1a3: {  	[sflag:s30] =	ssyncset.done $0x0  }
0x1a4: {  	[sflag:s30] =	ssyncadd.s32 $0xFFFFFF80  }
0x1a5: {  	[tilespmem:s0], [sflag:$0xD] =	stream.indirect.gather [hbm4b:s1+s18], $0x80, s21, s18, $0xb8;
	[tilespmem:$0x14800] =	vst v63  }
0x1a6: {  	_ =	swait.ge [sflag:s19], $0x4000  }
0x1a7: {  	[sflag:s19] =	ssyncset.done $0x0  }
0x1a8: {  	s9 =	sadd.s32 $0xFFFFF800, s25;
	s7 =	rddreg [dreg:$0x5];
	[sflag:s19] =	ssyncadd.s32 $0xFFFFC000  }
0x1a9: {  	[hbm4b:s9+s3] =	stream.linear.scatter [tilespmem:s10], [sflag:$0x14], $0x4000, $0x38;
	[tilespmem:$0x14800] =	vst v63  }
0x1aa: {  	s28 =	sadd.s32 s26, s7  }
0x1ab: {  	[tilespmem:s13], [sflag:$0x5] =	stream.linear.gather [hbm4b:s28+s3], $0x80, $0x38;
	[tilespmem:$0x14800] =	vst v63  }
0x1ac: {  	_ =	swait.ge [sflag:s20], $0x4000  }
0x1ad: {  	[sflag:s20] =	ssyncset.done $0x0  }
0x1ae: {  	s21 =	simm.s32 $0x9;
	[sflag:s20] =	ssyncadd.s32 $0xFFFFC000  }
0x1af: {  	_ =	swait.ge [sflag:s21], $0x80  }
0x1b0: {  	[sflag:s21] =	ssyncset.done $0x0  }
0x1b1: {  	[sflag:s21] =	ssyncadd.s32 $0xFFFFFF80  }
0x1b2: {  	[tilespmem:s6], [sflag:$0xE] =	stream.indirect.gather [hbm4b:s1+s18], $0x80, s23, s18, $0xb8;
	[tilespmem:$0x14800] =	vst v63  }
0x1b3: {  	_ =	swait.ge [sflag:s8], $0x4000  }
0x1b4: {  	[sflag:s8] =	ssyncset.done $0x0  }
0x1b5: {  	s23 =	rddreg [dreg:$0x4];
	[sflag:s8] =	ssyncadd.s32 $0xFFFFC000  }
0x1b6: {  	[hbm4b:s25+s3] =	stream.linear.scatter [tilespmem:s29], [sflag:$0x10], $0x4000, $0x38;
	[tilespmem:$0x14800] =	vst v63  }
0x1b7: {  	s26 =	sadd.s32 s26, s23  }
0x1b8: {  	[tilespmem:s16], [sflag:$0x6] =	stream.linear.gather [hbm4b:s26+s3], $0x80, $0x38;
	[tilespmem:$0x14800] =	vst v63  }
0x1b9: {  	p0 =	sne.s32 s24, $0xAA0;
	_ =	swait.ge [sflag:s22], $0x4000  }
.Ltmp0:
0x1ba: {  	[sflag:s22] =	ssyncset.done $0x0;
	(pc) =	sbr.rel @p0 .LBB2_2-.Ltmp0, $4  }
0x1bb: {  	s30 =	simm.s32 $0xA;
	[sflag:s22] =	ssyncadd.s32 $0xFFFFC000  }
0x1bc: {  	s24 =	sadd.s32 $0xA0, s24;
	s2 =	simm.s32 $0x100;
	_ =	swait.ge [sflag:s30], $0x80  }
0x1bd: {  	s5 =	simm.s32 $0x180;
	s9 =	simm.s32 $0x200;
	[sflag:s30] =	ssyncset.done $0x0  }
0x1be: {  	s13 =	simm.s32 $0x280;
	s25 =	sadd.s32 $0x5000, s25;
	[sflag:s30] =	ssyncadd.s32 $0xFFFFFF80  }
0x1bf: {  	s23 =	simm.s32 $0x480  }
0x1c0: {  	[tilespmem:s10], [sflag:$0xF] =	stream.indirect.gather [hbm4b:s1+s18], $0x80, s23, s18, $0xb8;
	[tilespmem:$0x14800] =	vst v63  }
0x1c1: {  	_ =	swait.ge [sflag:s11], $0x4000  }
0x1c2: {  	s24 =	sld [smem:$0x7E8]  }
0x1c3: {  	[sflag:s11] =	ssyncset.done $0x0  }
0x1c4: {  	[sflag:s11] =	ssyncadd.s32 $0xFFFFC000  }
0x1c5: {  	[hbm4b:s24+s3] =	stream.linear.scatter [tilespmem:s31], [sflag:$0x11], $0x4000, $0x38;
	[tilespmem:$0x14800] =	vst v63  }
0x1c6: {  	s7 =	simm.s32 $0x300;
	s21 =	rddreg [dreg:$0x14]  }
0x1c7: {  	[tilespmem:s7], [sflag:$0x7] =	stream.linear.gather [hbm4b:s21+s3], $0x80, $0x38;
	[tilespmem:$0x14800] =	vst v63  }
0x1c8: {  	_ =	swait.ge [sflag:s12], $0x4000  }
0x1c9: {  	[sflag:s12] =	ssyncset.done $0x0  }
0x1ca: {  	s16 =	simm.s32 $0x1;
	[sflag:s12] =	ssyncadd.s32 $0xFFFFC000  }
0x1cb: {  	_ =	swait.ge [sflag:s16], $0x80  }
0x1cc: {  	[sflag:s16] =	ssyncset.done $0x0  }
0x1cd: {  	[sflag:s16] =	ssyncadd.s32 $0xFFFFFF80  }
0x1ce: {  	[tilespmem:s29], [sflag:$0xB] =	stream.indirect.gather [hbm4b:s1+s18], $0x80, s3, s18, $0xb8;
	[tilespmem:$0x14800] =	vst v63  }
0x1cf: {  	_ =	swait.ge [sflag:s14], $0x4000  }
0x1d0: {  	s25 =	sld [smem:$0x7E9]  }
0x1d1: {  	[sflag:s14] =	ssyncset.done $0x0  }
0x1d2: {  	[sflag:s14] =	ssyncadd.s32 $0xFFFFC000  }
0x1d3: {  	[hbm4b:s25+s3] =	stream.linear.scatter [tilespmem:s0], [sflag:$0x12], $0x4000, $0x38;
	[tilespmem:$0x14800] =	vst v63  }
0x1d4: {  	s16 =	simm.s32 $0x380;
	s26 =	rddreg [dreg:$0x15]  }
0x1d5: {  	[tilespmem:s16], [sflag:$0x8] =	stream.linear.gather [hbm4b:s26+s3], $0x80, $0x38;
	[tilespmem:$0x14800] =	vst v63  }
0x1d6: {  	_ =	swait.ge [sflag:s15], $0x4000  }
0x1d7: {  	[sflag:s15] =	ssyncset.done $0x0  }
0x1d8: {  	s21 =	simm.s32 $0x2;
	[sflag:s15] =	ssyncadd.s32 $0xFFFFC000  }
0x1d9: {  	_ =	swait.ge [sflag:s21], $0x80  }
0x1da: {  	[sflag:s21] =	ssyncset.done $0x0  }
0x1db: {  	[sflag:s21] =	ssyncadd.s32 $0xFFFFFF80  }
0x1dc: {  	[tilespmem:s31], [sflag:$0xC] =	stream.indirect.gather [hbm4b:s1+s18], $0x80, s18, s18, $0xb8;
	[tilespmem:$0x14800] =	vst v63  }
0x1dd: {  	_ =	swait.ge [sflag:s17], $0x4000  }
0x1de: {  	s28 =	sld [smem:$0x7EA]  }
0x1df: {  	[sflag:s17] =	ssyncset.done $0x0  }
0x1e0: {  	[sflag:s17] =	ssyncadd.s32 $0xFFFFC000  }
0x1e1: {  	[hbm4b:s28+s3] =	stream.linear.scatter [tilespmem:s6], [sflag:$0x13], $0x4000, $0x38;
	[tilespmem:$0x14800] =	vst v63  }
0x1e2: {  	s21 =	simm.s32 $0x400;
	s30 =	rddreg [dreg:$0x16]  }
0x1e3: {  	[tilespmem:s21], [sflag:$0x9] =	stream.linear.gather [hbm4b:s30+s3], $0x80, $0x38;
	[tilespmem:$0x14800] =	vst v63  }
0x1e4: {  	_ =	swait.ge [sflag:s4], $0x4000  }
0x1e5: {  	[sflag:s4] =	ssyncset.done $0x0  }
0x1e6: {  	s25 =	simm.s32 $0x3;
	[sflag:s4] =	ssyncadd.s32 $0xFFFFC000  }
0x1e7: {  	_ =	swait.ge [sflag:s25], $0x80  }
0x1e8: {  	[sflag:s25] =	ssyncset.done $0x0  }
0x1e9: {  	[sflag:s25] =	ssyncadd.s32 $0xFFFFFF80  }
0x1ea: {  	[tilespmem:s0], [sflag:$0xD] =	stream.indirect.gather [hbm4b:s1+s18], $0x80, s2, s18, $0xb8;
	[tilespmem:$0x14800] =	vst v63  }
0x1eb: {  	_ =	swait.ge [sflag:s19], $0x4000  }
0x1ec: {  	s26 =	sld [smem:$0x7EB]  }
0x1ed: {  	[sflag:s19] =	ssyncset.done $0x0  }
0x1ee: {  	[sflag:s19] =	ssyncadd.s32 $0xFFFFC000  }
0x1ef: {  	[hbm4b:s26+s3] =	stream.linear.scatter [tilespmem:s10], [sflag:$0x14], $0x4000, $0x38;
	[tilespmem:$0x14800] =	vst v63  }
0x1f0: {  	s28 =	rddreg [dreg:$0x17]  }
0x1f1: {  	[tilespmem:s23], [sflag:$0xA] =	stream.linear.gather [hbm4b:s28+s3], $0x80, $0x38;
	[tilespmem:$0x14800] =	vst v63  }
0x1f2: {  	_ =	swait.ge [sflag:s20], $0x4000  }
0x1f3: {  	[sflag:s20] =	ssyncset.done $0x0  }
0x1f4: {  	s30 =	simm.s32 $0x4;
	[sflag:s20] =	ssyncadd.s32 $0xFFFFC000  }
0x1f5: {  	_ =	swait.ge [sflag:s30], $0x80  }
0x1f6: {  	[sflag:s30] =	ssyncset.done $0x0  }
0x1f7: {  	[sflag:s30] =	ssyncadd.s32 $0xFFFFFF80  }
0x1f8: {  	[tilespmem:s6], [sflag:$0xE] =	stream.indirect.gather [hbm4b:s1+s18], $0x80, s5, s18, $0xb8;
	[tilespmem:$0x14800] =	vst v63  }
0x1f9: {  	_ =	swait.ge [sflag:s8], $0x4000  }
0x1fa: {  	s5 =	sld [smem:$0x7EC]  }
0x1fb: {  	[sflag:s8] =	ssyncset.done $0x0  }
0x1fc: {  	[sflag:s8] =	ssyncadd.s32 $0xFFFFC000  }
0x1fd: {  	[hbm4b:s5+s3] =	stream.linear.scatter [tilespmem:s29], [sflag:$0x10], $0x4000, $0x38;
	[tilespmem:$0x14800] =	vst v63  }
0x1fe: {  	_ =	swait.ge [sflag:s22], $0x4000  }
0x1ff: {  	[sflag:s22] =	ssyncset.done $0x0  }
0x200: {  	s24 =	simm.s32 $0x5;
	[sflag:s22] =	ssyncadd.s32 $0xFFFFC000  }
0x201: {  	_ =	swait.ge [sflag:s24], $0x80  }
0x202: {  	[sflag:s24] =	ssyncset.done $0x0  }
0x203: {  	[sflag:s24] =	ssyncadd.s32 $0xFFFFFF80  }
0x204: {  	[tilespmem:s10], [sflag:$0xF] =	stream.indirect.gather [hbm4b:s1+s18], $0x80, s9, s18, $0xb8;
	[tilespmem:$0x14800] =	vst v63  }
0x205: {  	_ =	swait.ge [sflag:s11], $0x4000  }
0x206: {  	s25 =	sld [smem:$0x7ED]  }
0x207: {  	[sflag:s11] =	ssyncset.done $0x0  }
0x208: {  	[sflag:s11] =	ssyncadd.s32 $0xFFFFC000  }
0x209: {  	[hbm4b:s25+s3] =	stream.linear.scatter [tilespmem:s31], [sflag:$0x11], $0x4000, $0x38;
	[tilespmem:$0x14800] =	vst v63  }
0x20a: {  	_ =	swait.ge [sflag:s12], $0x4000  }
0x20b: {  	[sflag:s12] =	ssyncset.done $0x0  }
0x20c: {  	s26 =	simm.s32 $0x6;
	[sflag:s12] =	ssyncadd.s32 $0xFFFFC000  }
0x20d: {  	_ =	swait.ge [sflag:s26], $0x80  }
0x20e: {  	[sflag:s26] =	ssyncset.done $0x0  }
0x20f: {  	[sflag:s26] =	ssyncadd.s32 $0xFFFFFF80  }
0x210: {  	[tilespmem:s29], [sflag:$0xB] =	stream.indirect.gather [hbm4b:s1+s18], $0x80, s13, s18, $0xb8;
	[tilespmem:$0x14800] =	vst v63  }
0x211: {  	_ =	swait.ge [sflag:s14], $0x4000  }
0x212: {  	s28 =	sld [smem:$0x7EE]  }
0x213: {  	[sflag:s14] =	ssyncset.done $0x0  }
0x214: {  	[sflag:s14] =	ssyncadd.s32 $0xFFFFC000  }
0x215: {  	[hbm4b:s28+s3] =	stream.linear.scatter [tilespmem:s0], [sflag:$0x12], $0x4000, $0x38;
	[tilespmem:$0x14800] =	vst v63  }
0x216: {  	_ =	swait.ge [sflag:s15], $0x4000  }
0x217: {  	[sflag:s15] =	ssyncset.done $0x0  }
0x218: {  	s30 =	simm.s32 $0x7;
	[sflag:s15] =	ssyncadd.s32 $0xFFFFC000  }
0x219: {  	_ =	swait.ge [sflag:s30], $0x80  }
0x21a: {  	[sflag:s30] =	ssyncset.done $0x0  }
0x21b: {  	[sflag:s30] =	ssyncadd.s32 $0xFFFFFF80  }
0x21c: {  	[tilespmem:s31], [sflag:$0xC] =	stream.indirect.gather [hbm4b:s1+s18], $0x80, s7, s18, $0xb8;
	[tilespmem:$0x14800] =	vst v63  }
0x21d: {  	_ =	swait.ge [sflag:s17], $0x4000  }
0x21e: {  	s2 =	sld [smem:$0x7EF]  }
0x21f: {  	[sflag:s17] =	ssyncset.done $0x0  }
0x220: {  	[sflag:s17] =	ssyncadd.s32 $0xFFFFC000  }
0x221: {  	[hbm4b:s2+s3] =	stream.linear.scatter [tilespmem:s6], [sflag:$0x13], $0x4000, $0x38;
	[tilespmem:$0x14800] =	vst v63  }
0x222: {  	_ =	swait.ge [sflag:s4], $0x4000  }
0x223: {  	[sflag:s4] =	ssyncset.done $0x0  }
0x224: {  	s5 =	simm.s32 $0x8;
	[sflag:s4] =	ssyncadd.s32 $0xFFFFC000  }
0x225: {  	_ =	swait.ge [sflag:s5], $0x80  }
0x226: {  	[sflag:s5] =	ssyncset.done $0x0  }
0x227: {  	[sflag:s5] =	ssyncadd.s32 $0xFFFFFF80  }
0x228: {  	[tilespmem:s0], [sflag:$0xD] =	stream.indirect.gather [hbm4b:s1+s18], $0x80, s16, s18, $0xb8;
	[tilespmem:$0x14800] =	vst v63  }
0x229: {  	_ =	swait.ge [sflag:s19], $0x4000  }
0x22a: {  	s7 =	sld [smem:$0x7F0]  }
0x22b: {  	[sflag:s19] =	ssyncset.done $0x0  }
0x22c: {  	[sflag:s19] =	ssyncadd.s32 $0xFFFFC000  }
0x22d: {  	[hbm4b:s7+s3] =	stream.linear.scatter [tilespmem:s10], [sflag:$0x14], $0x4000, $0x38;
	[tilespmem:$0x14800] =	vst v63  }
0x22e: {  	_ =	swait.ge [sflag:s20], $0x4000  }
0x22f: {  	[sflag:s20] =	ssyncset.done $0x0  }
0x230: {  	s9 =	simm.s32 $0x9;
	[sflag:s20] =	ssyncadd.s32 $0xFFFFC000  }
0x231: {  	_ =	swait.ge [sflag:s9], $0x80  }
0x232: {  	[sflag:s9] =	ssyncset.done $0x0  }
0x233: {  	[sflag:s9] =	ssyncadd.s32 $0xFFFFFF80  }
0x234: {  	[tilespmem:s6], [sflag:$0xE] =	stream.indirect.gather [hbm4b:s1+s18], $0x80, s21, s18, $0xb8;
	[tilespmem:$0x14800] =	vst v63  }
0x235: {  	_ =	swait.ge [sflag:s8], $0x4000  }
0x236: {  	s13 =	sld [smem:$0x7F1]  }
0x237: {  	[sflag:s8] =	ssyncset.done $0x0  }
0x238: {  	[sflag:s8] =	ssyncadd.s32 $0xFFFFC000  }
0x239: {  	[hbm4b:s13+s3] =	stream.linear.scatter [tilespmem:s29], [sflag:$0x10], $0x4000, $0x38;
	[tilespmem:$0x14800] =	vst v63  }
0x23a: {  	_ =	swait.ge [sflag:s22], $0x4000  }
0x23b: {  	[sflag:s22] =	ssyncset.done $0x0  }
0x23c: {  	s16 =	simm.s32 $0xA;
	[sflag:s22] =	ssyncadd.s32 $0xFFFFC000  }
0x23d: {  	_ =	swait.ge [sflag:s16], $0x80  }
0x23e: {  	[sflag:s16] =	ssyncset.done $0x0  }
0x23f: {  	[sflag:s16] =	ssyncadd.s32 $0xFFFFFF80  }
0x240: {  	[tilespmem:s10], [sflag:$0xF] =	stream.indirect.gather [hbm4b:s1+s18], $0x80, s23, s18, $0xb8;
	[tilespmem:$0x14800] =	vst v63  }
0x241: {  	_ =	swait.ge [sflag:s11], $0x4000  }
0x242: {  	[sflag:s11] =	ssyncset.done $0x0  }
0x243: {  	s21 =	rddreg [dreg:$0x1e];
	[sflag:s11] =	ssyncadd.s32 $0xFFFFC000  }
0x244: {  	[hbm4b:s21+s3] =	stream.linear.scatter [tilespmem:s31], [sflag:$0x11], $0x4000, $0x38;
	[tilespmem:$0x14800] =	vst v63  }
0x245: {  	_ =	swait.ge [sflag:s14], $0x4000  }
0x246: {  	[sflag:s14] =	ssyncset.done $0x0  }
0x247: {  	s23 =	rddreg [dreg:$0x1f];
	[sflag:s14] =	ssyncadd.s32 $0xFFFFC000  }
0x248: {  	[hbm4b:s23+s3] =	stream.linear.scatter [tilespmem:s0], [sflag:$0x12], $0x4000, $0x38;
	[tilespmem:$0x14800] =	vst v63  }
0x249: {  	_ =	swait.ge [sflag:s17], $0x4000  }
0x24a: {  	s25 =	sld [smem:$0x7E6]  }
0x24b: {  	[sflag:s17] =	ssyncset.done $0x0  }
0x24c: {  	[sflag:s17] =	ssyncadd.s32 $0xFFFFC000  }
0x24d: {  	[hbm4b:s25+s3] =	stream.linear.scatter [tilespmem:s6], [sflag:$0x13], $0x4000, $0x38;
	[tilespmem:$0x14800] =	vst v63  }
0x24e: {  	_ =	swait.ge [sflag:s19], $0x4000  }
0x24f: {  	s26 =	sld [smem:$0x7E7]  }
0x250: {  	[sflag:s19] =	ssyncset.done $0x0  }
0x251: {  	[sflag:s19] =	ssyncadd.s32 $0xFFFFC000  }
0x252: {  	[hbm4b:s26+s3] =	stream.linear.scatter [tilespmem:s10], [sflag:$0x14], $0x4000, $0x38;
	[tilespmem:$0x14800] =	vst v63  }
0x253: {  	_ =	swait.ge [sflag:s12], $0x4000  }
0x254: {  	[sflag:s12] =	ssyncset.done $0x0  }
0x255: {  	[sflag:s12] =	ssyncadd.s32 $0xFFFFC000  }
0x256: {  	_ =	swait.ge [sflag:s15], $0x4000  }
0x257: {  	[sflag:s15] =	ssyncset.done $0x0  }
0x258: {  	[sflag:s15] =	ssyncadd.s32 $0xFFFFC000  }
0x259: {  	_ =	swait.ge [sflag:s4], $0x4000  }
0x25a: {  	[sflag:s4] =	ssyncset.done $0x0  }
0x25b: {  	[sflag:s4] =	ssyncadd.s32 $0xFFFFC000  }
0x25c: {  	_ =	swait.ge [sflag:s20], $0x4000  }
0x25d: {  	[sflag:s20] =	ssyncset.done $0x0  }
0x25e: {  	[sflag:s20] =	ssyncadd.s32 $0xFFFFC000  }
0x25f: {  	_ =	swait.ge [sflag:s22], $0x4000  }
0x260: {  	s28 =	sld [smem:$0x7E5]  }
0x261: {  	s30 =	sld [smem:$0x7F2];
	_ =	sdelay $0x1  }
0x262: {  	s2 =	sadd.s32 $0x1, s28  }
0x263: {  	p0 =	sne.s32 s2, s30  }
.Ltmp1:
0x264: {  	_ = 	snop;
	(pc) =	sbr.rel @p0 .LBB2_1-.Ltmp1, $3  }
0x265: {  	_ =	sdelay $0x1  }
0x266: {  	[sflag:s22] =	ssyncset.done $0x0  }
0x267: {  	[sflag:s22] =	ssyncadd.s32 $0xFFFFC000  }
0x268: {  	_ =	sfence.sel $0x180000  }
0x269: {  	[bflag:$0x0] =	sbarrier.arrive $0xFFFF  }
0x26a: {  	_ =	strace $0x90000047  }
0x26b: {  	s0 =	stileid.u32;
	[bflag:$0x2] =	sbarrier.arrive $0xFFFF  }
0x26c: {  	p0 =	sne.s32 s0, $0x0;
	s0 =	rddreg [dreg:$0x3]  }
0x26d: {  	s0 =	sadd.s32 @!p0 $0x100000, s0  }
0x26e: {  	[sflag:s0] =	ssyncadd.tile.s32 @!p0 $0x1;
	_ =	shalt  }
.Lfunc_end2:
_tile_overlayer_lowered:
.L_overlay_start_2:
0x26f: {  	(tag) =	ssettag $0x2  }
0x270: {  	s0 =	rddreg [dreg:$0x0];
	s2 =	stileid.u32  }
0x271: {  	s1 =	rddreg [dreg:$0x1];
	p0 =	sne.s32 s2, $0x0  }
0x272: {  	s3 =	rddreg [dreg:$0x2];
	[bflag:$0x3] =	sbarrier.arrive $0xFFFF;
	s2 =	simm.s32 @!p0 $0x1C15  }
0x273: {  	[timem:s3], [sflag:s2] =	dma.local @!p0 [hbm:s0], s1  }
0x274: {  	s0 =	simm.s32 @!p0 $0x15  }
0x275: {  	_ =	swait.ge @!p0 [sflag:s0], s1  }
0x276: {  	s1 =	ssub.s32 @!p0 $0x0, s1;
	[sflag:s0] =	ssyncset.done @!p0 $0x0  }
0x277: {  	[sflag:s0] =	ssyncadd.s32 @!p0 s1  }
0x278: {  	[bflag:$0x3] =	sbarrier.arrive $0xFFFF  }
0x279: {  	_ =	shalt  }

</sc_bundles>
